<compile_context>
chip_gen: v7x
topology: tpu7x:2x2x1
jax: 0.10.2.dev20260603
libtpu: 0.0.44.dev20260713+nightly
codegen_flags: <defaults>
</compile_context>

<pallas_src>
import functools

import jax
import jax.numpy as jnp
from jax import lax
from jax.experimental import pallas as pl
from jax.experimental.pallas import tpu as pltpu
from jax.experimental.pallas import tpu_sc as plsc

NN = 10000
NP = 10240
EE = 320000
ER = 2500
ERP = 2560
DD = 128
HH = 128
H2 = 64
CC = 10
BN_EPS = 1e-5

NSC = 2
NTILES = 16
CH = 128
NCHUNK = 160
RPT = NP // NTILES

BLK = 1000
GRID = NN // BLK
EBLK = ERP // GRID



_MESH = plsc.VectorSubcoreMesh(core_axis_name="c", subcore_axis_name="s")
_SC_PARAMS = pltpu.CompilerParams(use_tc_tiling_on_sc=False)


def _make_segsum(width, NB):
  scratch = [
      pltpu.VMEM((NCHUNK, CH), jnp.int32),
      pltpu.VMEM((NCHUNK, CH), jnp.int32),
      pltpu.VMEM((NB, CH, width), jnp.float32),
      pltpu.VMEM_SHARED((NP, width), jnp.float32),
      pltpu.SemaphoreType.DMA,
      pltpu.SemaphoreType.DMA,
  ]

  def body(ta, tb, src_r, dst_r, zrow, out, idx_s, idx_d, rows, acc,
           gsem, ssem):
    c = lax.axis_index("c")
    s = lax.axis_index("s")

    pltpu.sync_copy(src_r.at[s], idx_s)
    pltpu.sync_copy(dst_r.at[s], idx_d)
    pltpu.sync_copy(zrow, acc.at[pl.ds(s * RPT, RPT)])

    plsc.subcore_barrier()

    def run(table):
      def group(g, carry):
        base = g * NB
        gds = [pltpu.async_copy(table.at[idx_s.at[base + b]], rows.at[b], gsem)
               for b in range(NB)]
        sds = []
        for b in range(NB):
          gds[b].wait()
          sds.append(pltpu.async_copy(rows.at[b], acc.at[idx_d.at[base + b]],
                                      ssem, add=True))
        for d in sds:
          d.wait()
        return carry
      lax.fori_loop(0, NCHUNK // NB, group, 0)

    @pl.when(c == 0)
    def _():
      run(ta)

    @pl.when(c == 1)
    def _():
      run(tb)

    plsc.subcore_barrier()

    @pl.when(c == 0)
    def _():
      pltpu.sync_copy(acc.at[pl.ds(s * RPT, RPT)],
                      out.at[pl.ds(s * RPT, RPT), pl.ds(0, width)])

    @pl.when(c == 1)
    def _():
      pltpu.sync_copy(acc.at[pl.ds(s * RPT, RPT)],
                      out.at[pl.ds(s * RPT, RPT), pl.ds(width, width)])

  return functools.partial(
      pl.kernel, out_type=jax.ShapeDtypeStruct((NP, 128), jnp.float32),
      mesh=_MESH, scratch_types=tuple(scratch),
      compiler_params=_SC_PARAMS)(body)


_segsum64 = _make_segsum(H2, 5)
_segsum32 = _make_segsum(H2 // 2, 8)

ECNT = ERP // (NSC * NTILES)


@functools.partial(
    pl.kernel,
    out_type=jax.ShapeDtypeStruct((NP, 128), jnp.float32),
    mesh=_MESH,
    scratch_types=(
        pltpu.VMEM((ECNT, CH), jnp.int32),
        pltpu.VMEM((CH, 16), jnp.float32),
        pltpu.VMEM_SHARED((NP, 16), jnp.float32),
        pltpu.SemaphoreType.DMA,
    ),
    compiler_params=_SC_PARAMS)
def _segcnt(dst_hbm, zcnt, ones16, out, idx_d, onesb, cacc, osem):
  c = lax.axis_index("c")
  s = lax.axis_index("s")
  w = c * NTILES + s

  pltpu.sync_copy(dst_hbm.at[pl.ds(w * ECNT, ECNT)], idx_d)
  pltpu.sync_copy(ones16, onesb)
  pltpu.sync_copy(zcnt, cacc.at[pl.ds(s * RPT, RPT)])
  plsc.subcore_barrier()

  def group(g, carry):
    base = g * 4
    sds = [pltpu.async_copy(onesb, cacc.at[idx_d.at[base + b]], osem,
                            add=True)
           for b in range(4)]
    for d in sds:
      d.wait()
    return carry

  lax.fori_loop(0, ECNT // 4, group, 0)
  plsc.subcore_barrier()

  @pl.when(c == 0)
  def _():
    pltpu.sync_copy(cacc.at[pl.ds(s * RPT, RPT)],
                    out.at[pl.ds(s * RPT, RPT), pl.ds(0, 16)])

  @pl.when(c == 1)
  def _():
    pltpu.sync_copy(cacc.at[pl.ds(s * RPT, RPT)],
                    out.at[pl.ds(s * RPT, RPT), pl.ds(16, 16)])



def _mm(a, b_t):
  return lax.dot_general(a, b_t, (((1,), (1,)), ((), ())),
                         preferred_element_type=jnp.float32)


def _tc1_body(x_ref, wl_ref, wr_ref, e_ref,
              qa_ref, qb_ref, r_ref, src_ref, dst_ref):
  xb = x_ref[...]
  q = _mm(xb, wl_ref[...])
  r_ref[...] = _mm(xb, wr_ref[...])
  qa_ref[...] = q[:, :H2]
  qb_ref[...] = q[:, H2:]
  i = pl.program_id(0)
  row = jax.lax.broadcasted_iota(jnp.int32, (EBLK, CH), 0) + i * EBLK
  lane = jax.lax.broadcasted_iota(jnp.int32, (EBLK, CH), 1)
  valid = row < ER
  src_ref[...] = jnp.where(valid, e_ref[0], 0)
  dst_ref[...] = jnp.where(valid, e_ref[1], NN + lane)


def _tc1(x, w1l, w1r, e3):
  return pl.pallas_call(
      _tc1_body,
      grid=(GRID,),
      in_specs=[
          pl.BlockSpec((BLK, DD), lambda i: (i, 0)),
          pl.BlockSpec((HH, DD), lambda i: (0, 0)),
          pl.BlockSpec((HH, DD), lambda i: (0, 0)),
          pl.BlockSpec((2, EBLK, CH), lambda i: (0, i, 0)),
      ],
      out_specs=[
          pl.BlockSpec((BLK, H2), lambda i: (i, 0)),
          pl.BlockSpec((BLK, H2), lambda i: (i, 0)),
          pl.BlockSpec((BLK, HH), lambda i: (i, 0)),
          pl.BlockSpec((EBLK, CH), lambda i: (i, 0)),
          pl.BlockSpec((EBLK, CH), lambda i: (i, 0)),
      ],
      out_shape=[
          jax.ShapeDtypeStruct((NN, H2), jnp.float32),
          jax.ShapeDtypeStruct((NN, H2), jnp.float32),
          jax.ShapeDtypeStruct((NN, HH), jnp.float32),
          jax.ShapeDtypeStruct((ERP, CH), jnp.int32),
          jax.ShapeDtypeStruct((ERP, CH), jnp.int32),
      ],
  )(x, w1l, w1r, e3)


def _tc2_body(agg_ref, cnt_ref, r1_ref, b1_ref, g1_ref, be1_ref,
              w2l_ref, w2r_ref, pa_ref, pb_ref, r2_ref, scl_ref):
  scale = 1.0 / jnp.maximum(cnt_ref[:, 0:1] + cnt_ref[:, 16:17], 1.0)
  agg = agg_ref[...] * scale
  h = agg + b1_ref[...] + r1_ref[...]
  h = h * (1.0 / jnp.sqrt(1.0 + BN_EPS)) * g1_ref[...] + be1_ref[...]
  h = jnp.maximum(h, 0.0)
  p = _mm(h, w2l_ref[...])
  pa_ref[...] = p[:, :H2 // 2]
  pb_ref[...] = p[:, H2 // 2:]
  r2_ref[...] = _mm(h, w2r_ref[...])
  scl_ref[...] = jnp.broadcast_to(scale, (BLK, 16))


def _tc2(agg1, cnt, r1, b1, g1, be1, w2l, w2r):
  return pl.pallas_call(
      _tc2_body,
      grid=(GRID,),
      in_specs=[
          pl.BlockSpec((BLK, 128), lambda i: (i, 0)),
          pl.BlockSpec((BLK, 128), lambda i: (i, 0)),
          pl.BlockSpec((BLK, HH), lambda i: (i, 0)),
          pl.BlockSpec((1, HH), lambda i: (0, 0)),
          pl.BlockSpec((1, HH), lambda i: (0, 0)),
          pl.BlockSpec((1, HH), lambda i: (0, 0)),
          pl.BlockSpec((H2, HH), lambda i: (0, 0)),
          pl.BlockSpec((H2, HH), lambda i: (0, 0)),
      ],
      out_specs=[
          pl.BlockSpec((BLK, H2 // 2), lambda i: (i, 0)),
          pl.BlockSpec((BLK, H2 // 2), lambda i: (i, 0)),
          pl.BlockSpec((BLK, H2), lambda i: (i, 0)),
          pl.BlockSpec((BLK, 16), lambda i: (i, 0)),
      ],
      out_shape=[
          jax.ShapeDtypeStruct((NN, H2 // 2), jnp.float32),
          jax.ShapeDtypeStruct((NN, H2 // 2), jnp.float32),
          jax.ShapeDtypeStruct((NN, H2), jnp.float32),
          jax.ShapeDtypeStruct((NN, 16), jnp.float32),
      ],
  )(agg1, cnt, r1, b1, g1, be1, w2l, w2r)


def _tc3_body(agg_ref, scl_ref, r2_ref, b2_ref, g2_ref, be2_ref,
              wh_ref, bh_ref, o_ref):
  scale = scl_ref[:, 0:1]
  agg = agg_ref[:, :H2] * scale
  h = agg + b2_ref[...] + r2_ref[...]
  h = h * (1.0 / jnp.sqrt(1.0 + BN_EPS)) * g2_ref[...] + be2_ref[...]
  h = jnp.maximum(h, 0.0)
  o_ref[...] = lax.dot_general(h, wh_ref[...], (((1,), (0,)), ((), ())),
                               preferred_element_type=jnp.float32) + bh_ref[...]


def _tc3(agg2, scl, r2, b2, g2, be2, whp, bhp):
  return pl.pallas_call(
      _tc3_body,
      grid=(GRID,),
      in_specs=[
          pl.BlockSpec((BLK, 128), lambda i: (i, 0)),
          pl.BlockSpec((BLK, 16), lambda i: (i, 0)),
          pl.BlockSpec((BLK, H2), lambda i: (i, 0)),
          pl.BlockSpec((1, H2), lambda i: (0, 0)),
          pl.BlockSpec((1, H2), lambda i: (0, 0)),
          pl.BlockSpec((1, H2), lambda i: (0, 0)),
          pl.BlockSpec((H2, 128), lambda i: (0, 0)),
          pl.BlockSpec((1, 128), lambda i: (0, 0)),
      ],
      out_specs=pl.BlockSpec((BLK, 128), lambda i: (i, 0)),
      out_shape=jax.ShapeDtypeStruct((NN, 128), jnp.float32),
  )(agg2, scl, r2, b2, g2, be2, whp, bhp)



def kernel(x, edge_index, W1_l, b1_l, W1_r, g1, be1,
           W2_l, b2_l, W2_r, g2, be2, Wh, bh):
  e3 = edge_index.reshape(2, ER, CH)

  zrow64 = jnp.zeros((RPT, H2), jnp.float32)
  zrow32 = jnp.zeros((RPT, H2 // 2), jnp.float32)
  zcnt = jnp.zeros((RPT, 16), jnp.float32)
  ones16 = jnp.zeros((CH, 16), jnp.float32).at[:, 0].set(1.0)

  qa, qb, r1, src_f, dst_f = _tc1(x, W1_l, W1_r, e3)
  src_r = src_f.reshape(NTILES, NCHUNK, CH)
  dst_r = dst_f.reshape(NTILES, NCHUNK, CH)
  cnt = _segcnt(dst_f, zcnt, ones16)
  agg1 = _segsum64(qa, qb, src_r, dst_r, zrow64)

  pa, pb, r2, scl = _tc2(agg1, cnt, r1, b1_l.reshape(1, HH), g1.reshape(1, HH),
                         be1.reshape(1, HH), W2_l, W2_r)
  agg2 = _segsum32(pa, pb, src_r, dst_r, zrow32)

  whp = jnp.zeros((H2, 128), jnp.float32).at[:, :CC].set(Wh.T)
  bhp = jnp.zeros((1, 128), jnp.float32).at[0, :CC].set(bh)
  out = _tc3(agg2, scl, r2, b2_l.reshape(1, H2), g2.reshape(1, H2),
             be2.reshape(1, H2), whp, bhp)
  return out[:, :CC]

# --- scband reference (transcript-rebuilt; emitter-appended) ---
"""Pipeline reference for scband-graph-sageclassifier-67216238182899 (READ-ONLY COPY).

The authoritative reference and input builder live on the scoring server;
editing this copy changes nothing except your own understanding.
"""

import jax, jax.numpy as jnp
import numpy as np

N = 10000
E = 320000
D = 128
H = 128
H2 = 64
C = 10
BN_EPS = 1e-5


def setup_inputs(seed: int = 0) -> dict:
    key = jax.random.key(seed)
    ks = jax.random.split(key, 16)
    x = jax.random.normal(ks[0], (N, D), dtype=jnp.float32)
    edge_index = jax.random.randint(ks[1], (2, E), 0, N, dtype=jnp.int32)
    # SAGEConv 1: lin_l (applied to mean-aggregated neighbors, has bias), lin_r (root, no bias)
    W1_l = jax.random.normal(ks[2], (H, D), dtype=jnp.float32) / np.sqrt(D)
    b1_l = jnp.zeros((H,), dtype=jnp.float32)
    W1_r = jax.random.normal(ks[3], (H, D), dtype=jnp.float32) / np.sqrt(D)
    g1 = jnp.ones((H,), dtype=jnp.float32)
    be1 = jnp.zeros((H,), dtype=jnp.float32)
    # SAGEConv 2
    W2_l = jax.random.normal(ks[4], (H2, H), dtype=jnp.float32) / np.sqrt(H)
    b2_l = jnp.zeros((H2,), dtype=jnp.float32)
    W2_r = jax.random.normal(ks[5], (H2, H), dtype=jnp.float32) / np.sqrt(H)
    g2 = jnp.ones((H2,), dtype=jnp.float32)
    be2 = jnp.zeros((H2,), dtype=jnp.float32)
    # head
    Wh = jax.random.normal(ks[6], (C, H2), dtype=jnp.float32) / np.sqrt(H2)
    bh = jnp.zeros((C,), dtype=jnp.float32)
    return {"x": x, "edge_index": edge_index,
            "W1_l": W1_l, "b1_l": b1_l, "W1_r": W1_r, "g1": g1, "be1": be1,
            "W2_l": W2_l, "b2_l": b2_l, "W2_r": W2_r, "g2": g2, "be2": be2,
            "Wh": Wh, "bh": bh}


def _sage_conv(x, src, dst, Wl, bl, Wr, n_nodes):
    # mean aggregation of source-node features at destination nodes
    msgs = jnp.take(x, src, axis=0)
    agg = jax.ops.segment_sum(msgs, dst, num_segments=n_nodes)
    cnt = jax.ops.segment_sum(jnp.ones((src.shape[0], 1), dtype=x.dtype), dst, num_segments=n_nodes)
    agg = agg / jnp.maximum(cnt, 1.0)
    return agg @ Wl.T + bl + x @ Wr.T


def _bn_eval(h, gamma, beta):
    # BatchNorm1d in eval mode with init running stats (mean=0, var=1)
    return h / jnp.sqrt(1.0 + BN_EPS) * gamma + beta


def reference(x, edge_index, W1_l, b1_l, W1_r, g1, be1, W2_l, b2_l, W2_r, g2, be2, Wh, bh):
    src = edge_index[0]
    dst = edge_index[1]
    h = _sage_conv(x, src, dst, W1_l, b1_l, W1_r, N)
    h = jax.nn.relu(_bn_eval(h, g1, be1))
    # dropout p=0.1 is inactive in eval mode
    h = _sage_conv(h, src, dst, W2_l, b2_l, W2_r, N)
    h = jax.nn.relu(_bn_eval(h, g2, be2))
    return h @ Wh.T + bh

if __name__ == "__main__":
    import jax
    _d = setup_inputs()
    print(jax.jit(kernel)(*tuple(_d.values())))

</pallas_src>

<mosaic_0001>
#map = affine_map<(d0, d1) -> (0, 0)>
#map1 = affine_map<(d0, d1) -> (0, 0, 0)>
module attributes {stable_mosaic.version = 14 : i64} {
  func.func @body(%arg0: i32, %arg1: i32, %arg2: memref<10000x64xf32, #tpu.memory_space<hbm>>, %arg3: memref<10000x64xf32, #tpu.memory_space<hbm>>, %arg4: memref<16x160x128xi32, #tpu.memory_space<hbm>>, %arg5: memref<16x160x128xi32, #tpu.memory_space<hbm>>, %arg6: memref<640x64xf32, #tpu.memory_space<hbm>>, %arg7: memref<10240x128xf32, #tpu.memory_space<hbm>>, %arg8: memref<160x128xi32, #tpu.memory_space<vmem>>, %arg9: memref<160x128xi32, #tpu.memory_space<vmem>>, %arg10: memref<5x128x64xf32, #tpu.memory_space<vmem>>, %arg11: memref<10240x64xf32, #tpu.memory_space<vmem_shared>>, %arg12: memref<!tpu.dma_semaphore, #tpu.memory_space<semaphore_mem>>, %arg13: memref<!tpu.dma_semaphore, #tpu.memory_space<semaphore_mem>>) attributes {dimension_semantics = [#tpu.dimension_semantics<core_parallel>, #tpu.dimension_semantics<subcore_parallel>], iteration_bounds = array<i64: 2, 16>, scalar_prefetch = 0 : i64, scratch_operands = 6 : i64, tpu.core_type = #tpu.core_type<sc_vector_subcore>, window_params = [{transform_indices = #map}, {transform_indices = #map}, {transform_indices = #map1}, {transform_indices = #map1}, {transform_indices = #map}, {transform_indices = #map}]} {
    "tpu.region"() ({
      %run_scoped3A = tpu.sem_alloc : memref<!tpu.dma_semaphore, #tpu.memory_space<semaphore_mem>>
      %dma_start3A = arith.constant 0 : i32
      %dma_start3A_19 = arith.constant 0 : i32
      %dma_start3A_20 = tpu.memref_slice %arg4[%arg1, %dma_start3A, %dma_start3A_19] : memref<16x160x128xi32, #tpu.memory_space<hbm>> -> memref<1x160x128xi32, #tpu.memory_space<hbm>>
      %dma_start3A_21 = tpu.memref_squeeze %dma_start3A_20 : memref<1x160x128xi32, #tpu.memory_space<hbm>> -> memref<160x128xi32, #tpu.memory_space<hbm>>
      %dma_start3A_22 = arith.constant 0 : i32
      %dma_start3A_23 = arith.constant 0 : i32
      %dma_start3A_24 = tpu.memref_slice %arg4[%arg1, %dma_start3A_22, %dma_start3A_23] : memref<16x160x128xi32, #tpu.memory_space<hbm>> -> memref<1x160x128xi32, #tpu.memory_space<hbm>>
      %dma_start3A_25 = tpu.memref_squeeze %dma_start3A_24 : memref<1x160x128xi32, #tpu.memory_space<hbm>> -> memref<160x128xi32, #tpu.memory_space<hbm>>
      tpu.enqueue_dma source(%dma_start3A_25 : memref<160x128xi32, #tpu.memory_space<hbm>>) target(%arg8 : memref<160x128xi32, #tpu.memory_space<vmem>>) target_semaphore(%run_scoped3A : memref<!tpu.dma_semaphore, #tpu.memory_space<semaphore_mem>>)
      %dma_wait3A = arith.constant 0 : i32
      %dma_wait3A_26 = arith.constant 0 : i32
      %dma_wait3A_27 = tpu.memref_slice %arg4[%arg1, %dma_wait3A, %dma_wait3A_26] : memref<16x160x128xi32, #tpu.memory_space<hbm>> -> memref<1x160x128xi32, #tpu.memory_space<hbm>>
      %dma_wait3A_28 = tpu.memref_squeeze %dma_wait3A_27 : memref<1x160x128xi32, #tpu.memory_space<hbm>> -> memref<160x128xi32, #tpu.memory_space<hbm>>
      %dma_wait3A_29 = arith.constant 0 : i32
      %dma_wait3A_30 = arith.constant 0 : i32
      %dma_wait3A_31 = tpu.memref_slice %arg4[%arg1, %dma_wait3A_29, %dma_wait3A_30] : memref<16x160x128xi32, #tpu.memory_space<hbm>> -> memref<1x160x128xi32, #tpu.memory_space<hbm>>
      %dma_wait3A_32 = tpu.memref_squeeze %dma_wait3A_31 : memref<1x160x128xi32, #tpu.memory_space<hbm>> -> memref<160x128xi32, #tpu.memory_space<hbm>>
      tpu.wait_dma2 semaphore(%run_scoped3A : memref<!tpu.dma_semaphore, #tpu.memory_space<semaphore_mem>>) src(%dma_wait3A_32 : memref<160x128xi32, #tpu.memory_space<hbm>>) dst(%arg8 : memref<160x128xi32, #tpu.memory_space<vmem>>)
      tpu.yield
    }) : () -> ()
    "tpu.region"() ({
      %run_scoped3A = tpu.sem_alloc : memref<!tpu.dma_semaphore, #tpu.memory_space<semaphore_mem>>
      %dma_start3A = arith.constant 0 : i32
      %dma_start3A_19 = arith.constant 0 : i32
      %dma_start3A_20 = tpu.memref_slice %arg5[%arg1, %dma_start3A, %dma_start3A_19] : memref<16x160x128xi32, #tpu.memory_space<hbm>> -> memref<1x160x128xi32, #tpu.memory_space<hbm>>
      %dma_start3A_21 = tpu.memref_squeeze %dma_start3A_20 : memref<1x160x128xi32, #tpu.memory_space<hbm>> -> memref<160x128xi32, #tpu.memory_space<hbm>>
      %dma_start3A_22 = arith.constant 0 : i32
      %dma_start3A_23 = arith.constant 0 : i32
      %dma_start3A_24 = tpu.memref_slice %arg5[%arg1, %dma_start3A_22, %dma_start3A_23] : memref<16x160x128xi32, #tpu.memory_space<hbm>> -> memref<1x160x128xi32, #tpu.memory_space<hbm>>
      %dma_start3A_25 = tpu.memref_squeeze %dma_start3A_24 : memref<1x160x128xi32, #tpu.memory_space<hbm>> -> memref<160x128xi32, #tpu.memory_space<hbm>>
      tpu.enqueue_dma source(%dma_start3A_25 : memref<160x128xi32, #tpu.memory_space<hbm>>) target(%arg9 : memref<160x128xi32, #tpu.memory_space<vmem>>) target_semaphore(%run_scoped3A : memref<!tpu.dma_semaphore, #tpu.memory_space<semaphore_mem>>)
      %dma_wait3A = arith.constant 0 : i32
      %dma_wait3A_26 = arith.constant 0 : i32
      %dma_wait3A_27 = tpu.memref_slice %arg5[%arg1, %dma_wait3A, %dma_wait3A_26] : memref<16x160x128xi32, #tpu.memory_space<hbm>> -> memref<1x160x128xi32, #tpu.memory_space<hbm>>
      %dma_wait3A_28 = tpu.memref_squeeze %dma_wait3A_27 : memref<1x160x128xi32, #tpu.memory_space<hbm>> -> memref<160x128xi32, #tpu.memory_space<hbm>>
      %dma_wait3A_29 = arith.constant 0 : i32
      %dma_wait3A_30 = arith.constant 0 : i32
      %dma_wait3A_31 = tpu.memref_slice %arg5[%arg1, %dma_wait3A_29, %dma_wait3A_30] : memref<16x160x128xi32, #tpu.memory_space<hbm>> -> memref<1x160x128xi32, #tpu.memory_space<hbm>>
      %dma_wait3A_32 = tpu.memref_squeeze %dma_wait3A_31 : memref<1x160x128xi32, #tpu.memory_space<hbm>> -> memref<160x128xi32, #tpu.memory_space<hbm>>
      tpu.wait_dma2 semaphore(%run_scoped3A : memref<!tpu.dma_semaphore, #tpu.memory_space<semaphore_mem>>) src(%dma_wait3A_32 : memref<160x128xi32, #tpu.memory_space<hbm>>) dst(%arg9 : memref<160x128xi32, #tpu.memory_space<vmem>>)
      tpu.yield
    }) : () -> ()
    %mul3A = arith.constant 640 : i32
    %mul3A_0 = arith.muli %arg1, %mul3A : i32
    "tpu.region"() ({
      %run_scoped3A = tpu.sem_alloc : memref<!tpu.dma_semaphore, #tpu.memory_space<semaphore_mem>>
      %dma_start3A = arith.constant 0 : i32
      %dma_start3A_19 = tpu.memref_slice %arg11[%mul3A_0, %dma_start3A] : memref<10240x64xf32, #tpu.memory_space<vmem_shared>> -> memref<640x64xf32, #tpu.memory_space<vmem_shared>>
      tpu.enqueue_dma source(%arg6 : memref<640x64xf32, #tpu.memory_space<hbm>>) target(%dma_start3A_19 : memref<640x64xf32, #tpu.memory_space<vmem_shared>>) target_semaphore(%run_scoped3A : memref<!tpu.dma_semaphore, #tpu.memory_space<semaphore_mem>>)
      %dma_wait3A = arith.constant 0 : i32
      %dma_wait3A_20 = tpu.memref_slice %arg11[%mul3A_0, %dma_wait3A] : memref<10240x64xf32, #tpu.memory_space<vmem_shared>> -> memref<640x64xf32, #tpu.memory_space<vmem_shared>>
      tpu.wait_dma2 semaphore(%run_scoped3A : memref<!tpu.dma_semaphore, #tpu.memory_space<semaphore_mem>>) src(%arg6 : memref<640x64xf32, #tpu.memory_space<hbm>>) dst(%dma_wait3A_20 : memref<640x64xf32, #tpu.memory_space<vmem_shared>>)
      tpu.yield
    }) : () -> ()
    %barrier3A = arith.constant 0 : index
    tpu.barrier barrier_id(%barrier3A)
    %eq3A = arith.constant 0 : i32
    %eq3A_1 = arith.cmpi eq, %arg0, %eq3A : i32
    %convert_element_type3A = arith.extui %eq3A_1 : i1 to i32
    %cond3A = arith.constant 0 : i32
    %cond3A_2 = arith.cmpi ne, %convert_element_type3A, %cond3A : i32
    scf.if %cond3A_2 {
      %scan3A = arith.constant 0 : i32
      %scan3A_19 = arith.constant 0 : i32
      %scan3A_20 = arith.constant 32 : i32
      %scan3A_21 = arith.addi %scan3A_19, %scan3A_20 : i32
      %scan3A_22 = arith.constant 1 : i32
      scf.for %scan3A_24 = %scan3A_19 to %scan3A_21 step %scan3A_22  : i32 {
        %mul3A_25 = arith.constant 5 : i32
        %mul3A_26 = arith.muli %scan3A_24, %mul3A_25 : i32
        %add3A = arith.constant 0 : i32
        %add3A_27 = arith.addi %mul3A_26, %add3A : i32
        %dma_start3A = arith.constant 0 : i32
        %dma_start3A_28 = arith.constant 0 : i32
        %dma_start3A_29 = arith.constant 0 : i32
        %dma_start3A_30 = tpu.memref_slice %arg10[%dma_start3A, %dma_start3A_28, %dma_start3A_29] : memref<5x128x64xf32, #tpu.memory_space<vmem>> -> memref<1x128x64xf32, #tpu.memory_space<vmem>>
        %dma_start3A_31 = tpu.memref_squeeze %dma_start3A_30 : memref<1x128x64xf32, #tpu.memory_space<vmem>> -> memref<128x64xf32, #tpu.memory_space<vmem>>
        %dma_start3A_32 = arith.constant 0 : i32
        %dma_start3A_33 = tpu.memref_slice %arg8[%add3A_27, %dma_start3A_32] : memref<160x128xi32, #tpu.memory_space<vmem>> -> memref<1x128xi32, #tpu.memory_space<vmem>>
        %dma_start3A_34 = tpu.memref_squeeze %dma_start3A_33 : memref<1x128xi32, #tpu.memory_space<vmem>> -> memref<128xi32, #tpu.memory_space<vmem>>
        %dma_start3A_35 = arith.constant 0 : i32
        %dma_start3A_36 = arith.constant 0 : i32
        %dma_start3A_37 = tpu.memref_slice %arg2[%dma_start3A_35, %dma_start3A_36] : memref<10000x64xf32, #tpu.memory_space<hbm>> -> memref<10000x64xf32, #tpu.memory_space<hbm>>
        tpu.enqueue_indirect_dma source(%dma_start3A_37 : memref<10000x64xf32, #tpu.memory_space<hbm>>) target(%dma_start3A_31 : memref<128x64xf32, #tpu.memory_space<vmem>>) offsets(%dma_start3A_34 : memref<128xi32, #tpu.memory_space<vmem>>) semaphore(%arg12 : memref<!tpu.dma_semaphore, #tpu.memory_space<semaphore_mem>>)
        %add3A_38 = arith.constant 1 : i32
        %add3A_39 = arith.addi %mul3A_26, %add3A_38 : i32
        %dma_start3A_40 = arith.constant 1 : i32
        %dma_start3A_41 = arith.constant 0 : i32
        %dma_start3A_42 = arith.constant 0 : i32
        %dma_start3A_43 = tpu.memref_slice %arg10[%dma_start3A_40, %dma_start3A_41, %dma_start3A_42] : memref<5x128x64xf32, #tpu.memory_space<vmem>> -> memref<1x128x64xf32, #tpu.memory_space<vmem>>
        %dma_start3A_44 = tpu.memref_squeeze %dma_start3A_43 : memref<1x128x64xf32, #tpu.memory_space<vmem>> -> memref<128x64xf32, #tpu.memory_space<vmem>>
        %dma_start3A_45 = arith.constant 0 : i32
        %dma_start3A_46 = tpu.memref_slice %arg8[%add3A_39, %dma_start3A_45] : memref<160x128xi32, #tpu.memory_space<vmem>> -> memref<1x128xi32, #tpu.memory_space<vmem>>
        %dma_start3A_47 = tpu.memref_squeeze %dma_start3A_46 : memref<1x128xi32, #tpu.memory_space<vmem>> -> memref<128xi32, #tpu.memory_space<vmem>>
        %dma_start3A_48 = arith.constant 0 : i32
        %dma_start3A_49 = arith.constant 0 : i32
        %dma_start3A_50 = tpu.memref_slice %arg2[%dma_start3A_48, %dma_start3A_49] : memref<10000x64xf32, #tpu.memory_space<hbm>> -> memref<10000x64xf32, #tpu.memory_space<hbm>>
        tpu.enqueue_indirect_dma source(%dma_start3A_50 : memref<10000x64xf32, #tpu.memory_space<hbm>>) target(%dma_start3A_44 : memref<128x64xf32, #tpu.memory_space<vmem>>) offsets(%dma_start3A_47 : memref<128xi32, #tpu.memory_space<vmem>>) semaphore(%arg12 : memref<!tpu.dma_semaphore, #tpu.memory_space<semaphore_mem>>)
        %add3A_51 = arith.constant 2 : i32
        %add3A_52 = arith.addi %mul3A_26, %add3A_51 : i32
        %dma_start3A_53 = arith.constant 2 : i32
        %dma_start3A_54 = arith.constant 0 : i32
        %dma_start3A_55 = arith.constant 0 : i32
        %dma_start3A_56 = tpu.memref_slice %arg10[%dma_start3A_53, %dma_start3A_54, %dma_start3A_55] : memref<5x128x64xf32, #tpu.memory_space<vmem>> -> memref<1x128x64xf32, #tpu.memory_space<vmem>>
        %dma_start3A_57 = tpu.memref_squeeze %dma_start3A_56 : memref<1x128x64xf32, #tpu.memory_space<vmem>> -> memref<128x64xf32, #tpu.memory_space<vmem>>
        %dma_start3A_58 = arith.constant 0 : i32
        %dma_start3A_59 = tpu.memref_slice %arg8[%add3A_52, %dma_start3A_58] : memref<160x128xi32, #tpu.memory_space<vmem>> -> memref<1x128xi32, #tpu.memory_space<vmem>>
        %dma_start3A_60 = tpu.memref_squeeze %dma_start3A_59 : memref<1x128xi32, #tpu.memory_space<vmem>> -> memref<128xi32, #tpu.memory_space<vmem>>
        %dma_start3A_61 = arith.constant 0 : i32
        %dma_start3A_62 = arith.constant 0 : i32
        %dma_start3A_63 = tpu.memref_slice %arg2[%dma_start3A_61, %dma_start3A_62] : memref<10000x64xf32, #tpu.memory_space<hbm>> -> memref<10000x64xf32, #tpu.memory_space<hbm>>
        tpu.enqueue_indirect_dma source(%dma_start3A_63 : memref<10000x64xf32, #tpu.memory_space<hbm>>) target(%dma_start3A_57 : memref<128x64xf32, #tpu.memory_space<vmem>>) offsets(%dma_start3A_60 : memref<128xi32, #tpu.memory_space<vmem>>) semaphore(%arg12 : memref<!tpu.dma_semaphore, #tpu.memory_space<semaphore_mem>>)
        %add3A_64 = arith.constant 3 : i32
        %add3A_65 = arith.addi %mul3A_26, %add3A_64 : i32
        %dma_start3A_66 = arith.constant 3 : i32
        %dma_start3A_67 = arith.constant 0 : i32
        %dma_start3A_68 = arith.constant 0 : i32
        %dma_start3A_69 = tpu.memref_slice %arg10[%dma_start3A_66, %dma_start3A_67, %dma_start3A_68] : memref<5x128x64xf32, #tpu.memory_space<vmem>> -> memref<1x128x64xf32, #tpu.memory_space<vmem>>
        %dma_start3A_70 = tpu.memref_squeeze %dma_start3A_69 : memref<1x128x64xf32, #tpu.memory_space<vmem>> -> memref<128x64xf32, #tpu.memory_space<vmem>>
        %dma_start3A_71 = arith.constant 0 : i32
        %dma_start3A_72 = tpu.memref_slice %arg8[%add3A_65, %dma_start3A_71] : memref<160x128xi32, #tpu.memory_space<vmem>> -> memref<1x128xi32, #tpu.memory_space<vmem>>
        %dma_start3A_73 = tpu.memref_squeeze %dma_start3A_72 : memref<1x128xi32, #tpu.memory_space<vmem>> -> memref<128xi32, #tpu.memory_space<vmem>>
        %dma_start3A_74 = arith.constant 0 : i32
        %dma_start3A_75 = arith.constant 0 : i32
        %dma_start3A_76 = tpu.memref_slice %arg2[%dma_start3A_74, %dma_start3A_75] : memref<10000x64xf32, #tpu.memory_space<hbm>> -> memref<10000x64xf32, #tpu.memory_space<hbm>>
        tpu.enqueue_indirect_dma source(%dma_start3A_76 : memref<10000x64xf32, #tpu.memory_space<hbm>>) target(%dma_start3A_70 : memref<128x64xf32, #tpu.memory_space<vmem>>) offsets(%dma_start3A_73 : memref<128xi32, #tpu.memory_space<vmem>>) semaphore(%arg12 : memref<!tpu.dma_semaphore, #tpu.memory_space<semaphore_mem>>)
        %add3A_77 = arith.constant 4 : i32
        %add3A_78 = arith.addi %mul3A_26, %add3A_77 : i32
        %dma_start3A_79 = arith.constant 4 : i32
        %dma_start3A_80 = arith.constant 0 : i32
        %dma_start3A_81 = arith.constant 0 : i32
        %dma_start3A_82 = tpu.memref_slice %arg10[%dma_start3A_79, %dma_start3A_80, %dma_start3A_81] : memref<5x128x64xf32, #tpu.memory_space<vmem>> -> memref<1x128x64xf32, #tpu.memory_space<vmem>>
        %dma_start3A_83 = tpu.memref_squeeze %dma_start3A_82 : memref<1x128x64xf32, #tpu.memory_space<vmem>> -> memref<128x64xf32, #tpu.memory_space<vmem>>
        %dma_start3A_84 = arith.constant 0 : i32
        %dma_start3A_85 = tpu.memref_slice %arg8[%add3A_78, %dma_start3A_84] : memref<160x128xi32, #tpu.memory_space<vmem>> -> memref<1x128xi32, #tpu.memory_space<vmem>>
        %dma_start3A_86 = tpu.memref_squeeze %dma_start3A_85 : memref<1x128xi32, #tpu.memory_space<vmem>> -> memref<128xi32, #tpu.memory_space<vmem>>
        %dma_start3A_87 = arith.constant 0 : i32
        %dma_start3A_88 = arith.constant 0 : i32
        %dma_start3A_89 = tpu.memref_slice %arg2[%dma_start3A_87, %dma_start3A_88] : memref<10000x64xf32, #tpu.memory_space<hbm>> -> memref<10000x64xf32, #tpu.memory_space<hbm>>
        tpu.enqueue_indirect_dma source(%dma_start3A_89 : memref<10000x64xf32, #tpu.memory_space<hbm>>) target(%dma_start3A_83 : memref<128x64xf32, #tpu.memory_space<vmem>>) offsets(%dma_start3A_86 : memref<128xi32, #tpu.memory_space<vmem>>) semaphore(%arg12 : memref<!tpu.dma_semaphore, #tpu.memory_space<semaphore_mem>>)
        %dma_wait3A = arith.constant 0 : i32
        %dma_wait3A_90 = arith.constant 0 : i32
        %dma_wait3A_91 = arith.constant 0 : i32
        %dma_wait3A_92 = tpu.memref_slice %arg10[%dma_wait3A, %dma_wait3A_90, %dma_wait3A_91] : memref<5x128x64xf32, #tpu.memory_space<vmem>> -> memref<1x128x64xf32, #tpu.memory_space<vmem>>
        %dma_wait3A_93 = tpu.memref_squeeze %dma_wait3A_92 : memref<1x128x64xf32, #tpu.memory_space<vmem>> -> memref<128x64xf32, #tpu.memory_space<vmem>>
        %dma_wait3A_94 = arith.constant 0 : i32
        %dma_wait3A_95 = tpu.memref_slice %arg8[%add3A_27, %dma_wait3A_94] : memref<160x128xi32, #tpu.memory_space<vmem>> -> memref<1x128xi32, #tpu.memory_space<vmem>>
        %dma_wait3A_96 = tpu.memref_squeeze %dma_wait3A_95 : memref<1x128xi32, #tpu.memory_space<vmem>> -> memref<128xi32, #tpu.memory_space<vmem>>
        %dma_wait3A_97 = arith.constant 0 : i32
        %dma_wait3A_98 = arith.constant 0 : i32
        %dma_wait3A_99 = tpu.memref_slice %arg2[%dma_wait3A_97, %dma_wait3A_98] : memref<10000x64xf32, #tpu.memory_space<hbm>> -> memref<10000x64xf32, #tpu.memory_space<hbm>>
        tpu.wait_indirect_dma semaphore(%arg12 : memref<!tpu.dma_semaphore, #tpu.memory_space<semaphore_mem>>) src(%dma_wait3A_99 : memref<10000x64xf32, #tpu.memory_space<hbm>>) dst(%dma_wait3A_93 : memref<128x64xf32, #tpu.memory_space<vmem>>)
        %add3A_100 = arith.constant 0 : i32
        %add3A_101 = arith.addi %mul3A_26, %add3A_100 : i32
        %dma_start3A_102 = arith.constant 0 : i32
        %dma_start3A_103 = arith.constant 0 : i32
        %dma_start3A_104 = arith.constant 0 : i32
        %dma_start3A_105 = tpu.memref_slice %arg10[%dma_start3A_102, %dma_start3A_103, %dma_start3A_104] : memref<5x128x64xf32, #tpu.memory_space<vmem>> -> memref<1x128x64xf32, #tpu.memory_space<vmem>>
        %dma_start3A_106 = tpu.memref_squeeze %dma_start3A_105 : memref<1x128x64xf32, #tpu.memory_space<vmem>> -> memref<128x64xf32, #tpu.memory_space<vmem>>
        %dma_start3A_107 = arith.constant 0 : i32
        %dma_start3A_108 = tpu.memref_slice %arg9[%add3A_101, %dma_start3A_107] : memref<160x128xi32, #tpu.memory_space<vmem>> -> memref<1x128xi32, #tpu.memory_space<vmem>>
        %dma_start3A_109 = tpu.memref_squeeze %dma_start3A_108 : memref<1x128xi32, #tpu.memory_space<vmem>> -> memref<128xi32, #tpu.memory_space<vmem>>
        %dma_start3A_110 = arith.constant 0 : i32
        %dma_start3A_111 = arith.constant 0 : i32
        %dma_start3A_112 = tpu.memref_slice %arg11[%dma_start3A_110, %dma_start3A_111] : memref<10240x64xf32, #tpu.memory_space<vmem_shared>> -> memref<10240x64xf32, #tpu.memory_space<vmem_shared>>
        tpu.enqueue_indirect_dma source(%dma_start3A_106 : memref<128x64xf32, #tpu.memory_space<vmem>>) target(%dma_start3A_112 : memref<10240x64xf32, #tpu.memory_space<vmem_shared>>) offsets(%dma_start3A_109 : memref<128xi32, #tpu.memory_space<vmem>>) semaphore(%arg13 : memref<!tpu.dma_semaphore, #tpu.memory_space<semaphore_mem>>) {add = true}
        %dma_wait3A_113 = arith.constant 1 : i32
        %dma_wait3A_114 = arith.constant 0 : i32
        %dma_wait3A_115 = arith.constant 0 : i32
        %dma_wait3A_116 = tpu.memref_slice %arg10[%dma_wait3A_113, %dma_wait3A_114, %dma_wait3A_115] : memref<5x128x64xf32, #tpu.memory_space<vmem>> -> memref<1x128x64xf32, #tpu.memory_space<vmem>>
        %dma_wait3A_117 = tpu.memref_squeeze %dma_wait3A_116 : memref<1x128x64xf32, #tpu.memory_space<vmem>> -> memref<128x64xf32, #tpu.memory_space<vmem>>
        %dma_wait3A_118 = arith.constant 0 : i32
        %dma_wait3A_119 = tpu.memref_slice %arg8[%add3A_39, %dma_wait3A_118] : memref<160x128xi32, #tpu.memory_space<vmem>> -> memref<1x128xi32, #tpu.memory_space<vmem>>
        %dma_wait3A_120 = tpu.memref_squeeze %dma_wait3A_119 : memref<1x128xi32, #tpu.memory_space<vmem>> -> memref<128xi32, #tpu.memory_space<vmem>>
        %dma_wait3A_121 = arith.constant 0 : i32
        %dma_wait3A_122 = arith.constant 0 : i32
        %dma_wait3A_123 = tpu.memref_slice %arg2[%dma_wait3A_121, %dma_wait3A_122] : memref<10000x64xf32, #tpu.memory_space<hbm>> -> memref<10000x64xf32, #tpu.memory_space<hbm>>
        tpu.wait_indirect_dma semaphore(%arg12 : memref<!tpu.dma_semaphore, #tpu.memory_space<semaphore_mem>>) src(%dma_wait3A_123 : memref<10000x64xf32, #tpu.memory_space<hbm>>) dst(%dma_wait3A_117 : memref<128x64xf32, #tpu.memory_space<vmem>>)
        %add3A_124 = arith.constant 1 : i32
        %add3A_125 = arith.addi %mul3A_26, %add3A_124 : i32
        %dma_start3A_126 = arith.constant 1 : i32
        %dma_start3A_127 = arith.constant 0 : i32
        %dma_start3A_128 = arith.constant 0 : i32
        %dma_start3A_129 = tpu.memref_slice %arg10[%dma_start3A_126, %dma_start3A_127, %dma_start3A_128] : memref<5x128x64xf32, #tpu.memory_space<vmem>> -> memref<1x128x64xf32, #tpu.memory_space<vmem>>
        %dma_start3A_130 = tpu.memref_squeeze %dma_start3A_129 : memref<1x128x64xf32, #tpu.memory_space<vmem>> -> memref<128x64xf32, #tpu.memory_space<vmem>>
        %dma_start3A_131 = arith.constant 0 : i32
        %dma_start3A_132 = tpu.memref_slice %arg9[%add3A_125, %dma_start3A_131] : memref<160x128xi32, #tpu.memory_space<vmem>> -> memref<1x128xi32, #tpu.memory_space<vmem>>
        %dma_start3A_133 = tpu.memref_squeeze %dma_start3A_132 : memref<1x128xi32, #tpu.memory_space<vmem>> -> memref<128xi32, #tpu.memory_space<vmem>>
        %dma_start3A_134 = arith.constant 0 : i32
        %dma_start3A_135 = arith.constant 0 : i32
        %dma_start3A_136 = tpu.memref_slice %arg11[%dma_start3A_134, %dma_start3A_135] : memref<10240x64xf32, #tpu.memory_space<vmem_shared>> -> memref<10240x64xf32, #tpu.memory_space<vmem_shared>>
        tpu.enqueue_indirect_dma source(%dma_start3A_130 : memref<128x64xf32, #tpu.memory_space<vmem>>) target(%dma_start3A_136 : memref<10240x64xf32, #tpu.memory_space<vmem_shared>>) offsets(%dma_start3A_133 : memref<128xi32, #tpu.memory_space<vmem>>) semaphore(%arg13 : memref<!tpu.dma_semaphore, #tpu.memory_space<semaphore_mem>>) {add = true}
        %dma_wait3A_137 = arith.constant 2 : i32
        %dma_wait3A_138 = arith.constant 0 : i32
        %dma_wait3A_139 = arith.constant 0 : i32
        %dma_wait3A_140 = tpu.memref_slice %arg10[%dma_wait3A_137, %dma_wait3A_138, %dma_wait3A_139] : memref<5x128x64xf32, #tpu.memory_space<vmem>> -> memref<1x128x64xf32, #tpu.memory_space<vmem>>
        %dma_wait3A_141 = tpu.memref_squeeze %dma_wait3A_140 : memref<1x128x64xf32, #tpu.memory_space<vmem>> -> memref<128x64xf32, #tpu.memory_space<vmem>>
        %dma_wait3A_142 = arith.constant 0 : i32
        %dma_wait3A_143 = tpu.memref_slice %arg8[%add3A_52, %dma_wait3A_142] : memref<160x128xi32, #tpu.memory_space<vmem>> -> memref<1x128xi32, #tpu.memory_space<vmem>>
        %dma_wait3A_144 = tpu.memref_squeeze %dma_wait3A_143 : memref<1x128xi32, #tpu.memory_space<vmem>> -> memref<128xi32, #tpu.memory_space<vmem>>
        %dma_wait3A_145 = arith.constant 0 : i32
        %dma_wait3A_146 = arith.constant 0 : i32
        %dma_wait3A_147 = tpu.memref_slice %arg2[%dma_wait3A_145, %dma_wait3A_146] : memref<10000x64xf32, #tpu.memory_space<hbm>> -> memref<10000x64xf32, #tpu.memory_space<hbm>>
        tpu.wait_indirect_dma semaphore(%arg12 : memref<!tpu.dma_semaphore, #tpu.memory_space<semaphore_mem>>) src(%dma_wait3A_147 : memref<10000x64xf32, #tpu.memory_space<hbm>>) dst(%dma_wait3A_141 : memref<128x64xf32, #tpu.memory_space<vmem>>)
        %add3A_148 = arith.constant 2 : i32
        %add3A_149 = arith.addi %mul3A_26, %add3A_148 : i32
        %dma_start3A_150 = arith.constant 2 : i32
        %dma_start3A_151 = arith.constant 0 : i32
        %dma_start3A_152 = arith.constant 0 : i32
        %dma_start3A_153 = tpu.memref_slice %arg10[%dma_start3A_150, %dma_start3A_151, %dma_start3A_152] : memref<5x128x64xf32, #tpu.memory_space<vmem>> -> memref<1x128x64xf32, #tpu.memory_space<vmem>>
        %dma_start3A_154 = tpu.memref_squeeze %dma_start3A_153 : memref<1x128x64xf32, #tpu.memory_space<vmem>> -> memref<128x64xf32, #tpu.memory_space<vmem>>
        %dma_start3A_155 = arith.constant 0 : i32
        %dma_start3A_156 = tpu.memref_slice %arg9[%add3A_149, %dma_start3A_155] : memref<160x128xi32, #tpu.memory_space<vmem>> -> memref<1x128xi32, #tpu.memory_space<vmem>>
        %dma_start3A_157 = tpu.memref_squeeze %dma_start3A_156 : memref<1x128xi32, #tpu.memory_space<vmem>> -> memref<128xi32, #tpu.memory_space<vmem>>
        %dma_start3A_158 = arith.constant 0 : i32
        %dma_start3A_159 = arith.constant 0 : i32
        %dma_start3A_160 = tpu.memref_slice %arg11[%dma_start3A_158, %dma_start3A_159] : memref<10240x64xf32, #tpu.memory_space<vmem_shared>> -> memref<10240x64xf32, #tpu.memory_space<vmem_shared>>
        tpu.enqueue_indirect_dma source(%dma_start3A_154 : memref<128x64xf32, #tpu.memory_space<vmem>>) target(%dma_start3A_160 : memref<10240x64xf32, #tpu.memory_space<vmem_shared>>) offsets(%dma_start3A_157 : memref<128xi32, #tpu.memory_space<vmem>>) semaphore(%arg13 : memref<!tpu.dma_semaphore, #tpu.memory_space<semaphore_mem>>) {add = true}
        %dma_wait3A_161 = arith.constant 3 : i32
        %dma_wait3A_162 = arith.constant 0 : i32
        %dma_wait3A_163 = arith.constant 0 : i32
        %dma_wait3A_164 = tpu.memref_slice %arg10[%dma_wait3A_161, %dma_wait3A_162, %dma_wait3A_163] : memref<5x128x64xf32, #tpu.memory_space<vmem>> -> memref<1x128x64xf32, #tpu.memory_space<vmem>>
        %dma_wait3A_165 = tpu.memref_squeeze %dma_wait3A_164 : memref<1x128x64xf32, #tpu.memory_space<vmem>> -> memref<128x64xf32, #tpu.memory_space<vmem>>
        %dma_wait3A_166 = arith.constant 0 : i32
        %dma_wait3A_167 = tpu.memref_slice %arg8[%add3A_65, %dma_wait3A_166] : memref<160x128xi32, #tpu.memory_space<vmem>> -> memref<1x128xi32, #tpu.memory_space<vmem>>
        %dma_wait3A_168 = tpu.memref_squeeze %dma_wait3A_167 : memref<1x128xi32, #tpu.memory_space<vmem>> -> memref<128xi32, #tpu.memory_space<vmem>>
        %dma_wait3A_169 = arith.constant 0 : i32
        %dma_wait3A_170 = arith.constant 0 : i32
        %dma_wait3A_171 = tpu.memref_slice %arg2[%dma_wait3A_169, %dma_wait3A_170] : memref<10000x64xf32, #tpu.memory_space<hbm>> -> memref<10000x64xf32, #tpu.memory_space<hbm>>
        tpu.wait_indirect_dma semaphore(%arg12 : memref<!tpu.dma_semaphore, #tpu.memory_space<semaphore_mem>>) src(%dma_wait3A_171 : memref<10000x64xf32, #tpu.memory_space<hbm>>) dst(%dma_wait3A_165 : memref<128x64xf32, #tpu.memory_space<vmem>>)
        %add3A_172 = arith.constant 3 : i32
        %add3A_173 = arith.addi %mul3A_26, %add3A_172 : i32
        %dma_start3A_174 = arith.constant 3 : i32
        %dma_start3A_175 = arith.constant 0 : i32
        %dma_start3A_176 = arith.constant 0 : i32
        %dma_start3A_177 = tpu.memref_slice %arg10[%dma_start3A_174, %dma_start3A_175, %dma_start3A_176] : memref<5x128x64xf32, #tpu.memory_space<vmem>> -> memref<1x128x64xf32, #tpu.memory_space<vmem>>
        %dma_start3A_178 = tpu.memref_squeeze %dma_start3A_177 : memref<1x128x64xf32, #tpu.memory_space<vmem>> -> memref<128x64xf32, #tpu.memory_space<vmem>>
        %dma_start3A_179 = arith.constant 0 : i32
        %dma_start3A_180 = tpu.memref_slice %arg9[%add3A_173, %dma_start3A_179] : memref<160x128xi32, #tpu.memory_space<vmem>> -> memref<1x128xi32, #tpu.memory_space<vmem>>
        %dma_start3A_181 = tpu.memref_squeeze %dma_start3A_180 : memref<1x128xi32, #tpu.memory_space<vmem>> -> memref<128xi32, #tpu.memory_space<vmem>>
        %dma_start3A_182 = arith.constant 0 : i32
        %dma_start3A_183 = arith.constant 0 : i32
        %dma_start3A_184 = tpu.memref_slice %arg11[%dma_start3A_182, %dma_start3A_183] : memref<10240x64xf32, #tpu.memory_space<vmem_shared>> -> memref<10240x64xf32, #tpu.memory_space<vmem_shared>>
        tpu.enqueue_indirect_dma source(%dma_start3A_178 : memref<128x64xf32, #tpu.memory_space<vmem>>) target(%dma_start3A_184 : memref<10240x64xf32, #tpu.memory_space<vmem_shared>>) offsets(%dma_start3A_181 : memref<128xi32, #tpu.memory_space<vmem>>) semaphore(%arg13 : memref<!tpu.dma_semaphore, #tpu.memory_space<semaphore_mem>>) {add = true}
        %dma_wait3A_185 = arith.constant 4 : i32
        %dma_wait3A_186 = arith.constant 0 : i32
        %dma_wait3A_187 = arith.constant 0 : i32
        %dma_wait3A_188 = tpu.memref_slice %arg10[%dma_wait3A_185, %dma_wait3A_186, %dma_wait3A_187] : memref<5x128x64xf32, #tpu.memory_space<vmem>> -> memref<1x128x64xf32, #tpu.memory_space<vmem>>
        %dma_wait3A_189 = tpu.memref_squeeze %dma_wait3A_188 : memref<1x128x64xf32, #tpu.memory_space<vmem>> -> memref<128x64xf32, #tpu.memory_space<vmem>>
        %dma_wait3A_190 = arith.constant 0 : i32
        %dma_wait3A_191 = tpu.memref_slice %arg8[%add3A_78, %dma_wait3A_190] : memref<160x128xi32, #tpu.memory_space<vmem>> -> memref<1x128xi32, #tpu.memory_space<vmem>>
        %dma_wait3A_192 = tpu.memref_squeeze %dma_wait3A_191 : memref<1x128xi32, #tpu.memory_space<vmem>> -> memref<128xi32, #tpu.memory_space<vmem>>
        %dma_wait3A_193 = arith.constant 0 : i32
        %dma_wait3A_194 = arith.constant 0 : i32
        %dma_wait3A_195 = tpu.memref_slice %arg2[%dma_wait3A_193, %dma_wait3A_194] : memref<10000x64xf32, #tpu.memory_space<hbm>> -> memref<10000x64xf32, #tpu.memory_space<hbm>>
        tpu.wait_indirect_dma semaphore(%arg12 : memref<!tpu.dma_semaphore, #tpu.memory_space<semaphore_mem>>) src(%dma_wait3A_195 : memref<10000x64xf32, #tpu.memory_space<hbm>>) dst(%dma_wait3A_189 : memref<128x64xf32, #tpu.memory_space<vmem>>)
        %add3A_196 = arith.constant 4 : i32
        %add3A_197 = arith.addi %mul3A_26, %add3A_196 : i32
        %dma_start3A_198 = arith.constant 4 : i32
        %dma_start3A_199 = arith.constant 0 : i32
        %dma_start3A_200 = arith.constant 0 : i32
        %dma_start3A_201 = tpu.memref_slice %arg10[%dma_start3A_198, %dma_start3A_199, %dma_start3A_200] : memref<5x128x64xf32, #tpu.memory_space<vmem>> -> memref<1x128x64xf32, #tpu.memory_space<vmem>>
        %dma_start3A_202 = tpu.memref_squeeze %dma_start3A_201 : memref<1x128x64xf32, #tpu.memory_space<vmem>> -> memref<128x64xf32, #tpu.memory_space<vmem>>
        %dma_start3A_203 = arith.constant 0 : i32
        %dma_start3A_204 = tpu.memref_slice %arg9[%add3A_197, %dma_start3A_203] : memref<160x128xi32, #tpu.memory_space<vmem>> -> memref<1x128xi32, #tpu.memory_space<vmem>>
        %dma_start3A_205 = tpu.memref_squeeze %dma_start3A_204 : memref<1x128xi32, #tpu.memory_space<vmem>> -> memref<128xi32, #tpu.memory_space<vmem>>
        %dma_start3A_206 = arith.constant 0 : i32
        %dma_start3A_207 = arith.constant 0 : i32
        %dma_start3A_208 = tpu.memref_slice %arg11[%dma_start3A_206, %dma_start3A_207] : memref<10240x64xf32, #tpu.memory_space<vmem_shared>> -> memref<10240x64xf32, #tpu.memory_space<vmem_shared>>
        tpu.enqueue_indirect_dma source(%dma_start3A_202 : memref<128x64xf32, #tpu.memory_space<vmem>>) target(%dma_start3A_208 : memref<10240x64xf32, #tpu.memory_space<vmem_shared>>) offsets(%dma_start3A_205 : memref<128xi32, #tpu.memory_space<vmem>>) semaphore(%arg13 : memref<!tpu.dma_semaphore, #tpu.memory_space<semaphore_mem>>) {add = true}
        %dma_wait3A_209 = arith.constant 0 : i32
        %dma_wait3A_210 = arith.constant 0 : i32
        %dma_wait3A_211 = arith.constant 0 : i32
        %dma_wait3A_212 = tpu.memref_slice %arg10[%dma_wait3A_209, %dma_wait3A_210, %dma_wait3A_211] : memref<5x128x64xf32, #tpu.memory_space<vmem>> -> memref<1x128x64xf32, #tpu.memory_space<vmem>>
        %dma_wait3A_213 = tpu.memref_squeeze %dma_wait3A_212 : memref<1x128x64xf32, #tpu.memory_space<vmem>> -> memref<128x64xf32, #tpu.memory_space<vmem>>
        %dma_wait3A_214 = arith.constant 0 : i32
        %dma_wait3A_215 = tpu.memref_slice %arg9[%add3A_101, %dma_wait3A_214] : memref<160x128xi32, #tpu.memory_space<vmem>> -> memref<1x128xi32, #tpu.memory_space<vmem>>
        %dma_wait3A_216 = tpu.memref_squeeze %dma_wait3A_215 : memref<1x128xi32, #tpu.memory_space<vmem>> -> memref<128xi32, #tpu.memory_space<vmem>>
        %dma_wait3A_217 = arith.constant 0 : i32
        %dma_wait3A_218 = arith.constant 0 : i32
        %dma_wait3A_219 = tpu.memref_slice %arg11[%dma_wait3A_217, %dma_wait3A_218] : memref<10240x64xf32, #tpu.memory_space<vmem_shared>> -> memref<10240x64xf32, #tpu.memory_space<vmem_shared>>
        tpu.wait_indirect_dma semaphore(%arg13 : memref<!tpu.dma_semaphore, #tpu.memory_space<semaphore_mem>>) src(%dma_wait3A_213 : memref<128x64xf32, #tpu.memory_space<vmem>>) dst(%dma_wait3A_219 : memref<10240x64xf32, #tpu.memory_space<vmem_shared>>)
        %dma_wait3A_220 = arith.constant 1 : i32
        %dma_wait3A_221 = arith.constant 0 : i32
        %dma_wait3A_222 = arith.constant 0 : i32
        %dma_wait3A_223 = tpu.memref_slice %arg10[%dma_wait3A_220, %dma_wait3A_221, %dma_wait3A_222] : memref<5x128x64xf32, #tpu.memory_space<vmem>> -> memref<1x128x64xf32, #tpu.memory_space<vmem>>
        %dma_wait3A_224 = tpu.memref_squeeze %dma_wait3A_223 : memref<1x128x64xf32, #tpu.memory_space<vmem>> -> memref<128x64xf32, #tpu.memory_space<vmem>>
        %dma_wait3A_225 = arith.constant 0 : i32
        %dma_wait3A_226 = tpu.memref_slice %arg9[%add3A_125, %dma_wait3A_225] : memref<160x128xi32, #tpu.memory_space<vmem>> -> memref<1x128xi32, #tpu.memory_space<vmem>>
        %dma_wait3A_227 = tpu.memref_squeeze %dma_wait3A_226 : memref<1x128xi32, #tpu.memory_space<vmem>> -> memref<128xi32, #tpu.memory_space<vmem>>
        %dma_wait3A_228 = arith.constant 0 : i32
        %dma_wait3A_229 = arith.constant 0 : i32
        %dma_wait3A_230 = tpu.memref_slice %arg11[%dma_wait3A_228, %dma_wait3A_229] : memref<10240x64xf32, #tpu.memory_space<vmem_shared>> -> memref<10240x64xf32, #tpu.memory_space<vmem_shared>>
        tpu.wait_indirect_dma semaphore(%arg13 : memref<!tpu.dma_semaphore, #tpu.memory_space<semaphore_mem>>) src(%dma_wait3A_224 : memref<128x64xf32, #tpu.memory_space<vmem>>) dst(%dma_wait3A_230 : memref<10240x64xf32, #tpu.memory_space<vmem_shared>>)
        %dma_wait3A_231 = arith.constant 2 : i32
        %dma_wait3A_232 = arith.constant 0 : i32
        %dma_wait3A_233 = arith.constant 0 : i32
        %dma_wait3A_234 = tpu.memref_slice %arg10[%dma_wait3A_231, %dma_wait3A_232, %dma_wait3A_233] : memref<5x128x64xf32, #tpu.memory_space<vmem>> -> memref<1x128x64xf32, #tpu.memory_space<vmem>>
        %dma_wait3A_235 = tpu.memref_squeeze %dma_wait3A_234 : memref<1x128x64xf32, #tpu.memory_space<vmem>> -> memref<128x64xf32, #tpu.memory_space<vmem>>
        %dma_wait3A_236 = arith.constant 0 : i32
        %dma_wait3A_237 = tpu.memref_slice %arg9[%add3A_149, %dma_wait3A_236] : memref<160x128xi32, #tpu.memory_space<vmem>> -> memref<1x128xi32, #tpu.memory_space<vmem>>
        %dma_wait3A_238 = tpu.memref_squeeze %dma_wait3A_237 : memref<1x128xi32, #tpu.memory_space<vmem>> -> memref<128xi32, #tpu.memory_space<vmem>>
        %dma_wait3A_239 = arith.constant 0 : i32
        %dma_wait3A_240 = arith.constant 0 : i32
        %dma_wait3A_241 = tpu.memref_slice %arg11[%dma_wait3A_239, %dma_wait3A_240] : memref<10240x64xf32, #tpu.memory_space<vmem_shared>> -> memref<10240x64xf32, #tpu.memory_space<vmem_shared>>
        tpu.wait_indirect_dma semaphore(%arg13 : memref<!tpu.dma_semaphore, #tpu.memory_space<semaphore_mem>>) src(%dma_wait3A_235 : memref<128x64xf32, #tpu.memory_space<vmem>>) dst(%dma_wait3A_241 : memref<10240x64xf32, #tpu.memory_space<vmem_shared>>)
        %dma_wait3A_242 = arith.constant 3 : i32
        %dma_wait3A_243 = arith.constant 0 : i32
        %dma_wait3A_244 = arith.constant 0 : i32
        %dma_wait3A_245 = tpu.memref_slice %arg10[%dma_wait3A_242, %dma_wait3A_243, %dma_wait3A_244] : memref<5x128x64xf32, #tpu.memory_space<vmem>> -> memref<1x128x64xf32, #tpu.memory_space<vmem>>
        %dma_wait3A_246 = tpu.memref_squeeze %dma_wait3A_245 : memref<1x128x64xf32, #tpu.memory_space<vmem>> -> memref<128x64xf32, #tpu.memory_space<vmem>>
        %dma_wait3A_247 = arith.constant 0 : i32
        %dma_wait3A_248 = tpu.memref_slice %arg9[%add3A_173, %dma_wait3A_247] : memref<160x128xi32, #tpu.memory_space<vmem>> -> memref<1x128xi32, #tpu.memory_space<vmem>>
        %dma_wait3A_249 = tpu.memref_squeeze %dma_wait3A_248 : memref<1x128xi32, #tpu.memory_space<vmem>> -> memref<128xi32, #tpu.memory_space<vmem>>
        %dma_wait3A_250 = arith.constant 0 : i32
        %dma_wait3A_251 = arith.constant 0 : i32
        %dma_wait3A_252 = tpu.memref_slice %arg11[%dma_wait3A_250, %dma_wait3A_251] : memref<10240x64xf32, #tpu.memory_space<vmem_shared>> -> memref<10240x64xf32, #tpu.memory_space<vmem_shared>>
        tpu.wait_indirect_dma semaphore(%arg13 : memref<!tpu.dma_semaphore, #tpu.memory_space<semaphore_mem>>) src(%dma_wait3A_246 : memref<128x64xf32, #tpu.memory_space<vmem>>) dst(%dma_wait3A_252 : memref<10240x64xf32, #tpu.memory_space<vmem_shared>>)
        %dma_wait3A_253 = arith.constant 4 : i32
        %dma_wait3A_254 = arith.constant 0 : i32
        %dma_wait3A_255 = arith.constant 0 : i32
        %dma_wait3A_256 = tpu.memref_slice %arg10[%dma_wait3A_253, %dma_wait3A_254, %dma_wait3A_255] : memref<5x128x64xf32, #tpu.memory_space<vmem>> -> memref<1x128x64xf32, #tpu.memory_space<vmem>>
        %dma_wait3A_257 = tpu.memref_squeeze %dma_wait3A_256 : memref<1x128x64xf32, #tpu.memory_space<vmem>> -> memref<128x64xf32, #tpu.memory_space<vmem>>
        %dma_wait3A_258 = arith.constant 0 : i32
        %dma_wait3A_259 = tpu.memref_slice %arg9[%add3A_197, %dma_wait3A_258] : memref<160x128xi32, #tpu.memory_space<vmem>> -> memref<1x128xi32, #tpu.memory_space<vmem>>
        %dma_wait3A_260 = tpu.memref_squeeze %dma_wait3A_259 : memref<1x128xi32, #tpu.memory_space<vmem>> -> memref<128xi32, #tpu.memory_space<vmem>>
        %dma_wait3A_261 = arith.constant 0 : i32
        %dma_wait3A_262 = arith.constant 0 : i32
        %dma_wait3A_263 = tpu.memref_slice %arg11[%dma_wait3A_261, %dma_wait3A_262] : memref<10240x64xf32, #tpu.memory_space<vmem_shared>> -> memref<10240x64xf32, #tpu.memory_space<vmem_shared>>
        tpu.wait_indirect_dma semaphore(%arg13 : memref<!tpu.dma_semaphore, #tpu.memory_space<semaphore_mem>>) src(%dma_wait3A_257 : memref<128x64xf32, #tpu.memory_space<vmem>>) dst(%dma_wait3A_263 : memref<10240x64xf32, #tpu.memory_space<vmem_shared>>)
      }
      %scan3A_23 = arith.constant 32 : i32
    } else {
    }
    %eq3A_3 = arith.constant 1 : i32
    %eq3A_4 = arith.cmpi eq, %arg0, %eq3A_3 : i32
    %convert_element_type3A_5 = arith.extui %eq3A_4 : i1 to i32
    %cond3A_6 = arith.constant 0 : i32
    %cond3A_7 = arith.cmpi ne, %convert_element_type3A_5, %cond3A_6 : i32
    scf.if %cond3A_7 {
      %scan3A = arith.constant 0 : i32
      %scan3A_19 = arith.constant 0 : i32
      %scan3A_20 = arith.constant 32 : i32
      %scan3A_21 = arith.addi %scan3A_19, %scan3A_20 : i32
      %scan3A_22 = arith.constant 1 : i32
      scf.for %scan3A_24 = %scan3A_19 to %scan3A_21 step %scan3A_22  : i32 {
        %mul3A_25 = arith.constant 5 : i32
        %mul3A_26 = arith.muli %scan3A_24, %mul3A_25 : i32
        %add3A = arith.constant 0 : i32
        %add3A_27 = arith.addi %mul3A_26, %add3A : i32
        %dma_start3A = arith.constant 0 : i32
        %dma_start3A_28 = arith.constant 0 : i32
        %dma_start3A_29 = arith.constant 0 : i32
        %dma_start3A_30 = tpu.memref_slice %arg10[%dma_start3A, %dma_start3A_28, %dma_start3A_29] : memref<5x128x64xf32, #tpu.memory_space<vmem>> -> memref<1x128x64xf32, #tpu.memory_space<vmem>>
        %dma_start3A_31 = tpu.memref_squeeze %dma_start3A_30 : memref<1x128x64xf32, #tpu.memory_space<vmem>> -> memref<128x64xf32, #tpu.memory_space<vmem>>
        %dma_start3A_32 = arith.constant 0 : i32
        %dma_start3A_33 = tpu.memref_slice %arg8[%add3A_27, %dma_start3A_32] : memref<160x128xi32, #tpu.memory_space<vmem>> -> memref<1x128xi32, #tpu.memory_space<vmem>>
        %dma_start3A_34 = tpu.memref_squeeze %dma_start3A_33 : memref<1x128xi32, #tpu.memory_space<vmem>> -> memref<128xi32, #tpu.memory_space<vmem>>
        %dma_start3A_35 = arith.constant 0 : i32
        %dma_start3A_36 = arith.constant 0 : i32
        %dma_start3A_37 = tpu.memref_slice %arg3[%dma_start3A_35, %dma_start3A_36] : memref<10000x64xf32, #tpu.memory_space<hbm>> -> memref<10000x64xf32, #tpu.memory_space<hbm>>
        tpu.enqueue_indirect_dma source(%dma_start3A_37 : memref<10000x64xf32, #tpu.memory_space<hbm>>) target(%dma_start3A_31 : memref<128x64xf32, #tpu.memory_space<vmem>>) offsets(%dma_start3A_34 : memref<128xi32, #tpu.memory_space<vmem>>) semaphore(%arg12 : memref<!tpu.dma_semaphore, #tpu.memory_space<semaphore_mem>>)
        %add3A_38 = arith.constant 1 : i32
        %add3A_39 = arith.addi %mul3A_26, %add3A_38 : i32
        %dma_start3A_40 = arith.constant 1 : i32
        %dma_start3A_41 = arith.constant 0 : i32
        %dma_start3A_42 = arith.constant 0 : i32
        %dma_start3A_43 = tpu.memref_slice %arg10[%dma_start3A_40, %dma_start3A_41, %dma_start3A_42] : memref<5x128x64xf32, #tpu.memory_space<vmem>> -> memref<1x128x64xf32, #tpu.memory_space<vmem>>
        %dma_start3A_44 = tpu.memref_squeeze %dma_start3A_43 : memref<1x128x64xf32, #tpu.memory_space<vmem>> -> memref<128x64xf32, #tpu.memory_space<vmem>>
        %dma_start3A_45 = arith.constant 0 : i32
        %dma_start3A_46 = tpu.memref_slice %arg8[%add3A_39, %dma_start3A_45] : memref<160x128xi32, #tpu.memory_space<vmem>> -> memref<1x128xi32, #tpu.memory_space<vmem>>
        %dma_start3A_47 = tpu.memref_squeeze %dma_start3A_46 : memref<1x128xi32, #tpu.memory_space<vmem>> -> memref<128xi32, #tpu.memory_space<vmem>>
        %dma_start3A_48 = arith.constant 0 : i32
        %dma_start3A_49 = arith.constant 0 : i32
        %dma_start3A_50 = tpu.memref_slice %arg3[%dma_start3A_48, %dma_start3A_49] : memref<10000x64xf32, #tpu.memory_space<hbm>> -> memref<10000x64xf32, #tpu.memory_space<hbm>>
        tpu.enqueue_indirect_dma source(%dma_start3A_50 : memref<10000x64xf32, #tpu.memory_space<hbm>>) target(%dma_start3A_44 : memref<128x64xf32, #tpu.memory_space<vmem>>) offsets(%dma_start3A_47 : memref<128xi32, #tpu.memory_space<vmem>>) semaphore(%arg12 : memref<!tpu.dma_semaphore, #tpu.memory_space<semaphore_mem>>)
        %add3A_51 = arith.constant 2 : i32
        %add3A_52 = arith.addi %mul3A_26, %add3A_51 : i32
        %dma_start3A_53 = arith.constant 2 : i32
        %dma_start3A_54 = arith.constant 0 : i32
        %dma_start3A_55 = arith.constant 0 : i32
        %dma_start3A_56 = tpu.memref_slice %arg10[%dma_start3A_53, %dma_start3A_54, %dma_start3A_55] : memref<5x128x64xf32, #tpu.memory_space<vmem>> -> memref<1x128x64xf32, #tpu.memory_space<vmem>>
        %dma_start3A_57 = tpu.memref_squeeze %dma_start3A_56 : memref<1x128x64xf32, #tpu.memory_space<vmem>> -> memref<128x64xf32, #tpu.memory_space<vmem>>
        %dma_start3A_58 = arith.constant 0 : i32
        %dma_start3A_59 = tpu.memref_slice %arg8[%add3A_52, %dma_start3A_58] : memref<160x128xi32, #tpu.memory_space<vmem>> -> memref<1x128xi32, #tpu.memory_space<vmem>>
        %dma_start3A_60 = tpu.memref_squeeze %dma_start3A_59 : memref<1x128xi32, #tpu.memory_space<vmem>> -> memref<128xi32, #tpu.memory_space<vmem>>
        %dma_start3A_61 = arith.constant 0 : i32
        %dma_start3A_62 = arith.constant 0 : i32
        %dma_start3A_63 = tpu.memref_slice %arg3[%dma_start3A_61, %dma_start3A_62] : memref<10000x64xf32, #tpu.memory_space<hbm>> -> memref<10000x64xf32, #tpu.memory_space<hbm>>
        tpu.enqueue_indirect_dma source(%dma_start3A_63 : memref<10000x64xf32, #tpu.memory_space<hbm>>) target(%dma_start3A_57 : memref<128x64xf32, #tpu.memory_space<vmem>>) offsets(%dma_start3A_60 : memref<128xi32, #tpu.memory_space<vmem>>) semaphore(%arg12 : memref<!tpu.dma_semaphore, #tpu.memory_space<semaphore_mem>>)
        %add3A_64 = arith.constant 3 : i32
        %add3A_65 = arith.addi %mul3A_26, %add3A_64 : i32
        %dma_start3A_66 = arith.constant 3 : i32
        %dma_start3A_67 = arith.constant 0 : i32
        %dma_start3A_68 = arith.constant 0 : i32
        %dma_start3A_69 = tpu.memref_slice %arg10[%dma_start3A_66, %dma_start3A_67, %dma_start3A_68] : memref<5x128x64xf32, #tpu.memory_space<vmem>> -> memref<1x128x64xf32, #tpu.memory_space<vmem>>
        %dma_start3A_70 = tpu.memref_squeeze %dma_start3A_69 : memref<1x128x64xf32, #tpu.memory_space<vmem>> -> memref<128x64xf32, #tpu.memory_space<vmem>>
        %dma_start3A_71 = arith.constant 0 : i32
        %dma_start3A_72 = tpu.memref_slice %arg8[%add3A_65, %dma_start3A_71] : memref<160x128xi32, #tpu.memory_space<vmem>> -> memref<1x128xi32, #tpu.memory_space<vmem>>
        %dma_start3A_73 = tpu.memref_squeeze %dma_start3A_72 : memref<1x128xi32, #tpu.memory_space<vmem>> -> memref<128xi32, #tpu.memory_space<vmem>>
        %dma_start3A_74 = arith.constant 0 : i32
        %dma_start3A_75 = arith.constant 0 : i32
        %dma_start3A_76 = tpu.memref_slice %arg3[%dma_start3A_74, %dma_start3A_75] : memref<10000x64xf32, #tpu.memory_space<hbm>> -> memref<10000x64xf32, #tpu.memory_space<hbm>>
        tpu.enqueue_indirect_dma source(%dma_start3A_76 : memref<10000x64xf32, #tpu.memory_space<hbm>>) target(%dma_start3A_70 : memref<128x64xf32, #tpu.memory_space<vmem>>) offsets(%dma_start3A_73 : memref<128xi32, #tpu.memory_space<vmem>>) semaphore(%arg12 : memref<!tpu.dma_semaphore, #tpu.memory_space<semaphore_mem>>)
        %add3A_77 = arith.constant 4 : i32
        %add3A_78 = arith.addi %mul3A_26, %add3A_77 : i32
        %dma_start3A_79 = arith.constant 4 : i32
        %dma_start3A_80 = arith.constant 0 : i32
        %dma_start3A_81 = arith.constant 0 : i32
        %dma_start3A_82 = tpu.memref_slice %arg10[%dma_start3A_79, %dma_start3A_80, %dma_start3A_81] : memref<5x128x64xf32, #tpu.memory_space<vmem>> -> memref<1x128x64xf32, #tpu.memory_space<vmem>>
        %dma_start3A_83 = tpu.memref_squeeze %dma_start3A_82 : memref<1x128x64xf32, #tpu.memory_space<vmem>> -> memref<128x64xf32, #tpu.memory_space<vmem>>
        %dma_start3A_84 = arith.constant 0 : i32
        %dma_start3A_85 = tpu.memref_slice %arg8[%add3A_78, %dma_start3A_84] : memref<160x128xi32, #tpu.memory_space<vmem>> -> memref<1x128xi32, #tpu.memory_space<vmem>>
        %dma_start3A_86 = tpu.memref_squeeze %dma_start3A_85 : memref<1x128xi32, #tpu.memory_space<vmem>> -> memref<128xi32, #tpu.memory_space<vmem>>
        %dma_start3A_87 = arith.constant 0 : i32
        %dma_start3A_88 = arith.constant 0 : i32
        %dma_start3A_89 = tpu.memref_slice %arg3[%dma_start3A_87, %dma_start3A_88] : memref<10000x64xf32, #tpu.memory_space<hbm>> -> memref<10000x64xf32, #tpu.memory_space<hbm>>
        tpu.enqueue_indirect_dma source(%dma_start3A_89 : memref<10000x64xf32, #tpu.memory_space<hbm>>) target(%dma_start3A_83 : memref<128x64xf32, #tpu.memory_space<vmem>>) offsets(%dma_start3A_86 : memref<128xi32, #tpu.memory_space<vmem>>) semaphore(%arg12 : memref<!tpu.dma_semaphore, #tpu.memory_space<semaphore_mem>>)
        %dma_wait3A = arith.constant 0 : i32
        %dma_wait3A_90 = arith.constant 0 : i32
        %dma_wait3A_91 = arith.constant 0 : i32
        %dma_wait3A_92 = tpu.memref_slice %arg10[%dma_wait3A, %dma_wait3A_90, %dma_wait3A_91] : memref<5x128x64xf32, #tpu.memory_space<vmem>> -> memref<1x128x64xf32, #tpu.memory_space<vmem>>
        %dma_wait3A_93 = tpu.memref_squeeze %dma_wait3A_92 : memref<1x128x64xf32, #tpu.memory_space<vmem>> -> memref<128x64xf32, #tpu.memory_space<vmem>>
        %dma_wait3A_94 = arith.constant 0 : i32
        %dma_wait3A_95 = tpu.memref_slice %arg8[%add3A_27, %dma_wait3A_94] : memref<160x128xi32, #tpu.memory_space<vmem>> -> memref<1x128xi32, #tpu.memory_space<vmem>>
        %dma_wait3A_96 = tpu.memref_squeeze %dma_wait3A_95 : memref<1x128xi32, #tpu.memory_space<vmem>> -> memref<128xi32, #tpu.memory_space<vmem>>
        %dma_wait3A_97 = arith.constant 0 : i32
        %dma_wait3A_98 = arith.constant 0 : i32
        %dma_wait3A_99 = tpu.memref_slice %arg3[%dma_wait3A_97, %dma_wait3A_98] : memref<10000x64xf32, #tpu.memory_space<hbm>> -> memref<10000x64xf32, #tpu.memory_space<hbm>>
        tpu.wait_indirect_dma semaphore(%arg12 : memref<!tpu.dma_semaphore, #tpu.memory_space<semaphore_mem>>) src(%dma_wait3A_99 : memref<10000x64xf32, #tpu.memory_space<hbm>>) dst(%dma_wait3A_93 : memref<128x64xf32, #tpu.memory_space<vmem>>)
        %add3A_100 = arith.constant 0 : i32
        %add3A_101 = arith.addi %mul3A_26, %add3A_100 : i32
        %dma_start3A_102 = arith.constant 0 : i32
        %dma_start3A_103 = arith.constant 0 : i32
        %dma_start3A_104 = arith.constant 0 : i32
        %dma_start3A_105 = tpu.memref_slice %arg10[%dma_start3A_102, %dma_start3A_103, %dma_start3A_104] : memref<5x128x64xf32, #tpu.memory_space<vmem>> -> memref<1x128x64xf32, #tpu.memory_space<vmem>>
        %dma_start3A_106 = tpu.memref_squeeze %dma_start3A_105 : memref<1x128x64xf32, #tpu.memory_space<vmem>> -> memref<128x64xf32, #tpu.memory_space<vmem>>
        %dma_start3A_107 = arith.constant 0 : i32
        %dma_start3A_108 = tpu.memref_slice %arg9[%add3A_101, %dma_start3A_107] : memref<160x128xi32, #tpu.memory_space<vmem>> -> memref<1x128xi32, #tpu.memory_space<vmem>>
        %dma_start3A_109 = tpu.memref_squeeze %dma_start3A_108 : memref<1x128xi32, #tpu.memory_space<vmem>> -> memref<128xi32, #tpu.memory_space<vmem>>
        %dma_start3A_110 = arith.constant 0 : i32
        %dma_start3A_111 = arith.constant 0 : i32
        %dma_start3A_112 = tpu.memref_slice %arg11[%dma_start3A_110, %dma_start3A_111] : memref<10240x64xf32, #tpu.memory_space<vmem_shared>> -> memref<10240x64xf32, #tpu.memory_space<vmem_shared>>
        tpu.enqueue_indirect_dma source(%dma_start3A_106 : memref<128x64xf32, #tpu.memory_space<vmem>>) target(%dma_start3A_112 : memref<10240x64xf32, #tpu.memory_space<vmem_shared>>) offsets(%dma_start3A_109 : memref<128xi32, #tpu.memory_space<vmem>>) semaphore(%arg13 : memref<!tpu.dma_semaphore, #tpu.memory_space<semaphore_mem>>) {add = true}
        %dma_wait3A_113 = arith.constant 1 : i32
        %dma_wait3A_114 = arith.constant 0 : i32
        %dma_wait3A_115 = arith.constant 0 : i32
        %dma_wait3A_116 = tpu.memref_slice %arg10[%dma_wait3A_113, %dma_wait3A_114, %dma_wait3A_115] : memref<5x128x64xf32, #tpu.memory_space<vmem>> -> memref<1x128x64xf32, #tpu.memory_space<vmem>>
        %dma_wait3A_117 = tpu.memref_squeeze %dma_wait3A_116 : memref<1x128x64xf32, #tpu.memory_space<vmem>> -> memref<128x64xf32, #tpu.memory_space<vmem>>
        %dma_wait3A_118 = arith.constant 0 : i32
        %dma_wait3A_119 = tpu.memref_slice %arg8[%add3A_39, %dma_wait3A_118] : memref<160x128xi32, #tpu.memory_space<vmem>> -> memref<1x128xi32, #tpu.memory_space<vmem>>
        %dma_wait3A_120 = tpu.memref_squeeze %dma_wait3A_119 : memref<1x128xi32, #tpu.memory_space<vmem>> -> memref<128xi32, #tpu.memory_space<vmem>>
        %dma_wait3A_121 = arith.constant 0 : i32
        %dma_wait3A_122 = arith.constant 0 : i32
        %dma_wait3A_123 = tpu.memref_slice %arg3[%dma_wait3A_121, %dma_wait3A_122] : memref<10000x64xf32, #tpu.memory_space<hbm>> -> memref<10000x64xf32, #tpu.memory_space<hbm>>
        tpu.wait_indirect_dma semaphore(%arg12 : memref<!tpu.dma_semaphore, #tpu.memory_space<semaphore_mem>>) src(%dma_wait3A_123 : memref<10000x64xf32, #tpu.memory_space<hbm>>) dst(%dma_wait3A_117 : memref<128x64xf32, #tpu.memory_space<vmem>>)
        %add3A_124 = arith.constant 1 : i32
        %add3A_125 = arith.addi %mul3A_26, %add3A_124 : i32
        %dma_start3A_126 = arith.constant 1 : i32
        %dma_start3A_127 = arith.constant 0 : i32
        %dma_start3A_128 = arith.constant 0 : i32
        %dma_start3A_129 = tpu.memref_slice %arg10[%dma_start3A_126, %dma_start3A_127, %dma_start3A_128] : memref<5x128x64xf32, #tpu.memory_space<vmem>> -> memref<1x128x64xf32, #tpu.memory_space<vmem>>
        %dma_start3A_130 = tpu.memref_squeeze %dma_start3A_129 : memref<1x128x64xf32, #tpu.memory_space<vmem>> -> memref<128x64xf32, #tpu.memory_space<vmem>>
        %dma_start3A_131 = arith.constant 0 : i32
        %dma_start3A_132 = tpu.memref_slice %arg9[%add3A_125, %dma_start3A_131] : memref<160x128xi32, #tpu.memory_space<vmem>> -> memref<1x128xi32, #tpu.memory_space<vmem>>
        %dma_start3A_133 = tpu.memref_squeeze %dma_start3A_132 : memref<1x128xi32, #tpu.memory_space<vmem>> -> memref<128xi32, #tpu.memory_space<vmem>>
        %dma_start3A_134 = arith.constant 0 : i32
        %dma_start3A_135 = arith.constant 0 : i32
        %dma_start3A_136 = tpu.memref_slice %arg11[%dma_start3A_134, %dma_start3A_135] : memref<10240x64xf32, #tpu.memory_space<vmem_shared>> -> memref<10240x64xf32, #tpu.memory_space<vmem_shared>>
        tpu.enqueue_indirect_dma source(%dma_start3A_130 : memref<128x64xf32, #tpu.memory_space<vmem>>) target(%dma_start3A_136 : memref<10240x64xf32, #tpu.memory_space<vmem_shared>>) offsets(%dma_start3A_133 : memref<128xi32, #tpu.memory_space<vmem>>) semaphore(%arg13 : memref<!tpu.dma_semaphore, #tpu.memory_space<semaphore_mem>>) {add = true}
        %dma_wait3A_137 = arith.constant 2 : i32
        %dma_wait3A_138 = arith.constant 0 : i32
        %dma_wait3A_139 = arith.constant 0 : i32
        %dma_wait3A_140 = tpu.memref_slice %arg10[%dma_wait3A_137, %dma_wait3A_138, %dma_wait3A_139] : memref<5x128x64xf32, #tpu.memory_space<vmem>> -> memref<1x128x64xf32, #tpu.memory_space<vmem>>
        %dma_wait3A_141 = tpu.memref_squeeze %dma_wait3A_140 : memref<1x128x64xf32, #tpu.memory_space<vmem>> -> memref<128x64xf32, #tpu.memory_space<vmem>>
        %dma_wait3A_142 = arith.constant 0 : i32
        %dma_wait3A_143 = tpu.memref_slice %arg8[%add3A_52, %dma_wait3A_142] : memref<160x128xi32, #tpu.memory_space<vmem>> -> memref<1x128xi32, #tpu.memory_space<vmem>>
        %dma_wait3A_144 = tpu.memref_squeeze %dma_wait3A_143 : memref<1x128xi32, #tpu.memory_space<vmem>> -> memref<128xi32, #tpu.memory_space<vmem>>
        %dma_wait3A_145 = arith.constant 0 : i32
        %dma_wait3A_146 = arith.constant 0 : i32
        %dma_wait3A_147 = tpu.memref_slice %arg3[%dma_wait3A_145, %dma_wait3A_146] : memref<10000x64xf32, #tpu.memory_space<hbm>> -> memref<10000x64xf32, #tpu.memory_space<hbm>>
        tpu.wait_indirect_dma semaphore(%arg12 : memref<!tpu.dma_semaphore, #tpu.memory_space<semaphore_mem>>) src(%dma_wait3A_147 : memref<10000x64xf32, #tpu.memory_space<hbm>>) dst(%dma_wait3A_141 : memref<128x64xf32, #tpu.memory_space<vmem>>)
        %add3A_148 = arith.constant 2 : i32
        %add3A_149 = arith.addi %mul3A_26, %add3A_148 : i32
        %dma_start3A_150 = arith.constant 2 : i32
        %dma_start3A_151 = arith.constant 0 : i32
        %dma_start3A_152 = arith.constant 0 : i32
        %dma_start3A_153 = tpu.memref_slice %arg10[%dma_start3A_150, %dma_start3A_151, %dma_start3A_152] : memref<5x128x64xf32, #tpu.memory_space<vmem>> -> memref<1x128x64xf32, #tpu.memory_space<vmem>>
        %dma_start3A_154 = tpu.memref_squeeze %dma_start3A_153 : memref<1x128x64xf32, #tpu.memory_space<vmem>> -> memref<128x64xf32, #tpu.memory_space<vmem>>
        %dma_start3A_155 = arith.constant 0 : i32
        %dma_start3A_156 = tpu.memref_slice %arg9[%add3A_149, %dma_start3A_155] : memref<160x128xi32, #tpu.memory_space<vmem>> -> memref<1x128xi32, #tpu.memory_space<vmem>>
        %dma_start3A_157 = tpu.memref_squeeze %dma_start3A_156 : memref<1x128xi32, #tpu.memory_space<vmem>> -> memref<128xi32, #tpu.memory_space<vmem>>
        %dma_start3A_158 = arith.constant 0 : i32
        %dma_start3A_159 = arith.constant 0 : i32
        %dma_start3A_160 = tpu.memref_slice %arg11[%dma_start3A_158, %dma_start3A_159] : memref<10240x64xf32, #tpu.memory_space<vmem_shared>> -> memref<10240x64xf32, #tpu.memory_space<vmem_shared>>
        tpu.enqueue_indirect_dma source(%dma_start3A_154 : memref<128x64xf32, #tpu.memory_space<vmem>>) target(%dma_start3A_160 : memref<10240x64xf32, #tpu.memory_space<vmem_shared>>) offsets(%dma_start3A_157 : memref<128xi32, #tpu.memory_space<vmem>>) semaphore(%arg13 : memref<!tpu.dma_semaphore, #tpu.memory_space<semaphore_mem>>) {add = true}
        %dma_wait3A_161 = arith.constant 3 : i32
        %dma_wait3A_162 = arith.constant 0 : i32
        %dma_wait3A_163 = arith.constant 0 : i32
        %dma_wait3A_164 = tpu.memref_slice %arg10[%dma_wait3A_161, %dma_wait3A_162, %dma_wait3A_163] : memref<5x128x64xf32, #tpu.memory_space<vmem>> -> memref<1x128x64xf32, #tpu.memory_space<vmem>>
        %dma_wait3A_165 = tpu.memref_squeeze %dma_wait3A_164 : memref<1x128x64xf32, #tpu.memory_space<vmem>> -> memref<128x64xf32, #tpu.memory_space<vmem>>
        %dma_wait3A_166 = arith.constant 0 : i32
        %dma_wait3A_167 = tpu.memref_slice %arg8[%add3A_65, %dma_wait3A_166] : memref<160x128xi32, #tpu.memory_space<vmem>> -> memref<1x128xi32, #tpu.memory_space<vmem>>
        %dma_wait3A_168 = tpu.memref_squeeze %dma_wait3A_167 : memref<1x128xi32, #tpu.memory_space<vmem>> -> memref<128xi32, #tpu.memory_space<vmem>>
        %dma_wait3A_169 = arith.constant 0 : i32
        %dma_wait3A_170 = arith.constant 0 : i32
        %dma_wait3A_171 = tpu.memref_slice %arg3[%dma_wait3A_169, %dma_wait3A_170] : memref<10000x64xf32, #tpu.memory_space<hbm>> -> memref<10000x64xf32, #tpu.memory_space<hbm>>
        tpu.wait_indirect_dma semaphore(%arg12 : memref<!tpu.dma_semaphore, #tpu.memory_space<semaphore_mem>>) src(%dma_wait3A_171 : memref<10000x64xf32, #tpu.memory_space<hbm>>) dst(%dma_wait3A_165 : memref<128x64xf32, #tpu.memory_space<vmem>>)
        %add3A_172 = arith.constant 3 : i32
        %add3A_173 = arith.addi %mul3A_26, %add3A_172 : i32
        %dma_start3A_174 = arith.constant 3 : i32
        %dma_start3A_175 = arith.constant 0 : i32
        %dma_start3A_176 = arith.constant 0 : i32
        %dma_start3A_177 = tpu.memref_slice %arg10[%dma_start3A_174, %dma_start3A_175, %dma_start3A_176] : memref<5x128x64xf32, #tpu.memory_space<vmem>> -> memref<1x128x64xf32, #tpu.memory_space<vmem>>
        %dma_start3A_178 = tpu.memref_squeeze %dma_start3A_177 : memref<1x128x64xf32, #tpu.memory_space<vmem>> -> memref<128x64xf32, #tpu.memory_space<vmem>>
        %dma_start3A_179 = arith.constant 0 : i32
        %dma_start3A_180 = tpu.memref_slice %arg9[%add3A_173, %dma_start3A_179] : memref<160x128xi32, #tpu.memory_space<vmem>> -> memref<1x128xi32, #tpu.memory_space<vmem>>
        %dma_start3A_181 = tpu.memref_squeeze %dma_start3A_180 : memref<1x128xi32, #tpu.memory_space<vmem>> -> memref<128xi32, #tpu.memory_space<vmem>>
        %dma_start3A_182 = arith.constant 0 : i32
        %dma_start3A_183 = arith.constant 0 : i32
        %dma_start3A_184 = tpu.memref_slice %arg11[%dma_start3A_182, %dma_start3A_183] : memref<10240x64xf32, #tpu.memory_space<vmem_shared>> -> memref<10240x64xf32, #tpu.memory_space<vmem_shared>>
        tpu.enqueue_indirect_dma source(%dma_start3A_178 : memref<128x64xf32, #tpu.memory_space<vmem>>) target(%dma_start3A_184 : memref<10240x64xf32, #tpu.memory_space<vmem_shared>>) offsets(%dma_start3A_181 : memref<128xi32, #tpu.memory_space<vmem>>) semaphore(%arg13 : memref<!tpu.dma_semaphore, #tpu.memory_space<semaphore_mem>>) {add = true}
        %dma_wait3A_185 = arith.constant 4 : i32
        %dma_wait3A_186 = arith.constant 0 : i32
        %dma_wait3A_187 = arith.constant 0 : i32
        %dma_wait3A_188 = tpu.memref_slice %arg10[%dma_wait3A_185, %dma_wait3A_186, %dma_wait3A_187] : memref<5x128x64xf32, #tpu.memory_space<vmem>> -> memref<1x128x64xf32, #tpu.memory_space<vmem>>
        %dma_wait3A_189 = tpu.memref_squeeze %dma_wait3A_188 : memref<1x128x64xf32, #tpu.memory_space<vmem>> -> memref<128x64xf32, #tpu.memory_space<vmem>>
        %dma_wait3A_190 = arith.constant 0 : i32
        %dma_wait3A_191 = tpu.memref_slice %arg8[%add3A_78, %dma_wait3A_190] : memref<160x128xi32, #tpu.memory_space<vmem>> -> memref<1x128xi32, #tpu.memory_space<vmem>>
        %dma_wait3A_192 = tpu.memref_squeeze %dma_wait3A_191 : memref<1x128xi32, #tpu.memory_space<vmem>> -> memref<128xi32, #tpu.memory_space<vmem>>
        %dma_wait3A_193 = arith.constant 0 : i32
        %dma_wait3A_194 = arith.constant 0 : i32
        %dma_wait3A_195 = tpu.memref_slice %arg3[%dma_wait3A_193, %dma_wait3A_194] : memref<10000x64xf32, #tpu.memory_space<hbm>> -> memref<10000x64xf32, #tpu.memory_space<hbm>>
        tpu.wait_indirect_dma semaphore(%arg12 : memref<!tpu.dma_semaphore, #tpu.memory_space<semaphore_mem>>) src(%dma_wait3A_195 : memref<10000x64xf32, #tpu.memory_space<hbm>>) dst(%dma_wait3A_189 : memref<128x64xf32, #tpu.memory_space<vmem>>)
        %add3A_196 = arith.constant 4 : i32
        %add3A_197 = arith.addi %mul3A_26, %add3A_196 : i32
        %dma_start3A_198 = arith.constant 4 : i32
        %dma_start3A_199 = arith.constant 0 : i32
        %dma_start3A_200 = arith.constant 0 : i32
        %dma_start3A_201 = tpu.memref_slice %arg10[%dma_start3A_198, %dma_start3A_199, %dma_start3A_200] : memref<5x128x64xf32, #tpu.memory_space<vmem>> -> memref<1x128x64xf32, #tpu.memory_space<vmem>>
        %dma_start3A_202 = tpu.memref_squeeze %dma_start3A_201 : memref<1x128x64xf32, #tpu.memory_space<vmem>> -> memref<128x64xf32, #tpu.memory_space<vmem>>
        %dma_start3A_203 = arith.constant 0 : i32
        %dma_start3A_204 = tpu.memref_slice %arg9[%add3A_197, %dma_start3A_203] : memref<160x128xi32, #tpu.memory_space<vmem>> -> memref<1x128xi32, #tpu.memory_space<vmem>>
        %dma_start3A_205 = tpu.memref_squeeze %dma_start3A_204 : memref<1x128xi32, #tpu.memory_space<vmem>> -> memref<128xi32, #tpu.memory_space<vmem>>
        %dma_start3A_206 = arith.constant 0 : i32
        %dma_start3A_207 = arith.constant 0 : i32
        %dma_start3A_208 = tpu.memref_slice %arg11[%dma_start3A_206, %dma_start3A_207] : memref<10240x64xf32, #tpu.memory_space<vmem_shared>> -> memref<10240x64xf32, #tpu.memory_space<vmem_shared>>
        tpu.enqueue_indirect_dma source(%dma_start3A_202 : memref<128x64xf32, #tpu.memory_space<vmem>>) target(%dma_start3A_208 : memref<10240x64xf32, #tpu.memory_space<vmem_shared>>) offsets(%dma_start3A_205 : memref<128xi32, #tpu.memory_space<vmem>>) semaphore(%arg13 : memref<!tpu.dma_semaphore, #tpu.memory_space<semaphore_mem>>) {add = true}
        %dma_wait3A_209 = arith.constant 0 : i32
        %dma_wait3A_210 = arith.constant 0 : i32
        %dma_wait3A_211 = arith.constant 0 : i32
        %dma_wait3A_212 = tpu.memref_slice %arg10[%dma_wait3A_209, %dma_wait3A_210, %dma_wait3A_211] : memref<5x128x64xf32, #tpu.memory_space<vmem>> -> memref<1x128x64xf32, #tpu.memory_space<vmem>>
        %dma_wait3A_213 = tpu.memref_squeeze %dma_wait3A_212 : memref<1x128x64xf32, #tpu.memory_space<vmem>> -> memref<128x64xf32, #tpu.memory_space<vmem>>
        %dma_wait3A_214 = arith.constant 0 : i32
        %dma_wait3A_215 = tpu.memref_slice %arg9[%add3A_101, %dma_wait3A_214] : memref<160x128xi32, #tpu.memory_space<vmem>> -> memref<1x128xi32, #tpu.memory_space<vmem>>
        %dma_wait3A_216 = tpu.memref_squeeze %dma_wait3A_215 : memref<1x128xi32, #tpu.memory_space<vmem>> -> memref<128xi32, #tpu.memory_space<vmem>>
        %dma_wait3A_217 = arith.constant 0 : i32
        %dma_wait3A_218 = arith.constant 0 : i32
        %dma_wait3A_219 = tpu.memref_slice %arg11[%dma_wait3A_217, %dma_wait3A_218] : memref<10240x64xf32, #tpu.memory_space<vmem_shared>> -> memref<10240x64xf32, #tpu.memory_space<vmem_shared>>
        tpu.wait_indirect_dma semaphore(%arg13 : memref<!tpu.dma_semaphore, #tpu.memory_space<semaphore_mem>>) src(%dma_wait3A_213 : memref<128x64xf32, #tpu.memory_space<vmem>>) dst(%dma_wait3A_219 : memref<10240x64xf32, #tpu.memory_space<vmem_shared>>)
        %dma_wait3A_220 = arith.constant 1 : i32
        %dma_wait3A_221 = arith.constant 0 : i32
        %dma_wait3A_222 = arith.constant 0 : i32
        %dma_wait3A_223 = tpu.memref_slice %arg10[%dma_wait3A_220, %dma_wait3A_221, %dma_wait3A_222] : memref<5x128x64xf32, #tpu.memory_space<vmem>> -> memref<1x128x64xf32, #tpu.memory_space<vmem>>
        %dma_wait3A_224 = tpu.memref_squeeze %dma_wait3A_223 : memref<1x128x64xf32, #tpu.memory_space<vmem>> -> memref<128x64xf32, #tpu.memory_space<vmem>>
        %dma_wait3A_225 = arith.constant 0 : i32
        %dma_wait3A_226 = tpu.memref_slice %arg9[%add3A_125, %dma_wait3A_225] : memref<160x128xi32, #tpu.memory_space<vmem>> -> memref<1x128xi32, #tpu.memory_space<vmem>>
        %dma_wait3A_227 = tpu.memref_squeeze %dma_wait3A_226 : memref<1x128xi32, #tpu.memory_space<vmem>> -> memref<128xi32, #tpu.memory_space<vmem>>
        %dma_wait3A_228 = arith.constant 0 : i32
        %dma_wait3A_229 = arith.constant 0 : i32
        %dma_wait3A_230 = tpu.memref_slice %arg11[%dma_wait3A_228, %dma_wait3A_229] : memref<10240x64xf32, #tpu.memory_space<vmem_shared>> -> memref<10240x64xf32, #tpu.memory_space<vmem_shared>>
        tpu.wait_indirect_dma semaphore(%arg13 : memref<!tpu.dma_semaphore, #tpu.memory_space<semaphore_mem>>) src(%dma_wait3A_224 : memref<128x64xf32, #tpu.memory_space<vmem>>) dst(%dma_wait3A_230 : memref<10240x64xf32, #tpu.memory_space<vmem_shared>>)
        %dma_wait3A_231 = arith.constant 2 : i32
        %dma_wait3A_232 = arith.constant 0 : i32
        %dma_wait3A_233 = arith.constant 0 : i32
        %dma_wait3A_234 = tpu.memref_slice %arg10[%dma_wait3A_231, %dma_wait3A_232, %dma_wait3A_233] : memref<5x128x64xf32, #tpu.memory_space<vmem>> -> memref<1x128x64xf32, #tpu.memory_space<vmem>>
        %dma_wait3A_235 = tpu.memref_squeeze %dma_wait3A_234 : memref<1x128x64xf32, #tpu.memory_space<vmem>> -> memref<128x64xf32, #tpu.memory_space<vmem>>
        %dma_wait3A_236 = arith.constant 0 : i32
        %dma_wait3A_237 = tpu.memref_slice %arg9[%add3A_149, %dma_wait3A_236] : memref<160x128xi32, #tpu.memory_space<vmem>> -> memref<1x128xi32, #tpu.memory_space<vmem>>
        %dma_wait3A_238 = tpu.memref_squeeze %dma_wait3A_237 : memref<1x128xi32, #tpu.memory_space<vmem>> -> memref<128xi32, #tpu.memory_space<vmem>>
        %dma_wait3A_239 = arith.constant 0 : i32
        %dma_wait3A_240 = arith.constant 0 : i32
        %dma_wait3A_241 = tpu.memref_slice %arg11[%dma_wait3A_239, %dma_wait3A_240] : memref<10240x64xf32, #tpu.memory_space<vmem_shared>> -> memref<10240x64xf32, #tpu.memory_space<vmem_shared>>
        tpu.wait_indirect_dma semaphore(%arg13 : memref<!tpu.dma_semaphore, #tpu.memory_space<semaphore_mem>>) src(%dma_wait3A_235 : memref<128x64xf32, #tpu.memory_space<vmem>>) dst(%dma_wait3A_241 : memref<10240x64xf32, #tpu.memory_space<vmem_shared>>)
        %dma_wait3A_242 = arith.constant 3 : i32
        %dma_wait3A_243 = arith.constant 0 : i32
        %dma_wait3A_244 = arith.constant 0 : i32
        %dma_wait3A_245 = tpu.memref_slice %arg10[%dma_wait3A_242, %dma_wait3A_243, %dma_wait3A_244] : memref<5x128x64xf32, #tpu.memory_space<vmem>> -> memref<1x128x64xf32, #tpu.memory_space<vmem>>
        %dma_wait3A_246 = tpu.memref_squeeze %dma_wait3A_245 : memref<1x128x64xf32, #tpu.memory_space<vmem>> -> memref<128x64xf32, #tpu.memory_space<vmem>>
        %dma_wait3A_247 = arith.constant 0 : i32
        %dma_wait3A_248 = tpu.memref_slice %arg9[%add3A_173, %dma_wait3A_247] : memref<160x128xi32, #tpu.memory_space<vmem>> -> memref<1x128xi32, #tpu.memory_space<vmem>>
        %dma_wait3A_249 = tpu.memref_squeeze %dma_wait3A_248 : memref<1x128xi32, #tpu.memory_space<vmem>> -> memref<128xi32, #tpu.memory_space<vmem>>
        %dma_wait3A_250 = arith.constant 0 : i32
        %dma_wait3A_251 = arith.constant 0 : i32
        %dma_wait3A_252 = tpu.memref_slice %arg11[%dma_wait3A_250, %dma_wait3A_251] : memref<10240x64xf32, #tpu.memory_space<vmem_shared>> -> memref<10240x64xf32, #tpu.memory_space<vmem_shared>>
        tpu.wait_indirect_dma semaphore(%arg13 : memref<!tpu.dma_semaphore, #tpu.memory_space<semaphore_mem>>) src(%dma_wait3A_246 : memref<128x64xf32, #tpu.memory_space<vmem>>) dst(%dma_wait3A_252 : memref<10240x64xf32, #tpu.memory_space<vmem_shared>>)
        %dma_wait3A_253 = arith.constant 4 : i32
        %dma_wait3A_254 = arith.constant 0 : i32
        %dma_wait3A_255 = arith.constant 0 : i32
        %dma_wait3A_256 = tpu.memref_slice %arg10[%dma_wait3A_253, %dma_wait3A_254, %dma_wait3A_255] : memref<5x128x64xf32, #tpu.memory_space<vmem>> -> memref<1x128x64xf32, #tpu.memory_space<vmem>>
        %dma_wait3A_257 = tpu.memref_squeeze %dma_wait3A_256 : memref<1x128x64xf32, #tpu.memory_space<vmem>> -> memref<128x64xf32, #tpu.memory_space<vmem>>
        %dma_wait3A_258 = arith.constant 0 : i32
        %dma_wait3A_259 = tpu.memref_slice %arg9[%add3A_197, %dma_wait3A_258] : memref<160x128xi32, #tpu.memory_space<vmem>> -> memref<1x128xi32, #tpu.memory_space<vmem>>
        %dma_wait3A_260 = tpu.memref_squeeze %dma_wait3A_259 : memref<1x128xi32, #tpu.memory_space<vmem>> -> memref<128xi32, #tpu.memory_space<vmem>>
        %dma_wait3A_261 = arith.constant 0 : i32
        %dma_wait3A_262 = arith.constant 0 : i32
        %dma_wait3A_263 = tpu.memref_slice %arg11[%dma_wait3A_261, %dma_wait3A_262] : memref<10240x64xf32, #tpu.memory_space<vmem_shared>> -> memref<10240x64xf32, #tpu.memory_space<vmem_shared>>
        tpu.wait_indirect_dma semaphore(%arg13 : memref<!tpu.dma_semaphore, #tpu.memory_space<semaphore_mem>>) src(%dma_wait3A_257 : memref<128x64xf32, #tpu.memory_space<vmem>>) dst(%dma_wait3A_263 : memref<10240x64xf32, #tpu.memory_space<vmem_shared>>)
      }
      %scan3A_23 = arith.constant 32 : i32
    } else {
    }
    %barrier3A_8 = arith.constant 0 : index
    tpu.barrier barrier_id(%barrier3A_8)
    %eq3A_9 = arith.constant 0 : i32
    %eq3A_10 = arith.cmpi eq, %arg0, %eq3A_9 : i32
    %convert_element_type3A_11 = arith.extui %eq3A_10 : i1 to i32
    %cond3A_12 = arith.constant 0 : i32
    %cond3A_13 = arith.cmpi ne, %convert_element_type3A_11, %cond3A_12 : i32
    scf.if %cond3A_13 {
      %mul3A_19 = arith.constant 640 : i32
      %mul3A_20 = arith.muli %arg1, %mul3A_19 : i32
      %mul3A_21 = arith.constant 640 : i32
      %mul3A_22 = arith.muli %arg1, %mul3A_21 : i32
      "tpu.region"() ({
        %run_scoped3A = tpu.sem_alloc : memref<!tpu.dma_semaphore, #tpu.memory_space<semaphore_mem>>
        %dma_start3A = arith.constant 0 : i32
        %dma_start3A_23 = tpu.memref_slice %arg7[%mul3A_22, %dma_start3A] : memref<10240x128xf32, #tpu.memory_space<hbm>> -> memref<640x64xf32, #tpu.memory_space<hbm>>
        %dma_start3A_24 = arith.constant 0 : i32
        %dma_start3A_25 = tpu.memref_slice %arg11[%mul3A_20, %dma_start3A_24] : memref<10240x64xf32, #tpu.memory_space<vmem_shared>> -> memref<640x64xf32, #tpu.memory_space<vmem_shared>>
        tpu.enqueue_dma source(%dma_start3A_25 : memref<640x64xf32, #tpu.memory_space<vmem_shared>>) target(%dma_start3A_23 : memref<640x64xf32, #tpu.memory_space<hbm>>) target_semaphore(%run_scoped3A : memref<!tpu.dma_semaphore, #tpu.memory_space<semaphore_mem>>)
        %dma_wait3A = arith.constant 0 : i32
        %dma_wait3A_26 = tpu.memref_slice %arg7[%mul3A_22, %dma_wait3A] : memref<10240x128xf32, #tpu.memory_space<hbm>> -> memref<640x64xf32, #tpu.memory_space<hbm>>
        %dma_wait3A_27 = arith.constant 0 : i32
        %dma_wait3A_28 = tpu.memref_slice %arg11[%mul3A_20, %dma_wait3A_27] : memref<10240x64xf32, #tpu.memory_space<vmem_shared>> -> memref<640x64xf32, #tpu.memory_space<vmem_shared>>
        tpu.wait_dma2 semaphore(%run_scoped3A : memref<!tpu.dma_semaphore, #tpu.memory_space<semaphore_mem>>) src(%dma_wait3A_28 : memref<640x64xf32, #tpu.memory_space<vmem_shared>>) dst(%dma_wait3A_26 : memref<640x64xf32, #tpu.memory_space<hbm>>)
        tpu.yield
      }) : () -> ()
    } else {
    }
    %eq3A_14 = arith.constant 1 : i32
    %eq3A_15 = arith.cmpi eq, %arg0, %eq3A_14 : i32
    %convert_element_type3A_16 = arith.extui %eq3A_15 : i1 to i32
    %cond3A_17 = arith.constant 0 : i32
    %cond3A_18 = arith.cmpi ne, %convert_element_type3A_16, %cond3A_17 : i32
    scf.if %cond3A_18 {
      %mul3A_19 = arith.constant 640 : i32
      %mul3A_20 = arith.muli %arg1, %mul3A_19 : i32
      %mul3A_21 = arith.constant 640 : i32
      %mul3A_22 = arith.muli %arg1, %mul3A_21 : i32
      "tpu.region"() ({
        %run_scoped3A = tpu.sem_alloc : memref<!tpu.dma_semaphore, #tpu.memory_space<semaphore_mem>>
        %dma_start3A = arith.constant 64 : i32
        %dma_start3A_23 = tpu.memref_slice %arg7[%mul3A_22, %dma_start3A] : memref<10240x128xf32, #tpu.memory_space<hbm>> -> memref<640x64xf32, #tpu.memory_space<hbm>>
        %dma_start3A_24 = arith.constant 0 : i32
        %dma_start3A_25 = tpu.memref_slice %arg11[%mul3A_20, %dma_start3A_24] : memref<10240x64xf32, #tpu.memory_space<vmem_shared>> -> memref<640x64xf32, #tpu.memory_space<vmem_shared>>
        tpu.enqueue_dma source(%dma_start3A_25 : memref<640x64xf32, #tpu.memory_space<vmem_shared>>) target(%dma_start3A_23 : memref<640x64xf32, #tpu.memory_space<hbm>>) target_semaphore(%run_scoped3A : memref<!tpu.dma_semaphore, #tpu.memory_space<semaphore_mem>>)
        %dma_wait3A = arith.constant 64 : i32
        %dma_wait3A_26 = tpu.memref_slice %arg7[%mul3A_22, %dma_wait3A] : memref<10240x128xf32, #tpu.memory_space<hbm>> -> memref<640x64xf32, #tpu.memory_space<hbm>>
        %dma_wait3A_27 = arith.constant 0 : i32
        %dma_wait3A_28 = tpu.memref_slice %arg11[%mul3A_20, %dma_wait3A_27] : memref<10240x64xf32, #tpu.memory_space<vmem_shared>> -> memref<640x64xf32, #tpu.memory_space<vmem_shared>>
        tpu.wait_dma2 semaphore(%run_scoped3A : memref<!tpu.dma_semaphore, #tpu.memory_space<semaphore_mem>>) src(%dma_wait3A_28 : memref<640x64xf32, #tpu.memory_space<vmem_shared>>) dst(%dma_wait3A_26 : memref<640x64xf32, #tpu.memory_space<hbm>>)
        tpu.yield
      }) : () -> ()
    } else {
    }
    return
  }
}

#map = affine_map<(d0, d1) -> (0, 0)>
module attributes {stable_mosaic.version = 14 : i64} {
  func.func @_segcnt(%arg0: i32, %arg1: i32, %arg2: memref<2560x128xi32, #tpu.memory_space<hbm>>, %arg3: memref<640x16xf32, #tpu.memory_space<hbm>>, %arg4: memref<128x16xf32, #tpu.memory_space<hbm>>, %arg5: memref<10240x128xf32, #tpu.memory_space<hbm>>, %arg6: memref<80x128xi32, #tpu.memory_space<vmem>>, %arg7: memref<128x16xf32, #tpu.memory_space<vmem>>, %arg8: memref<10240x16xf32, #tpu.memory_space<vmem_shared>>, %arg9: memref<!tpu.dma_semaphore, #tpu.memory_space<semaphore_mem>>) attributes {dimension_semantics = [#tpu.dimension_semantics<core_parallel>, #tpu.dimension_semantics<subcore_parallel>], iteration_bounds = array<i64: 2, 16>, scalar_prefetch = 0 : i64, scratch_operands = 4 : i64, tpu.core_type = #tpu.core_type<sc_vector_subcore>, window_params = [{transform_indices = #map}, {transform_indices = #map}, {transform_indices = #map}, {transform_indices = #map}]} {
    %mul3A = arith.constant 16 : i32
    %mul3A_0 = arith.muli %arg0, %mul3A : i32
    %add3A = arith.addi %mul3A_0, %arg1 : i32
    %mul3A_1 = arith.constant 80 : i32
    %mul3A_2 = arith.muli %add3A, %mul3A_1 : i32
    "tpu.region"() ({
      %run_scoped3A = tpu.sem_alloc : memref<!tpu.dma_semaphore, #tpu.memory_space<semaphore_mem>>
      %dma_start3A = arith.constant 0 : i32
      %dma_start3A_18 = tpu.memref_slice %arg2[%mul3A_2, %dma_start3A] : memref<2560x128xi32, #tpu.memory_space<hbm>> -> memref<80x128xi32, #tpu.memory_space<hbm>>
      %dma_start3A_19 = arith.constant 0 : i32
      %dma_start3A_20 = tpu.memref_slice %arg2[%mul3A_2, %dma_start3A_19] : memref<2560x128xi32, #tpu.memory_space<hbm>> -> memref<80x128xi32, #tpu.memory_space<hbm>>
      tpu.enqueue_dma source(%dma_start3A_20 : memref<80x128xi32, #tpu.memory_space<hbm>>) target(%arg6 : memref<80x128xi32, #tpu.memory_space<vmem>>) target_semaphore(%run_scoped3A : memref<!tpu.dma_semaphore, #tpu.memory_space<semaphore_mem>>)
      %dma_wait3A = arith.constant 0 : i32
      %dma_wait3A_21 = tpu.memref_slice %arg2[%mul3A_2, %dma_wait3A] : memref<2560x128xi32, #tpu.memory_space<hbm>> -> memref<80x128xi32, #tpu.memory_space<hbm>>
      %dma_wait3A_22 = arith.constant 0 : i32
      %dma_wait3A_23 = tpu.memref_slice %arg2[%mul3A_2, %dma_wait3A_22] : memref<2560x128xi32, #tpu.memory_space<hbm>> -> memref<80x128xi32, #tpu.memory_space<hbm>>
      tpu.wait_dma2 semaphore(%run_scoped3A : memref<!tpu.dma_semaphore, #tpu.memory_space<semaphore_mem>>) src(%dma_wait3A_23 : memref<80x128xi32, #tpu.memory_space<hbm>>) dst(%arg6 : memref<80x128xi32, #tpu.memory_space<vmem>>)
      tpu.yield
    }) : () -> ()
    "tpu.region"() ({
      %run_scoped3A = tpu.sem_alloc : memref<!tpu.dma_semaphore, #tpu.memory_space<semaphore_mem>>
      tpu.enqueue_dma source(%arg4 : memref<128x16xf32, #tpu.memory_space<hbm>>) target(%arg7 : memref<128x16xf32, #tpu.memory_space<vmem>>) target_semaphore(%run_scoped3A : memref<!tpu.dma_semaphore, #tpu.memory_space<semaphore_mem>>)
      tpu.wait_dma2 semaphore(%run_scoped3A : memref<!tpu.dma_semaphore, #tpu.memory_space<semaphore_mem>>) src(%arg4 : memref<128x16xf32, #tpu.memory_space<hbm>>) dst(%arg7 : memref<128x16xf32, #tpu.memory_space<vmem>>)
      tpu.yield
    }) : () -> ()
    %mul3A_3 = arith.constant 640 : i32
    %mul3A_4 = arith.muli %arg1, %mul3A_3 : i32
    "tpu.region"() ({
      %run_scoped3A = tpu.sem_alloc : memref<!tpu.dma_semaphore, #tpu.memory_space<semaphore_mem>>
      %dma_start3A = arith.constant 0 : i32
      %dma_start3A_18 = tpu.memref_slice %arg8[%mul3A_4, %dma_start3A] : memref<10240x16xf32, #tpu.memory_space<vmem_shared>> -> memref<640x16xf32, #tpu.memory_space<vmem_shared>>
      tpu.enqueue_dma source(%arg3 : memref<640x16xf32, #tpu.memory_space<hbm>>) target(%dma_start3A_18 : memref<640x16xf32, #tpu.memory_space<vmem_shared>>) target_semaphore(%run_scoped3A : memref<!tpu.dma_semaphore, #tpu.memory_space<semaphore_mem>>)
      %dma_wait3A = arith.constant 0 : i32
      %dma_wait3A_19 = tpu.memref_slice %arg8[%mul3A_4, %dma_wait3A] : memref<10240x16xf32, #tpu.memory_space<vmem_shared>> -> memref<640x16xf32, #tpu.memory_space<vmem_shared>>
      tpu.wait_dma2 semaphore(%run_scoped3A : memref<!tpu.dma_semaphore, #tpu.memory_space<semaphore_mem>>) src(%arg3 : memref<640x16xf32, #tpu.memory_space<hbm>>) dst(%dma_wait3A_19 : memref<640x16xf32, #tpu.memory_space<vmem_shared>>)
      tpu.yield
    }) : () -> ()
    %barrier3A = arith.constant 0 : index
    tpu.barrier barrier_id(%barrier3A)
    %scan3A = arith.constant 0 : i32
    %scan3A_5 = arith.constant 0 : i32
    %scan3A_6 = arith.constant 20 : i32
    %scan3A_7 = arith.addi %scan3A_5, %scan3A_6 : i32
    %scan3A_8 = arith.constant 1 : i32
    scf.for %scan3A_18 = %scan3A_5 to %scan3A_7 step %scan3A_8  : i32 {
      %mul3A_19 = arith.constant 4 : i32
      %mul3A_20 = arith.muli %scan3A_18, %mul3A_19 : i32
      %add3A_21 = arith.constant 0 : i32
      %add3A_22 = arith.addi %mul3A_20, %add3A_21 : i32
      %dma_start3A = arith.constant 0 : i32
      %dma_start3A_23 = tpu.memref_slice %arg6[%add3A_22, %dma_start3A] : memref<80x128xi32, #tpu.memory_space<vmem>> -> memref<1x128xi32, #tpu.memory_space<vmem>>
      %dma_start3A_24 = tpu.memref_squeeze %dma_start3A_23 : memref<1x128xi32, #tpu.memory_space<vmem>> -> memref<128xi32, #tpu.memory_space<vmem>>
      %dma_start3A_25 = arith.constant 0 : i32
      %dma_start3A_26 = arith.constant 0 : i32
      %dma_start3A_27 = tpu.memref_slice %arg8[%dma_start3A_25, %dma_start3A_26] : memref<10240x16xf32, #tpu.memory_space<vmem_shared>> -> memref<10240x16xf32, #tpu.memory_space<vmem_shared>>
      tpu.enqueue_indirect_dma source(%arg7 : memref<128x16xf32, #tpu.memory_space<vmem>>) target(%dma_start3A_27 : memref<10240x16xf32, #tpu.memory_space<vmem_shared>>) offsets(%dma_start3A_24 : memref<128xi32, #tpu.memory_space<vmem>>) semaphore(%arg9 : memref<!tpu.dma_semaphore, #tpu.memory_space<semaphore_mem>>) {add = true}
      %add3A_28 = arith.constant 1 : i32
      %add3A_29 = arith.addi %mul3A_20, %add3A_28 : i32
      %dma_start3A_30 = arith.constant 0 : i32
      %dma_start3A_31 = tpu.memref_slice %arg6[%add3A_29, %dma_start3A_30] : memref<80x128xi32, #tpu.memory_space<vmem>> -> memref<1x128xi32, #tpu.memory_space<vmem>>
      %dma_start3A_32 = tpu.memref_squeeze %dma_start3A_31 : memref<1x128xi32, #tpu.memory_space<vmem>> -> memref<128xi32, #tpu.memory_space<vmem>>
      %dma_start3A_33 = arith.constant 0 : i32
      %dma_start3A_34 = arith.constant 0 : i32
      %dma_start3A_35 = tpu.memref_slice %arg8[%dma_start3A_33, %dma_start3A_34] : memref<10240x16xf32, #tpu.memory_space<vmem_shared>> -> memref<10240x16xf32, #tpu.memory_space<vmem_shared>>
      tpu.enqueue_indirect_dma source(%arg7 : memref<128x16xf32, #tpu.memory_space<vmem>>) target(%dma_start3A_35 : memref<10240x16xf32, #tpu.memory_space<vmem_shared>>) offsets(%dma_start3A_32 : memref<128xi32, #tpu.memory_space<vmem>>) semaphore(%arg9 : memref<!tpu.dma_semaphore, #tpu.memory_space<semaphore_mem>>) {add = true}
      %add3A_36 = arith.constant 2 : i32
      %add3A_37 = arith.addi %mul3A_20, %add3A_36 : i32
      %dma_start3A_38 = arith.constant 0 : i32
      %dma_start3A_39 = tpu.memref_slice %arg6[%add3A_37, %dma_start3A_38] : memref<80x128xi32, #tpu.memory_space<vmem>> -> memref<1x128xi32, #tpu.memory_space<vmem>>
      %dma_start3A_40 = tpu.memref_squeeze %dma_start3A_39 : memref<1x128xi32, #tpu.memory_space<vmem>> -> memref<128xi32, #tpu.memory_space<vmem>>
      %dma_start3A_41 = arith.constant 0 : i32
      %dma_start3A_42 = arith.constant 0 : i32
      %dma_start3A_43 = tpu.memref_slice %arg8[%dma_start3A_41, %dma_start3A_42] : memref<10240x16xf32, #tpu.memory_space<vmem_shared>> -> memref<10240x16xf32, #tpu.memory_space<vmem_shared>>
      tpu.enqueue_indirect_dma source(%arg7 : memref<128x16xf32, #tpu.memory_space<vmem>>) target(%dma_start3A_43 : memref<10240x16xf32, #tpu.memory_space<vmem_shared>>) offsets(%dma_start3A_40 : memref<128xi32, #tpu.memory_space<vmem>>) semaphore(%arg9 : memref<!tpu.dma_semaphore, #tpu.memory_space<semaphore_mem>>) {add = true}
      %add3A_44 = arith.constant 3 : i32
      %add3A_45 = arith.addi %mul3A_20, %add3A_44 : i32
      %dma_start3A_46 = arith.constant 0 : i32
      %dma_start3A_47 = tpu.memref_slice %arg6[%add3A_45, %dma_start3A_46] : memref<80x128xi32, #tpu.memory_space<vmem>> -> memref<1x128xi32, #tpu.memory_space<vmem>>
      %dma_start3A_48 = tpu.memref_squeeze %dma_start3A_47 : memref<1x128xi32, #tpu.memory_space<vmem>> -> memref<128xi32, #tpu.memory_space<vmem>>
      %dma_start3A_49 = arith.constant 0 : i32
      %dma_start3A_50 = arith.constant 0 : i32
      %dma_start3A_51 = tpu.memref_slice %arg8[%dma_start3A_49, %dma_start3A_50] : memref<10240x16xf32, #tpu.memory_space<vmem_shared>> -> memref<10240x16xf32, #tpu.memory_space<vmem_shared>>
      tpu.enqueue_indirect_dma source(%arg7 : memref<128x16xf32, #tpu.memory_space<vmem>>) target(%dma_start3A_51 : memref<10240x16xf32, #tpu.memory_space<vmem_shared>>) offsets(%dma_start3A_48 : memref<128xi32, #tpu.memory_space<vmem>>) semaphore(%arg9 : memref<!tpu.dma_semaphore, #tpu.memory_space<semaphore_mem>>) {add = true}
      %dma_wait3A = arith.constant 0 : i32
      %dma_wait3A_52 = tpu.memref_slice %arg6[%add3A_22, %dma_wait3A] : memref<80x128xi32, #tpu.memory_space<vmem>> -> memref<1x128xi32, #tpu.memory_space<vmem>>
      %dma_wait3A_53 = tpu.memref_squeeze %dma_wait3A_52 : memref<1x128xi32, #tpu.memory_space<vmem>> -> memref<128xi32, #tpu.memory_space<vmem>>
      %dma_wait3A_54 = arith.constant 0 : i32
      %dma_wait3A_55 = arith.constant 0 : i32
      %dma_wait3A_56 = tpu.memref_slice %arg8[%dma_wait3A_54, %dma_wait3A_55] : memref<10240x16xf32, #tpu.memory_space<vmem_shared>> -> memref<10240x16xf32, #tpu.memory_space<vmem_shared>>
      tpu.wait_indirect_dma semaphore(%arg9 : memref<!tpu.dma_semaphore, #tpu.memory_space<semaphore_mem>>) src(%arg7 : memref<128x16xf32, #tpu.memory_space<vmem>>) dst(%dma_wait3A_56 : memref<10240x16xf32, #tpu.memory_space<vmem_shared>>)
      %dma_wait3A_57 = arith.constant 0 : i32
      %dma_wait3A_58 = tpu.memref_slice %arg6[%add3A_29, %dma_wait3A_57] : memref<80x128xi32, #tpu.memory_space<vmem>> -> memref<1x128xi32, #tpu.memory_space<vmem>>
      %dma_wait3A_59 = tpu.memref_squeeze %dma_wait3A_58 : memref<1x128xi32, #tpu.memory_space<vmem>> -> memref<128xi32, #tpu.memory_space<vmem>>
      %dma_wait3A_60 = arith.constant 0 : i32
      %dma_wait3A_61 = arith.constant 0 : i32
      %dma_wait3A_62 = tpu.memref_slice %arg8[%dma_wait3A_60, %dma_wait3A_61] : memref<10240x16xf32, #tpu.memory_space<vmem_shared>> -> memref<10240x16xf32, #tpu.memory_space<vmem_shared>>
      tpu.wait_indirect_dma semaphore(%arg9 : memref<!tpu.dma_semaphore, #tpu.memory_space<semaphore_mem>>) src(%arg7 : memref<128x16xf32, #tpu.memory_space<vmem>>) dst(%dma_wait3A_62 : memref<10240x16xf32, #tpu.memory_space<vmem_shared>>)
      %dma_wait3A_63 = arith.constant 0 : i32
      %dma_wait3A_64 = tpu.memref_slice %arg6[%add3A_37, %dma_wait3A_63] : memref<80x128xi32, #tpu.memory_space<vmem>> -> memref<1x128xi32, #tpu.memory_space<vmem>>
      %dma_wait3A_65 = tpu.memref_squeeze %dma_wait3A_64 : memref<1x128xi32, #tpu.memory_space<vmem>> -> memref<128xi32, #tpu.memory_space<vmem>>
      %dma_wait3A_66 = arith.constant 0 : i32
      %dma_wait3A_67 = arith.constant 0 : i32
      %dma_wait3A_68 = tpu.memref_slice %arg8[%dma_wait3A_66, %dma_wait3A_67] : memref<10240x16xf32, #tpu.memory_space<vmem_shared>> -> memref<10240x16xf32, #tpu.memory_space<vmem_shared>>
      tpu.wait_indirect_dma semaphore(%arg9 : memref<!tpu.dma_semaphore, #tpu.memory_space<semaphore_mem>>) src(%arg7 : memref<128x16xf32, #tpu.memory_space<vmem>>) dst(%dma_wait3A_68 : memref<10240x16xf32, #tpu.memory_space<vmem_shared>>)
      %dma_wait3A_69 = arith.constant 0 : i32
      %dma_wait3A_70 = tpu.memref_slice %arg6[%add3A_45, %dma_wait3A_69] : memref<80x128xi32, #tpu.memory_space<vmem>> -> memref<1x128xi32, #tpu.memory_space<vmem>>
      %dma_wait3A_71 = tpu.memref_squeeze %dma_wait3A_70 : memref<1x128xi32, #tpu.memory_space<vmem>> -> memref<128xi32, #tpu.memory_space<vmem>>
      %dma_wait3A_72 = arith.constant 0 : i32
      %dma_wait3A_73 = arith.constant 0 : i32
      %dma_wait3A_74 = tpu.memref_slice %arg8[%dma_wait3A_72, %dma_wait3A_73] : memref<10240x16xf32, #tpu.memory_space<vmem_shared>> -> memref<10240x16xf32, #tpu.memory_space<vmem_shared>>
      tpu.wait_indirect_dma semaphore(%arg9 : memref<!tpu.dma_semaphore, #tpu.memory_space<semaphore_mem>>) src(%arg7 : memref<128x16xf32, #tpu.memory_space<vmem>>) dst(%dma_wait3A_74 : memref<10240x16xf32, #tpu.memory_space<vmem_shared>>)
    }
    %scan3A_9 = arith.constant 20 : i32
    %barrier3A_10 = arith.constant 0 : index
    tpu.barrier barrier_id(%barrier3A_10)
    %eq3A = arith.constant 0 : i32
    %eq3A_11 = arith.cmpi eq, %arg0, %eq3A : i32
    %convert_element_type3A = arith.extui %eq3A_11 : i1 to i32
    %cond3A = arith.constant 0 : i32
    %cond3A_12 = arith.cmpi ne, %convert_element_type3A, %cond3A : i32
    scf.if %cond3A_12 {
      %mul3A_18 = arith.constant 640 : i32
      %mul3A_19 = arith.muli %arg1, %mul3A_18 : i32
      %mul3A_20 = arith.constant 640 : i32
      %mul3A_21 = arith.muli %arg1, %mul3A_20 : i32
      "tpu.region"() ({
        %run_scoped3A = tpu.sem_alloc : memref<!tpu.dma_semaphore, #tpu.memory_space<semaphore_mem>>
        %dma_start3A = arith.constant 0 : i32
        %dma_start3A_22 = tpu.memref_slice %arg5[%mul3A_21, %dma_start3A] : memref<10240x128xf32, #tpu.memory_space<hbm>> -> memref<640x16xf32, #tpu.memory_space<hbm>>
        %dma_start3A_23 = arith.constant 0 : i32
        %dma_start3A_24 = tpu.memref_slice %arg8[%mul3A_19, %dma_start3A_23] : memref<10240x16xf32, #tpu.memory_space<vmem_shared>> -> memref<640x16xf32, #tpu.memory_space<vmem_shared>>
        tpu.enqueue_dma source(%dma_start3A_24 : memref<640x16xf32, #tpu.memory_space<vmem_shared>>) target(%dma_start3A_22 : memref<640x16xf32, #tpu.memory_space<hbm>>) target_semaphore(%run_scoped3A : memref<!tpu.dma_semaphore, #tpu.memory_space<semaphore_mem>>)
        %dma_wait3A = arith.constant 0 : i32
        %dma_wait3A_25 = tpu.memref_slice %arg5[%mul3A_21, %dma_wait3A] : memref<10240x128xf32, #tpu.memory_space<hbm>> -> memref<640x16xf32, #tpu.memory_space<hbm>>
        %dma_wait3A_26 = arith.constant 0 : i32
        %dma_wait3A_27 = tpu.memref_slice %arg8[%mul3A_19, %dma_wait3A_26] : memref<10240x16xf32, #tpu.memory_space<vmem_shared>> -> memref<640x16xf32, #tpu.memory_space<vmem_shared>>
        tpu.wait_dma2 semaphore(%run_scoped3A : memref<!tpu.dma_semaphore, #tpu.memory_space<semaphore_mem>>) src(%dma_wait3A_27 : memref<640x16xf32, #tpu.memory_space<vmem_shared>>) dst(%dma_wait3A_25 : memref<640x16xf32, #tpu.memory_space<hbm>>)
        tpu.yield
      }) : () -> ()
    } else {
    }
    %eq3A_13 = arith.constant 1 : i32
    %eq3A_14 = arith.cmpi eq, %arg0, %eq3A_13 : i32
    %convert_element_type3A_15 = arith.extui %eq3A_14 : i1 to i32
    %cond3A_16 = arith.constant 0 : i32
    %cond3A_17 = arith.cmpi ne, %convert_element_type3A_15, %cond3A_16 : i32
    scf.if %cond3A_17 {
      %mul3A_18 = arith.constant 640 : i32
      %mul3A_19 = arith.muli %arg1, %mul3A_18 : i32
      %mul3A_20 = arith.constant 640 : i32
      %mul3A_21 = arith.muli %arg1, %mul3A_20 : i32
      "tpu.region"() ({
        %run_scoped3A = tpu.sem_alloc : memref<!tpu.dma_semaphore, #tpu.memory_space<semaphore_mem>>
        %dma_start3A = arith.constant 16 : i32
        %dma_start3A_22 = tpu.memref_slice %arg5[%mul3A_21, %dma_start3A] : memref<10240x128xf32, #tpu.memory_space<hbm>> -> memref<640x16xf32, #tpu.memory_space<hbm>>
        %dma_start3A_23 = arith.constant 0 : i32
        %dma_start3A_24 = tpu.memref_slice %arg8[%mul3A_19, %dma_start3A_23] : memref<10240x16xf32, #tpu.memory_space<vmem_shared>> -> memref<640x16xf32, #tpu.memory_space<vmem_shared>>
        tpu.enqueue_dma source(%dma_start3A_24 : memref<640x16xf32, #tpu.memory_space<vmem_shared>>) target(%dma_start3A_22 : memref<640x16xf32, #tpu.memory_space<hbm>>) target_semaphore(%run_scoped3A : memref<!tpu.dma_semaphore, #tpu.memory_space<semaphore_mem>>)
        %dma_wait3A = arith.constant 16 : i32
        %dma_wait3A_25 = tpu.memref_slice %arg5[%mul3A_21, %dma_wait3A] : memref<10240x128xf32, #tpu.memory_space<hbm>> -> memref<640x16xf32, #tpu.memory_space<hbm>>
        %dma_wait3A_26 = arith.constant 0 : i32
        %dma_wait3A_27 = tpu.memref_slice %arg8[%mul3A_19, %dma_wait3A_26] : memref<10240x16xf32, #tpu.memory_space<vmem_shared>> -> memref<640x16xf32, #tpu.memory_space<vmem_shared>>
        tpu.wait_dma2 semaphore(%run_scoped3A : memref<!tpu.dma_semaphore, #tpu.memory_space<semaphore_mem>>) src(%dma_wait3A_27 : memref<640x16xf32, #tpu.memory_space<vmem_shared>>) dst(%dma_wait3A_25 : memref<640x16xf32, #tpu.memory_space<hbm>>)
        tpu.yield
      }) : () -> ()
    } else {
    }
    return
  }
}

#map = affine_map<(d0, d1) -> (0, 0)>
#map1 = affine_map<(d0, d1) -> (0, 0, 0)>
module attributes {stable_mosaic.version = 14 : i64} {
  func.func @body(%arg0: i32, %arg1: i32, %arg2: memref<10000x32xf32, #tpu.memory_space<hbm>>, %arg3: memref<10000x32xf32, #tpu.memory_space<hbm>>, %arg4: memref<16x160x128xi32, #tpu.memory_space<hbm>>, %arg5: memref<16x160x128xi32, #tpu.memory_space<hbm>>, %arg6: memref<640x32xf32, #tpu.memory_space<hbm>>, %arg7: memref<10240x128xf32, #tpu.memory_space<hbm>>, %arg8: memref<160x128xi32, #tpu.memory_space<vmem>>, %arg9: memref<160x128xi32, #tpu.memory_space<vmem>>, %arg10: memref<8x128x32xf32, #tpu.memory_space<vmem>>, %arg11: memref<10240x32xf32, #tpu.memory_space<vmem_shared>>, %arg12: memref<!tpu.dma_semaphore, #tpu.memory_space<semaphore_mem>>, %arg13: memref<!tpu.dma_semaphore, #tpu.memory_space<semaphore_mem>>) attributes {dimension_semantics = [#tpu.dimension_semantics<core_parallel>, #tpu.dimension_semantics<subcore_parallel>], iteration_bounds = array<i64: 2, 16>, scalar_prefetch = 0 : i64, scratch_operands = 6 : i64, tpu.core_type = #tpu.core_type<sc_vector_subcore>, window_params = [{transform_indices = #map}, {transform_indices = #map}, {transform_indices = #map1}, {transform_indices = #map1}, {transform_indices = #map}, {transform_indices = #map}]} {
    "tpu.region"() ({
      %run_scoped3A = tpu.sem_alloc : memref<!tpu.dma_semaphore, #tpu.memory_space<semaphore_mem>>
      %dma_start3A = arith.constant 0 : i32
      %dma_start3A_19 = arith.constant 0 : i32
      %dma_start3A_20 = tpu.memref_slice %arg4[%arg1, %dma_start3A, %dma_start3A_19] : memref<16x160x128xi32, #tpu.memory_space<hbm>> -> memref<1x160x128xi32, #tpu.memory_space<hbm>>
      %dma_start3A_21 = tpu.memref_squeeze %dma_start3A_20 : memref<1x160x128xi32, #tpu.memory_space<hbm>> -> memref<160x128xi32, #tpu.memory_space<hbm>>
      %dma_start3A_22 = arith.constant 0 : i32
      %dma_start3A_23 = arith.constant 0 : i32
      %dma_start3A_24 = tpu.memref_slice %arg4[%arg1, %dma_start3A_22, %dma_start3A_23] : memref<16x160x128xi32, #tpu.memory_space<hbm>> -> memref<1x160x128xi32, #tpu.memory_space<hbm>>
      %dma_start3A_25 = tpu.memref_squeeze %dma_start3A_24 : memref<1x160x128xi32, #tpu.memory_space<hbm>> -> memref<160x128xi32, #tpu.memory_space<hbm>>
      tpu.enqueue_dma source(%dma_start3A_25 : memref<160x128xi32, #tpu.memory_space<hbm>>) target(%arg8 : memref<160x128xi32, #tpu.memory_space<vmem>>) target_semaphore(%run_scoped3A : memref<!tpu.dma_semaphore, #tpu.memory_space<semaphore_mem>>)
      %dma_wait3A = arith.constant 0 : i32
      %dma_wait3A_26 = arith.constant 0 : i32
      %dma_wait3A_27 = tpu.memref_slice %arg4[%arg1, %dma_wait3A, %dma_wait3A_26] : memref<16x160x128xi32, #tpu.memory_space<hbm>> -> memref<1x160x128xi32, #tpu.memory_space<hbm>>
      %dma_wait3A_28 = tpu.memref_squeeze %dma_wait3A_27 : memref<1x160x128xi32, #tpu.memory_space<hbm>> -> memref<160x128xi32, #tpu.memory_space<hbm>>
      %dma_wait3A_29 = arith.constant 0 : i32
      %dma_wait3A_30 = arith.constant 0 : i32
      %dma_wait3A_31 = tpu.memref_slice %arg4[%arg1, %dma_wait3A_29, %dma_wait3A_30] : memref<16x160x128xi32, #tpu.memory_space<hbm>> -> memref<1x160x128xi32, #tpu.memory_space<hbm>>
      %dma_wait3A_32 = tpu.memref_squeeze %dma_wait3A_31 : memref<1x160x128xi32, #tpu.memory_space<hbm>> -> memref<160x128xi32, #tpu.memory_space<hbm>>
      tpu.wait_dma2 semaphore(%run_scoped3A : memref<!tpu.dma_semaphore, #tpu.memory_space<semaphore_mem>>) src(%dma_wait3A_32 : memref<160x128xi32, #tpu.memory_space<hbm>>) dst(%arg8 : memref<160x128xi32, #tpu.memory_space<vmem>>)
      tpu.yield
    }) : () -> ()
    "tpu.region"() ({
      %run_scoped3A = tpu.sem_alloc : memref<!tpu.dma_semaphore, #tpu.memory_space<semaphore_mem>>
      %dma_start3A = arith.constant 0 : i32
      %dma_start3A_19 = arith.constant 0 : i32
      %dma_start3A_20 = tpu.memref_slice %arg5[%arg1, %dma_start3A, %dma_start3A_19] : memref<16x160x128xi32, #tpu.memory_space<hbm>> -> memref<1x160x128xi32, #tpu.memory_space<hbm>>
      %dma_start3A_21 = tpu.memref_squeeze %dma_start3A_20 : memref<1x160x128xi32, #tpu.memory_space<hbm>> -> memref<160x128xi32, #tpu.memory_space<hbm>>
      %dma_start3A_22 = arith.constant 0 : i32
      %dma_start3A_23 = arith.constant 0 : i32
      %dma_start3A_24 = tpu.memref_slice %arg5[%arg1, %dma_start3A_22, %dma_start3A_23] : memref<16x160x128xi32, #tpu.memory_space<hbm>> -> memref<1x160x128xi32, #tpu.memory_space<hbm>>
      %dma_start3A_25 = tpu.memref_squeeze %dma_start3A_24 : memref<1x160x128xi32, #tpu.memory_space<hbm>> -> memref<160x128xi32, #tpu.memory_space<hbm>>
      tpu.enqueue_dma source(%dma_start3A_25 : memref<160x128xi32, #tpu.memory_space<hbm>>) target(%arg9 : memref<160x128xi32, #tpu.memory_space<vmem>>) target_semaphore(%run_scoped3A : memref<!tpu.dma_semaphore, #tpu.memory_space<semaphore_mem>>)
      %dma_wait3A = arith.constant 0 : i32
      %dma_wait3A_26 = arith.constant 0 : i32
      %dma_wait3A_27 = tpu.memref_slice %arg5[%arg1, %dma_wait3A, %dma_wait3A_26] : memref<16x160x128xi32, #tpu.memory_space<hbm>> -> memref<1x160x128xi32, #tpu.memory_space<hbm>>
      %dma_wait3A_28 = tpu.memref_squeeze %dma_wait3A_27 : memref<1x160x128xi32, #tpu.memory_space<hbm>> -> memref<160x128xi32, #tpu.memory_space<hbm>>
      %dma_wait3A_29 = arith.constant 0 : i32
      %dma_wait3A_30 = arith.constant 0 : i32
      %dma_wait3A_31 = tpu.memref_slice %arg5[%arg1, %dma_wait3A_29, %dma_wait3A_30] : memref<16x160x128xi32, #tpu.memory_space<hbm>> -> memref<1x160x128xi32, #tpu.memory_space<hbm>>
      %dma_wait3A_32 = tpu.memref_squeeze %dma_wait3A_31 : memref<1x160x128xi32, #tpu.memory_space<hbm>> -> memref<160x128xi32, #tpu.memory_space<hbm>>
      tpu.wait_dma2 semaphore(%run_scoped3A : memref<!tpu.dma_semaphore, #tpu.memory_space<semaphore_mem>>) src(%dma_wait3A_32 : memref<160x128xi32, #tpu.memory_space<hbm>>) dst(%arg9 : memref<160x128xi32, #tpu.memory_space<vmem>>)
      tpu.yield
    }) : () -> ()
    %mul3A = arith.constant 640 : i32
    %mul3A_0 = arith.muli %arg1, %mul3A : i32
    "tpu.region"() ({
      %run_scoped3A = tpu.sem_alloc : memref<!tpu.dma_semaphore, #tpu.memory_space<semaphore_mem>>
      %dma_start3A = arith.constant 0 : i32
      %dma_start3A_19 = tpu.memref_slice %arg11[%mul3A_0, %dma_start3A] : memref<10240x32xf32, #tpu.memory_space<vmem_shared>> -> memref<640x32xf32, #tpu.memory_space<vmem_shared>>
      tpu.enqueue_dma source(%arg6 : memref<640x32xf32, #tpu.memory_space<hbm>>) target(%dma_start3A_19 : memref<640x32xf32, #tpu.memory_space<vmem_shared>>) target_semaphore(%run_scoped3A : memref<!tpu.dma_semaphore, #tpu.memory_space<semaphore_mem>>)
      %dma_wait3A = arith.constant 0 : i32
      %dma_wait3A_20 = tpu.memref_slice %arg11[%mul3A_0, %dma_wait3A] : memref<10240x32xf32, #tpu.memory_space<vmem_shared>> -> memref<640x32xf32, #tpu.memory_space<vmem_shared>>
      tpu.wait_dma2 semaphore(%run_scoped3A : memref<!tpu.dma_semaphore, #tpu.memory_space<semaphore_mem>>) src(%arg6 : memref<640x32xf32, #tpu.memory_space<hbm>>) dst(%dma_wait3A_20 : memref<640x32xf32, #tpu.memory_space<vmem_shared>>)
      tpu.yield
    }) : () -> ()
    %barrier3A = arith.constant 0 : index
    tpu.barrier barrier_id(%barrier3A)
    %eq3A = arith.constant 0 : i32
    %eq3A_1 = arith.cmpi eq, %arg0, %eq3A : i32
    %convert_element_type3A = arith.extui %eq3A_1 : i1 to i32
    %cond3A = arith.constant 0 : i32
    %cond3A_2 = arith.cmpi ne, %convert_element_type3A, %cond3A : i32
    scf.if %cond3A_2 {
      %scan3A = arith.constant 0 : i32
      %scan3A_19 = arith.constant 0 : i32
      %scan3A_20 = arith.constant 20 : i32
      %scan3A_21 = arith.addi %scan3A_19, %scan3A_20 : i32
      %scan3A_22 = arith.constant 1 : i32
      scf.for %scan3A_24 = %scan3A_19 to %scan3A_21 step %scan3A_22  : i32 {
        %mul3A_25 = arith.constant 8 : i32
        %mul3A_26 = arith.muli %scan3A_24, %mul3A_25 : i32
        %add3A = arith.constant 0 : i32
        %add3A_27 = arith.addi %mul3A_26, %add3A : i32
        %dma_start3A = arith.constant 0 : i32
        %dma_start3A_28 = arith.constant 0 : i32
        %dma_start3A_29 = arith.constant 0 : i32
        %dma_start3A_30 = tpu.memref_slice %arg10[%dma_start3A, %dma_start3A_28, %dma_start3A_29] : memref<8x128x32xf32, #tpu.memory_space<vmem>> -> memref<1x128x32xf32, #tpu.memory_space<vmem>>
        %dma_start3A_31 = tpu.memref_squeeze %dma_start3A_30 : memref<1x128x32xf32, #tpu.memory_space<vmem>> -> memref<128x32xf32, #tpu.memory_space<vmem>>
        %dma_start3A_32 = arith.constant 0 : i32
        %dma_start3A_33 = tpu.memref_slice %arg8[%add3A_27, %dma_start3A_32] : memref<160x128xi32, #tpu.memory_space<vmem>> -> memref<1x128xi32, #tpu.memory_space<vmem>>
        %dma_start3A_34 = tpu.memref_squeeze %dma_start3A_33 : memref<1x128xi32, #tpu.memory_space<vmem>> -> memref<128xi32, #tpu.memory_space<vmem>>
        %dma_start3A_35 = arith.constant 0 : i32
        %dma_start3A_36 = arith.constant 0 : i32
        %dma_start3A_37 = tpu.memref_slice %arg2[%dma_start3A_35, %dma_start3A_36] : memref<10000x32xf32, #tpu.memory_space<hbm>> -> memref<10000x32xf32, #tpu.memory_space<hbm>>
        tpu.enqueue_indirect_dma source(%dma_start3A_37 : memref<10000x32xf32, #tpu.memory_space<hbm>>) target(%dma_start3A_31 : memref<128x32xf32, #tpu.memory_space<vmem>>) offsets(%dma_start3A_34 : memref<128xi32, #tpu.memory_space<vmem>>) semaphore(%arg12 : memref<!tpu.dma_semaphore, #tpu.memory_space<semaphore_mem>>)
        %add3A_38 = arith.constant 1 : i32
        %add3A_39 = arith.addi %mul3A_26, %add3A_38 : i32
        %dma_start3A_40 = arith.constant 1 : i32
        %dma_start3A_41 = arith.constant 0 : i32
        %dma_start3A_42 = arith.constant 0 : i32
        %dma_start3A_43 = tpu.memref_slice %arg10[%dma_start3A_40, %dma_start3A_41, %dma_start3A_42] : memref<8x128x32xf32, #tpu.memory_space<vmem>> -> memref<1x128x32xf32, #tpu.memory_space<vmem>>
        %dma_start3A_44 = tpu.memref_squeeze %dma_start3A_43 : memref<1x128x32xf32, #tpu.memory_space<vmem>> -> memref<128x32xf32, #tpu.memory_space<vmem>>
        %dma_start3A_45 = arith.constant 0 : i32
        %dma_start3A_46 = tpu.memref_slice %arg8[%add3A_39, %dma_start3A_45] : memref<160x128xi32, #tpu.memory_space<vmem>> -> memref<1x128xi32, #tpu.memory_space<vmem>>
        %dma_start3A_47 = tpu.memref_squeeze %dma_start3A_46 : memref<1x128xi32, #tpu.memory_space<vmem>> -> memref<128xi32, #tpu.memory_space<vmem>>
        %dma_start3A_48 = arith.constant 0 : i32
        %dma_start3A_49 = arith.constant 0 : i32
        %dma_start3A_50 = tpu.memref_slice %arg2[%dma_start3A_48, %dma_start3A_49] : memref<10000x32xf32, #tpu.memory_space<hbm>> -> memref<10000x32xf32, #tpu.memory_space<hbm>>
        tpu.enqueue_indirect_dma source(%dma_start3A_50 : memref<10000x32xf32, #tpu.memory_space<hbm>>) target(%dma_start3A_44 : memref<128x32xf32, #tpu.memory_space<vmem>>) offsets(%dma_start3A_47 : memref<128xi32, #tpu.memory_space<vmem>>) semaphore(%arg12 : memref<!tpu.dma_semaphore, #tpu.memory_space<semaphore_mem>>)
        %add3A_51 = arith.constant 2 : i32
        %add3A_52 = arith.addi %mul3A_26, %add3A_51 : i32
        %dma_start3A_53 = arith.constant 2 : i32
        %dma_start3A_54 = arith.constant 0 : i32
        %dma_start3A_55 = arith.constant 0 : i32
        %dma_start3A_56 = tpu.memref_slice %arg10[%dma_start3A_53, %dma_start3A_54, %dma_start3A_55] : memref<8x128x32xf32, #tpu.memory_space<vmem>> -> memref<1x128x32xf32, #tpu.memory_space<vmem>>
        %dma_start3A_57 = tpu.memref_squeeze %dma_start3A_56 : memref<1x128x32xf32, #tpu.memory_space<vmem>> -> memref<128x32xf32, #tpu.memory_space<vmem>>
        %dma_start3A_58 = arith.constant 0 : i32
        %dma_start3A_59 = tpu.memref_slice %arg8[%add3A_52, %dma_start3A_58] : memref<160x128xi32, #tpu.memory_space<vmem>> -> memref<1x128xi32, #tpu.memory_space<vmem>>
        %dma_start3A_60 = tpu.memref_squeeze %dma_start3A_59 : memref<1x128xi32, #tpu.memory_space<vmem>> -> memref<128xi32, #tpu.memory_space<vmem>>
        %dma_start3A_61 = arith.constant 0 : i32
        %dma_start3A_62 = arith.constant 0 : i32
        %dma_start3A_63 = tpu.memref_slice %arg2[%dma_start3A_61, %dma_start3A_62] : memref<10000x32xf32, #tpu.memory_space<hbm>> -> memref<10000x32xf32, #tpu.memory_space<hbm>>
        tpu.enqueue_indirect_dma source(%dma_start3A_63 : memref<10000x32xf32, #tpu.memory_space<hbm>>) target(%dma_start3A_57 : memref<128x32xf32, #tpu.memory_space<vmem>>) offsets(%dma_start3A_60 : memref<128xi32, #tpu.memory_space<vmem>>) semaphore(%arg12 : memref<!tpu.dma_semaphore, #tpu.memory_space<semaphore_mem>>)
        %add3A_64 = arith.constant 3 : i32
        %add3A_65 = arith.addi %mul3A_26, %add3A_64 : i32
        %dma_start3A_66 = arith.constant 3 : i32
        %dma_start3A_67 = arith.constant 0 : i32
        %dma_start3A_68 = arith.constant 0 : i32
        %dma_start3A_69 = tpu.memref_slice %arg10[%dma_start3A_66, %dma_start3A_67, %dma_start3A_68] : memref<8x128x32xf32, #tpu.memory_space<vmem>> -> memref<1x128x32xf32, #tpu.memory_space<vmem>>
        %dma_start3A_70 = tpu.memref_squeeze %dma_start3A_69 : memref<1x128x32xf32, #tpu.memory_space<vmem>> -> memref<128x32xf32, #tpu.memory_space<vmem>>
        %dma_start3A_71 = arith.constant 0 : i32
        %dma_start3A_72 = tpu.memref_slice %arg8[%add3A_65, %dma_start3A_71] : memref<160x128xi32, #tpu.memory_space<vmem>> -> memref<1x128xi32, #tpu.memory_space<vmem>>
        %dma_start3A_73 = tpu.memref_squeeze %dma_start3A_72 : memref<1x128xi32, #tpu.memory_space<vmem>> -> memref<128xi32, #tpu.memory_space<vmem>>
        %dma_start3A_74 = arith.constant 0 : i32
        %dma_start3A_75 = arith.constant 0 : i32
        %dma_start3A_76 = tpu.memref_slice %arg2[%dma_start3A_74, %dma_start3A_75] : memref<10000x32xf32, #tpu.memory_space<hbm>> -> memref<10000x32xf32, #tpu.memory_space<hbm>>
        tpu.enqueue_indirect_dma source(%dma_start3A_76 : memref<10000x32xf32, #tpu.memory_space<hbm>>) target(%dma_start3A_70 : memref<128x32xf32, #tpu.memory_space<vmem>>) offsets(%dma_start3A_73 : memref<128xi32, #tpu.memory_space<vmem>>) semaphore(%arg12 : memref<!tpu.dma_semaphore, #tpu.memory_space<semaphore_mem>>)
        %add3A_77 = arith.constant 4 : i32
        %add3A_78 = arith.addi %mul3A_26, %add3A_77 : i32
        %dma_start3A_79 = arith.constant 4 : i32
        %dma_start3A_80 = arith.constant 0 : i32
        %dma_start3A_81 = arith.constant 0 : i32
        %dma_start3A_82 = tpu.memref_slice %arg10[%dma_start3A_79, %dma_start3A_80, %dma_start3A_81] : memref<8x128x32xf32, #tpu.memory_space<vmem>> -> memref<1x128x32xf32, #tpu.memory_space<vmem>>
        %dma_start3A_83 = tpu.memref_squeeze %dma_start3A_82 : memref<1x128x32xf32, #tpu.memory_space<vmem>> -> memref<128x32xf32, #tpu.memory_space<vmem>>
        %dma_start3A_84 = arith.constant 0 : i32
        %dma_start3A_85 = tpu.memref_slice %arg8[%add3A_78, %dma_start3A_84] : memref<160x128xi32, #tpu.memory_space<vmem>> -> memref<1x128xi32, #tpu.memory_space<vmem>>
        %dma_start3A_86 = tpu.memref_squeeze %dma_start3A_85 : memref<1x128xi32, #tpu.memory_space<vmem>> -> memref<128xi32, #tpu.memory_space<vmem>>
        %dma_start3A_87 = arith.constant 0 : i32
        %dma_start3A_88 = arith.constant 0 : i32
        %dma_start3A_89 = tpu.memref_slice %arg2[%dma_start3A_87, %dma_start3A_88] : memref<10000x32xf32, #tpu.memory_space<hbm>> -> memref<10000x32xf32, #tpu.memory_space<hbm>>
        tpu.enqueue_indirect_dma source(%dma_start3A_89 : memref<10000x32xf32, #tpu.memory_space<hbm>>) target(%dma_start3A_83 : memref<128x32xf32, #tpu.memory_space<vmem>>) offsets(%dma_start3A_86 : memref<128xi32, #tpu.memory_space<vmem>>) semaphore(%arg12 : memref<!tpu.dma_semaphore, #tpu.memory_space<semaphore_mem>>)
        %add3A_90 = arith.constant 5 : i32
        %add3A_91 = arith.addi %mul3A_26, %add3A_90 : i32
        %dma_start3A_92 = arith.constant 5 : i32
        %dma_start3A_93 = arith.constant 0 : i32
        %dma_start3A_94 = arith.constant 0 : i32
        %dma_start3A_95 = tpu.memref_slice %arg10[%dma_start3A_92, %dma_start3A_93, %dma_start3A_94] : memref<8x128x32xf32, #tpu.memory_space<vmem>> -> memref<1x128x32xf32, #tpu.memory_space<vmem>>
        %dma_start3A_96 = tpu.memref_squeeze %dma_start3A_95 : memref<1x128x32xf32, #tpu.memory_space<vmem>> -> memref<128x32xf32, #tpu.memory_space<vmem>>
        %dma_start3A_97 = arith.constant 0 : i32
        %dma_start3A_98 = tpu.memref_slice %arg8[%add3A_91, %dma_start3A_97] : memref<160x128xi32, #tpu.memory_space<vmem>> -> memref<1x128xi32, #tpu.memory_space<vmem>>
        %dma_start3A_99 = tpu.memref_squeeze %dma_start3A_98 : memref<1x128xi32, #tpu.memory_space<vmem>> -> memref<128xi32, #tpu.memory_space<vmem>>
        %dma_start3A_100 = arith.constant 0 : i32
        %dma_start3A_101 = arith.constant 0 : i32
        %dma_start3A_102 = tpu.memref_slice %arg2[%dma_start3A_100, %dma_start3A_101] : memref<10000x32xf32, #tpu.memory_space<hbm>> -> memref<10000x32xf32, #tpu.memory_space<hbm>>
        tpu.enqueue_indirect_dma source(%dma_start3A_102 : memref<10000x32xf32, #tpu.memory_space<hbm>>) target(%dma_start3A_96 : memref<128x32xf32, #tpu.memory_space<vmem>>) offsets(%dma_start3A_99 : memref<128xi32, #tpu.memory_space<vmem>>) semaphore(%arg12 : memref<!tpu.dma_semaphore, #tpu.memory_space<semaphore_mem>>)
        %add3A_103 = arith.constant 6 : i32
        %add3A_104 = arith.addi %mul3A_26, %add3A_103 : i32
        %dma_start3A_105 = arith.constant 6 : i32
        %dma_start3A_106 = arith.constant 0 : i32
        %dma_start3A_107 = arith.constant 0 : i32
        %dma_start3A_108 = tpu.memref_slice %arg10[%dma_start3A_105, %dma_start3A_106, %dma_start3A_107] : memref<8x128x32xf32, #tpu.memory_space<vmem>> -> memref<1x128x32xf32, #tpu.memory_space<vmem>>
        %dma_start3A_109 = tpu.memref_squeeze %dma_start3A_108 : memref<1x128x32xf32, #tpu.memory_space<vmem>> -> memref<128x32xf32, #tpu.memory_space<vmem>>
        %dma_start3A_110 = arith.constant 0 : i32
        %dma_start3A_111 = tpu.memref_slice %arg8[%add3A_104, %dma_start3A_110] : memref<160x128xi32, #tpu.memory_space<vmem>> -> memref<1x128xi32, #tpu.memory_space<vmem>>
        %dma_start3A_112 = tpu.memref_squeeze %dma_start3A_111 : memref<1x128xi32, #tpu.memory_space<vmem>> -> memref<128xi32, #tpu.memory_space<vmem>>
        %dma_start3A_113 = arith.constant 0 : i32
        %dma_start3A_114 = arith.constant 0 : i32
        %dma_start3A_115 = tpu.memref_slice %arg2[%dma_start3A_113, %dma_start3A_114] : memref<10000x32xf32, #tpu.memory_space<hbm>> -> memref<10000x32xf32, #tpu.memory_space<hbm>>
        tpu.enqueue_indirect_dma source(%dma_start3A_115 : memref<10000x32xf32, #tpu.memory_space<hbm>>) target(%dma_start3A_109 : memref<128x32xf32, #tpu.memory_space<vmem>>) offsets(%dma_start3A_112 : memref<128xi32, #tpu.memory_space<vmem>>) semaphore(%arg12 : memref<!tpu.dma_semaphore, #tpu.memory_space<semaphore_mem>>)
        %add3A_116 = arith.constant 7 : i32
        %add3A_117 = arith.addi %mul3A_26, %add3A_116 : i32
        %dma_start3A_118 = arith.constant 7 : i32
        %dma_start3A_119 = arith.constant 0 : i32
        %dma_start3A_120 = arith.constant 0 : i32
        %dma_start3A_121 = tpu.memref_slice %arg10[%dma_start3A_118, %dma_start3A_119, %dma_start3A_120] : memref<8x128x32xf32, #tpu.memory_space<vmem>> -> memref<1x128x32xf32, #tpu.memory_space<vmem>>
        %dma_start3A_122 = tpu.memref_squeeze %dma_start3A_121 : memref<1x128x32xf32, #tpu.memory_space<vmem>> -> memref<128x32xf32, #tpu.memory_space<vmem>>
        %dma_start3A_123 = arith.constant 0 : i32
        %dma_start3A_124 = tpu.memref_slice %arg8[%add3A_117, %dma_start3A_123] : memref<160x128xi32, #tpu.memory_space<vmem>> -> memref<1x128xi32, #tpu.memory_space<vmem>>
        %dma_start3A_125 = tpu.memref_squeeze %dma_start3A_124 : memref<1x128xi32, #tpu.memory_space<vmem>> -> memref<128xi32, #tpu.memory_space<vmem>>
        %dma_start3A_126 = arith.constant 0 : i32
        %dma_start3A_127 = arith.constant 0 : i32
        %dma_start3A_128 = tpu.memref_slice %arg2[%dma_start3A_126, %dma_start3A_127] : memref<10000x32xf32, #tpu.memory_space<hbm>> -> memref<10000x32xf32, #tpu.memory_space<hbm>>
        tpu.enqueue_indirect_dma source(%dma_start3A_128 : memref<10000x32xf32, #tpu.memory_space<hbm>>) target(%dma_start3A_122 : memref<128x32xf32, #tpu.memory_space<vmem>>) offsets(%dma_start3A_125 : memref<128xi32, #tpu.memory_space<vmem>>) semaphore(%arg12 : memref<!tpu.dma_semaphore, #tpu.memory_space<semaphore_mem>>)
        %dma_wait3A = arith.constant 0 : i32
        %dma_wait3A_129 = arith.constant 0 : i32
        %dma_wait3A_130 = arith.constant 0 : i32
        %dma_wait3A_131 = tpu.memref_slice %arg10[%dma_wait3A, %dma_wait3A_129, %dma_wait3A_130] : memref<8x128x32xf32, #tpu.memory_space<vmem>> -> memref<1x128x32xf32, #tpu.memory_space<vmem>>
        %dma_wait3A_132 = tpu.memref_squeeze %dma_wait3A_131 : memref<1x128x32xf32, #tpu.memory_space<vmem>> -> memref<128x32xf32, #tpu.memory_space<vmem>>
        %dma_wait3A_133 = arith.constant 0 : i32
        %dma_wait3A_134 = tpu.memref_slice %arg8[%add3A_27, %dma_wait3A_133] : memref<160x128xi32, #tpu.memory_space<vmem>> -> memref<1x128xi32, #tpu.memory_space<vmem>>
        %dma_wait3A_135 = tpu.memref_squeeze %dma_wait3A_134 : memref<1x128xi32, #tpu.memory_space<vmem>> -> memref<128xi32, #tpu.memory_space<vmem>>
        %dma_wait3A_136 = arith.constant 0 : i32
        %dma_wait3A_137 = arith.constant 0 : i32
        %dma_wait3A_138 = tpu.memref_slice %arg2[%dma_wait3A_136, %dma_wait3A_137] : memref<10000x32xf32, #tpu.memory_space<hbm>> -> memref<10000x32xf32, #tpu.memory_space<hbm>>
        tpu.wait_indirect_dma semaphore(%arg12 : memref<!tpu.dma_semaphore, #tpu.memory_space<semaphore_mem>>) src(%dma_wait3A_138 : memref<10000x32xf32, #tpu.memory_space<hbm>>) dst(%dma_wait3A_132 : memref<128x32xf32, #tpu.memory_space<vmem>>)
        %add3A_139 = arith.constant 0 : i32
        %add3A_140 = arith.addi %mul3A_26, %add3A_139 : i32
        %dma_start3A_141 = arith.constant 0 : i32
        %dma_start3A_142 = arith.constant 0 : i32
        %dma_start3A_143 = arith.constant 0 : i32
        %dma_start3A_144 = tpu.memref_slice %arg10[%dma_start3A_141, %dma_start3A_142, %dma_start3A_143] : memref<8x128x32xf32, #tpu.memory_space<vmem>> -> memref<1x128x32xf32, #tpu.memory_space<vmem>>
        %dma_start3A_145 = tpu.memref_squeeze %dma_start3A_144 : memref<1x128x32xf32, #tpu.memory_space<vmem>> -> memref<128x32xf32, #tpu.memory_space<vmem>>
        %dma_start3A_146 = arith.constant 0 : i32
        %dma_start3A_147 = tpu.memref_slice %arg9[%add3A_140, %dma_start3A_146] : memref<160x128xi32, #tpu.memory_space<vmem>> -> memref<1x128xi32, #tpu.memory_space<vmem>>
        %dma_start3A_148 = tpu.memref_squeeze %dma_start3A_147 : memref<1x128xi32, #tpu.memory_space<vmem>> -> memref<128xi32, #tpu.memory_space<vmem>>
        %dma_start3A_149 = arith.constant 0 : i32
        %dma_start3A_150 = arith.constant 0 : i32
        %dma_start3A_151 = tpu.memref_slice %arg11[%dma_start3A_149, %dma_start3A_150] : memref<10240x32xf32, #tpu.memory_space<vmem_shared>> -> memref<10240x32xf32, #tpu.memory_space<vmem_shared>>
        tpu.enqueue_indirect_dma source(%dma_start3A_145 : memref<128x32xf32, #tpu.memory_space<vmem>>) target(%dma_start3A_151 : memref<10240x32xf32, #tpu.memory_space<vmem_shared>>) offsets(%dma_start3A_148 : memref<128xi32, #tpu.memory_space<vmem>>) semaphore(%arg13 : memref<!tpu.dma_semaphore, #tpu.memory_space<semaphore_mem>>) {add = true}
        %dma_wait3A_152 = arith.constant 1 : i32
        %dma_wait3A_153 = arith.constant 0 : i32
        %dma_wait3A_154 = arith.constant 0 : i32
        %dma_wait3A_155 = tpu.memref_slice %arg10[%dma_wait3A_152, %dma_wait3A_153, %dma_wait3A_154] : memref<8x128x32xf32, #tpu.memory_space<vmem>> -> memref<1x128x32xf32, #tpu.memory_space<vmem>>
        %dma_wait3A_156 = tpu.memref_squeeze %dma_wait3A_155 : memref<1x128x32xf32, #tpu.memory_space<vmem>> -> memref<128x32xf32, #tpu.memory_space<vmem>>
        %dma_wait3A_157 = arith.constant 0 : i32
        %dma_wait3A_158 = tpu.memref_slice %arg8[%add3A_39, %dma_wait3A_157] : memref<160x128xi32, #tpu.memory_space<vmem>> -> memref<1x128xi32, #tpu.memory_space<vmem>>
        %dma_wait3A_159 = tpu.memref_squeeze %dma_wait3A_158 : memref<1x128xi32, #tpu.memory_space<vmem>> -> memref<128xi32, #tpu.memory_space<vmem>>
        %dma_wait3A_160 = arith.constant 0 : i32
        %dma_wait3A_161 = arith.constant 0 : i32
        %dma_wait3A_162 = tpu.memref_slice %arg2[%dma_wait3A_160, %dma_wait3A_161] : memref<10000x32xf32, #tpu.memory_space<hbm>> -> memref<10000x32xf32, #tpu.memory_space<hbm>>
        tpu.wait_indirect_dma semaphore(%arg12 : memref<!tpu.dma_semaphore, #tpu.memory_space<semaphore_mem>>) src(%dma_wait3A_162 : memref<10000x32xf32, #tpu.memory_space<hbm>>) dst(%dma_wait3A_156 : memref<128x32xf32, #tpu.memory_space<vmem>>)
        %add3A_163 = arith.constant 1 : i32
        %add3A_164 = arith.addi %mul3A_26, %add3A_163 : i32
        %dma_start3A_165 = arith.constant 1 : i32
        %dma_start3A_166 = arith.constant 0 : i32
        %dma_start3A_167 = arith.constant 0 : i32
        %dma_start3A_168 = tpu.memref_slice %arg10[%dma_start3A_165, %dma_start3A_166, %dma_start3A_167] : memref<8x128x32xf32, #tpu.memory_space<vmem>> -> memref<1x128x32xf32, #tpu.memory_space<vmem>>
        %dma_start3A_169 = tpu.memref_squeeze %dma_start3A_168 : memref<1x128x32xf32, #tpu.memory_space<vmem>> -> memref<128x32xf32, #tpu.memory_space<vmem>>
        %dma_start3A_170 = arith.constant 0 : i32
        %dma_start3A_171 = tpu.memref_slice %arg9[%add3A_164, %dma_start3A_170] : memref<160x128xi32, #tpu.memory_space<vmem>> -> memref<1x128xi32, #tpu.memory_space<vmem>>
        %dma_start3A_172 = tpu.memref_squeeze %dma_start3A_171 : memref<1x128xi32, #tpu.memory_space<vmem>> -> memref<128xi32, #tpu.memory_space<vmem>>
        %dma_start3A_173 = arith.constant 0 : i32
        %dma_start3A_174 = arith.constant 0 : i32
        %dma_start3A_175 = tpu.memref_slice %arg11[%dma_start3A_173, %dma_start3A_174] : memref<10240x32xf32, #tpu.memory_space<vmem_shared>> -> memref<10240x32xf32, #tpu.memory_space<vmem_shared>>
        tpu.enqueue_indirect_dma source(%dma_start3A_169 : memref<128x32xf32, #tpu.memory_space<vmem>>) target(%dma_start3A_175 : memref<10240x32xf32, #tpu.memory_space<vmem_shared>>) offsets(%dma_start3A_172 : memref<128xi32, #tpu.memory_space<vmem>>) semaphore(%arg13 : memref<!tpu.dma_semaphore, #tpu.memory_space<semaphore_mem>>) {add = true}
        %dma_wait3A_176 = arith.constant 2 : i32
        %dma_wait3A_177 = arith.constant 0 : i32
        %dma_wait3A_178 = arith.constant 0 : i32
        %dma_wait3A_179 = tpu.memref_slice %arg10[%dma_wait3A_176, %dma_wait3A_177, %dma_wait3A_178] : memref<8x128x32xf32, #tpu.memory_space<vmem>> -> memref<1x128x32xf32, #tpu.memory_space<vmem>>
        %dma_wait3A_180 = tpu.memref_squeeze %dma_wait3A_179 : memref<1x128x32xf32, #tpu.memory_space<vmem>> -> memref<128x32xf32, #tpu.memory_space<vmem>>
        %dma_wait3A_181 = arith.constant 0 : i32
        %dma_wait3A_182 = tpu.memref_slice %arg8[%add3A_52, %dma_wait3A_181] : memref<160x128xi32, #tpu.memory_space<vmem>> -> memref<1x128xi32, #tpu.memory_space<vmem>>
        %dma_wait3A_183 = tpu.memref_squeeze %dma_wait3A_182 : memref<1x128xi32, #tpu.memory_space<vmem>> -> memref<128xi32, #tpu.memory_space<vmem>>
        %dma_wait3A_184 = arith.constant 0 : i32
        %dma_wait3A_185 = arith.constant 0 : i32
        %dma_wait3A_186 = tpu.memref_slice %arg2[%dma_wait3A_184, %dma_wait3A_185] : memref<10000x32xf32, #tpu.memory_space<hbm>> -> memref<10000x32xf32, #tpu.memory_space<hbm>>
        tpu.wait_indirect_dma semaphore(%arg12 : memref<!tpu.dma_semaphore, #tpu.memory_space<semaphore_mem>>) src(%dma_wait3A_186 : memref<10000x32xf32, #tpu.memory_space<hbm>>) dst(%dma_wait3A_180 : memref<128x32xf32, #tpu.memory_space<vmem>>)
        %add3A_187 = arith.constant 2 : i32
        %add3A_188 = arith.addi %mul3A_26, %add3A_187 : i32
        %dma_start3A_189 = arith.constant 2 : i32
        %dma_start3A_190 = arith.constant 0 : i32
        %dma_start3A_191 = arith.constant 0 : i32
        %dma_start3A_192 = tpu.memref_slice %arg10[%dma_start3A_189, %dma_start3A_190, %dma_start3A_191] : memref<8x128x32xf32, #tpu.memory_space<vmem>> -> memref<1x128x32xf32, #tpu.memory_space<vmem>>
        %dma_start3A_193 = tpu.memref_squeeze %dma_start3A_192 : memref<1x128x32xf32, #tpu.memory_space<vmem>> -> memref<128x32xf32, #tpu.memory_space<vmem>>
        %dma_start3A_194 = arith.constant 0 : i32
        %dma_start3A_195 = tpu.memref_slice %arg9[%add3A_188, %dma_start3A_194] : memref<160x128xi32, #tpu.memory_space<vmem>> -> memref<1x128xi32, #tpu.memory_space<vmem>>
        %dma_start3A_196 = tpu.memref_squeeze %dma_start3A_195 : memref<1x128xi32, #tpu.memory_space<vmem>> -> memref<128xi32, #tpu.memory_space<vmem>>
        %dma_start3A_197 = arith.constant 0 : i32
        %dma_start3A_198 = arith.constant 0 : i32
        %dma_start3A_199 = tpu.memref_slice %arg11[%dma_start3A_197, %dma_start3A_198] : memref<10240x32xf32, #tpu.memory_space<vmem_shared>> -> memref<10240x32xf32, #tpu.memory_space<vmem_shared>>
        tpu.enqueue_indirect_dma source(%dma_start3A_193 : memref<128x32xf32, #tpu.memory_space<vmem>>) target(%dma_start3A_199 : memref<10240x32xf32, #tpu.memory_space<vmem_shared>>) offsets(%dma_start3A_196 : memref<128xi32, #tpu.memory_space<vmem>>) semaphore(%arg13 : memref<!tpu.dma_semaphore, #tpu.memory_space<semaphore_mem>>) {add = true}
        %dma_wait3A_200 = arith.constant 3 : i32
        %dma_wait3A_201 = arith.constant 0 : i32
        %dma_wait3A_202 = arith.constant 0 : i32
        %dma_wait3A_203 = tpu.memref_slice %arg10[%dma_wait3A_200, %dma_wait3A_201, %dma_wait3A_202] : memref<8x128x32xf32, #tpu.memory_space<vmem>> -> memref<1x128x32xf32, #tpu.memory_space<vmem>>
        %dma_wait3A_204 = tpu.memref_squeeze %dma_wait3A_203 : memref<1x128x32xf32, #tpu.memory_space<vmem>> -> memref<128x32xf32, #tpu.memory_space<vmem>>
        %dma_wait3A_205 = arith.constant 0 : i32
        %dma_wait3A_206 = tpu.memref_slice %arg8[%add3A_65, %dma_wait3A_205] : memref<160x128xi32, #tpu.memory_space<vmem>> -> memref<1x128xi32, #tpu.memory_space<vmem>>
        %dma_wait3A_207 = tpu.memref_squeeze %dma_wait3A_206 : memref<1x128xi32, #tpu.memory_space<vmem>> -> memref<128xi32, #tpu.memory_space<vmem>>
        %dma_wait3A_208 = arith.constant 0 : i32
        %dma_wait3A_209 = arith.constant 0 : i32
        %dma_wait3A_210 = tpu.memref_slice %arg2[%dma_wait3A_208, %dma_wait3A_209] : memref<10000x32xf32, #tpu.memory_space<hbm>> -> memref<10000x32xf32, #tpu.memory_space<hbm>>
        tpu.wait_indirect_dma semaphore(%arg12 : memref<!tpu.dma_semaphore, #tpu.memory_space<semaphore_mem>>) src(%dma_wait3A_210 : memref<10000x32xf32, #tpu.memory_space<hbm>>) dst(%dma_wait3A_204 : memref<128x32xf32, #tpu.memory_space<vmem>>)
        %add3A_211 = arith.constant 3 : i32
        %add3A_212 = arith.addi %mul3A_26, %add3A_211 : i32
        %dma_start3A_213 = arith.constant 3 : i32
        %dma_start3A_214 = arith.constant 0 : i32
        %dma_start3A_215 = arith.constant 0 : i32
        %dma_start3A_216 = tpu.memref_slice %arg10[%dma_start3A_213, %dma_start3A_214, %dma_start3A_215] : memref<8x128x32xf32, #tpu.memory_space<vmem>> -> memref<1x128x32xf32, #tpu.memory_space<vmem>>
        %dma_start3A_217 = tpu.memref_squeeze %dma_start3A_216 : memref<1x128x32xf32, #tpu.memory_space<vmem>> -> memref<128x32xf32, #tpu.memory_space<vmem>>
        %dma_start3A_218 = arith.constant 0 : i32
        %dma_start3A_219 = tpu.memref_slice %arg9[%add3A_212, %dma_start3A_218] : memref<160x128xi32, #tpu.memory_space<vmem>> -> memref<1x128xi32, #tpu.memory_space<vmem>>
        %dma_start3A_220 = tpu.memref_squeeze %dma_start3A_219 : memref<1x128xi32, #tpu.memory_space<vmem>> -> memref<128xi32, #tpu.memory_space<vmem>>
        %dma_start3A_221 = arith.constant 0 : i32
        %dma_start3A_222 = arith.constant 0 : i32
        %dma_start3A_223 = tpu.memref_slice %arg11[%dma_start3A_221, %dma_start3A_222] : memref<10240x32xf32, #tpu.memory_space<vmem_shared>> -> memref<10240x32xf32, #tpu.memory_space<vmem_shared>>
        tpu.enqueue_indirect_dma source(%dma_start3A_217 : memref<128x32xf32, #tpu.memory_space<vmem>>) target(%dma_start3A_223 : memref<10240x32xf32, #tpu.memory_space<vmem_shared>>) offsets(%dma_start3A_220 : memref<128xi32, #tpu.memory_space<vmem>>) semaphore(%arg13 : memref<!tpu.dma_semaphore, #tpu.memory_space<semaphore_mem>>) {add = true}
        %dma_wait3A_224 = arith.constant 4 : i32
        %dma_wait3A_225 = arith.constant 0 : i32
        %dma_wait3A_226 = arith.constant 0 : i32
        %dma_wait3A_227 = tpu.memref_slice %arg10[%dma_wait3A_224, %dma_wait3A_225, %dma_wait3A_226] : memref<8x128x32xf32, #tpu.memory_space<vmem>> -> memref<1x128x32xf32, #tpu.memory_space<vmem>>
        %dma_wait3A_228 = tpu.memref_squeeze %dma_wait3A_227 : memref<1x128x32xf32, #tpu.memory_space<vmem>> -> memref<128x32xf32, #tpu.memory_space<vmem>>
        %dma_wait3A_229 = arith.constant 0 : i32
        %dma_wait3A_230 = tpu.memref_slice %arg8[%add3A_78, %dma_wait3A_229] : memref<160x128xi32, #tpu.memory_space<vmem>> -> memref<1x128xi32, #tpu.memory_space<vmem>>
        %dma_wait3A_231 = tpu.memref_squeeze %dma_wait3A_230 : memref<1x128xi32, #tpu.memory_space<vmem>> -> memref<128xi32, #tpu.memory_space<vmem>>
        %dma_wait3A_232 = arith.constant 0 : i32
        %dma_wait3A_233 = arith.constant 0 : i32
        %dma_wait3A_234 = tpu.memref_slice %arg2[%dma_wait3A_232, %dma_wait3A_233] : memref<10000x32xf32, #tpu.memory_space<hbm>> -> memref<10000x32xf32, #tpu.memory_space<hbm>>
        tpu.wait_indirect_dma semaphore(%arg12 : memref<!tpu.dma_semaphore, #tpu.memory_space<semaphore_mem>>) src(%dma_wait3A_234 : memref<10000x32xf32, #tpu.memory_space<hbm>>) dst(%dma_wait3A_228 : memref<128x32xf32, #tpu.memory_space<vmem>>)
        %add3A_235 = arith.constant 4 : i32
        %add3A_236 = arith.addi %mul3A_26, %add3A_235 : i32
        %dma_start3A_237 = arith.constant 4 : i32
        %dma_start3A_238 = arith.constant 0 : i32
        %dma_start3A_239 = arith.constant 0 : i32
        %dma_start3A_240 = tpu.memref_slice %arg10[%dma_start3A_237, %dma_start3A_238, %dma_start3A_239] : memref<8x128x32xf32, #tpu.memory_space<vmem>> -> memref<1x128x32xf32, #tpu.memory_space<vmem>>
        %dma_start3A_241 = tpu.memref_squeeze %dma_start3A_240 : memref<1x128x32xf32, #tpu.memory_space<vmem>> -> memref<128x32xf32, #tpu.memory_space<vmem>>
        %dma_start3A_242 = arith.constant 0 : i32
        %dma_start3A_243 = tpu.memref_slice %arg9[%add3A_236, %dma_start3A_242] : memref<160x128xi32, #tpu.memory_space<vmem>> -> memref<1x128xi32, #tpu.memory_space<vmem>>
        %dma_start3A_244 = tpu.memref_squeeze %dma_start3A_243 : memref<1x128xi32, #tpu.memory_space<vmem>> -> memref<128xi32, #tpu.memory_space<vmem>>
        %dma_start3A_245 = arith.constant 0 : i32
        %dma_start3A_246 = arith.constant 0 : i32
        %dma_start3A_247 = tpu.memref_slice %arg11[%dma_start3A_245, %dma_start3A_246] : memref<10240x32xf32, #tpu.memory_space<vmem_shared>> -> memref<10240x32xf32, #tpu.memory_space<vmem_shared>>
        tpu.enqueue_indirect_dma source(%dma_start3A_241 : memref<128x32xf32, #tpu.memory_space<vmem>>) target(%dma_start3A_247 : memref<10240x32xf32, #tpu.memory_space<vmem_shared>>) offsets(%dma_start3A_244 : memref<128xi32, #tpu.memory_space<vmem>>) semaphore(%arg13 : memref<!tpu.dma_semaphore, #tpu.memory_space<semaphore_mem>>) {add = true}
        %dma_wait3A_248 = arith.constant 5 : i32
        %dma_wait3A_249 = arith.constant 0 : i32
        %dma_wait3A_250 = arith.constant 0 : i32
        %dma_wait3A_251 = tpu.memref_slice %arg10[%dma_wait3A_248, %dma_wait3A_249, %dma_wait3A_250] : memref<8x128x32xf32, #tpu.memory_space<vmem>> -> memref<1x128x32xf32, #tpu.memory_space<vmem>>
        %dma_wait3A_252 = tpu.memref_squeeze %dma_wait3A_251 : memref<1x128x32xf32, #tpu.memory_space<vmem>> -> memref<128x32xf32, #tpu.memory_space<vmem>>
        %dma_wait3A_253 = arith.constant 0 : i32
        %dma_wait3A_254 = tpu.memref_slice %arg8[%add3A_91, %dma_wait3A_253] : memref<160x128xi32, #tpu.memory_space<vmem>> -> memref<1x128xi32, #tpu.memory_space<vmem>>
        %dma_wait3A_255 = tpu.memref_squeeze %dma_wait3A_254 : memref<1x128xi32, #tpu.memory_space<vmem>> -> memref<128xi32, #tpu.memory_space<vmem>>
        %dma_wait3A_256 = arith.constant 0 : i32
        %dma_wait3A_257 = arith.constant 0 : i32
        %dma_wait3A_258 = tpu.memref_slice %arg2[%dma_wait3A_256, %dma_wait3A_257] : memref<10000x32xf32, #tpu.memory_space<hbm>> -> memref<10000x32xf32, #tpu.memory_space<hbm>>
        tpu.wait_indirect_dma semaphore(%arg12 : memref<!tpu.dma_semaphore, #tpu.memory_space<semaphore_mem>>) src(%dma_wait3A_258 : memref<10000x32xf32, #tpu.memory_space<hbm>>) dst(%dma_wait3A_252 : memref<128x32xf32, #tpu.memory_space<vmem>>)
        %add3A_259 = arith.constant 5 : i32
        %add3A_260 = arith.addi %mul3A_26, %add3A_259 : i32
        %dma_start3A_261 = arith.constant 5 : i32
        %dma_start3A_262 = arith.constant 0 : i32
        %dma_start3A_263 = arith.constant 0 : i32
        %dma_start3A_264 = tpu.memref_slice %arg10[%dma_start3A_261, %dma_start3A_262, %dma_start3A_263] : memref<8x128x32xf32, #tpu.memory_space<vmem>> -> memref<1x128x32xf32, #tpu.memory_space<vmem>>
        %dma_start3A_265 = tpu.memref_squeeze %dma_start3A_264 : memref<1x128x32xf32, #tpu.memory_space<vmem>> -> memref<128x32xf32, #tpu.memory_space<vmem>>
        %dma_start3A_266 = arith.constant 0 : i32
        %dma_start3A_267 = tpu.memref_slice %arg9[%add3A_260, %dma_start3A_266] : memref<160x128xi32, #tpu.memory_space<vmem>> -> memref<1x128xi32, #tpu.memory_space<vmem>>
        %dma_start3A_268 = tpu.memref_squeeze %dma_start3A_267 : memref<1x128xi32, #tpu.memory_space<vmem>> -> memref<128xi32, #tpu.memory_space<vmem>>
        %dma_start3A_269 = arith.constant 0 : i32
        %dma_start3A_270 = arith.constant 0 : i32
        %dma_start3A_271 = tpu.memref_slice %arg11[%dma_start3A_269, %dma_start3A_270] : memref<10240x32xf32, #tpu.memory_space<vmem_shared>> -> memref<10240x32xf32, #tpu.memory_space<vmem_shared>>
        tpu.enqueue_indirect_dma source(%dma_start3A_265 : memref<128x32xf32, #tpu.memory_space<vmem>>) target(%dma_start3A_271 : memref<10240x32xf32, #tpu.memory_space<vmem_shared>>) offsets(%dma_start3A_268 : memref<128xi32, #tpu.memory_space<vmem>>) semaphore(%arg13 : memref<!tpu.dma_semaphore, #tpu.memory_space<semaphore_mem>>) {add = true}
        %dma_wait3A_272 = arith.constant 6 : i32
        %dma_wait3A_273 = arith.constant 0 : i32
        %dma_wait3A_274 = arith.constant 0 : i32
        %dma_wait3A_275 = tpu.memref_slice %arg10[%dma_wait3A_272, %dma_wait3A_273, %dma_wait3A_274] : memref<8x128x32xf32, #tpu.memory_space<vmem>> -> memref<1x128x32xf32, #tpu.memory_space<vmem>>
        %dma_wait3A_276 = tpu.memref_squeeze %dma_wait3A_275 : memref<1x128x32xf32, #tpu.memory_space<vmem>> -> memref<128x32xf32, #tpu.memory_space<vmem>>
        %dma_wait3A_277 = arith.constant 0 : i32
        %dma_wait3A_278 = tpu.memref_slice %arg8[%add3A_104, %dma_wait3A_277] : memref<160x128xi32, #tpu.memory_space<vmem>> -> memref<1x128xi32, #tpu.memory_space<vmem>>
        %dma_wait3A_279 = tpu.memref_squeeze %dma_wait3A_278 : memref<1x128xi32, #tpu.memory_space<vmem>> -> memref<128xi32, #tpu.memory_space<vmem>>
        %dma_wait3A_280 = arith.constant 0 : i32
        %dma_wait3A_281 = arith.constant 0 : i32
        %dma_wait3A_282 = tpu.memref_slice %arg2[%dma_wait3A_280, %dma_wait3A_281] : memref<10000x32xf32, #tpu.memory_space<hbm>> -> memref<10000x32xf32, #tpu.memory_space<hbm>>
        tpu.wait_indirect_dma semaphore(%arg12 : memref<!tpu.dma_semaphore, #tpu.memory_space<semaphore_mem>>) src(%dma_wait3A_282 : memref<10000x32xf32, #tpu.memory_space<hbm>>) dst(%dma_wait3A_276 : memref<128x32xf32, #tpu.memory_space<vmem>>)
        %add3A_283 = arith.constant 6 : i32
        %add3A_284 = arith.addi %mul3A_26, %add3A_283 : i32
        %dma_start3A_285 = arith.constant 6 : i32
        %dma_start3A_286 = arith.constant 0 : i32
        %dma_start3A_287 = arith.constant 0 : i32
        %dma_start3A_288 = tpu.memref_slice %arg10[%dma_start3A_285, %dma_start3A_286, %dma_start3A_287] : memref<8x128x32xf32, #tpu.memory_space<vmem>> -> memref<1x128x32xf32, #tpu.memory_space<vmem>>
        %dma_start3A_289 = tpu.memref_squeeze %dma_start3A_288 : memref<1x128x32xf32, #tpu.memory_space<vmem>> -> memref<128x32xf32, #tpu.memory_space<vmem>>
        %dma_start3A_290 = arith.constant 0 : i32
        %dma_start3A_291 = tpu.memref_slice %arg9[%add3A_284, %dma_start3A_290] : memref<160x128xi32, #tpu.memory_space<vmem>> -> memref<1x128xi32, #tpu.memory_space<vmem>>
        %dma_start3A_292 = tpu.memref_squeeze %dma_start3A_291 : memref<1x128xi32, #tpu.memory_space<vmem>> -> memref<128xi32, #tpu.memory_space<vmem>>
        %dma_start3A_293 = arith.constant 0 : i32
        %dma_start3A_294 = arith.constant 0 : i32
        %dma_start3A_295 = tpu.memref_slice %arg11[%dma_start3A_293, %dma_start3A_294] : memref<10240x32xf32, #tpu.memory_space<vmem_shared>> -> memref<10240x32xf32, #tpu.memory_space<vmem_shared>>
        tpu.enqueue_indirect_dma source(%dma_start3A_289 : memref<128x32xf32, #tpu.memory_space<vmem>>) target(%dma_start3A_295 : memref<10240x32xf32, #tpu.memory_space<vmem_shared>>) offsets(%dma_start3A_292 : memref<128xi32, #tpu.memory_space<vmem>>) semaphore(%arg13 : memref<!tpu.dma_semaphore, #tpu.memory_space<semaphore_mem>>) {add = true}
        %dma_wait3A_296 = arith.constant 7 : i32
        %dma_wait3A_297 = arith.constant 0 : i32
        %dma_wait3A_298 = arith.constant 0 : i32
        %dma_wait3A_299 = tpu.memref_slice %arg10[%dma_wait3A_296, %dma_wait3A_297, %dma_wait3A_298] : memref<8x128x32xf32, #tpu.memory_space<vmem>> -> memref<1x128x32xf32, #tpu.memory_space<vmem>>
        %dma_wait3A_300 = tpu.memref_squeeze %dma_wait3A_299 : memref<1x128x32xf32, #tpu.memory_space<vmem>> -> memref<128x32xf32, #tpu.memory_space<vmem>>
        %dma_wait3A_301 = arith.constant 0 : i32
        %dma_wait3A_302 = tpu.memref_slice %arg8[%add3A_117, %dma_wait3A_301] : memref<160x128xi32, #tpu.memory_space<vmem>> -> memref<1x128xi32, #tpu.memory_space<vmem>>
        %dma_wait3A_303 = tpu.memref_squeeze %dma_wait3A_302 : memref<1x128xi32, #tpu.memory_space<vmem>> -> memref<128xi32, #tpu.memory_space<vmem>>
        %dma_wait3A_304 = arith.constant 0 : i32
        %dma_wait3A_305 = arith.constant 0 : i32
        %dma_wait3A_306 = tpu.memref_slice %arg2[%dma_wait3A_304, %dma_wait3A_305] : memref<10000x32xf32, #tpu.memory_space<hbm>> -> memref<10000x32xf32, #tpu.memory_space<hbm>>
        tpu.wait_indirect_dma semaphore(%arg12 : memref<!tpu.dma_semaphore, #tpu.memory_space<semaphore_mem>>) src(%dma_wait3A_306 : memref<10000x32xf32, #tpu.memory_space<hbm>>) dst(%dma_wait3A_300 : memref<128x32xf32, #tpu.memory_space<vmem>>)
        %add3A_307 = arith.constant 7 : i32
        %add3A_308 = arith.addi %mul3A_26, %add3A_307 : i32
        %dma_start3A_309 = arith.constant 7 : i32
        %dma_start3A_310 = arith.constant 0 : i32
        %dma_start3A_311 = arith.constant 0 : i32
        %dma_start3A_312 = tpu.memref_slice %arg10[%dma_start3A_309, %dma_start3A_310, %dma_start3A_311] : memref<8x128x32xf32, #tpu.memory_space<vmem>> -> memref<1x128x32xf32, #tpu.memory_space<vmem>>
        %dma_start3A_313 = tpu.memref_squeeze %dma_start3A_312 : memref<1x128x32xf32, #tpu.memory_space<vmem>> -> memref<128x32xf32, #tpu.memory_space<vmem>>
        %dma_start3A_314 = arith.constant 0 : i32
        %dma_start3A_315 = tpu.memref_slice %arg9[%add3A_308, %dma_start3A_314] : memref<160x128xi32, #tpu.memory_space<vmem>> -> memref<1x128xi32, #tpu.memory_space<vmem>>
        %dma_start3A_316 = tpu.memref_squeeze %dma_start3A_315 : memref<1x128xi32, #tpu.memory_space<vmem>> -> memref<128xi32, #tpu.memory_space<vmem>>
        %dma_start3A_317 = arith.constant 0 : i32
        %dma_start3A_318 = arith.constant 0 : i32
        %dma_start3A_319 = tpu.memref_slice %arg11[%dma_start3A_317, %dma_start3A_318] : memref<10240x32xf32, #tpu.memory_space<vmem_shared>> -> memref<10240x32xf32, #tpu.memory_space<vmem_shared>>
        tpu.enqueue_indirect_dma source(%dma_start3A_313 : memref<128x32xf32, #tpu.memory_space<vmem>>) target(%dma_start3A_319 : memref<10240x32xf32, #tpu.memory_space<vmem_shared>>) offsets(%dma_start3A_316 : memref<128xi32, #tpu.memory_space<vmem>>) semaphore(%arg13 : memref<!tpu.dma_semaphore, #tpu.memory_space<semaphore_mem>>) {add = true}
        %dma_wait3A_320 = arith.constant 0 : i32
        %dma_wait3A_321 = arith.constant 0 : i32
        %dma_wait3A_322 = arith.constant 0 : i32
        %dma_wait3A_323 = tpu.memref_slice %arg10[%dma_wait3A_320, %dma_wait3A_321, %dma_wait3A_322] : memref<8x128x32xf32, #tpu.memory_space<vmem>> -> memref<1x128x32xf32, #tpu.memory_space<vmem>>
        %dma_wait3A_324 = tpu.memref_squeeze %dma_wait3A_323 : memref<1x128x32xf32, #tpu.memory_space<vmem>> -> memref<128x32xf32, #tpu.memory_space<vmem>>
        %dma_wait3A_325 = arith.constant 0 : i32
        %dma_wait3A_326 = tpu.memref_slice %arg9[%add3A_140, %dma_wait3A_325] : memref<160x128xi32, #tpu.memory_space<vmem>> -> memref<1x128xi32, #tpu.memory_space<vmem>>
        %dma_wait3A_327 = tpu.memref_squeeze %dma_wait3A_326 : memref<1x128xi32, #tpu.memory_space<vmem>> -> memref<128xi32, #tpu.memory_space<vmem>>
        %dma_wait3A_328 = arith.constant 0 : i32
        %dma_wait3A_329 = arith.constant 0 : i32
        %dma_wait3A_330 = tpu.memref_slice %arg11[%dma_wait3A_328, %dma_wait3A_329] : memref<10240x32xf32, #tpu.memory_space<vmem_shared>> -> memref<10240x32xf32, #tpu.memory_space<vmem_shared>>
        tpu.wait_indirect_dma semaphore(%arg13 : memref<!tpu.dma_semaphore, #tpu.memory_space<semaphore_mem>>) src(%dma_wait3A_324 : memref<128x32xf32, #tpu.memory_space<vmem>>) dst(%dma_wait3A_330 : memref<10240x32xf32, #tpu.memory_space<vmem_shared>>)
        %dma_wait3A_331 = arith.constant 1 : i32
        %dma_wait3A_332 = arith.constant 0 : i32
        %dma_wait3A_333 = arith.constant 0 : i32
        %dma_wait3A_334 = tpu.memref_slice %arg10[%dma_wait3A_331, %dma_wait3A_332, %dma_wait3A_333] : memref<8x128x32xf32, #tpu.memory_space<vmem>> -> memref<1x128x32xf32, #tpu.memory_space<vmem>>
        %dma_wait3A_335 = tpu.memref_squeeze %dma_wait3A_334 : memref<1x128x32xf32, #tpu.memory_space<vmem>> -> memref<128x32xf32, #tpu.memory_space<vmem>>
        %dma_wait3A_336 = arith.constant 0 : i32
        %dma_wait3A_337 = tpu.memref_slice %arg9[%add3A_164, %dma_wait3A_336] : memref<160x128xi32, #tpu.memory_space<vmem>> -> memref<1x128xi32, #tpu.memory_space<vmem>>
        %dma_wait3A_338 = tpu.memref_squeeze %dma_wait3A_337 : memref<1x128xi32, #tpu.memory_space<vmem>> -> memref<128xi32, #tpu.memory_space<vmem>>
        %dma_wait3A_339 = arith.constant 0 : i32
        %dma_wait3A_340 = arith.constant 0 : i32
        %dma_wait3A_341 = tpu.memref_slice %arg11[%dma_wait3A_339, %dma_wait3A_340] : memref<10240x32xf32, #tpu.memory_space<vmem_shared>> -> memref<10240x32xf32, #tpu.memory_space<vmem_shared>>
        tpu.wait_indirect_dma semaphore(%arg13 : memref<!tpu.dma_semaphore, #tpu.memory_space<semaphore_mem>>) src(%dma_wait3A_335 : memref<128x32xf32, #tpu.memory_space<vmem>>) dst(%dma_wait3A_341 : memref<10240x32xf32, #tpu.memory_space<vmem_shared>>)
        %dma_wait3A_342 = arith.constant 2 : i32
        %dma_wait3A_343 = arith.constant 0 : i32
        %dma_wait3A_344 = arith.constant 0 : i32
        %dma_wait3A_345 = tpu.memref_slice %arg10[%dma_wait3A_342, %dma_wait3A_343, %dma_wait3A_344] : memref<8x128x32xf32, #tpu.memory_space<vmem>> -> memref<1x128x32xf32, #tpu.memory_space<vmem>>
        %dma_wait3A_346 = tpu.memref_squeeze %dma_wait3A_345 : memref<1x128x32xf32, #tpu.memory_space<vmem>> -> memref<128x32xf32, #tpu.memory_space<vmem>>
        %dma_wait3A_347 = arith.constant 0 : i32
        %dma_wait3A_348 = tpu.memref_slice %arg9[%add3A_188, %dma_wait3A_347] : memref<160x128xi32, #tpu.memory_space<vmem>> -> memref<1x128xi32, #tpu.memory_space<vmem>>
        %dma_wait3A_349 = tpu.memref_squeeze %dma_wait3A_348 : memref<1x128xi32, #tpu.memory_space<vmem>> -> memref<128xi32, #tpu.memory_space<vmem>>
        %dma_wait3A_350 = arith.constant 0 : i32
        %dma_wait3A_351 = arith.constant 0 : i32
        %dma_wait3A_352 = tpu.memref_slice %arg11[%dma_wait3A_350, %dma_wait3A_351] : memref<10240x32xf32, #tpu.memory_space<vmem_shared>> -> memref<10240x32xf32, #tpu.memory_space<vmem_shared>>
        tpu.wait_indirect_dma semaphore(%arg13 : memref<!tpu.dma_semaphore, #tpu.memory_space<semaphore_mem>>) src(%dma_wait3A_346 : memref<128x32xf32, #tpu.memory_space<vmem>>) dst(%dma_wait3A_352 : memref<10240x32xf32, #tpu.memory_space<vmem_shared>>)
        %dma_wait3A_353 = arith.constant 3 : i32
        %dma_wait3A_354 = arith.constant 0 : i32
        %dma_wait3A_355 = arith.constant 0 : i32
        %dma_wait3A_356 = tpu.memref_slice %arg10[%dma_wait3A_353, %dma_wait3A_354, %dma_wait3A_355] : memref<8x128x32xf32, #tpu.memory_space<vmem>> -> memref<1x128x32xf32, #tpu.memory_space<vmem>>
        %dma_wait3A_357 = tpu.memref_squeeze %dma_wait3A_356 : memref<1x128x32xf32, #tpu.memory_space<vmem>> -> memref<128x32xf32, #tpu.memory_space<vmem>>
        %dma_wait3A_358 = arith.constant 0 : i32
        %dma_wait3A_359 = tpu.memref_slice %arg9[%add3A_212, %dma_wait3A_358] : memref<160x128xi32, #tpu.memory_space<vmem>> -> memref<1x128xi32, #tpu.memory_space<vmem>>
        %dma_wait3A_360 = tpu.memref_squeeze %dma_wait3A_359 : memref<1x128xi32, #tpu.memory_space<vmem>> -> memref<128xi32, #tpu.memory_space<vmem>>
        %dma_wait3A_361 = arith.constant 0 : i32
        %dma_wait3A_362 = arith.constant 0 : i32
        %dma_wait3A_363 = tpu.memref_slice %arg11[%dma_wait3A_361, %dma_wait3A_362] : memref<10240x32xf32, #tpu.memory_space<vmem_shared>> -> memref<10240x32xf32, #tpu.memory_space<vmem_shared>>
        tpu.wait_indirect_dma semaphore(%arg13 : memref<!tpu.dma_semaphore, #tpu.memory_space<semaphore_mem>>) src(%dma_wait3A_357 : memref<128x32xf32, #tpu.memory_space<vmem>>) dst(%dma_wait3A_363 : memref<10240x32xf32, #tpu.memory_space<vmem_shared>>)
        %dma_wait3A_364 = arith.constant 4 : i32
        %dma_wait3A_365 = arith.constant 0 : i32
        %dma_wait3A_366 = arith.constant 0 : i32
        %dma_wait3A_367 = tpu.memref_slice %arg10[%dma_wait3A_364, %dma_wait3A_365, %dma_wait3A_366] : memref<8x128x32xf32, #tpu.memory_space<vmem>> -> memref<1x128x32xf32, #tpu.memory_space<vmem>>
        %dma_wait3A_368 = tpu.memref_squeeze %dma_wait3A_367 : memref<1x128x32xf32, #tpu.memory_space<vmem>> -> memref<128x32xf32, #tpu.memory_space<vmem>>
        %dma_wait3A_369 = arith.constant 0 : i32
        %dma_wait3A_370 = tpu.memref_slice %arg9[%add3A_236, %dma_wait3A_369] : memref<160x128xi32, #tpu.memory_space<vmem>> -> memref<1x128xi32, #tpu.memory_space<vmem>>
        %dma_wait3A_371 = tpu.memref_squeeze %dma_wait3A_370 : memref<1x128xi32, #tpu.memory_space<vmem>> -> memref<128xi32, #tpu.memory_space<vmem>>
        %dma_wait3A_372 = arith.constant 0 : i32
        %dma_wait3A_373 = arith.constant 0 : i32
        %dma_wait3A_374 = tpu.memref_slice %arg11[%dma_wait3A_372, %dma_wait3A_373] : memref<10240x32xf32, #tpu.memory_space<vmem_shared>> -> memref<10240x32xf32, #tpu.memory_space<vmem_shared>>
        tpu.wait_indirect_dma semaphore(%arg13 : memref<!tpu.dma_semaphore, #tpu.memory_space<semaphore_mem>>) src(%dma_wait3A_368 : memref<128x32xf32, #tpu.memory_space<vmem>>) dst(%dma_wait3A_374 : memref<10240x32xf32, #tpu.memory_space<vmem_shared>>)
        %dma_wait3A_375 = arith.constant 5 : i32
        %dma_wait3A_376 = arith.constant 0 : i32
        %dma_wait3A_377 = arith.constant 0 : i32
        %dma_wait3A_378 = tpu.memref_slice %arg10[%dma_wait3A_375, %dma_wait3A_376, %dma_wait3A_377] : memref<8x128x32xf32, #tpu.memory_space<vmem>> -> memref<1x128x32xf32, #tpu.memory_space<vmem>>
        %dma_wait3A_379 = tpu.memref_squeeze %dma_wait3A_378 : memref<1x128x32xf32, #tpu.memory_space<vmem>> -> memref<128x32xf32, #tpu.memory_space<vmem>>
        %dma_wait3A_380 = arith.constant 0 : i32
        %dma_wait3A_381 = tpu.memref_slice %arg9[%add3A_260, %dma_wait3A_380] : memref<160x128xi32, #tpu.memory_space<vmem>> -> memref<1x128xi32, #tpu.memory_space<vmem>>
        %dma_wait3A_382 = tpu.memref_squeeze %dma_wait3A_381 : memref<1x128xi32, #tpu.memory_space<vmem>> -> memref<128xi32, #tpu.memory_space<vmem>>
        %dma_wait3A_383 = arith.constant 0 : i32
        %dma_wait3A_384 = arith.constant 0 : i32
        %dma_wait3A_385 = tpu.memref_slice %arg11[%dma_wait3A_383, %dma_wait3A_384] : memref<10240x32xf32, #tpu.memory_space<vmem_shared>> -> memref<10240x32xf32, #tpu.memory_space<vmem_shared>>
        tpu.wait_indirect_dma semaphore(%arg13 : memref<!tpu.dma_semaphore, #tpu.memory_space<semaphore_mem>>) src(%dma_wait3A_379 : memref<128x32xf32, #tpu.memory_space<vmem>>) dst(%dma_wait3A_385 : memref<10240x32xf32, #tpu.memory_space<vmem_shared>>)
        %dma_wait3A_386 = arith.constant 6 : i32
        %dma_wait3A_387 = arith.constant 0 : i32
        %dma_wait3A_388 = arith.constant 0 : i32
        %dma_wait3A_389 = tpu.memref_slice %arg10[%dma_wait3A_386, %dma_wait3A_387, %dma_wait3A_388] : memref<8x128x32xf32, #tpu.memory_space<vmem>> -> memref<1x128x32xf32, #tpu.memory_space<vmem>>
        %dma_wait3A_390 = tpu.memref_squeeze %dma_wait3A_389 : memref<1x128x32xf32, #tpu.memory_space<vmem>> -> memref<128x32xf32, #tpu.memory_space<vmem>>
        %dma_wait3A_391 = arith.constant 0 : i32
        %dma_wait3A_392 = tpu.memref_slice %arg9[%add3A_284, %dma_wait3A_391] : memref<160x128xi32, #tpu.memory_space<vmem>> -> memref<1x128xi32, #tpu.memory_space<vmem>>
        %dma_wait3A_393 = tpu.memref_squeeze %dma_wait3A_392 : memref<1x128xi32, #tpu.memory_space<vmem>> -> memref<128xi32, #tpu.memory_space<vmem>>
        %dma_wait3A_394 = arith.constant 0 : i32
        %dma_wait3A_395 = arith.constant 0 : i32
        %dma_wait3A_396 = tpu.memref_slice %arg11[%dma_wait3A_394, %dma_wait3A_395] : memref<10240x32xf32, #tpu.memory_space<vmem_shared>> -> memref<10240x32xf32, #tpu.memory_space<vmem_shared>>
        tpu.wait_indirect_dma semaphore(%arg13 : memref<!tpu.dma_semaphore, #tpu.memory_space<semaphore_mem>>) src(%dma_wait3A_390 : memref<128x32xf32, #tpu.memory_space<vmem>>) dst(%dma_wait3A_396 : memref<10240x32xf32, #tpu.memory_space<vmem_shared>>)
        %dma_wait3A_397 = arith.constant 7 : i32
        %dma_wait3A_398 = arith.constant 0 : i32
        %dma_wait3A_399 = arith.constant 0 : i32
        %dma_wait3A_400 = tpu.memref_slice %arg10[%dma_wait3A_397, %dma_wait3A_398, %dma_wait3A_399] : memref<8x128x32xf32, #tpu.memory_space<vmem>> -> memref<1x128x32xf32, #tpu.memory_space<vmem>>
        %dma_wait3A_401 = tpu.memref_squeeze %dma_wait3A_400 : memref<1x128x32xf32, #tpu.memory_space<vmem>> -> memref<128x32xf32, #tpu.memory_space<vmem>>
        %dma_wait3A_402 = arith.constant 0 : i32
        %dma_wait3A_403 = tpu.memref_slice %arg9[%add3A_308, %dma_wait3A_402] : memref<160x128xi32, #tpu.memory_space<vmem>> -> memref<1x128xi32, #tpu.memory_space<vmem>>
        %dma_wait3A_404 = tpu.memref_squeeze %dma_wait3A_403 : memref<1x128xi32, #tpu.memory_space<vmem>> -> memref<128xi32, #tpu.memory_space<vmem>>
        %dma_wait3A_405 = arith.constant 0 : i32
        %dma_wait3A_406 = arith.constant 0 : i32
        %dma_wait3A_407 = tpu.memref_slice %arg11[%dma_wait3A_405, %dma_wait3A_406] : memref<10240x32xf32, #tpu.memory_space<vmem_shared>> -> memref<10240x32xf32, #tpu.memory_space<vmem_shared>>
        tpu.wait_indirect_dma semaphore(%arg13 : memref<!tpu.dma_semaphore, #tpu.memory_space<semaphore_mem>>) src(%dma_wait3A_401 : memref<128x32xf32, #tpu.memory_space<vmem>>) dst(%dma_wait3A_407 : memref<10240x32xf32, #tpu.memory_space<vmem_shared>>)
      }
      %scan3A_23 = arith.constant 20 : i32
    } else {
    }
    %eq3A_3 = arith.constant 1 : i32
    %eq3A_4 = arith.cmpi eq, %arg0, %eq3A_3 : i32
    %convert_element_type3A_5 = arith.extui %eq3A_4 : i1 to i32
    %cond3A_6 = arith.constant 0 : i32
    %cond3A_7 = arith.cmpi ne, %convert_element_type3A_5, %cond3A_6 : i32
    scf.if %cond3A_7 {
      %scan3A = arith.constant 0 : i32
      %scan3A_19 = arith.constant 0 : i32
      %scan3A_20 = arith.constant 20 : i32
      %scan3A_21 = arith.addi %scan3A_19, %scan3A_20 : i32
      %scan3A_22 = arith.constant 1 : i32
      scf.for %scan3A_24 = %scan3A_19 to %scan3A_21 step %scan3A_22  : i32 {
        %mul3A_25 = arith.constant 8 : i32
        %mul3A_26 = arith.muli %scan3A_24, %mul3A_25 : i32
        %add3A = arith.constant 0 : i32
        %add3A_27 = arith.addi %mul3A_26, %add3A : i32
        %dma_start3A = arith.constant 0 : i32
        %dma_start3A_28 = arith.constant 0 : i32
        %dma_start3A_29 = arith.constant 0 : i32
        %dma_start3A_30 = tpu.memref_slice %arg10[%dma_start3A, %dma_start3A_28, %dma_start3A_29] : memref<8x128x32xf32, #tpu.memory_space<vmem>> -> memref<1x128x32xf32, #tpu.memory_space<vmem>>
        %dma_start3A_31 = tpu.memref_squeeze %dma_start3A_30 : memref<1x128x32xf32, #tpu.memory_space<vmem>> -> memref<128x32xf32, #tpu.memory_space<vmem>>
        %dma_start3A_32 = arith.constant 0 : i32
        %dma_start3A_33 = tpu.memref_slice %arg8[%add3A_27, %dma_start3A_32] : memref<160x128xi32, #tpu.memory_space<vmem>> -> memref<1x128xi32, #tpu.memory_space<vmem>>
        %dma_start3A_34 = tpu.memref_squeeze %dma_start3A_33 : memref<1x128xi32, #tpu.memory_space<vmem>> -> memref<128xi32, #tpu.memory_space<vmem>>
        %dma_start3A_35 = arith.constant 0 : i32
        %dma_start3A_36 = arith.constant 0 : i32
        %dma_start3A_37 = tpu.memref_slice %arg3[%dma_start3A_35, %dma_start3A_36] : memref<10000x32xf32, #tpu.memory_space<hbm>> -> memref<10000x32xf32, #tpu.memory_space<hbm>>
        tpu.enqueue_indirect_dma source(%dma_start3A_37 : memref<10000x32xf32, #tpu.memory_space<hbm>>) target(%dma_start3A_31 : memref<128x32xf32, #tpu.memory_space<vmem>>) offsets(%dma_start3A_34 : memref<128xi32, #tpu.memory_space<vmem>>) semaphore(%arg12 : memref<!tpu.dma_semaphore, #tpu.memory_space<semaphore_mem>>)
        %add3A_38 = arith.constant 1 : i32
        %add3A_39 = arith.addi %mul3A_26, %add3A_38 : i32
        %dma_start3A_40 = arith.constant 1 : i32
        %dma_start3A_41 = arith.constant 0 : i32
        %dma_start3A_42 = arith.constant 0 : i32
        %dma_start3A_43 = tpu.memref_slice %arg10[%dma_start3A_40, %dma_start3A_41, %dma_start3A_42] : memref<8x128x32xf32, #tpu.memory_space<vmem>> -> memref<1x128x32xf32, #tpu.memory_space<vmem>>
        %dma_start3A_44 = tpu.memref_squeeze %dma_start3A_43 : memref<1x128x32xf32, #tpu.memory_space<vmem>> -> memref<128x32xf32, #tpu.memory_space<vmem>>
        %dma_start3A_45 = arith.constant 0 : i32
        %dma_start3A_46 = tpu.memref_slice %arg8[%add3A_39, %dma_start3A_45] : memref<160x128xi32, #tpu.memory_space<vmem>> -> memref<1x128xi32, #tpu.memory_space<vmem>>
        %dma_start3A_47 = tpu.memref_squeeze %dma_start3A_46 : memref<1x128xi32, #tpu.memory_space<vmem>> -> memref<128xi32, #tpu.memory_space<vmem>>
        %dma_start3A_48 = arith.constant 0 : i32
        %dma_start3A_49 = arith.constant 0 : i32
        %dma_start3A_50 = tpu.memref_slice %arg3[%dma_start3A_48, %dma_start3A_49] : memref<10000x32xf32, #tpu.memory_space<hbm>> -> memref<10000x32xf32, #tpu.memory_space<hbm>>
        tpu.enqueue_indirect_dma source(%dma_start3A_50 : memref<10000x32xf32, #tpu.memory_space<hbm>>) target(%dma_start3A_44 : memref<128x32xf32, #tpu.memory_space<vmem>>) offsets(%dma_start3A_47 : memref<128xi32, #tpu.memory_space<vmem>>) semaphore(%arg12 : memref<!tpu.dma_semaphore, #tpu.memory_space<semaphore_mem>>)
        %add3A_51 = arith.constant 2 : i32
        %add3A_52 = arith.addi %mul3A_26, %add3A_51 : i32
        %dma_start3A_53 = arith.constant 2 : i32
        %dma_start3A_54 = arith.constant 0 : i32
        %dma_start3A_55 = arith.constant 0 : i32
        %dma_start3A_56 = tpu.memref_slice %arg10[%dma_start3A_53, %dma_start3A_54, %dma_start3A_55] : memref<8x128x32xf32, #tpu.memory_space<vmem>> -> memref<1x128x32xf32, #tpu.memory_space<vmem>>
        %dma_start3A_57 = tpu.memref_squeeze %dma_start3A_56 : memref<1x128x32xf32, #tpu.memory_space<vmem>> -> memref<128x32xf32, #tpu.memory_space<vmem>>
        %dma_start3A_58 = arith.constant 0 : i32
        %dma_start3A_59 = tpu.memref_slice %arg8[%add3A_52, %dma_start3A_58] : memref<160x128xi32, #tpu.memory_space<vmem>> -> memref<1x128xi32, #tpu.memory_space<vmem>>
        %dma_start3A_60 = tpu.memref_squeeze %dma_start3A_59 : memref<1x128xi32, #tpu.memory_space<vmem>> -> memref<128xi32, #tpu.memory_space<vmem>>
        %dma_start3A_61 = arith.constant 0 : i32
        %dma_start3A_62 = arith.constant 0 : i32
        %dma_start3A_63 = tpu.memref_slice %arg3[%dma_start3A_61, %dma_start3A_62] : memref<10000x32xf32, #tpu.memory_space<hbm>> -> memref<10000x32xf32, #tpu.memory_space<hbm>>
        tpu.enqueue_indirect_dma source(%dma_start3A_63 : memref<10000x32xf32, #tpu.memory_space<hbm>>) target(%dma_start3A_57 : memref<128x32xf32, #tpu.memory_space<vmem>>) offsets(%dma_start3A_60 : memref<128xi32, #tpu.memory_space<vmem>>) semaphore(%arg12 : memref<!tpu.dma_semaphore, #tpu.memory_space<semaphore_mem>>)
        %add3A_64 = arith.constant 3 : i32
        %add3A_65 = arith.addi %mul3A_26, %add3A_64 : i32
        %dma_start3A_66 = arith.constant 3 : i32
        %dma_start3A_67 = arith.constant 0 : i32
        %dma_start3A_68 = arith.constant 0 : i32
        %dma_start3A_69 = tpu.memref_slice %arg10[%dma_start3A_66, %dma_start3A_67, %dma_start3A_68] : memref<8x128x32xf32, #tpu.memory_space<vmem>> -> memref<1x128x32xf32, #tpu.memory_space<vmem>>
        %dma_start3A_70 = tpu.memref_squeeze %dma_start3A_69 : memref<1x128x32xf32, #tpu.memory_space<vmem>> -> memref<128x32xf32, #tpu.memory_space<vmem>>
        %dma_start3A_71 = arith.constant 0 : i32
        %dma_start3A_72 = tpu.memref_slice %arg8[%add3A_65, %dma_start3A_71] : memref<160x128xi32, #tpu.memory_space<vmem>> -> memref<1x128xi32, #tpu.memory_space<vmem>>
        %dma_start3A_73 = tpu.memref_squeeze %dma_start3A_72 : memref<1x128xi32, #tpu.memory_space<vmem>> -> memref<128xi32, #tpu.memory_space<vmem>>
        %dma_start3A_74 = arith.constant 0 : i32
        %dma_start3A_75 = arith.constant 0 : i32
        %dma_start3A_76 = tpu.memref_slice %arg3[%dma_start3A_74, %dma_start3A_75] : memref<10000x32xf32, #tpu.memory_space<hbm>> -> memref<10000x32xf32, #tpu.memory_space<hbm>>
        tpu.enqueue_indirect_dma source(%dma_start3A_76 : memref<10000x32xf32, #tpu.memory_space<hbm>>) target(%dma_start3A_70 : memref<128x32xf32, #tpu.memory_space<vmem>>) offsets(%dma_start3A_73 : memref<128xi32, #tpu.memory_space<vmem>>) semaphore(%arg12 : memref<!tpu.dma_semaphore, #tpu.memory_space<semaphore_mem>>)
        %add3A_77 = arith.constant 4 : i32
        %add3A_78 = arith.addi %mul3A_26, %add3A_77 : i32
        %dma_start3A_79 = arith.constant 4 : i32
        %dma_start3A_80 = arith.constant 0 : i32
        %dma_start3A_81 = arith.constant 0 : i32
        %dma_start3A_82 = tpu.memref_slice %arg10[%dma_start3A_79, %dma_start3A_80, %dma_start3A_81] : memref<8x128x32xf32, #tpu.memory_space<vmem>> -> memref<1x128x32xf32, #tpu.memory_space<vmem>>
        %dma_start3A_83 = tpu.memref_squeeze %dma_start3A_82 : memref<1x128x32xf32, #tpu.memory_space<vmem>> -> memref<128x32xf32, #tpu.memory_space<vmem>>
        %dma_start3A_84 = arith.constant 0 : i32
        %dma_start3A_85 = tpu.memref_slice %arg8[%add3A_78, %dma_start3A_84] : memref<160x128xi32, #tpu.memory_space<vmem>> -> memref<1x128xi32, #tpu.memory_space<vmem>>
        %dma_start3A_86 = tpu.memref_squeeze %dma_start3A_85 : memref<1x128xi32, #tpu.memory_space<vmem>> -> memref<128xi32, #tpu.memory_space<vmem>>
        %dma_start3A_87 = arith.constant 0 : i32
        %dma_start3A_88 = arith.constant 0 : i32
        %dma_start3A_89 = tpu.memref_slice %arg3[%dma_start3A_87, %dma_start3A_88] : memref<10000x32xf32, #tpu.memory_space<hbm>> -> memref<10000x32xf32, #tpu.memory_space<hbm>>
        tpu.enqueue_indirect_dma source(%dma_start3A_89 : memref<10000x32xf32, #tpu.memory_space<hbm>>) target(%dma_start3A_83 : memref<128x32xf32, #tpu.memory_space<vmem>>) offsets(%dma_start3A_86 : memref<128xi32, #tpu.memory_space<vmem>>) semaphore(%arg12 : memref<!tpu.dma_semaphore, #tpu.memory_space<semaphore_mem>>)
        %add3A_90 = arith.constant 5 : i32
        %add3A_91 = arith.addi %mul3A_26, %add3A_90 : i32
        %dma_start3A_92 = arith.constant 5 : i32
        %dma_start3A_93 = arith.constant 0 : i32
        %dma_start3A_94 = arith.constant 0 : i32
        %dma_start3A_95 = tpu.memref_slice %arg10[%dma_start3A_92, %dma_start3A_93, %dma_start3A_94] : memref<8x128x32xf32, #tpu.memory_space<vmem>> -> memref<1x128x32xf32, #tpu.memory_space<vmem>>
        %dma_start3A_96 = tpu.memref_squeeze %dma_start3A_95 : memref<1x128x32xf32, #tpu.memory_space<vmem>> -> memref<128x32xf32, #tpu.memory_space<vmem>>
        %dma_start3A_97 = arith.constant 0 : i32
        %dma_start3A_98 = tpu.memref_slice %arg8[%add3A_91, %dma_start3A_97] : memref<160x128xi32, #tpu.memory_space<vmem>> -> memref<1x128xi32, #tpu.memory_space<vmem>>
        %dma_start3A_99 = tpu.memref_squeeze %dma_start3A_98 : memref<1x128xi32, #tpu.memory_space<vmem>> -> memref<128xi32, #tpu.memory_space<vmem>>
        %dma_start3A_100 = arith.constant 0 : i32
        %dma_start3A_101 = arith.constant 0 : i32
        %dma_start3A_102 = tpu.memref_slice %arg3[%dma_start3A_100, %dma_start3A_101] : memref<10000x32xf32, #tpu.memory_space<hbm>> -> memref<10000x32xf32, #tpu.memory_space<hbm>>
        tpu.enqueue_indirect_dma source(%dma_start3A_102 : memref<10000x32xf32, #tpu.memory_space<hbm>>) target(%dma_start3A_96 : memref<128x32xf32, #tpu.memory_space<vmem>>) offsets(%dma_start3A_99 : memref<128xi32, #tpu.memory_space<vmem>>) semaphore(%arg12 : memref<!tpu.dma_semaphore, #tpu.memory_space<semaphore_mem>>)
        %add3A_103 = arith.constant 6 : i32
        %add3A_104 = arith.addi %mul3A_26, %add3A_103 : i32
        %dma_start3A_105 = arith.constant 6 : i32
        %dma_start3A_106 = arith.constant 0 : i32
        %dma_start3A_107 = arith.constant 0 : i32
        %dma_start3A_108 = tpu.memref_slice %arg10[%dma_start3A_105, %dma_start3A_106, %dma_start3A_107] : memref<8x128x32xf32, #tpu.memory_space<vmem>> -> memref<1x128x32xf32, #tpu.memory_space<vmem>>
        %dma_start3A_109 = tpu.memref_squeeze %dma_start3A_108 : memref<1x128x32xf32, #tpu.memory_space<vmem>> -> memref<128x32xf32, #tpu.memory_space<vmem>>
        %dma_start3A_110 = arith.constant 0 : i32
        %dma_start3A_111 = tpu.memref_slice %arg8[%add3A_104, %dma_start3A_110] : memref<160x128xi32, #tpu.memory_space<vmem>> -> memref<1x128xi32, #tpu.memory_space<vmem>>
        %dma_start3A_112 = tpu.memref_squeeze %dma_start3A_111 : memref<1x128xi32, #tpu.memory_space<vmem>> -> memref<128xi32, #tpu.memory_space<vmem>>
        %dma_start3A_113 = arith.constant 0 : i32
        %dma_start3A_114 = arith.constant 0 : i32
        %dma_start3A_115 = tpu.memref_slice %arg3[%dma_start3A_113, %dma_start3A_114] : memref<10000x32xf32, #tpu.memory_space<hbm>> -> memref<10000x32xf32, #tpu.memory_space<hbm>>
        tpu.enqueue_indirect_dma source(%dma_start3A_115 : memref<10000x32xf32, #tpu.memory_space<hbm>>) target(%dma_start3A_109 : memref<128x32xf32, #tpu.memory_space<vmem>>) offsets(%dma_start3A_112 : memref<128xi32, #tpu.memory_space<vmem>>) semaphore(%arg12 : memref<!tpu.dma_semaphore, #tpu.memory_space<semaphore_mem>>)
        %add3A_116 = arith.constant 7 : i32
        %add3A_117 = arith.addi %mul3A_26, %add3A_116 : i32
        %dma_start3A_118 = arith.constant 7 : i32
        %dma_start3A_119 = arith.constant 0 : i32
        %dma_start3A_120 = arith.constant 0 : i32
        %dma_start3A_121 = tpu.memref_slice %arg10[%dma_start3A_118, %dma_start3A_119, %dma_start3A_120] : memref<8x128x32xf32, #tpu.memory_space<vmem>> -> memref<1x128x32xf32, #tpu.memory_space<vmem>>
        %dma_start3A_122 = tpu.memref_squeeze %dma_start3A_121 : memref<1x128x32xf32, #tpu.memory_space<vmem>> -> memref<128x32xf32, #tpu.memory_space<vmem>>
        %dma_start3A_123 = arith.constant 0 : i32
        %dma_start3A_124 = tpu.memref_slice %arg8[%add3A_117, %dma_start3A_123] : memref<160x128xi32, #tpu.memory_space<vmem>> -> memref<1x128xi32, #tpu.memory_space<vmem>>
        %dma_start3A_125 = tpu.memref_squeeze %dma_start3A_124 : memref<1x128xi32, #tpu.memory_space<vmem>> -> memref<128xi32, #tpu.memory_space<vmem>>
        %dma_start3A_126 = arith.constant 0 : i32
        %dma_start3A_127 = arith.constant 0 : i32
        %dma_start3A_128 = tpu.memref_slice %arg3[%dma_start3A_126, %dma_start3A_127] : memref<10000x32xf32, #tpu.memory_space<hbm>> -> memref<10000x32xf32, #tpu.memory_space<hbm>>
        tpu.enqueue_indirect_dma source(%dma_start3A_128 : memref<10000x32xf32, #tpu.memory_space<hbm>>) target(%dma_start3A_122 : memref<128x32xf32, #tpu.memory_space<vmem>>) offsets(%dma_start3A_125 : memref<128xi32, #tpu.memory_space<vmem>>) semaphore(%arg12 : memref<!tpu.dma_semaphore, #tpu.memory_space<semaphore_mem>>)
        %dma_wait3A = arith.constant 0 : i32
        %dma_wait3A_129 = arith.constant 0 : i32
        %dma_wait3A_130 = arith.constant 0 : i32
        %dma_wait3A_131 = tpu.memref_slice %arg10[%dma_wait3A, %dma_wait3A_129, %dma_wait3A_130] : memref<8x128x32xf32, #tpu.memory_space<vmem>> -> memref<1x128x32xf32, #tpu.memory_space<vmem>>
        %dma_wait3A_132 = tpu.memref_squeeze %dma_wait3A_131 : memref<1x128x32xf32, #tpu.memory_space<vmem>> -> memref<128x32xf32, #tpu.memory_space<vmem>>
        %dma_wait3A_133 = arith.constant 0 : i32
        %dma_wait3A_134 = tpu.memref_slice %arg8[%add3A_27, %dma_wait3A_133] : memref<160x128xi32, #tpu.memory_space<vmem>> -> memref<1x128xi32, #tpu.memory_space<vmem>>
        %dma_wait3A_135 = tpu.memref_squeeze %dma_wait3A_134 : memref<1x128xi32, #tpu.memory_space<vmem>> -> memref<128xi32, #tpu.memory_space<vmem>>
        %dma_wait3A_136 = arith.constant 0 : i32
        %dma_wait3A_137 = arith.constant 0 : i32
        %dma_wait3A_138 = tpu.memref_slice %arg3[%dma_wait3A_136, %dma_wait3A_137] : memref<10000x32xf32, #tpu.memory_space<hbm>> -> memref<10000x32xf32, #tpu.memory_space<hbm>>
        tpu.wait_indirect_dma semaphore(%arg12 : memref<!tpu.dma_semaphore, #tpu.memory_space<semaphore_mem>>) src(%dma_wait3A_138 : memref<10000x32xf32, #tpu.memory_space<hbm>>) dst(%dma_wait3A_132 : memref<128x32xf32, #tpu.memory_space<vmem>>)
        %add3A_139 = arith.constant 0 : i32
        %add3A_140 = arith.addi %mul3A_26, %add3A_139 : i32
        %dma_start3A_141 = arith.constant 0 : i32
        %dma_start3A_142 = arith.constant 0 : i32
        %dma_start3A_143 = arith.constant 0 : i32
        %dma_start3A_144 = tpu.memref_slice %arg10[%dma_start3A_141, %dma_start3A_142, %dma_start3A_143] : memref<8x128x32xf32, #tpu.memory_space<vmem>> -> memref<1x128x32xf32, #tpu.memory_space<vmem>>
        %dma_start3A_145 = tpu.memref_squeeze %dma_start3A_144 : memref<1x128x32xf32, #tpu.memory_space<vmem>> -> memref<128x32xf32, #tpu.memory_space<vmem>>
        %dma_start3A_146 = arith.constant 0 : i32
        %dma_start3A_147 = tpu.memref_slice %arg9[%add3A_140, %dma_start3A_146] : memref<160x128xi32, #tpu.memory_space<vmem>> -> memref<1x128xi32, #tpu.memory_space<vmem>>
        %dma_start3A_148 = tpu.memref_squeeze %dma_start3A_147 : memref<1x128xi32, #tpu.memory_space<vmem>> -> memref<128xi32, #tpu.memory_space<vmem>>
        %dma_start3A_149 = arith.constant 0 : i32
        %dma_start3A_150 = arith.constant 0 : i32
        %dma_start3A_151 = tpu.memref_slice %arg11[%dma_start3A_149, %dma_start3A_150] : memref<10240x32xf32, #tpu.memory_space<vmem_shared>> -> memref<10240x32xf32, #tpu.memory_space<vmem_shared>>
        tpu.enqueue_indirect_dma source(%dma_start3A_145 : memref<128x32xf32, #tpu.memory_space<vmem>>) target(%dma_start3A_151 : memref<10240x32xf32, #tpu.memory_space<vmem_shared>>) offsets(%dma_start3A_148 : memref<128xi32, #tpu.memory_space<vmem>>) semaphore(%arg13 : memref<!tpu.dma_semaphore, #tpu.memory_space<semaphore_mem>>) {add = true}
        %dma_wait3A_152 = arith.constant 1 : i32
        %dma_wait3A_153 = arith.constant 0 : i32
        %dma_wait3A_154 = arith.constant 0 : i32
        %dma_wait3A_155 = tpu.memref_slice %arg10[%dma_wait3A_152, %dma_wait3A_153, %dma_wait3A_154] : memref<8x128x32xf32, #tpu.memory_space<vmem>> -> memref<1x128x32xf32, #tpu.memory_space<vmem>>
        %dma_wait3A_156 = tpu.memref_squeeze %dma_wait3A_155 : memref<1x128x32xf32, #tpu.memory_space<vmem>> -> memref<128x32xf32, #tpu.memory_space<vmem>>
        %dma_wait3A_157 = arith.constant 0 : i32
        %dma_wait3A_158 = tpu.memref_slice %arg8[%add3A_39, %dma_wait3A_157] : memref<160x128xi32, #tpu.memory_space<vmem>> -> memref<1x128xi32, #tpu.memory_space<vmem>>
        %dma_wait3A_159 = tpu.memref_squeeze %dma_wait3A_158 : memref<1x128xi32, #tpu.memory_space<vmem>> -> memref<128xi32, #tpu.memory_space<vmem>>
        %dma_wait3A_160 = arith.constant 0 : i32
        %dma_wait3A_161 = arith.constant 0 : i32
        %dma_wait3A_162 = tpu.memref_slice %arg3[%dma_wait3A_160, %dma_wait3A_161] : memref<10000x32xf32, #tpu.memory_space<hbm>> -> memref<10000x32xf32, #tpu.memory_space<hbm>>
        tpu.wait_indirect_dma semaphore(%arg12 : memref<!tpu.dma_semaphore, #tpu.memory_space<semaphore_mem>>) src(%dma_wait3A_162 : memref<10000x32xf32, #tpu.memory_space<hbm>>) dst(%dma_wait3A_156 : memref<128x32xf32, #tpu.memory_space<vmem>>)
        %add3A_163 = arith.constant 1 : i32
        %add3A_164 = arith.addi %mul3A_26, %add3A_163 : i32
        %dma_start3A_165 = arith.constant 1 : i32
        %dma_start3A_166 = arith.constant 0 : i32
        %dma_start3A_167 = arith.constant 0 : i32
        %dma_start3A_168 = tpu.memref_slice %arg10[%dma_start3A_165, %dma_start3A_166, %dma_start3A_167] : memref<8x128x32xf32, #tpu.memory_space<vmem>> -> memref<1x128x32xf32, #tpu.memory_space<vmem>>
        %dma_start3A_169 = tpu.memref_squeeze %dma_start3A_168 : memref<1x128x32xf32, #tpu.memory_space<vmem>> -> memref<128x32xf32, #tpu.memory_space<vmem>>
        %dma_start3A_170 = arith.constant 0 : i32
        %dma_start3A_171 = tpu.memref_slice %arg9[%add3A_164, %dma_start3A_170] : memref<160x128xi32, #tpu.memory_space<vmem>> -> memref<1x128xi32, #tpu.memory_space<vmem>>
        %dma_start3A_172 = tpu.memref_squeeze %dma_start3A_171 : memref<1x128xi32, #tpu.memory_space<vmem>> -> memref<128xi32, #tpu.memory_space<vmem>>
        %dma_start3A_173 = arith.constant 0 : i32
        %dma_start3A_174 = arith.constant 0 : i32
        %dma_start3A_175 = tpu.memref_slice %arg11[%dma_start3A_173, %dma_start3A_174] : memref<10240x32xf32, #tpu.memory_space<vmem_shared>> -> memref<10240x32xf32, #tpu.memory_space<vmem_shared>>
        tpu.enqueue_indirect_dma source(%dma_start3A_169 : memref<128x32xf32, #tpu.memory_space<vmem>>) target(%dma_start3A_175 : memref<10240x32xf32, #tpu.memory_space<vmem_shared>>) offsets(%dma_start3A_172 : memref<128xi32, #tpu.memory_space<vmem>>) semaphore(%arg13 : memref<!tpu.dma_semaphore, #tpu.memory_space<semaphore_mem>>) {add = true}
        %dma_wait3A_176 = arith.constant 2 : i32
        %dma_wait3A_177 = arith.constant 0 : i32
        %dma_wait3A_178 = arith.constant 0 : i32
        %dma_wait3A_179 = tpu.memref_slice %arg10[%dma_wait3A_176, %dma_wait3A_177, %dma_wait3A_178] : memref<8x128x32xf32, #tpu.memory_space<vmem>> -> memref<1x128x32xf32, #tpu.memory_space<vmem>>
        %dma_wait3A_180 = tpu.memref_squeeze %dma_wait3A_179 : memref<1x128x32xf32, #tpu.memory_space<vmem>> -> memref<128x32xf32, #tpu.memory_space<vmem>>
        %dma_wait3A_181 = arith.constant 0 : i32
        %dma_wait3A_182 = tpu.memref_slice %arg8[%add3A_52, %dma_wait3A_181] : memref<160x128xi32, #tpu.memory_space<vmem>> -> memref<1x128xi32, #tpu.memory_space<vmem>>
        %dma_wait3A_183 = tpu.memref_squeeze %dma_wait3A_182 : memref<1x128xi32, #tpu.memory_space<vmem>> -> memref<128xi32, #tpu.memory_space<vmem>>
        %dma_wait3A_184 = arith.constant 0 : i32
        %dma_wait3A_185 = arith.constant 0 : i32
        %dma_wait3A_186 = tpu.memref_slice %arg3[%dma_wait3A_184, %dma_wait3A_185] : memref<10000x32xf32, #tpu.memory_space<hbm>> -> memref<10000x32xf32, #tpu.memory_space<hbm>>
        tpu.wait_indirect_dma semaphore(%arg12 : memref<!tpu.dma_semaphore, #tpu.memory_space<semaphore_mem>>) src(%dma_wait3A_186 : memref<10000x32xf32, #tpu.memory_space<hbm>>) dst(%dma_wait3A_180 : memref<128x32xf32, #tpu.memory_space<vmem>>)
        %add3A_187 = arith.constant 2 : i32
        %add3A_188 = arith.addi %mul3A_26, %add3A_187 : i32
        %dma_start3A_189 = arith.constant 2 : i32
        %dma_start3A_190 = arith.constant 0 : i32
        %dma_start3A_191 = arith.constant 0 : i32
        %dma_start3A_192 = tpu.memref_slice %arg10[%dma_start3A_189, %dma_start3A_190, %dma_start3A_191] : memref<8x128x32xf32, #tpu.memory_space<vmem>> -> memref<1x128x32xf32, #tpu.memory_space<vmem>>
        %dma_start3A_193 = tpu.memref_squeeze %dma_start3A_192 : memref<1x128x32xf32, #tpu.memory_space<vmem>> -> memref<128x32xf32, #tpu.memory_space<vmem>>
        %dma_start3A_194 = arith.constant 0 : i32
        %dma_start3A_195 = tpu.memref_slice %arg9[%add3A_188, %dma_start3A_194] : memref<160x128xi32, #tpu.memory_space<vmem>> -> memref<1x128xi32, #tpu.memory_space<vmem>>
        %dma_start3A_196 = tpu.memref_squeeze %dma_start3A_195 : memref<1x128xi32, #tpu.memory_space<vmem>> -> memref<128xi32, #tpu.memory_space<vmem>>
        %dma_start3A_197 = arith.constant 0 : i32
        %dma_start3A_198 = arith.constant 0 : i32
        %dma_start3A_199 = tpu.memref_slice %arg11[%dma_start3A_197, %dma_start3A_198] : memref<10240x32xf32, #tpu.memory_space<vmem_shared>> -> memref<10240x32xf32, #tpu.memory_space<vmem_shared>>
        tpu.enqueue_indirect_dma source(%dma_start3A_193 : memref<128x32xf32, #tpu.memory_space<vmem>>) target(%dma_start3A_199 : memref<10240x32xf32, #tpu.memory_space<vmem_shared>>) offsets(%dma_start3A_196 : memref<128xi32, #tpu.memory_space<vmem>>) semaphore(%arg13 : memref<!tpu.dma_semaphore, #tpu.memory_space<semaphore_mem>>) {add = true}
        %dma_wait3A_200 = arith.constant 3 : i32
        %dma_wait3A_201 = arith.constant 0 : i32
        %dma_wait3A_202 = arith.constant 0 : i32
        %dma_wait3A_203 = tpu.memref_slice %arg10[%dma_wait3A_200, %dma_wait3A_201, %dma_wait3A_202] : memref<8x128x32xf32, #tpu.memory_space<vmem>> -> memref<1x128x32xf32, #tpu.memory_space<vmem>>
        %dma_wait3A_204 = tpu.memref_squeeze %dma_wait3A_203 : memref<1x128x32xf32, #tpu.memory_space<vmem>> -> memref<128x32xf32, #tpu.memory_space<vmem>>
        %dma_wait3A_205 = arith.constant 0 : i32
        %dma_wait3A_206 = tpu.memref_slice %arg8[%add3A_65, %dma_wait3A_205] : memref<160x128xi32, #tpu.memory_space<vmem>> -> memref<1x128xi32, #tpu.memory_space<vmem>>
        %dma_wait3A_207 = tpu.memref_squeeze %dma_wait3A_206 : memref<1x128xi32, #tpu.memory_space<vmem>> -> memref<128xi32, #tpu.memory_space<vmem>>
        %dma_wait3A_208 = arith.constant 0 : i32
        %dma_wait3A_209 = arith.constant 0 : i32
        %dma_wait3A_210 = tpu.memref_slice %arg3[%dma_wait3A_208, %dma_wait3A_209] : memref<10000x32xf32, #tpu.memory_space<hbm>> -> memref<10000x32xf32, #tpu.memory_space<hbm>>
        tpu.wait_indirect_dma semaphore(%arg12 : memref<!tpu.dma_semaphore, #tpu.memory_space<semaphore_mem>>) src(%dma_wait3A_210 : memref<10000x32xf32, #tpu.memory_space<hbm>>) dst(%dma_wait3A_204 : memref<128x32xf32, #tpu.memory_space<vmem>>)
        %add3A_211 = arith.constant 3 : i32
        %add3A_212 = arith.addi %mul3A_26, %add3A_211 : i32
        %dma_start3A_213 = arith.constant 3 : i32
        %dma_start3A_214 = arith.constant 0 : i32
        %dma_start3A_215 = arith.constant 0 : i32
        %dma_start3A_216 = tpu.memref_slice %arg10[%dma_start3A_213, %dma_start3A_214, %dma_start3A_215] : memref<8x128x32xf32, #tpu.memory_space<vmem>> -> memref<1x128x32xf32, #tpu.memory_space<vmem>>
        %dma_start3A_217 = tpu.memref_squeeze %dma_start3A_216 : memref<1x128x32xf32, #tpu.memory_space<vmem>> -> memref<128x32xf32, #tpu.memory_space<vmem>>
        %dma_start3A_218 = arith.constant 0 : i32
        %dma_start3A_219 = tpu.memref_slice %arg9[%add3A_212, %dma_start3A_218] : memref<160x128xi32, #tpu.memory_space<vmem>> -> memref<1x128xi32, #tpu.memory_space<vmem>>
        %dma_start3A_220 = tpu.memref_squeeze %dma_start3A_219 : memref<1x128xi32, #tpu.memory_space<vmem>> -> memref<128xi32, #tpu.memory_space<vmem>>
        %dma_start3A_221 = arith.constant 0 : i32
        %dma_start3A_222 = arith.constant 0 : i32
        %dma_start3A_223 = tpu.memref_slice %arg11[%dma_start3A_221, %dma_start3A_222] : memref<10240x32xf32, #tpu.memory_space<vmem_shared>> -> memref<10240x32xf32, #tpu.memory_space<vmem_shared>>
        tpu.enqueue_indirect_dma source(%dma_start3A_217 : memref<128x32xf32, #tpu.memory_space<vmem>>) target(%dma_start3A_223 : memref<10240x32xf32, #tpu.memory_space<vmem_shared>>) offsets(%dma_start3A_220 : memref<128xi32, #tpu.memory_space<vmem>>) semaphore(%arg13 : memref<!tpu.dma_semaphore, #tpu.memory_space<semaphore_mem>>) {add = true}
        %dma_wait3A_224 = arith.constant 4 : i32
        %dma_wait3A_225 = arith.constant 0 : i32
        %dma_wait3A_226 = arith.constant 0 : i32
        %dma_wait3A_227 = tpu.memref_slice %arg10[%dma_wait3A_224, %dma_wait3A_225, %dma_wait3A_226] : memref<8x128x32xf32, #tpu.memory_space<vmem>> -> memref<1x128x32xf32, #tpu.memory_space<vmem>>
        %dma_wait3A_228 = tpu.memref_squeeze %dma_wait3A_227 : memref<1x128x32xf32, #tpu.memory_space<vmem>> -> memref<128x32xf32, #tpu.memory_space<vmem>>
        %dma_wait3A_229 = arith.constant 0 : i32
        %dma_wait3A_230 = tpu.memref_slice %arg8[%add3A_78, %dma_wait3A_229] : memref<160x128xi32, #tpu.memory_space<vmem>> -> memref<1x128xi32, #tpu.memory_space<vmem>>
        %dma_wait3A_231 = tpu.memref_squeeze %dma_wait3A_230 : memref<1x128xi32, #tpu.memory_space<vmem>> -> memref<128xi32, #tpu.memory_space<vmem>>
        %dma_wait3A_232 = arith.constant 0 : i32
        %dma_wait3A_233 = arith.constant 0 : i32
        %dma_wait3A_234 = tpu.memref_slice %arg3[%dma_wait3A_232, %dma_wait3A_233] : memref<10000x32xf32, #tpu.memory_space<hbm>> -> memref<10000x32xf32, #tpu.memory_space<hbm>>
        tpu.wait_indirect_dma semaphore(%arg12 : memref<!tpu.dma_semaphore, #tpu.memory_space<semaphore_mem>>) src(%dma_wait3A_234 : memref<10000x32xf32, #tpu.memory_space<hbm>>) dst(%dma_wait3A_228 : memref<128x32xf32, #tpu.memory_space<vmem>>)
        %add3A_235 = arith.constant 4 : i32
        %add3A_236 = arith.addi %mul3A_26, %add3A_235 : i32
        %dma_start3A_237 = arith.constant 4 : i32
        %dma_start3A_238 = arith.constant 0 : i32
        %dma_start3A_239 = arith.constant 0 : i32
        %dma_start3A_240 = tpu.memref_slice %arg10[%dma_start3A_237, %dma_start3A_238, %dma_start3A_239] : memref<8x128x32xf32, #tpu.memory_space<vmem>> -> memref<1x128x32xf32, #tpu.memory_space<vmem>>
        %dma_start3A_241 = tpu.memref_squeeze %dma_start3A_240 : memref<1x128x32xf32, #tpu.memory_space<vmem>> -> memref<128x32xf32, #tpu.memory_space<vmem>>
        %dma_start3A_242 = arith.constant 0 : i32
        %dma_start3A_243 = tpu.memref_slice %arg9[%add3A_236, %dma_start3A_242] : memref<160x128xi32, #tpu.memory_space<vmem>> -> memref<1x128xi32, #tpu.memory_space<vmem>>
        %dma_start3A_244 = tpu.memref_squeeze %dma_start3A_243 : memref<1x128xi32, #tpu.memory_space<vmem>> -> memref<128xi32, #tpu.memory_space<vmem>>
        %dma_start3A_245 = arith.constant 0 : i32
        %dma_start3A_246 = arith.constant 0 : i32
        %dma_start3A_247 = tpu.memref_slice %arg11[%dma_start3A_245, %dma_start3A_246] : memref<10240x32xf32, #tpu.memory_space<vmem_shared>> -> memref<10240x32xf32, #tpu.memory_space<vmem_shared>>
        tpu.enqueue_indirect_dma source(%dma_start3A_241 : memref<128x32xf32, #tpu.memory_space<vmem>>) target(%dma_start3A_247 : memref<10240x32xf32, #tpu.memory_space<vmem_shared>>) offsets(%dma_start3A_244 : memref<128xi32, #tpu.memory_space<vmem>>) semaphore(%arg13 : memref<!tpu.dma_semaphore, #tpu.memory_space<semaphore_mem>>) {add = true}
        %dma_wait3A_248 = arith.constant 5 : i32
        %dma_wait3A_249 = arith.constant 0 : i32
        %dma_wait3A_250 = arith.constant 0 : i32
        %dma_wait3A_251 = tpu.memref_slice %arg10[%dma_wait3A_248, %dma_wait3A_249, %dma_wait3A_250] : memref<8x128x32xf32, #tpu.memory_space<vmem>> -> memref<1x128x32xf32, #tpu.memory_space<vmem>>
        %dma_wait3A_252 = tpu.memref_squeeze %dma_wait3A_251 : memref<1x128x32xf32, #tpu.memory_space<vmem>> -> memref<128x32xf32, #tpu.memory_space<vmem>>
        %dma_wait3A_253 = arith.constant 0 : i32
        %dma_wait3A_254 = tpu.memref_slice %arg8[%add3A_91, %dma_wait3A_253] : memref<160x128xi32, #tpu.memory_space<vmem>> -> memref<1x128xi32, #tpu.memory_space<vmem>>
        %dma_wait3A_255 = tpu.memref_squeeze %dma_wait3A_254 : memref<1x128xi32, #tpu.memory_space<vmem>> -> memref<128xi32, #tpu.memory_space<vmem>>
        %dma_wait3A_256 = arith.constant 0 : i32
        %dma_wait3A_257 = arith.constant 0 : i32
        %dma_wait3A_258 = tpu.memref_slice %arg3[%dma_wait3A_256, %dma_wait3A_257] : memref<10000x32xf32, #tpu.memory_space<hbm>> -> memref<10000x32xf32, #tpu.memory_space<hbm>>
        tpu.wait_indirect_dma semaphore(%arg12 : memref<!tpu.dma_semaphore, #tpu.memory_space<semaphore_mem>>) src(%dma_wait3A_258 : memref<10000x32xf32, #tpu.memory_space<hbm>>) dst(%dma_wait3A_252 : memref<128x32xf32, #tpu.memory_space<vmem>>)
        %add3A_259 = arith.constant 5 : i32
        %add3A_260 = arith.addi %mul3A_26, %add3A_259 : i32
        %dma_start3A_261 = arith.constant 5 : i32
        %dma_start3A_262 = arith.constant 0 : i32
        %dma_start3A_263 = arith.constant 0 : i32
        %dma_start3A_264 = tpu.memref_slice %arg10[%dma_start3A_261, %dma_start3A_262, %dma_start3A_263] : memref<8x128x32xf32, #tpu.memory_space<vmem>> -> memref<1x128x32xf32, #tpu.memory_space<vmem>>
        %dma_start3A_265 = tpu.memref_squeeze %dma_start3A_264 : memref<1x128x32xf32, #tpu.memory_space<vmem>> -> memref<128x32xf32, #tpu.memory_space<vmem>>
        %dma_start3A_266 = arith.constant 0 : i32
        %dma_start3A_267 = tpu.memref_slice %arg9[%add3A_260, %dma_start3A_266] : memref<160x128xi32, #tpu.memory_space<vmem>> -> memref<1x128xi32, #tpu.memory_space<vmem>>
        %dma_start3A_268 = tpu.memref_squeeze %dma_start3A_267 : memref<1x128xi32, #tpu.memory_space<vmem>> -> memref<128xi32, #tpu.memory_space<vmem>>
        %dma_start3A_269 = arith.constant 0 : i32
        %dma_start3A_270 = arith.constant 0 : i32
        %dma_start3A_271 = tpu.memref_slice %arg11[%dma_start3A_269, %dma_start3A_270] : memref<10240x32xf32, #tpu.memory_space<vmem_shared>> -> memref<10240x32xf32, #tpu.memory_space<vmem_shared>>
        tpu.enqueue_indirect_dma source(%dma_start3A_265 : memref<128x32xf32, #tpu.memory_space<vmem>>) target(%dma_start3A_271 : memref<10240x32xf32, #tpu.memory_space<vmem_shared>>) offsets(%dma_start3A_268 : memref<128xi32, #tpu.memory_space<vmem>>) semaphore(%arg13 : memref<!tpu.dma_semaphore, #tpu.memory_space<semaphore_mem>>) {add = true}
        %dma_wait3A_272 = arith.constant 6 : i32
        %dma_wait3A_273 = arith.constant 0 : i32
        %dma_wait3A_274 = arith.constant 0 : i32
        %dma_wait3A_275 = tpu.memref_slice %arg10[%dma_wait3A_272, %dma_wait3A_273, %dma_wait3A_274] : memref<8x128x32xf32, #tpu.memory_space<vmem>> -> memref<1x128x32xf32, #tpu.memory_space<vmem>>
        %dma_wait3A_276 = tpu.memref_squeeze %dma_wait3A_275 : memref<1x128x32xf32, #tpu.memory_space<vmem>> -> memref<128x32xf32, #tpu.memory_space<vmem>>
        %dma_wait3A_277 = arith.constant 0 : i32
        %dma_wait3A_278 = tpu.memref_slice %arg8[%add3A_104, %dma_wait3A_277] : memref<160x128xi32, #tpu.memory_space<vmem>> -> memref<1x128xi32, #tpu.memory_space<vmem>>
        %dma_wait3A_279 = tpu.memref_squeeze %dma_wait3A_278 : memref<1x128xi32, #tpu.memory_space<vmem>> -> memref<128xi32, #tpu.memory_space<vmem>>
        %dma_wait3A_280 = arith.constant 0 : i32
        %dma_wait3A_281 = arith.constant 0 : i32
        %dma_wait3A_282 = tpu.memref_slice %arg3[%dma_wait3A_280, %dma_wait3A_281] : memref<10000x32xf32, #tpu.memory_space<hbm>> -> memref<10000x32xf32, #tpu.memory_space<hbm>>
        tpu.wait_indirect_dma semaphore(%arg12 : memref<!tpu.dma_semaphore, #tpu.memory_space<semaphore_mem>>) src(%dma_wait3A_282 : memref<10000x32xf32, #tpu.memory_space<hbm>>) dst(%dma_wait3A_276 : memref<128x32xf32, #tpu.memory_space<vmem>>)
        %add3A_283 = arith.constant 6 : i32
        %add3A_284 = arith.addi %mul3A_26, %add3A_283 : i32
        %dma_start3A_285 = arith.constant 6 : i32
        %dma_start3A_286 = arith.constant 0 : i32
        %dma_start3A_287 = arith.constant 0 : i32
        %dma_start3A_288 = tpu.memref_slice %arg10[%dma_start3A_285, %dma_start3A_286, %dma_start3A_287] : memref<8x128x32xf32, #tpu.memory_space<vmem>> -> memref<1x128x32xf32, #tpu.memory_space<vmem>>
        %dma_start3A_289 = tpu.memref_squeeze %dma_start3A_288 : memref<1x128x32xf32, #tpu.memory_space<vmem>> -> memref<128x32xf32, #tpu.memory_space<vmem>>
        %dma_start3A_290 = arith.constant 0 : i32
        %dma_start3A_291 = tpu.memref_slice %arg9[%add3A_284, %dma_start3A_290] : memref<160x128xi32, #tpu.memory_space<vmem>> -> memref<1x128xi32, #tpu.memory_space<vmem>>
        %dma_start3A_292 = tpu.memref_squeeze %dma_start3A_291 : memref<1x128xi32, #tpu.memory_space<vmem>> -> memref<128xi32, #tpu.memory_space<vmem>>
        %dma_start3A_293 = arith.constant 0 : i32
        %dma_start3A_294 = arith.constant 0 : i32
        %dma_start3A_295 = tpu.memref_slice %arg11[%dma_start3A_293, %dma_start3A_294] : memref<10240x32xf32, #tpu.memory_space<vmem_shared>> -> memref<10240x32xf32, #tpu.memory_space<vmem_shared>>
        tpu.enqueue_indirect_dma source(%dma_start3A_289 : memref<128x32xf32, #tpu.memory_space<vmem>>) target(%dma_start3A_295 : memref<10240x32xf32, #tpu.memory_space<vmem_shared>>) offsets(%dma_start3A_292 : memref<128xi32, #tpu.memory_space<vmem>>) semaphore(%arg13 : memref<!tpu.dma_semaphore, #tpu.memory_space<semaphore_mem>>) {add = true}
        %dma_wait3A_296 = arith.constant 7 : i32
        %dma_wait3A_297 = arith.constant 0 : i32
        %dma_wait3A_298 = arith.constant 0 : i32
        %dma_wait3A_299 = tpu.memref_slice %arg10[%dma_wait3A_296, %dma_wait3A_297, %dma_wait3A_298] : memref<8x128x32xf32, #tpu.memory_space<vmem>> -> memref<1x128x32xf32, #tpu.memory_space<vmem>>
        %dma_wait3A_300 = tpu.memref_squeeze %dma_wait3A_299 : memref<1x128x32xf32, #tpu.memory_space<vmem>> -> memref<128x32xf32, #tpu.memory_space<vmem>>
        %dma_wait3A_301 = arith.constant 0 : i32
        %dma_wait3A_302 = tpu.memref_slice %arg8[%add3A_117, %dma_wait3A_301] : memref<160x128xi32, #tpu.memory_space<vmem>> -> memref<1x128xi32, #tpu.memory_space<vmem>>
        %dma_wait3A_303 = tpu.memref_squeeze %dma_wait3A_302 : memref<1x128xi32, #tpu.memory_space<vmem>> -> memref<128xi32, #tpu.memory_space<vmem>>
        %dma_wait3A_304 = arith.constant 0 : i32
        %dma_wait3A_305 = arith.constant 0 : i32
        %dma_wait3A_306 = tpu.memref_slice %arg3[%dma_wait3A_304, %dma_wait3A_305] : memref<10000x32xf32, #tpu.memory_space<hbm>> -> memref<10000x32xf32, #tpu.memory_space<hbm>>
        tpu.wait_indirect_dma semaphore(%arg12 : memref<!tpu.dma_semaphore, #tpu.memory_space<semaphore_mem>>) src(%dma_wait3A_306 : memref<10000x32xf32, #tpu.memory_space<hbm>>) dst(%dma_wait3A_300 : memref<128x32xf32, #tpu.memory_space<vmem>>)
        %add3A_307 = arith.constant 7 : i32
        %add3A_308 = arith.addi %mul3A_26, %add3A_307 : i32
        %dma_start3A_309 = arith.constant 7 : i32
        %dma_start3A_310 = arith.constant 0 : i32
        %dma_start3A_311 = arith.constant 0 : i32
        %dma_start3A_312 = tpu.memref_slice %arg10[%dma_start3A_309, %dma_start3A_310, %dma_start3A_311] : memref<8x128x32xf32, #tpu.memory_space<vmem>> -> memref<1x128x32xf32, #tpu.memory_space<vmem>>
        %dma_start3A_313 = tpu.memref_squeeze %dma_start3A_312 : memref<1x128x32xf32, #tpu.memory_space<vmem>> -> memref<128x32xf32, #tpu.memory_space<vmem>>
        %dma_start3A_314 = arith.constant 0 : i32
        %dma_start3A_315 = tpu.memref_slice %arg9[%add3A_308, %dma_start3A_314] : memref<160x128xi32, #tpu.memory_space<vmem>> -> memref<1x128xi32, #tpu.memory_space<vmem>>
        %dma_start3A_316 = tpu.memref_squeeze %dma_start3A_315 : memref<1x128xi32, #tpu.memory_space<vmem>> -> memref<128xi32, #tpu.memory_space<vmem>>
        %dma_start3A_317 = arith.constant 0 : i32
        %dma_start3A_318 = arith.constant 0 : i32
        %dma_start3A_319 = tpu.memref_slice %arg11[%dma_start3A_317, %dma_start3A_318] : memref<10240x32xf32, #tpu.memory_space<vmem_shared>> -> memref<10240x32xf32, #tpu.memory_space<vmem_shared>>
        tpu.enqueue_indirect_dma source(%dma_start3A_313 : memref<128x32xf32, #tpu.memory_space<vmem>>) target(%dma_start3A_319 : memref<10240x32xf32, #tpu.memory_space<vmem_shared>>) offsets(%dma_start3A_316 : memref<128xi32, #tpu.memory_space<vmem>>) semaphore(%arg13 : memref<!tpu.dma_semaphore, #tpu.memory_space<semaphore_mem>>) {add = true}
        %dma_wait3A_320 = arith.constant 0 : i32
        %dma_wait3A_321 = arith.constant 0 : i32
        %dma_wait3A_322 = arith.constant 0 : i32
        %dma_wait3A_323 = tpu.memref_slice %arg10[%dma_wait3A_320, %dma_wait3A_321, %dma_wait3A_322] : memref<8x128x32xf32, #tpu.memory_space<vmem>> -> memref<1x128x32xf32, #tpu.memory_space<vmem>>
        %dma_wait3A_324 = tpu.memref_squeeze %dma_wait3A_323 : memref<1x128x32xf32, #tpu.memory_space<vmem>> -> memref<128x32xf32, #tpu.memory_space<vmem>>
        %dma_wait3A_325 = arith.constant 0 : i32
        %dma_wait3A_326 = tpu.memref_slice %arg9[%add3A_140, %dma_wait3A_325] : memref<160x128xi32, #tpu.memory_space<vmem>> -> memref<1x128xi32, #tpu.memory_space<vmem>>
        %dma_wait3A_327 = tpu.memref_squeeze %dma_wait3A_326 : memref<1x128xi32, #tpu.memory_space<vmem>> -> memref<128xi32, #tpu.memory_space<vmem>>
        %dma_wait3A_328 = arith.constant 0 : i32
        %dma_wait3A_329 = arith.constant 0 : i32
        %dma_wait3A_330 = tpu.memref_slice %arg11[%dma_wait3A_328, %dma_wait3A_329] : memref<10240x32xf32, #tpu.memory_space<vmem_shared>> -> memref<10240x32xf32, #tpu.memory_space<vmem_shared>>
        tpu.wait_indirect_dma semaphore(%arg13 : memref<!tpu.dma_semaphore, #tpu.memory_space<semaphore_mem>>) src(%dma_wait3A_324 : memref<128x32xf32, #tpu.memory_space<vmem>>) dst(%dma_wait3A_330 : memref<10240x32xf32, #tpu.memory_space<vmem_shared>>)
        %dma_wait3A_331 = arith.constant 1 : i32
        %dma_wait3A_332 = arith.constant 0 : i32
        %dma_wait3A_333 = arith.constant 0 : i32
        %dma_wait3A_334 = tpu.memref_slice %arg10[%dma_wait3A_331, %dma_wait3A_332, %dma_wait3A_333] : memref<8x128x32xf32, #tpu.memory_space<vmem>> -> memref<1x128x32xf32, #tpu.memory_space<vmem>>
        %dma_wait3A_335 = tpu.memref_squeeze %dma_wait3A_334 : memref<1x128x32xf32, #tpu.memory_space<vmem>> -> memref<128x32xf32, #tpu.memory_space<vmem>>
        %dma_wait3A_336 = arith.constant 0 : i32
        %dma_wait3A_337 = tpu.memref_slice %arg9[%add3A_164, %dma_wait3A_336] : memref<160x128xi32, #tpu.memory_space<vmem>> -> memref<1x128xi32, #tpu.memory_space<vmem>>
        %dma_wait3A_338 = tpu.memref_squeeze %dma_wait3A_337 : memref<1x128xi32, #tpu.memory_space<vmem>> -> memref<128xi32, #tpu.memory_space<vmem>>
        %dma_wait3A_339 = arith.constant 0 : i32
        %dma_wait3A_340 = arith.constant 0 : i32
        %dma_wait3A_341 = tpu.memref_slice %arg11[%dma_wait3A_339, %dma_wait3A_340] : memref<10240x32xf32, #tpu.memory_space<vmem_shared>> -> memref<10240x32xf32, #tpu.memory_space<vmem_shared>>
        tpu.wait_indirect_dma semaphore(%arg13 : memref<!tpu.dma_semaphore, #tpu.memory_space<semaphore_mem>>) src(%dma_wait3A_335 : memref<128x32xf32, #tpu.memory_space<vmem>>) dst(%dma_wait3A_341 : memref<10240x32xf32, #tpu.memory_space<vmem_shared>>)
        %dma_wait3A_342 = arith.constant 2 : i32
        %dma_wait3A_343 = arith.constant 0 : i32
        %dma_wait3A_344 = arith.constant 0 : i32
        %dma_wait3A_345 = tpu.memref_slice %arg10[%dma_wait3A_342, %dma_wait3A_343, %dma_wait3A_344] : memref<8x128x32xf32, #tpu.memory_space<vmem>> -> memref<1x128x32xf32, #tpu.memory_space<vmem>>
        %dma_wait3A_346 = tpu.memref_squeeze %dma_wait3A_345 : memref<1x128x32xf32, #tpu.memory_space<vmem>> -> memref<128x32xf32, #tpu.memory_space<vmem>>
        %dma_wait3A_347 = arith.constant 0 : i32
        %dma_wait3A_348 = tpu.memref_slice %arg9[%add3A_188, %dma_wait3A_347] : memref<160x128xi32, #tpu.memory_space<vmem>> -> memref<1x128xi32, #tpu.memory_space<vmem>>
        %dma_wait3A_349 = tpu.memref_squeeze %dma_wait3A_348 : memref<1x128xi32, #tpu.memory_space<vmem>> -> memref<128xi32, #tpu.memory_space<vmem>>
        %dma_wait3A_350 = arith.constant 0 : i32
        %dma_wait3A_351 = arith.constant 0 : i32
        %dma_wait3A_352 = tpu.memref_slice %arg11[%dma_wait3A_350, %dma_wait3A_351] : memref<10240x32xf32, #tpu.memory_space<vmem_shared>> -> memref<10240x32xf32, #tpu.memory_space<vmem_shared>>
        tpu.wait_indirect_dma semaphore(%arg13 : memref<!tpu.dma_semaphore, #tpu.memory_space<semaphore_mem>>) src(%dma_wait3A_346 : memref<128x32xf32, #tpu.memory_space<vmem>>) dst(%dma_wait3A_352 : memref<10240x32xf32, #tpu.memory_space<vmem_shared>>)
        %dma_wait3A_353 = arith.constant 3 : i32
        %dma_wait3A_354 = arith.constant 0 : i32
        %dma_wait3A_355 = arith.constant 0 : i32
        %dma_wait3A_356 = tpu.memref_slice %arg10[%dma_wait3A_353, %dma_wait3A_354, %dma_wait3A_355] : memref<8x128x32xf32, #tpu.memory_space<vmem>> -> memref<1x128x32xf32, #tpu.memory_space<vmem>>
        %dma_wait3A_357 = tpu.memref_squeeze %dma_wait3A_356 : memref<1x128x32xf32, #tpu.memory_space<vmem>> -> memref<128x32xf32, #tpu.memory_space<vmem>>
        %dma_wait3A_358 = arith.constant 0 : i32
        %dma_wait3A_359 = tpu.memref_slice %arg9[%add3A_212, %dma_wait3A_358] : memref<160x128xi32, #tpu.memory_space<vmem>> -> memref<1x128xi32, #tpu.memory_space<vmem>>
        %dma_wait3A_360 = tpu.memref_squeeze %dma_wait3A_359 : memref<1x128xi32, #tpu.memory_space<vmem>> -> memref<128xi32, #tpu.memory_space<vmem>>
        %dma_wait3A_361 = arith.constant 0 : i32
        %dma_wait3A_362 = arith.constant 0 : i32
        %dma_wait3A_363 = tpu.memref_slice %arg11[%dma_wait3A_361, %dma_wait3A_362] : memref<10240x32xf32, #tpu.memory_space<vmem_shared>> -> memref<10240x32xf32, #tpu.memory_space<vmem_shared>>
        tpu.wait_indirect_dma semaphore(%arg13 : memref<!tpu.dma_semaphore, #tpu.memory_space<semaphore_mem>>) src(%dma_wait3A_357 : memref<128x32xf32, #tpu.memory_space<vmem>>) dst(%dma_wait3A_363 : memref<10240x32xf32, #tpu.memory_space<vmem_shared>>)
        %dma_wait3A_364 = arith.constant 4 : i32
        %dma_wait3A_365 = arith.constant 0 : i32
        %dma_wait3A_366 = arith.constant 0 : i32
        %dma_wait3A_367 = tpu.memref_slice %arg10[%dma_wait3A_364, %dma_wait3A_365, %dma_wait3A_366] : memref<8x128x32xf32, #tpu.memory_space<vmem>> -> memref<1x128x32xf32, #tpu.memory_space<vmem>>
        %dma_wait3A_368 = tpu.memref_squeeze %dma_wait3A_367 : memref<1x128x32xf32, #tpu.memory_space<vmem>> -> memref<128x32xf32, #tpu.memory_space<vmem>>
        %dma_wait3A_369 = arith.constant 0 : i32
        %dma_wait3A_370 = tpu.memref_slice %arg9[%add3A_236, %dma_wait3A_369] : memref<160x128xi32, #tpu.memory_space<vmem>> -> memref<1x128xi32, #tpu.memory_space<vmem>>
        %dma_wait3A_371 = tpu.memref_squeeze %dma_wait3A_370 : memref<1x128xi32, #tpu.memory_space<vmem>> -> memref<128xi32, #tpu.memory_space<vmem>>
        %dma_wait3A_372 = arith.constant 0 : i32
        %dma_wait3A_373 = arith.constant 0 : i32
        %dma_wait3A_374 = tpu.memref_slice %arg11[%dma_wait3A_372, %dma_wait3A_373] : memref<10240x32xf32, #tpu.memory_space<vmem_shared>> -> memref<10240x32xf32, #tpu.memory_space<vmem_shared>>
        tpu.wait_indirect_dma semaphore(%arg13 : memref<!tpu.dma_semaphore, #tpu.memory_space<semaphore_mem>>) src(%dma_wait3A_368 : memref<128x32xf32, #tpu.memory_space<vmem>>) dst(%dma_wait3A_374 : memref<10240x32xf32, #tpu.memory_space<vmem_shared>>)
        %dma_wait3A_375 = arith.constant 5 : i32
        %dma_wait3A_376 = arith.constant 0 : i32
        %dma_wait3A_377 = arith.constant 0 : i32
        %dma_wait3A_378 = tpu.memref_slice %arg10[%dma_wait3A_375, %dma_wait3A_376, %dma_wait3A_377] : memref<8x128x32xf32, #tpu.memory_space<vmem>> -> memref<1x128x32xf32, #tpu.memory_space<vmem>>
        %dma_wait3A_379 = tpu.memref_squeeze %dma_wait3A_378 : memref<1x128x32xf32, #tpu.memory_space<vmem>> -> memref<128x32xf32, #tpu.memory_space<vmem>>
        %dma_wait3A_380 = arith.constant 0 : i32
        %dma_wait3A_381 = tpu.memref_slice %arg9[%add3A_260, %dma_wait3A_380] : memref<160x128xi32, #tpu.memory_space<vmem>> -> memref<1x128xi32, #tpu.memory_space<vmem>>
        %dma_wait3A_382 = tpu.memref_squeeze %dma_wait3A_381 : memref<1x128xi32, #tpu.memory_space<vmem>> -> memref<128xi32, #tpu.memory_space<vmem>>
        %dma_wait3A_383 = arith.constant 0 : i32
        %dma_wait3A_384 = arith.constant 0 : i32
        %dma_wait3A_385 = tpu.memref_slice %arg11[%dma_wait3A_383, %dma_wait3A_384] : memref<10240x32xf32, #tpu.memory_space<vmem_shared>> -> memref<10240x32xf32, #tpu.memory_space<vmem_shared>>
        tpu.wait_indirect_dma semaphore(%arg13 : memref<!tpu.dma_semaphore, #tpu.memory_space<semaphore_mem>>) src(%dma_wait3A_379 : memref<128x32xf32, #tpu.memory_space<vmem>>) dst(%dma_wait3A_385 : memref<10240x32xf32, #tpu.memory_space<vmem_shared>>)
        %dma_wait3A_386 = arith.constant 6 : i32
        %dma_wait3A_387 = arith.constant 0 : i32
        %dma_wait3A_388 = arith.constant 0 : i32
        %dma_wait3A_389 = tpu.memref_slice %arg10[%dma_wait3A_386, %dma_wait3A_387, %dma_wait3A_388] : memref<8x128x32xf32, #tpu.memory_space<vmem>> -> memref<1x128x32xf32, #tpu.memory_space<vmem>>
        %dma_wait3A_390 = tpu.memref_squeeze %dma_wait3A_389 : memref<1x128x32xf32, #tpu.memory_space<vmem>> -> memref<128x32xf32, #tpu.memory_space<vmem>>
        %dma_wait3A_391 = arith.constant 0 : i32
        %dma_wait3A_392 = tpu.memref_slice %arg9[%add3A_284, %dma_wait3A_391] : memref<160x128xi32, #tpu.memory_space<vmem>> -> memref<1x128xi32, #tpu.memory_space<vmem>>
        %dma_wait3A_393 = tpu.memref_squeeze %dma_wait3A_392 : memref<1x128xi32, #tpu.memory_space<vmem>> -> memref<128xi32, #tpu.memory_space<vmem>>
        %dma_wait3A_394 = arith.constant 0 : i32
        %dma_wait3A_395 = arith.constant 0 : i32
        %dma_wait3A_396 = tpu.memref_slice %arg11[%dma_wait3A_394, %dma_wait3A_395] : memref<10240x32xf32, #tpu.memory_space<vmem_shared>> -> memref<10240x32xf32, #tpu.memory_space<vmem_shared>>
        tpu.wait_indirect_dma semaphore(%arg13 : memref<!tpu.dma_semaphore, #tpu.memory_space<semaphore_mem>>) src(%dma_wait3A_390 : memref<128x32xf32, #tpu.memory_space<vmem>>) dst(%dma_wait3A_396 : memref<10240x32xf32, #tpu.memory_space<vmem_shared>>)
        %dma_wait3A_397 = arith.constant 7 : i32
        %dma_wait3A_398 = arith.constant 0 : i32
        %dma_wait3A_399 = arith.constant 0 : i32
        %dma_wait3A_400 = tpu.memref_slice %arg10[%dma_wait3A_397, %dma_wait3A_398, %dma_wait3A_399] : memref<8x128x32xf32, #tpu.memory_space<vmem>> -> memref<1x128x32xf32, #tpu.memory_space<vmem>>
        %dma_wait3A_401 = tpu.memref_squeeze %dma_wait3A_400 : memref<1x128x32xf32, #tpu.memory_space<vmem>> -> memref<128x32xf32, #tpu.memory_space<vmem>>
        %dma_wait3A_402 = arith.constant 0 : i32
        %dma_wait3A_403 = tpu.memref_slice %arg9[%add3A_308, %dma_wait3A_402] : memref<160x128xi32, #tpu.memory_space<vmem>> -> memref<1x128xi32, #tpu.memory_space<vmem>>
        %dma_wait3A_404 = tpu.memref_squeeze %dma_wait3A_403 : memref<1x128xi32, #tpu.memory_space<vmem>> -> memref<128xi32, #tpu.memory_space<vmem>>
        %dma_wait3A_405 = arith.constant 0 : i32
        %dma_wait3A_406 = arith.constant 0 : i32
        %dma_wait3A_407 = tpu.memref_slice %arg11[%dma_wait3A_405, %dma_wait3A_406] : memref<10240x32xf32, #tpu.memory_space<vmem_shared>> -> memref<10240x32xf32, #tpu.memory_space<vmem_shared>>
        tpu.wait_indirect_dma semaphore(%arg13 : memref<!tpu.dma_semaphore, #tpu.memory_space<semaphore_mem>>) src(%dma_wait3A_401 : memref<128x32xf32, #tpu.memory_space<vmem>>) dst(%dma_wait3A_407 : memref<10240x32xf32, #tpu.memory_space<vmem_shared>>)
      }
      %scan3A_23 = arith.constant 20 : i32
    } else {
    }
    %barrier3A_8 = arith.constant 0 : index
    tpu.barrier barrier_id(%barrier3A_8)
    %eq3A_9 = arith.constant 0 : i32
    %eq3A_10 = arith.cmpi eq, %arg0, %eq3A_9 : i32
    %convert_element_type3A_11 = arith.extui %eq3A_10 : i1 to i32
    %cond3A_12 = arith.constant 0 : i32
    %cond3A_13 = arith.cmpi ne, %convert_element_type3A_11, %cond3A_12 : i32
    scf.if %cond3A_13 {
      %mul3A_19 = arith.constant 640 : i32
      %mul3A_20 = arith.muli %arg1, %mul3A_19 : i32
      %mul3A_21 = arith.constant 640 : i32
      %mul3A_22 = arith.muli %arg1, %mul3A_21 : i32
      "tpu.region"() ({
        %run_scoped3A = tpu.sem_alloc : memref<!tpu.dma_semaphore, #tpu.memory_space<semaphore_mem>>
        %dma_start3A = arith.constant 0 : i32
        %dma_start3A_23 = tpu.memref_slice %arg7[%mul3A_22, %dma_start3A] : memref<10240x128xf32, #tpu.memory_space<hbm>> -> memref<640x32xf32, #tpu.memory_space<hbm>>
        %dma_start3A_24 = arith.constant 0 : i32
        %dma_start3A_25 = tpu.memref_slice %arg11[%mul3A_20, %dma_start3A_24] : memref<10240x32xf32, #tpu.memory_space<vmem_shared>> -> memref<640x32xf32, #tpu.memory_space<vmem_shared>>
        tpu.enqueue_dma source(%dma_start3A_25 : memref<640x32xf32, #tpu.memory_space<vmem_shared>>) target(%dma_start3A_23 : memref<640x32xf32, #tpu.memory_space<hbm>>) target_semaphore(%run_scoped3A : memref<!tpu.dma_semaphore, #tpu.memory_space<semaphore_mem>>)
        %dma_wait3A = arith.constant 0 : i32
        %dma_wait3A_26 = tpu.memref_slice %arg7[%mul3A_22, %dma_wait3A] : memref<10240x128xf32, #tpu.memory_space<hbm>> -> memref<640x32xf32, #tpu.memory_space<hbm>>
        %dma_wait3A_27 = arith.constant 0 : i32
        %dma_wait3A_28 = tpu.memref_slice %arg11[%mul3A_20, %dma_wait3A_27] : memref<10240x32xf32, #tpu.memory_space<vmem_shared>> -> memref<640x32xf32, #tpu.memory_space<vmem_shared>>
        tpu.wait_dma2 semaphore(%run_scoped3A : memref<!tpu.dma_semaphore, #tpu.memory_space<semaphore_mem>>) src(%dma_wait3A_28 : memref<640x32xf32, #tpu.memory_space<vmem_shared>>) dst(%dma_wait3A_26 : memref<640x32xf32, #tpu.memory_space<hbm>>)
        tpu.yield
      }) : () -> ()
    } else {
    }
    %eq3A_14 = arith.constant 1 : i32
    %eq3A_15 = arith.cmpi eq, %arg0, %eq3A_14 : i32
    %convert_element_type3A_16 = arith.extui %eq3A_15 : i1 to i32
    %cond3A_17 = arith.constant 0 : i32
    %cond3A_18 = arith.cmpi ne, %convert_element_type3A_16, %cond3A_17 : i32
    scf.if %cond3A_18 {
      %mul3A_19 = arith.constant 640 : i32
      %mul3A_20 = arith.muli %arg1, %mul3A_19 : i32
      %mul3A_21 = arith.constant 640 : i32
      %mul3A_22 = arith.muli %arg1, %mul3A_21 : i32
      "tpu.region"() ({
        %run_scoped3A = tpu.sem_alloc : memref<!tpu.dma_semaphore, #tpu.memory_space<semaphore_mem>>
        %dma_start3A = arith.constant 32 : i32
        %dma_start3A_23 = tpu.memref_slice %arg7[%mul3A_22, %dma_start3A] : memref<10240x128xf32, #tpu.memory_space<hbm>> -> memref<640x32xf32, #tpu.memory_space<hbm>>
        %dma_start3A_24 = arith.constant 0 : i32
        %dma_start3A_25 = tpu.memref_slice %arg11[%mul3A_20, %dma_start3A_24] : memref<10240x32xf32, #tpu.memory_space<vmem_shared>> -> memref<640x32xf32, #tpu.memory_space<vmem_shared>>
        tpu.enqueue_dma source(%dma_start3A_25 : memref<640x32xf32, #tpu.memory_space<vmem_shared>>) target(%dma_start3A_23 : memref<640x32xf32, #tpu.memory_space<hbm>>) target_semaphore(%run_scoped3A : memref<!tpu.dma_semaphore, #tpu.memory_space<semaphore_mem>>)
        %dma_wait3A = arith.constant 32 : i32
        %dma_wait3A_26 = tpu.memref_slice %arg7[%mul3A_22, %dma_wait3A] : memref<10240x128xf32, #tpu.memory_space<hbm>> -> memref<640x32xf32, #tpu.memory_space<hbm>>
        %dma_wait3A_27 = arith.constant 0 : i32
        %dma_wait3A_28 = tpu.memref_slice %arg11[%mul3A_20, %dma_wait3A_27] : memref<10240x32xf32, #tpu.memory_space<vmem_shared>> -> memref<640x32xf32, #tpu.memory_space<vmem_shared>>
        tpu.wait_dma2 semaphore(%run_scoped3A : memref<!tpu.dma_semaphore, #tpu.memory_space<semaphore_mem>>) src(%dma_wait3A_28 : memref<640x32xf32, #tpu.memory_space<vmem_shared>>) dst(%dma_wait3A_26 : memref<640x32xf32, #tpu.memory_space<hbm>>)
        tpu.yield
      }) : () -> ()
    } else {
    }
    return
  }
}

module attributes {stable_mosaic.version = 14 : i64} {
  func.func @_tc1_body(%arg0: i32, %arg1: memref<1000x128xf32, #tpu.memory_space<vmem>>, %arg2: memref<128x128xf32, #tpu.memory_space<vmem>>, %arg3: memref<128x128xf32, #tpu.memory_space<vmem>>, %arg4: memref<2x256x128xi32, #tpu.memory_space<vmem>>, %arg5: memref<1000x64xf32, #tpu.memory_space<vmem>>, %arg6: memref<1000x64xf32, #tpu.memory_space<vmem>>, %arg7: memref<1000x128xf32, #tpu.memory_space<vmem>>, %arg8: memref<256x128xi32, #tpu.memory_space<vmem>>, %arg9: memref<256x128xi32, #tpu.memory_space<vmem>>) attributes {dimension_semantics = [#tpu.dimension_semantics<arbitrary>], iteration_bounds = array<i64: 10>, scalar_prefetch = 0 : i64, scratch_operands = 0 : i64, tpu.core_type = #tpu.core_type<tc>, window_params = [{transform_indices = @transform_0, window_bounds = array<i64: 1000, 128>}, {pipeline_mode = #tpu.pipeline_mode<synchronous>, transform_indices = @transform_1, window_bounds = array<i64: 128, 128>}, {pipeline_mode = #tpu.pipeline_mode<synchronous>, transform_indices = @transform_2, window_bounds = array<i64: 128, 128>}, {transform_indices = @transform_3, window_bounds = array<i64: 2, 256, 128>}, {transform_indices = @transform_4, window_bounds = array<i64: 1000, 64>}, {transform_indices = @transform_5, window_bounds = array<i64: 1000, 64>}, {transform_indices = @transform_6, window_bounds = array<i64: 1000, 128>}, {transform_indices = @transform_7, window_bounds = array<i64: 256, 128>}, {transform_indices = @transform_8, window_bounds = array<i64: 256, 128>}]} {
    %get3A = arith.constant 0 : index
    %get3A_0 = arith.constant 0 : index
    %get3A_1 = vector.load %arg1[%get3A, %get3A_0] : memref<1000x128xf32, #tpu.memory_space<vmem>>, vector<1000x128xf32>
    %get3A_2 = arith.constant 0 : index
    %get3A_3 = arith.constant 0 : index
    %get3A_4 = vector.load %arg2[%get3A_2, %get3A_3] : memref<128x128xf32, #tpu.memory_space<vmem>>, vector<128x128xf32>
    %dot_general3A = arith.constant dense<0.000000e+00> : vector<1000x128xf32>
    %dot_general3A_5 = tpu.matmul %get3A_1, %get3A_4, %dot_general3A {dimension_numbers = #tpu.dot_dimension_numbers<[1], [1], [0], [0], [0, 0, 1, 0], [], []>, transpose_lhs_hint = false} : vector<1000x128xf32>, vector<128x128xf32>, vector<1000x128xf32> -> vector<1000x128xf32>
    %get3A_6 = arith.constant 0 : index
    %get3A_7 = arith.constant 0 : index
    %get3A_8 = vector.load %arg3[%get3A_6, %get3A_7] : memref<128x128xf32, #tpu.memory_space<vmem>>, vector<128x128xf32>
    %dot_general3A_9 = arith.constant dense<0.000000e+00> : vector<1000x128xf32>
    %dot_general3A_10 = tpu.matmul %get3A_1, %get3A_8, %dot_general3A_9 {dimension_numbers = #tpu.dot_dimension_numbers<[1], [1], [0], [0], [0, 0, 1, 0], [], []>, transpose_lhs_hint = false} : vector<1000x128xf32>, vector<128x128xf32>, vector<1000x128xf32> -> vector<1000x128xf32>
    %swap3A = arith.constant 0 : index
    %swap3A_11 = arith.constant 0 : index
    %swap3A_12 = vector.load %arg7[%swap3A, %swap3A_11] : memref<1000x128xf32, #tpu.memory_space<vmem>>, vector<1000x128xf32>
    tpu.vector_store %arg7[%swap3A, %swap3A_11], %dot_general3A_10 {strides = array<i32>} : memref<1000x128xf32, #tpu.memory_space<vmem>>, vector<1000x128xf32>,
    %slice3A = vector.extract_strided_slice %dot_general3A_5 {offsets = [0, 0], sizes = [1000, 64], strides = [1, 1]} : vector<1000x128xf32> to vector<1000x64xf32>
    %swap3A_13 = arith.constant 0 : index
    %swap3A_14 = arith.constant 0 : index
    %swap3A_15 = vector.load %arg5[%swap3A_13, %swap3A_14] : memref<1000x64xf32, #tpu.memory_space<vmem>>, vector<1000x64xf32>
    tpu.vector_store %arg5[%swap3A_13, %swap3A_14], %slice3A {strides = array<i32>} : memref<1000x64xf32, #tpu.memory_space<vmem>>, vector<1000x64xf32>,
    %slice3A_16 = vector.extract_strided_slice %dot_general3A_5 {offsets = [0, 64], sizes = [1000, 64], strides = [1, 1]} : vector<1000x128xf32> to vector<1000x64xf32>
    %swap3A_17 = arith.constant 0 : index
    %swap3A_18 = arith.constant 0 : index
    %swap3A_19 = vector.load %arg6[%swap3A_17, %swap3A_18] : memref<1000x64xf32, #tpu.memory_space<vmem>>, vector<1000x64xf32>
    tpu.vector_store %arg6[%swap3A_17, %swap3A_18], %slice3A_16 {strides = array<i32>} : memref<1000x64xf32, #tpu.memory_space<vmem>>, vector<1000x64xf32>,
    %iota3A = tpu.iota {dimensions = array<i32: 0>} : vector<256x128xi32>
    %mul3A = arith.constant 256 : i32
    %mul3A_20 = arith.muli %arg0, %mul3A : i32
    %add3A = vector.broadcast %mul3A_20 : i32 to vector<256x128xi32>
    %add3A_21 = arith.addi %iota3A, %add3A : vector<256x128xi32>
    %iota3A_22 = tpu.iota {dimensions = array<i32: 1>} : vector<256x128xi32>
    %lt3A = arith.constant 2500 : i32
    %lt3A_23 = vector.broadcast %lt3A : i32 to vector<256x128xi32>
    %lt3A_24 = arith.cmpi slt, %add3A_21, %lt3A_23 : vector<256x128xi32>
    %get3A_25 = arith.constant 0 : index
    %get3A_26 = arith.constant 0 : index
    %get3A_27 = arith.constant 0 : index
    %get3A_28 = vector.load %arg4[%get3A_25, %get3A_26, %get3A_27] : memref<2x256x128xi32, #tpu.memory_space<vmem>>, vector<1x256x128xi32>
    %get3A_29 = vector.shape_cast %get3A_28 : vector<1x256x128xi32> to vector<256x128xi32>
    %jit3A = arith.constant 0 : i32
    %broadcast_in_dim3A = vector.broadcast %jit3A : i32 to vector<256x128xi32>
    %select_n3A = arith.select %lt3A_24, %get3A_29, %broadcast_in_dim3A : vector<256x128xi1>, vector<256x128xi32>
    %swap3A_30 = arith.constant 0 : index
    %swap3A_31 = arith.constant 0 : index
    %swap3A_32 = vector.load %arg8[%swap3A_30, %swap3A_31] : memref<256x128xi32, #tpu.memory_space<vmem>>, vector<256x128xi32>
    tpu.vector_store %arg8[%swap3A_30, %swap3A_31], %select_n3A {strides = array<i32>} : memref<256x128xi32, #tpu.memory_space<vmem>>, vector<256x128xi32>,
    %get3A_33 = arith.constant 1 : index
    %get3A_34 = arith.constant 0 : index
    %get3A_35 = arith.constant 0 : index
    %get3A_36 = vector.load %arg4[%get3A_33, %get3A_34, %get3A_35] : memref<2x256x128xi32, #tpu.memory_space<vmem>>, vector<1x256x128xi32>
    %get3A_37 = vector.shape_cast %get3A_36 : vector<1x256x128xi32> to vector<256x128xi32>
    %add3A_38 = arith.constant 10000 : i32
    %add3A_39 = vector.broadcast %add3A_38 : i32 to vector<256x128xi32>
    %add3A_40 = arith.addi %add3A_39, %iota3A_22 : vector<256x128xi32>
    %select_n3A_41 = arith.select %lt3A_24, %get3A_37, %add3A_40 : vector<256x128xi1>, vector<256x128xi32>
    %swap3A_42 = arith.constant 0 : index
    %swap3A_43 = arith.constant 0 : index
    %swap3A_44 = vector.load %arg9[%swap3A_42, %swap3A_43] : memref<256x128xi32, #tpu.memory_space<vmem>>, vector<256x128xi32>
    tpu.vector_store %arg9[%swap3A_42, %swap3A_43], %select_n3A_41 {strides = array<i32>} : memref<256x128xi32, #tpu.memory_space<vmem>>, vector<256x128xi32>,
    return
  }
  func.func @transform_0(%arg0: i32) -> (i32, i32) {
    %c0_i32 = arith.constant 0 : i32
    %c0_i32_0 = arith.constant 0 : i32
    return %arg0, %c0_i32 : i32, i32
  }
  func.func @transform_1(%arg0: i32) -> (i32, i32) {
    %c0_i32 = arith.constant 0 : i32
    %c0_i32_0 = arith.constant 0 : i32
    %c0_i32_1 = arith.constant 0 : i32
    return %c0_i32, %c0_i32_0 : i32, i32
  }
  func.func @transform_2(%arg0: i32) -> (i32, i32) {
    %c0_i32 = arith.constant 0 : i32
    %c0_i32_0 = arith.constant 0 : i32
    %c0_i32_1 = arith.constant 0 : i32
    return %c0_i32, %c0_i32_0 : i32, i32
  }
  func.func @transform_3(%arg0: i32) -> (i32, i32, i32) {
    %c0_i32 = arith.constant 0 : i32
    %c0_i32_0 = arith.constant 0 : i32
    %c0_i32_1 = arith.constant 0 : i32
    return %c0_i32, %arg0, %c0_i32_0 : i32, i32, i32
  }
  func.func @transform_4(%arg0: i32) -> (i32, i32) {
    %c0_i32 = arith.constant 0 : i32
    %c0_i32_0 = arith.constant 0 : i32
    return %arg0, %c0_i32 : i32, i32
  }
  func.func @transform_5(%arg0: i32) -> (i32, i32) {
    %c0_i32 = arith.constant 0 : i32
    %c0_i32_0 = arith.constant 0 : i32
    return %arg0, %c0_i32 : i32, i32
  }
  func.func @transform_6(%arg0: i32) -> (i32, i32) {
    %c0_i32 = arith.constant 0 : i32
    %c0_i32_0 = arith.constant 0 : i32
    return %arg0, %c0_i32 : i32, i32
  }
  func.func @transform_7(%arg0: i32) -> (i32, i32) {
    %c0_i32 = arith.constant 0 : i32
    %c0_i32_0 = arith.constant 0 : i32
    return %arg0, %c0_i32 : i32, i32
  }
  func.func @transform_8(%arg0: i32) -> (i32, i32) {
    %c0_i32 = arith.constant 0 : i32
    %c0_i32_0 = arith.constant 0 : i32
    return %arg0, %c0_i32 : i32, i32
  }
}

module attributes {stable_mosaic.version = 14 : i64} {
  func.func @_tc2_body(%arg0: i32, %arg1: memref<1000x128xf32, #tpu.memory_space<vmem>>, %arg2: memref<1000x128xf32, #tpu.memory_space<vmem>>, %arg3: memref<1000x128xf32, #tpu.memory_space<vmem>>, %arg4: memref<1x128xf32, #tpu.memory_space<vmem>>, %arg5: memref<1x128xf32, #tpu.memory_space<vmem>>, %arg6: memref<1x128xf32, #tpu.memory_space<vmem>>, %arg7: memref<64x128xf32, #tpu.memory_space<vmem>>, %arg8: memref<64x128xf32, #tpu.memory_space<vmem>>, %arg9: memref<1000x32xf32, #tpu.memory_space<vmem>>, %arg10: memref<1000x32xf32, #tpu.memory_space<vmem>>, %arg11: memref<1000x64xf32, #tpu.memory_space<vmem>>, %arg12: memref<1000x16xf32, #tpu.memory_space<vmem>>) attributes {dimension_semantics = [#tpu.dimension_semantics<arbitrary>], iteration_bounds = array<i64: 10>, scalar_prefetch = 0 : i64, scratch_operands = 0 : i64, tpu.core_type = #tpu.core_type<tc>, window_params = [{transform_indices = @transform_0, window_bounds = array<i64: 1000, 128>}, {transform_indices = @transform_1, window_bounds = array<i64: 1000, 128>}, {transform_indices = @transform_2, window_bounds = array<i64: 1000, 128>}, {pipeline_mode = #tpu.pipeline_mode<synchronous>, transform_indices = @transform_3, window_bounds = array<i64: 1, 128>}, {pipeline_mode = #tpu.pipeline_mode<synchronous>, transform_indices = @transform_4, window_bounds = array<i64: 1, 128>}, {pipeline_mode = #tpu.pipeline_mode<synchronous>, transform_indices = @transform_5, window_bounds = array<i64: 1, 128>}, {pipeline_mode = #tpu.pipeline_mode<synchronous>, transform_indices = @transform_6, window_bounds = array<i64: 64, 128>}, {pipeline_mode = #tpu.pipeline_mode<synchronous>, transform_indices = @transform_7, window_bounds = array<i64: 64, 128>}, {transform_indices = @transform_8, window_bounds = array<i64: 1000, 32>}, {transform_indices = @transform_9, window_bounds = array<i64: 1000, 32>}, {transform_indices = @transform_10, window_bounds = array<i64: 1000, 64>}, {transform_indices = @transform_11, window_bounds = array<i64: 1000, 16>}]} {
    %get3A = arith.constant 0 : index
    %get3A_0 = arith.constant 0 : index
    %get3A_1 = vector.load %arg2[%get3A, %get3A_0] : memref<1000x128xf32, #tpu.memory_space<vmem>>, vector<1000x1xf32>
    %get3A_2 = arith.constant 0 : index
    %get3A_3 = arith.constant 16 : index
    %get3A_4 = vector.load %arg2[%get3A_2, %get3A_3] : memref<1000x128xf32, #tpu.memory_space<vmem>>, vector<1000x1xf32>
    %add3A = arith.addf %get3A_1, %get3A_4 : vector<1000x1xf32>
    %max3A = arith.constant 1.000000e+00 : f32
    %max3A_5 = vector.broadcast %max3A : f32 to vector<1000x1xf32>
    %max3A_6 = arith.maximumf %add3A, %max3A_5 : vector<1000x1xf32>
    %div3A = arith.constant 1.000000e+00 : f32
    %div3A_7 = vector.broadcast %div3A : f32 to vector<1000x1xf32>
    %div3A_8 = arith.divf %div3A_7, %max3A_6 : vector<1000x1xf32>
    %get3A_9 = arith.constant 0 : index
    %get3A_10 = arith.constant 0 : index
    %get3A_11 = vector.load %arg1[%get3A_9, %get3A_10] : memref<1000x128xf32, #tpu.memory_space<vmem>>, vector<1000x128xf32>
    %mul3A = vector.broadcast %div3A_8 : vector<1000x1xf32> to vector<1000x128xf32>
    %mul3A_12 = arith.mulf %get3A_11, %mul3A : vector<1000x128xf32>
    %get3A_13 = arith.constant 0 : index
    %get3A_14 = arith.constant 0 : index
    %get3A_15 = vector.load %arg4[%get3A_13, %get3A_14] : memref<1x128xf32, #tpu.memory_space<vmem>>, vector<1x128xf32>
    %add3A_16 = vector.broadcast %get3A_15 : vector<1x128xf32> to vector<1000x128xf32>
    %add3A_17 = arith.addf %mul3A_12, %add3A_16 : vector<1000x128xf32>
    %get3A_18 = arith.constant 0 : index
    %get3A_19 = arith.constant 0 : index
    %get3A_20 = vector.load %arg3[%get3A_18, %get3A_19] : memref<1000x128xf32, #tpu.memory_space<vmem>>, vector<1000x128xf32>
    %add3A_21 = arith.addf %add3A_17, %get3A_20 : vector<1000x128xf32>
    %sqrt3A = arith.constant 1.000010e+00 : f32
    %sqrt3A_22 = math.sqrt %sqrt3A : f32
    %div3A_23 = arith.constant 1.000000e+00 : f32
    %div3A_24 = arith.divf %div3A_23, %sqrt3A_22 : f32
    %mul3A_25 = vector.broadcast %div3A_24 : f32 to vector<1000x128xf32>
    %mul3A_26 = arith.mulf %add3A_21, %mul3A_25 : vector<1000x128xf32>
    %get3A_27 = arith.constant 0 : index
    %get3A_28 = arith.constant 0 : index
    %get3A_29 = vector.load %arg5[%get3A_27, %get3A_28] : memref<1x128xf32, #tpu.memory_space<vmem>>, vector<1x128xf32>
    %mul3A_30 = vector.broadcast %get3A_29 : vector<1x128xf32> to vector<1000x128xf32>
    %mul3A_31 = arith.mulf %mul3A_26, %mul3A_30 : vector<1000x128xf32>
    %get3A_32 = arith.constant 0 : index
    %get3A_33 = arith.constant 0 : index
    %get3A_34 = vector.load %arg6[%get3A_32, %get3A_33] : memref<1x128xf32, #tpu.memory_space<vmem>>, vector<1x128xf32>
    %add3A_35 = vector.broadcast %get3A_34 : vector<1x128xf32> to vector<1000x128xf32>
    %add3A_36 = arith.addf %mul3A_31, %add3A_35 : vector<1000x128xf32>
    %max3A_37 = arith.constant 0.000000e+00 : f32
    %max3A_38 = vector.broadcast %max3A_37 : f32 to vector<1000x128xf32>
    %max3A_39 = arith.maximumf %add3A_36, %max3A_38 : vector<1000x128xf32>
    %get3A_40 = arith.constant 0 : index
    %get3A_41 = arith.constant 0 : index
    %get3A_42 = vector.load %arg7[%get3A_40, %get3A_41] : memref<64x128xf32, #tpu.memory_space<vmem>>, vector<64x128xf32>
    %dot_general3A = arith.constant dense<0.000000e+00> : vector<1000x64xf32>
    %dot_general3A_43 = tpu.matmul %max3A_39, %get3A_42, %dot_general3A {dimension_numbers = #tpu.dot_dimension_numbers<[1], [1], [0], [0], [0, 0, 1, 0], [], []>, transpose_lhs_hint = false} : vector<1000x128xf32>, vector<64x128xf32>, vector<1000x64xf32> -> vector<1000x64xf32>
    %slice3A = vector.extract_strided_slice %dot_general3A_43 {offsets = [0, 0], sizes = [1000, 32], strides = [1, 1]} : vector<1000x64xf32> to vector<1000x32xf32>
    %swap3A = arith.constant 0 : index
    %swap3A_44 = arith.constant 0 : index
    %swap3A_45 = vector.load %arg9[%swap3A, %swap3A_44] : memref<1000x32xf32, #tpu.memory_space<vmem>>, vector<1000x32xf32>
    tpu.vector_store %arg9[%swap3A, %swap3A_44], %slice3A {strides = array<i32>} : memref<1000x32xf32, #tpu.memory_space<vmem>>, vector<1000x32xf32>,
    %slice3A_46 = vector.extract_strided_slice %dot_general3A_43 {offsets = [0, 32], sizes = [1000, 32], strides = [1, 1]} : vector<1000x64xf32> to vector<1000x32xf32>
    %swap3A_47 = arith.constant 0 : index
    %swap3A_48 = arith.constant 0 : index
    %swap3A_49 = vector.load %arg10[%swap3A_47, %swap3A_48] : memref<1000x32xf32, #tpu.memory_space<vmem>>, vector<1000x32xf32>
    tpu.vector_store %arg10[%swap3A_47, %swap3A_48], %slice3A_46 {strides = array<i32>} : memref<1000x32xf32, #tpu.memory_space<vmem>>, vector<1000x32xf32>,
    %get3A_50 = arith.constant 0 : index
    %get3A_51 = arith.constant 0 : index
    %get3A_52 = vector.load %arg8[%get3A_50, %get3A_51] : memref<64x128xf32, #tpu.memory_space<vmem>>, vector<64x128xf32>
    %dot_general3A_53 = arith.constant dense<0.000000e+00> : vector<1000x64xf32>
    %dot_general3A_54 = tpu.matmul %max3A_39, %get3A_52, %dot_general3A_53 {dimension_numbers = #tpu.dot_dimension_numbers<[1], [1], [0], [0], [0, 0, 1, 0], [], []>, transpose_lhs_hint = false} : vector<1000x128xf32>, vector<64x128xf32>, vector<1000x64xf32> -> vector<1000x64xf32>
    %swap3A_55 = arith.constant 0 : index
    %swap3A_56 = arith.constant 0 : index
    %swap3A_57 = vector.load %arg11[%swap3A_55, %swap3A_56] : memref<1000x64xf32, #tpu.memory_space<vmem>>, vector<1000x64xf32>
    tpu.vector_store %arg11[%swap3A_55, %swap3A_56], %dot_general3A_54 {strides = array<i32>} : memref<1000x64xf32, #tpu.memory_space<vmem>>, vector<1000x64xf32>,
    %broadcast_in_dim3A = vector.shape_cast %div3A_8 : vector<1000x1xf32> to vector<1000x1xf32>
    %broadcast_in_dim3A_58 = vector.broadcast %broadcast_in_dim3A : vector<1000x1xf32> to vector<1000x16xf32>
    %swap3A_59 = arith.constant 0 : index
    %swap3A_60 = arith.constant 0 : index
    %swap3A_61 = vector.load %arg12[%swap3A_59, %swap3A_60] : memref<1000x16xf32, #tpu.memory_space<vmem>>, vector<1000x16xf32>
    tpu.vector_store %arg12[%swap3A_59, %swap3A_60], %broadcast_in_dim3A_58 {strides = array<i32>} : memref<1000x16xf32, #tpu.memory_space<vmem>>, vector<1000x16xf32>,
    return
  }
  func.func @transform_0(%arg0: i32) -> (i32, i32) {
    %c0_i32 = arith.constant 0 : i32
    %c0_i32_0 = arith.constant 0 : i32
    return %arg0, %c0_i32 : i32, i32
  }
  func.func @transform_1(%arg0: i32) -> (i32, i32) {
    %c0_i32 = arith.constant 0 : i32
    %c0_i32_0 = arith.constant 0 : i32
    return %arg0, %c0_i32 : i32, i32
  }
  func.func @transform_2(%arg0: i32) -> (i32, i32) {
    %c0_i32 = arith.constant 0 : i32
    %c0_i32_0 = arith.constant 0 : i32
    return %arg0, %c0_i32 : i32, i32
  }
  func.func @transform_3(%arg0: i32) -> (i32, i32) {
    %c0_i32 = arith.constant 0 : i32
    %c0_i32_0 = arith.constant 0 : i32
    %c0_i32_1 = arith.constant 0 : i32
    return %c0_i32, %c0_i32_0 : i32, i32
  }
  func.func @transform_4(%arg0: i32) -> (i32, i32) {
    %c0_i32 = arith.constant 0 : i32
    %c0_i32_0 = arith.constant 0 : i32
    %c0_i32_1 = arith.constant 0 : i32
    return %c0_i32, %c0_i32_0 : i32, i32
  }
  func.func @transform_5(%arg0: i32) -> (i32, i32) {
    %c0_i32 = arith.constant 0 : i32
    %c0_i32_0 = arith.constant 0 : i32
    %c0_i32_1 = arith.constant 0 : i32
    return %c0_i32, %c0_i32_0 : i32, i32
  }
  func.func @transform_6(%arg0: i32) -> (i32, i32) {
    %c0_i32 = arith.constant 0 : i32
    %c0_i32_0 = arith.constant 0 : i32
    %c0_i32_1 = arith.constant 0 : i32
    return %c0_i32, %c0_i32_0 : i32, i32
  }
  func.func @transform_7(%arg0: i32) -> (i32, i32) {
    %c0_i32 = arith.constant 0 : i32
    %c0_i32_0 = arith.constant 0 : i32
    %c0_i32_1 = arith.constant 0 : i32
    return %c0_i32, %c0_i32_0 : i32, i32
  }
  func.func @transform_8(%arg0: i32) -> (i32, i32) {
    %c0_i32 = arith.constant 0 : i32
    %c0_i32_0 = arith.constant 0 : i32
    return %arg0, %c0_i32 : i32, i32
  }
  func.func @transform_9(%arg0: i32) -> (i32, i32) {
    %c0_i32 = arith.constant 0 : i32
    %c0_i32_0 = arith.constant 0 : i32
    return %arg0, %c0_i32 : i32, i32
  }
  func.func @transform_10(%arg0: i32) -> (i32, i32) {
    %c0_i32 = arith.constant 0 : i32
    %c0_i32_0 = arith.constant 0 : i32
    return %arg0, %c0_i32 : i32, i32
  }
  func.func @transform_11(%arg0: i32) -> (i32, i32) {
    %c0_i32 = arith.constant 0 : i32
    %c0_i32_0 = arith.constant 0 : i32
    return %arg0, %c0_i32 : i32, i32
  }
}

module attributes {stable_mosaic.version = 14 : i64} {
  func.func @_tc3_body(%arg0: i32, %arg1: memref<1000x128xf32, #tpu.memory_space<vmem>>, %arg2: memref<1000x16xf32, #tpu.memory_space<vmem>>, %arg3: memref<1000x64xf32, #tpu.memory_space<vmem>>, %arg4: memref<1x64xf32, #tpu.memory_space<vmem>>, %arg5: memref<1x64xf32, #tpu.memory_space<vmem>>, %arg6: memref<1x64xf32, #tpu.memory_space<vmem>>, %arg7: memref<64x128xf32, #tpu.memory_space<vmem>>, %arg8: memref<1x128xf32, #tpu.memory_space<vmem>>, %arg9: memref<1000x128xf32, #tpu.memory_space<vmem>>) attributes {dimension_semantics = [#tpu.dimension_semantics<arbitrary>], iteration_bounds = array<i64: 10>, scalar_prefetch = 0 : i64, scratch_operands = 0 : i64, tpu.core_type = #tpu.core_type<tc>, window_params = [{transform_indices = @transform_0, window_bounds = array<i64: 1000, 128>}, {transform_indices = @transform_1, window_bounds = array<i64: 1000, 16>}, {transform_indices = @transform_2, window_bounds = array<i64: 1000, 64>}, {pipeline_mode = #tpu.pipeline_mode<synchronous>, transform_indices = @transform_3, window_bounds = array<i64: 1, 64>}, {pipeline_mode = #tpu.pipeline_mode<synchronous>, transform_indices = @transform_4, window_bounds = array<i64: 1, 64>}, {pipeline_mode = #tpu.pipeline_mode<synchronous>, transform_indices = @transform_5, window_bounds = array<i64: 1, 64>}, {pipeline_mode = #tpu.pipeline_mode<synchronous>, transform_indices = @transform_6, window_bounds = array<i64: 64, 128>}, {pipeline_mode = #tpu.pipeline_mode<synchronous>, transform_indices = @transform_7, window_bounds = array<i64: 1, 128>}, {transform_indices = @transform_8, window_bounds = array<i64: 1000, 128>}]} {
    %get3A = arith.constant 0 : index
    %get3A_0 = arith.constant 0 : index
    %get3A_1 = vector.load %arg2[%get3A, %get3A_0] : memref<1000x16xf32, #tpu.memory_space<vmem>>, vector<1000x1xf32>
    %get3A_2 = arith.constant 0 : index
    %get3A_3 = arith.constant 0 : index
    %get3A_4 = vector.load %arg1[%get3A_2, %get3A_3] : memref<1000x128xf32, #tpu.memory_space<vmem>>, vector<1000x64xf32>
    %mul3A = vector.broadcast %get3A_1 : vector<1000x1xf32> to vector<1000x64xf32>
    %mul3A_5 = arith.mulf %get3A_4, %mul3A : vector<1000x64xf32>
    %get3A_6 = arith.constant 0 : index
    %get3A_7 = arith.constant 0 : index
    %get3A_8 = vector.load %arg4[%get3A_6, %get3A_7] : memref<1x64xf32, #tpu.memory_space<vmem>>, vector<1x64xf32>
    %add3A = vector.broadcast %get3A_8 : vector<1x64xf32> to vector<1000x64xf32>
    %add3A_9 = arith.addf %mul3A_5, %add3A : vector<1000x64xf32>
    %get3A_10 = arith.constant 0 : index
    %get3A_11 = arith.constant 0 : index
    %get3A_12 = vector.load %arg3[%get3A_10, %get3A_11] : memref<1000x64xf32, #tpu.memory_space<vmem>>, vector<1000x64xf32>
    %add3A_13 = arith.addf %add3A_9, %get3A_12 : vector<1000x64xf32>
    %sqrt3A = arith.constant 1.000010e+00 : f32
    %sqrt3A_14 = math.sqrt %sqrt3A : f32
    %div3A = arith.constant 1.000000e+00 : f32
    %div3A_15 = arith.divf %div3A, %sqrt3A_14 : f32
    %mul3A_16 = vector.broadcast %div3A_15 : f32 to vector<1000x64xf32>
    %mul3A_17 = arith.mulf %add3A_13, %mul3A_16 : vector<1000x64xf32>
    %get3A_18 = arith.constant 0 : index
    %get3A_19 = arith.constant 0 : index
    %get3A_20 = vector.load %arg5[%get3A_18, %get3A_19] : memref<1x64xf32, #tpu.memory_space<vmem>>, vector<1x64xf32>
    %mul3A_21 = vector.broadcast %get3A_20 : vector<1x64xf32> to vector<1000x64xf32>
    %mul3A_22 = arith.mulf %mul3A_17, %mul3A_21 : vector<1000x64xf32>
    %get3A_23 = arith.constant 0 : index
    %get3A_24 = arith.constant 0 : index
    %get3A_25 = vector.load %arg6[%get3A_23, %get3A_24] : memref<1x64xf32, #tpu.memory_space<vmem>>, vector<1x64xf32>
    %add3A_26 = vector.broadcast %get3A_25 : vector<1x64xf32> to vector<1000x64xf32>
    %add3A_27 = arith.addf %mul3A_22, %add3A_26 : vector<1000x64xf32>
    %max3A = arith.constant 0.000000e+00 : f32
    %max3A_28 = vector.broadcast %max3A : f32 to vector<1000x64xf32>
    %max3A_29 = arith.maximumf %add3A_27, %max3A_28 : vector<1000x64xf32>
    %get3A_30 = arith.constant 0 : index
    %get3A_31 = arith.constant 0 : index
    %get3A_32 = vector.load %arg7[%get3A_30, %get3A_31] : memref<64x128xf32, #tpu.memory_space<vmem>>, vector<64x128xf32>
    %dot_general3A = arith.constant dense<0.000000e+00> : vector<1000x128xf32>
    %dot_general3A_33 = tpu.matmul %max3A_29, %get3A_32, %dot_general3A {dimension_numbers = #tpu.dot_dimension_numbers<[1], [0], [0], [1], [0, 0, 1, 1], [], []>, transpose_lhs_hint = false} : vector<1000x64xf32>, vector<64x128xf32>, vector<1000x128xf32> -> vector<1000x128xf32>
    %get3A_34 = arith.constant 0 : index
    %get3A_35 = arith.constant 0 : index
    %get3A_36 = vector.load %arg8[%get3A_34, %get3A_35] : memref<1x128xf32, #tpu.memory_space<vmem>>, vector<1x128xf32>
    %add3A_37 = vector.broadcast %get3A_36 : vector<1x128xf32> to vector<1000x128xf32>
    %add3A_38 = arith.addf %dot_general3A_33, %add3A_37 : vector<1000x128xf32>
    %swap3A = arith.constant 0 : index
    %swap3A_39 = arith.constant 0 : index
    %swap3A_40 = vector.load %arg9[%swap3A, %swap3A_39] : memref<1000x128xf32, #tpu.memory_space<vmem>>, vector<1000x128xf32>
    tpu.vector_store %arg9[%swap3A, %swap3A_39], %add3A_38 {strides = array<i32>} : memref<1000x128xf32, #tpu.memory_space<vmem>>, vector<1000x128xf32>,
    return
  }
  func.func @transform_0(%arg0: i32) -> (i32, i32) {
    %c0_i32 = arith.constant 0 : i32
    %c0_i32_0 = arith.constant 0 : i32
    return %arg0, %c0_i32 : i32, i32
  }
  func.func @transform_1(%arg0: i32) -> (i32, i32) {
    %c0_i32 = arith.constant 0 : i32
    %c0_i32_0 = arith.constant 0 : i32
    return %arg0, %c0_i32 : i32, i32
  }
  func.func @transform_2(%arg0: i32) -> (i32, i32) {
    %c0_i32 = arith.constant 0 : i32
    %c0_i32_0 = arith.constant 0 : i32
    return %arg0, %c0_i32 : i32, i32
  }
  func.func @transform_3(%arg0: i32) -> (i32, i32) {
    %c0_i32 = arith.constant 0 : i32
    %c0_i32_0 = arith.constant 0 : i32
    %c0_i32_1 = arith.constant 0 : i32
    return %c0_i32, %c0_i32_0 : i32, i32
  }
  func.func @transform_4(%arg0: i32) -> (i32, i32) {
    %c0_i32 = arith.constant 0 : i32
    %c0_i32_0 = arith.constant 0 : i32
    %c0_i32_1 = arith.constant 0 : i32
    return %c0_i32, %c0_i32_0 : i32, i32
  }
  func.func @transform_5(%arg0: i32) -> (i32, i32) {
    %c0_i32 = arith.constant 0 : i32
    %c0_i32_0 = arith.constant 0 : i32
    %c0_i32_1 = arith.constant 0 : i32
    return %c0_i32, %c0_i32_0 : i32, i32
  }
  func.func @transform_6(%arg0: i32) -> (i32, i32) {
    %c0_i32 = arith.constant 0 : i32
    %c0_i32_0 = arith.constant 0 : i32
    %c0_i32_1 = arith.constant 0 : i32
    return %c0_i32, %c0_i32_0 : i32, i32
  }
  func.func @transform_7(%arg0: i32) -> (i32, i32) {
    %c0_i32 = arith.constant 0 : i32
    %c0_i32_0 = arith.constant 0 : i32
    %c0_i32_1 = arith.constant 0 : i32
    return %c0_i32, %c0_i32_0 : i32, i32
  }
  func.func @transform_8(%arg0: i32) -> (i32, i32) {
    %c0_i32 = arith.constant 0 : i32
    %c0_i32_0 = arith.constant 0 : i32
    return %arg0, %c0_i32 : i32, i32
  }
}

</mosaic_0001>

<sc_bundles>
// kernel: kernel.11.cloned.1.call-start
scs
__scs_entry_jumppad:
0x0: {  	(pc) =	sbr.rel $0x88, $3  }
0x1: {  	(tag) =	ssettag $0x0;
	lr =	simm.s32 $0x1  }
0x2: {  	[smem:$0x3F93] =	sst lr;
	_ =	strace $0xD0000000  }
0x3: {  	_ = 	snop  }
0x4: {  	_ = 	snop  }
0x5: {  	_ = 	snop  }
0x6: {  	_ = 	snop  }
0x7: {  	_ = 	snop  }
__scs_overlays_trampoline_lowered:
0x8: {  	[smem:$0x3FA2] =	sst s0  }
0x9: {  	[smem:$0x3FA3] =	sst s1  }
0xa: {  	[smem:$0x3FA4] =	sst s2  }
0xb: {  	[smem:$0x3FA5] =	sst s3  }
0xc: {  	[smem:$0x3FA6] =	sst s4  }
0xd: {  	[smem:$0x3FA7] =	sst s5  }
0xe: {  	[smem:$0x3FA8] =	sst s6  }
0xf: {  	[smem:$0x3FA9] =	sst s7  }
0x10: {  	[smem:$0x3FAA] =	sst s8  }
0x11: {  	[smem:$0x3FAB] =	sst s9;
	s0 =	simm.s32 @!p0 $0x0  }
0x12: {  	s1 =	sld [smem:$0x3F91];
	s0 =	simm.s32 @p0 $0x1  }
0x13: {  	[smem:$0x3FAC] =	sst s0;
	s0 =	simm.s32 @!p1 $0x0  }
0x14: {  	s2 =	sld [smem:$0x3F90];
	s0 =	simm.s32 @p1 $0x1  }
0x15: {  	[smem:$0x3FAD] =	sst s0;
	s0 =	simm.s32 @!p2 $0x0  }
0x16: {  	s3 =	sld [smem:$0x3FDB];
	s0 =	simm.s32 @p2 $0x1  }
0x17: {  	s4 =	simm.s32 $0x1BF5;
	[smem:$0x3FAF] =	sst s0  }
0x18: {  	s0 =	sld [smem:$0x3F92];
	_ =	swait.ge [sflag:s4], $0x0  }
0x19: {  	s7 =	sld [smem:$0x3F93]  }
0x1a: {  	s8 =	sadd.s32 $0xFFFFE003, lr  }
0x1b: {  	s9 =	sadd.s32 $0xFFFFFEF7, lr;
	s5 =	simm.s32 $0xFFFFFFFF;
	p2 =	slt.u32 s8, $0xFFFFF086  }
0x1c: {  	p1 =	slt.u32 s9, $0xF7A;
	s5 =	simm.s32 @!p2 $0x0  }
0x1d: {  	s5 =	simm.s32 @p1 $0x1;
	p0 =	seq.s32 s7, s2  }
0x1e: {  	s7 =	smul.u32 @!p0 $0xF7A, s2;
	p2 =	seq.s32 @!p0 s5, $0x0  }
0x1f: {  	s9 =	smul.u32 $0xF7A, s1;
	s8 =	simm.s32 @!p0 $0x1BF5;
	p2 =	por !p2, p0  }
0x20: {  	[sflag:s8] =	ssyncset.s32 @!p0 $0xFFFFF086;
	s6 =	sadd.s32 @!p0 s3, s7;
	s7 =	simm.s32 @!p0 $0x108  }
0x21: {  	s3 =	sadd.s32 s3, s9;
	s6 =	sadd.s32 @!p0 $0x88, s6;
	s7 =	simm.s32 @p2 $0x1082  }
0x22: {  	[simem:s7], [sflag:s8] =	dma.local @!p0 [hbm:s6], $0xF7A  }
0x23: {  	s9 =	sor.u32 $0xD0000000, s2;
	s6 =	simm.s32 $0x108;
	_ =	swait.ge @!p0 [sflag:s8], $0x0  }
0x24: {  	s3 =	sadd.s32 $0x88, s3;
	s6 =	simm.s32 @!p1 $0x1082;
	[sflag:s4] =	ssyncset.s32 $0xFFFFF086  }
0x25: {  	[simem:s6], [sflag:s4] =	dma.local [hbm:s3], $0xF7A  }
0x26: {  	[smem:$0x3F93] =	sst s1;
	(tag) =	ssettag s2;
	_ =	strace s9  }
0x27: {  	s1 =	sld [smem:$0x3FA3]  }
0x28: {  	s2 =	sld [smem:$0x3FA4]  }
0x29: {  	s4 =	sld [smem:$0x3FA6]  }
0x2a: {  	p0 =	seq.s32 s5, $0x0;
	s5 =	sld [smem:$0x3FA7]  }
0x2b: {  	s6 =	sld [smem:$0x3FA8]  }
0x2c: {  	s7 =	sld [smem:$0x3FA9]  }
0x2d: {  	s3 =	simm.s32 $0x108;
	s8 =	sld [smem:$0x3FAA]  }
0x2e: {  	s3 =	simm.s32 @!p0 $0x1082;
	s9 =	sld [smem:$0x3FAB]  }
0x2f: {  	lr =	sadd.s32 s0, s3;
	s0 =	sld [smem:$0x3FA2]  }
0x30: {  	s3 =	sld [smem:$0x3FA5]  }
0x31: {  	[smem:$0x3FAE] =	sst s10  }
0x32: {  	s10 =	sld [smem:$0x3FAC];
	_ =	sdelay $0x3  }
0x33: {  	p0 =	seq.s32 s10, $0x1;
	s10 =	sld [smem:$0x3FAE];
	_ =	sdelay $0x3  }
0x34: {  	[smem:$0x3FAE] =	sst s10  }
0x35: {  	s10 =	sld [smem:$0x3FAD];
	_ =	sdelay $0x3  }
0x36: {  	p1 =	seq.s32 s10, $0x1;
	s10 =	sld [smem:$0x3FAE];
	_ =	sdelay $0x3  }
0x37: {  	[smem:$0x3FAE] =	sst s10  }
0x38: {  	s10 =	sld [smem:$0x3FAF]  }
0x39: {  	_ = 	snop;
	(pc) =	sbr.ind lr, $3  }
0x3a: {  	_ = 	snop  }
0x3b: {  	_ = 	snop  }
0x3c: {  	p2 =	seq.s32 s10, $0x1;
	s10 =	sld [smem:$0x3FAE]  }
0x3d: {  	_ =	shalt  }
0x3e: {  	_ =	shalt  }
0x3f: {  	_ =	shalt  }
0x40: {  	_ =	shalt  }
0x41: {  	_ =	shalt  }
0x42: {  	_ =	shalt  }
0x43: {  	_ =	shalt  }
0x44: {  	_ =	shalt  }
0x45: {  	_ =	shalt  }
0x46: {  	_ =	shalt  }
0x47: {  	_ =	shalt  }
0x48: {  	_ =	shalt  }
0x49: {  	_ =	shalt  }
0x4a: {  	_ =	shalt  }
0x4b: {  	_ =	shalt  }
0x4c: {  	_ =	shalt  }
0x4d: {  	_ =	shalt  }
0x4e: {  	_ =	shalt  }
0x4f: {  	_ =	shalt  }
0x50: {  	_ =	shalt  }
0x51: {  	_ =	shalt  }
0x52: {  	_ =	shalt  }
0x53: {  	_ =	shalt  }
0x54: {  	_ =	shalt  }
0x55: {  	_ =	shalt  }
0x56: {  	_ =	shalt  }
0x57: {  	_ =	shalt  }
0x58: {  	_ =	shalt  }
0x59: {  	_ =	shalt  }
0x5a: {  	_ =	shalt  }
0x5b: {  	_ =	shalt  }
0x5c: {  	_ =	shalt  }
0x5d: {  	_ =	shalt  }
0x5e: {  	_ =	shalt  }
0x5f: {  	_ =	shalt  }
0x60: {  	_ =	shalt  }
0x61: {  	_ =	shalt  }
0x62: {  	_ =	shalt  }
0x63: {  	_ =	shalt  }
0x64: {  	_ =	shalt  }
0x65: {  	_ =	shalt  }
0x66: {  	_ =	shalt  }
0x67: {  	_ =	shalt  }
0x68: {  	_ =	shalt  }
0x69: {  	_ =	shalt  }
0x6a: {  	_ =	shalt  }
0x6b: {  	_ =	shalt  }
0x6c: {  	_ =	shalt  }
0x6d: {  	_ =	shalt  }
0x6e: {  	_ =	shalt  }
0x6f: {  	_ =	shalt  }
0x70: {  	_ =	shalt  }
0x71: {  	_ =	shalt  }
0x72: {  	_ =	shalt  }
0x73: {  	_ =	shalt  }
0x74: {  	_ =	shalt  }
0x75: {  	_ =	shalt  }
0x76: {  	_ =	shalt  }
0x77: {  	_ =	shalt  }
0x78: {  	_ =	shalt  }
0x79: {  	_ =	shalt  }
0x7a: {  	_ =	shalt  }
0x7b: {  	_ =	shalt  }
0x7c: {  	_ =	shalt  }
0x7d: {  	_ =	shalt  }
0x7e: {  	_ =	shalt  }
0x7f: {  	_ =	shalt  }
0x80: {  	_ =	shalt  }
0x81: {  	_ =	shalt  }
0x82: {  	_ =	shalt  }
0x83: {  	_ =	shalt  }
0x84: {  	_ =	shalt  }
0x85: {  	_ =	shalt  }
0x86: {  	_ =	shalt  }
0x87: {  	_ =	shalt  }
.Lfunc_end0:
.L_simem_size_0:
called_computation.1_lowered:
.L_overlay_start_0:
0x88: {  	s2 =	sld [smem:$0x3FD9]  }
0x89: {  	s3 =	sld [smem:$0x3FFE];
	_ =	sdelay $0x1  }
0x8a: {  	s1 =	srdreg.scid  }
0x8b: {  	s0 =	sand.u32 $0x1, s1  }
0x8c: {  	s17 =	sshll.u32 s0, $0xA;
	s2 =	sadd.s32 s3, s2  }
0x8d: {  	s2 =	sadd.s32 s2, s17  }
0x8e: {  	[smem:$0x3FBA] =	sst s2  }
0x8f: {  	_ = 	snop  }
0x90: {  	s2 =	sld [smem:$0x3FD0];
	(tm) =	ssettm $0x1  }
0x91: {  	s18 =	sld [smem:$0x3FFB];
	_ =	sdelay $0x3  }
0x92: {  	_ =	strace s18  }
0x93: {  	s3 =	sld [smem:$0x3FFC];
	_ =	sdelay $0x3  }
0x94: {  	_ =	strace s3  }
0x95: {  	s3 =	sld [smem:$0x3FFD];
	_ =	sdelay $0x3  }
0x96: {  	_ =	strace s3  }
0x97: {  	_ =	strace $0x8FFFFFFF  }
0x98: {  	s19 =	sld [smem:$0x3FDB];
	_ =	sdelay $0x1  }
0x99: {  	s4 =	simm.s32 $_scs_section_size  }
0x9a: {  	s5 =	simm.s32 $_size__tile_overlayer_lowered;
	s6 =	simm.s32 $_tile_overlayer_lowered  }
0x9b: {  	s22 =	simm.s32 $0x1BFF;
	s21 =	sshll.u32 s6, $0x1;
	s3 =	sadd.s32 s4, s19  }
0x9c: {  	s7 =	simm.s32 $0x0;
	s20 =	sshll.u32 s5, $0x1;
	s5 =	sadd.s32 s21, s3  }
0x9d: {  	[timem:s7], [sflag:s22] =	dma.local [hbm:s5], s20  }
0x9e: {  	_ =	swait.ge [sflag:s22], s20  }
0x9f: {  	s4 =	ssub.s32 $0x0, s20;
	[sflag:s22] =	ssyncset.done $0x0  }
0xa0: {  	[sflag:s22] =	ssyncadd.s32 s4;
	_ =	sdelay $0x1  }
0xa1: {  	s23 =	simm.s32 $0x1B8B  }
0xa2: {  	_ =	swait.ge [sflag:s23], $0x1  }
0xa3: {  	[sflag:s23] =	ssyncset.done $0x0  }
0xa4: {  	s25 =	simm.s32 $0x1B8E;
	s24 =	sld [smem:$0x3FFE];
	[sflag:s23] =	ssyncadd.s32 $0xFFFFFFFF  }
0xa5: {  	s26 =	simm.s32 $execute0_lowered;
	[smem:$0x3FD2] =	sst s25  }
0xa6: {  	s5 =	sshll.u32 s26, $0x1;
	_ =	strace $0x80000046;
	[dreg:$0x1] =	wrdreg $0xFFFFFFFF  }
0xa7: {  	s28 =	simm.s32 $_size_execute0_lowered;
	s3 =	sadd.s32 s3, s5;
	[dreg:$0x0] =	wrdreg $0x0  }
0xa8: {  	s5 =	sshll.u32 s28, $0x1;
	[dreg:$0x2] =	wrdreg s3  }
0xa9: {  	[dreg:$0x3] =	wrdreg s5  }
0xaa: {  	[dreg:$0x4] =	wrdreg $0xC0  }
0xab: {  	_ =	task [dreg:s7], $0x5FFFF  }
0xac: {  	[dreg:$0x1] =	wrdreg $0xFFFFFFFF  }
0xad: {  	[dreg:$0x0] =	wrdreg $0x60  }
0xae: {  	[dreg:$0x2] =	wrdreg s24  }
0xaf: {  	[dreg:$0x3] =	wrdreg s2  }
0xb0: {  	[dreg:$0x4] =	wrdreg $0x140000  }
0xb1: {  	[dreg:$0x5] =	wrdreg $0xA  }
0xb2: {  	_ =	task.clear_ibuf [dreg:s7], $0x6FFFF;
	_ =	strace $0x90000046  }
0xb3: {  	s29 =	simm.s32 $0xA;
	_ =	strace $0x80000048  }
0xb4: {  	_ =	swait.ge [sflag:s29], $0x1  }
0xb5: {  	[sflag:s29] =	ssyncadd.s32 $0xFFFFFFFF  }
0xb6: {  	_ =	strace $0x90000048  }
0xb7: {  	_ =	sfence  }
0xb8: {  	s30 =	sld [smem:$0x0];
	_ =	sdelay $0x2  }
0xb9: {  	s31 =	sshll.u32 s1, $0xD;
	s1 =	sshrl.u32 s1, $0x2  }
0xba: {  	s3 =	sand.u32 $0x4000, s31;
	s1 =	sadd.s32 s1, s30  }
0xbb: {  	s0 =	sor.u32 s3, s0;
	s1 =	sshll.u32 s1, $0x11  }
0xbc: {  	s0 =	sor.u32 s1, s0  }
0xbd: {  	s0 =	sadd.s32 $0x8F2B, s0  }
0xbe: {  	[sflag:s0] =	ssyncadd.remote.s32 $0x1  }
0xbf: {  	_ =	sfence.sel $0xFFFF  }
0xc0: {  	[dreg:$0x0] =	wrdreg $0xFFFFFFFF;
	(pc) =	sbr.abs _section_cstart, $3  }
0xc1: {  	[dreg:$0x1] =	wrdreg $0xFFFFFFFF  }
0xc2: {  	_ =	task.clear_ibuf [dreg:s7], $0x2FFFF;
	_ =	strace $0x9FFFFFFF  }
0xc3: {  	(tm) =	ssettm $0x7FFFFFFF  }
tec
execute0_lowered:
.L_overlay_start_1:
0x0: {  	(tag) =	ssettag $0x1  }
0x1: {  	s7 =	rddreg [dreg:$0x0]  }
0x2: {  	s1 =	rddreg [dreg:$0x1]  }
0x3: {  	s3 =	rddreg [dreg:$0x2]  }
0x4: {  	s0 =	rddreg [dreg:$0x3];
	s4 =	simm.s32 $0x0;
	s2 =	stileid.u32  }
0x5: {  	s5 =	srdreg.scid;
	s16 =	simm.s32 $0x80;
	s17 =	simm.s32 $0xA000  }
0x6: {  	s18 =	simm.s32 $0xC000;
	s19 =	simm.s32 $0xE000;
	s20 =	simm.s32 $0x10000  }
0x7: {  	s21 =	simm.s32 $0x12000;
	s22 =	simm.s32 $0x1;
	s23 =	simm.s32 $0x2  }
0x8: {  	s24 =	simm.s32 $0x10;
	s25 =	simm.s32 $0x8;
	s26 =	simm.s32 $0x0  }
0x9: {  	[smem:$0x7FF] =	sst s4;
	s8 =	smul.u32 $0xA00, s2;
	s12 =	sand.u32 $0x1, s5  }
0xa: {  	s5 =	sadd.s32 $0x51200, s7;
	s9 =	smul.u32 $0x2800, s2;
	s6 =	sadd.s32 $0x3D800, s7  }
0xb: {  	s13 =	smul.u32 $0x28000, s2;
	s31 =	sshll.u32 s2, $0x6;
	_ =	strace $0x80000047  }
0xc: {  	s10 =	ssub.s32 $0x2, s12;
	p0 =	sne.s32 s12, $0x0;
	s12 =	simm.s32 $0x3  }
.Ltmp0:
0xd: {  	s11 =	sshrl.u32 s10, $0x1;
	s8 =	sadd.s32 s8, s7;
	(pc) =	sbr.rel .LBB2_1-.Ltmp0, $4  }
0xe: {  	s14 =	sadd.s32 s9, s7;
	s30 =	sshrl.u32 s13, $0x2;
	s13 =	simm.s32 $0x5000  }
0xf: {  	s11 =	ssub.s32 s10, s11;
	s7 =	sadd.s32 $0xC600, s8;
	s8 =	sadd.s32 $0x2600, s8  }
0x10: {  	s15 =	sadd.s32 s30, s3;
	s9 =	sadd.s32 $0x64C08, s14;
	s10 =	sadd.s32 $0x64C00, s14  }
0x11: {  	s14 =	sor.u32 $0x1C03, s31;
	s11 =	smax.u32 s11, $0x1;
	s15 =	sshrl.u32 s15, $0x3  }
.LBB2_7:
0x12: {  	s28 =	sshra.s32 s28, $0x2;
	[sflag:s23] =	ssyncadd.s32 $0xFFFFE000  }
0x13: {  	[tilespmem:s17], [sflag:$0x1] =	stream.indirect.gather [hbm4b:s6+s16], $0x40, s28, s16, $0xb8;
	[tilespmem:$0x1E000] =	vst v63  }
0x14: {  	s29 =	sadd.s32 $0x80, s28  }
0x15: {  	[tilespmem:s18], [sflag:$0x1] =	stream.indirect.gather [hbm4b:s6+s16], $0x40, s29, s16, $0xb8;
	[tilespmem:$0x1E000] =	vst v63  }
0x16: {  	s31 =	sadd.s32 $0x100, s28  }
0x17: {  	[tilespmem:s19], [sflag:$0x1] =	stream.indirect.gather [hbm4b:s6+s16], $0x40, s31, s16, $0xb8;
	[tilespmem:$0x1E000] =	vst v63  }
0x18: {  	s30 =	sadd.s32 $0x180, s28  }
0x19: {  	[tilespmem:s20], [sflag:$0x1] =	stream.indirect.gather [hbm4b:s6+s16], $0x40, s30, s16, $0xb8;
	[tilespmem:$0x1E000] =	vst v63  }
0x1a: {  	s31 =	sadd.s32 $0x200, s28  }
0x1b: {  	[tilespmem:s21], [sflag:$0x1] =	stream.indirect.gather [hbm4b:s6+s16], $0x40, s31, s16, $0xb8;
	[tilespmem:$0x1E000] =	vst v63  }
0x1c: {  	_ =	swait.ge [sflag:s22], $0x2000  }
0x1d: {  	[sflag:s22] =	ssyncset.done $0x0  }
0x1e: {  	s30 =	sadd.s32 $0x5000, s28;
	[sflag:s22] =	ssyncadd.s32 $0xFFFFE000  }
0x1f: {  	[spmem:s3] =	stream.indirect.scatter.add.f32 [tilespmem:s17], [sflag:$0x2], $0x40, s30, s16, $0xb8;
	[tilespmem:$0x1E000] =	vst v63  }
0x20: {  	_ =	swait.ge [sflag:s22], $0x2000  }
0x21: {  	[sflag:s22] =	ssyncset.done $0x0  }
0x22: {  	s31 =	sadd.s32 $0x5080, s28;
	[sflag:s22] =	ssyncadd.s32 $0xFFFFE000  }
0x23: {  	[spmem:s3] =	stream.indirect.scatter.add.f32 [tilespmem:s18], [sflag:$0x2], $0x40, s31, s16, $0xb8;
	[tilespmem:$0x1E000] =	vst v63  }
0x24: {  	_ =	swait.ge [sflag:s22], $0x2000  }
0x25: {  	[sflag:s22] =	ssyncset.done $0x0  }
0x26: {  	s30 =	sadd.s32 $0x5100, s28;
	[sflag:s22] =	ssyncadd.s32 $0xFFFFE000  }
0x27: {  	[spmem:s3] =	stream.indirect.scatter.add.f32 [tilespmem:s19], [sflag:$0x2], $0x40, s30, s16, $0xb8;
	[tilespmem:$0x1E000] =	vst v63  }
0x28: {  	_ =	swait.ge [sflag:s22], $0x2000  }
0x29: {  	[sflag:s22] =	ssyncset.done $0x0  }
0x2a: {  	s31 =	sadd.s32 $0x5180, s28;
	[sflag:s22] =	ssyncadd.s32 $0xFFFFE000  }
0x2b: {  	[spmem:s3] =	stream.indirect.scatter.add.f32 [tilespmem:s20], [sflag:$0x2], $0x40, s31, s16, $0xb8;
	[tilespmem:$0x1E000] =	vst v63  }
0x2c: {  	_ =	swait.ge [sflag:s22], $0x2000  }
0x2d: {  	[sflag:s22] =	ssyncset.done $0x0  }
0x2e: {  	s28 =	sadd.s32 $0x5200, s28;
	[sflag:s22] =	ssyncadd.s32 $0xFFFFE000  }
0x2f: {  	[spmem:s3] =	stream.indirect.scatter.add.f32 [tilespmem:s21], [sflag:$0x2], $0x40, s28, s16, $0xb8;
	[tilespmem:$0x1E000] =	vst v63  }
0x30: {  	_ =	swait.ge [sflag:s23], $0x2000  }
0x31: {  	[sflag:s23] =	ssyncset.done $0x0  }
0x32: {  	[sflag:s23] =	ssyncadd.s32 $0xFFFFE000  }
0x33: {  	_ =	swait.ge [sflag:s23], $0x2000  }
0x34: {  	[sflag:s23] =	ssyncset.done $0x0  }
0x35: {  	[sflag:s23] =	ssyncadd.s32 $0xFFFFE000  }
0x36: {  	_ =	swait.ge [sflag:s23], $0x2000  }
0x37: {  	[sflag:s23] =	ssyncset.done $0x0  }
0x38: {  	[sflag:s23] =	ssyncadd.s32 $0xFFFFE000  }
0x39: {  	_ =	swait.ge [sflag:s23], $0x2000  }
0x3a: {  	[sflag:s23] =	ssyncset.done $0x0  }
0x3b: {  	[sflag:s23] =	ssyncadd.s32 $0xFFFFE000  }
0x3c: {  	_ =	swait.ge [sflag:s23], $0x2000  }
0x3d: {  	[sflag:s23] =	ssyncset.done $0x0  }
0x3e: {  	s28 =	smov.u32 s9;
	[sflag:s23] =	ssyncadd.s32 $0xFFFFE000  }
.LBB2_8:
0x3f: {  	s26 =	sadd.s32 $0x1, s26  }
0x40: {  	p1 =	sne.s32 s26, s11  }
.Ltmp1:
0x41: {  	[bflag:$0x0] =	sbarrier.arrive $0xFFFF;
	(pc) =	sbr.rel @!p1 .LBB2_9-.Ltmp1, $4  }
0x42: {  	[hbm:s28@s24], [sflag:s14] =	dma.strided [spmem:s15@s25], $0x1400, s22, $0x8   }
0x43: {  	_ =	swait.ge [sflag:s12], $0x1400  }
0x44: {  	[sflag:s12] =	ssyncset.done $0x0  }
0x45: {  	[sflag:s12] =	ssyncadd.s32 $0xFFFFEC00  }
.LBB2_1:
0x46: {  	[tilespmem:s4], [sflag:$0x3] =	stream.linear.gather [hbm4b:s7+s4], $0x5000, $0x38;
	[tilespmem:$0x1E000] =	vst v63  }
0x47: {  	_ =	swait.ge [sflag:s12], $0x5000  }
0x48: {  	[sflag:s12] =	ssyncset.done $0x0  }
0x49: {  	[sflag:s12] =	ssyncadd.s32 $0xFFFFB000  }
0x4a: {  	[tilespmem:s13], [sflag:$0x3] =	stream.linear.gather [hbm4b:s8+s4], $0x5000, $0x38;
	[tilespmem:$0x1E000] =	vst v63  }
0x4b: {  	_ =	swait.ge [sflag:s12], $0x5000  }
0x4c: {  	[sflag:s12] =	ssyncset.done $0x0  }
0x4d: {  	[sflag:s12] =	ssyncadd.s32 $0xFFFFB000  }
0x4e: {  	[spmem:s15], [sflag:s14] =	dma.local [hbm:s1], $0x1400  }
.Ltmp2:
0x4f: {  	_ =	swait.ge [sflag:s12], $0x1400;
	(pc) =	sbr.rel @p0 .LBB2_5-.Ltmp2, $4  }
0x50: {  	[sflag:s12] =	ssyncset.done $0x0  }
0x51: {  	[sflag:s12] =	ssyncadd.s32 $0xFFFFEC00  }
0x52: {  	[bflag:$0x0] =	sbarrier.arrive $0xFFFF  }
0x53: {  	s28 =	simm.s32 $0x0  }
0x54: {  	[tilespmem:s17], [sflag:$0x1] =	stream.indirect.gather [hbm4b:s5+s16], $0x40, s28, s16, $0xb8;
	[tilespmem:$0x1E000] =	vst v63  }
0x55: {  	s28 =	simm.s32 $0x80  }
0x56: {  	[tilespmem:s18], [sflag:$0x1] =	stream.indirect.gather [hbm4b:s5+s16], $0x40, s28, s16, $0xb8;
	[tilespmem:$0x1E000] =	vst v63  }
0x57: {  	s28 =	simm.s32 $0x100  }
0x58: {  	[tilespmem:s19], [sflag:$0x1] =	stream.indirect.gather [hbm4b:s5+s16], $0x40, s28, s16, $0xb8;
	[tilespmem:$0x1E000] =	vst v63  }
0x59: {  	s28 =	simm.s32 $0x180  }
0x5a: {  	[tilespmem:s20], [sflag:$0x1] =	stream.indirect.gather [hbm4b:s5+s16], $0x40, s28, s16, $0xb8;
	[tilespmem:$0x1E000] =	vst v63  }
0x5b: {  	s28 =	simm.s32 $0x200  }
0x5c: {  	[tilespmem:s21], [sflag:$0x1] =	stream.indirect.gather [hbm4b:s5+s16], $0x40, s28, s16, $0xb8;
	[tilespmem:$0x1E000] =	vst v63  }
0x5d: {  	_ =	swait.ge [sflag:s22], $0x2000  }
0x5e: {  	[sflag:s22] =	ssyncset.done $0x0  }
0x5f: {  	s28 =	simm.s32 $0x5000;
	[sflag:s22] =	ssyncadd.s32 $0xFFFFE000  }
0x60: {  	[spmem:s3] =	stream.indirect.scatter.add.f32 [tilespmem:s17], [sflag:$0x2], $0x40, s28, s16, $0xb8;
	[tilespmem:$0x1E000] =	vst v63  }
0x61: {  	_ =	swait.ge [sflag:s22], $0x2000  }
0x62: {  	[sflag:s22] =	ssyncset.done $0x0  }
0x63: {  	s28 =	simm.s32 $0x5080;
	[sflag:s22] =	ssyncadd.s32 $0xFFFFE000  }
0x64: {  	[spmem:s3] =	stream.indirect.scatter.add.f32 [tilespmem:s18], [sflag:$0x2], $0x40, s28, s16, $0xb8;
	[tilespmem:$0x1E000] =	vst v63  }
0x65: {  	_ =	swait.ge [sflag:s22], $0x2000  }
0x66: {  	[sflag:s22] =	ssyncset.done $0x0  }
0x67: {  	s28 =	simm.s32 $0x5100;
	[sflag:s22] =	ssyncadd.s32 $0xFFFFE000  }
0x68: {  	[spmem:s3] =	stream.indirect.scatter.add.f32 [tilespmem:s19], [sflag:$0x2], $0x40, s28, s16, $0xb8;
	[tilespmem:$0x1E000] =	vst v63  }
0x69: {  	_ =	swait.ge [sflag:s22], $0x2000  }
0x6a: {  	[sflag:s22] =	ssyncset.done $0x0  }
0x6b: {  	s28 =	simm.s32 $0x5180;
	[sflag:s22] =	ssyncadd.s32 $0xFFFFE000  }
0x6c: {  	[spmem:s3] =	stream.indirect.scatter.add.f32 [tilespmem:s20], [sflag:$0x2], $0x40, s28, s16, $0xb8;
	[tilespmem:$0x1E000] =	vst v63  }
0x6d: {  	_ =	swait.ge [sflag:s22], $0x2000  }
0x6e: {  	[sflag:s22] =	ssyncset.done $0x0  }
0x6f: {  	s28 =	simm.s32 $0x5200;
	[sflag:s22] =	ssyncadd.s32 $0xFFFFE000  }
0x70: {  	[spmem:s3] =	stream.indirect.scatter.add.f32 [tilespmem:s21], [sflag:$0x2], $0x40, s28, s16, $0xb8;
	[tilespmem:$0x1E000] =	vst v63  }
0x71: {  	_ =	swait.ge [sflag:s23], $0x2000  }
0x72: {  	[sflag:s23] =	ssyncset.done $0x0  }
0x73: {  	[sflag:s23] =	ssyncadd.s32 $0xFFFFE000  }
0x74: {  	_ =	swait.ge [sflag:s23], $0x2000  }
0x75: {  	[sflag:s23] =	ssyncset.done $0x0  }
0x76: {  	[sflag:s23] =	ssyncadd.s32 $0xFFFFE000  }
0x77: {  	_ =	swait.ge [sflag:s23], $0x2000  }
0x78: {  	[sflag:s23] =	ssyncset.done $0x0  }
0x79: {  	[sflag:s23] =	ssyncadd.s32 $0xFFFFE000  }
0x7a: {  	_ =	swait.ge [sflag:s23], $0x2000  }
0x7b: {  	[sflag:s23] =	ssyncset.done $0x0  }
0x7c: {  	[sflag:s23] =	ssyncadd.s32 $0xFFFFE000  }
0x7d: {  	_ =	swait.ge [sflag:s23], $0x2000  }
0x7e: {  	s31 =	simm.s32 $0x1400;
	s28 =	simm.s32 $0xA00;
	[sflag:s23] =	ssyncset.done $0x0  }
.LBB2_3:
0x7f: {  	s30 =	sshra.s32 s28, $0x2  }
0x80: {  	[sflag:s23] =	ssyncadd.s32 $0xFFFFE000;
	s28 =	smov.u32 s31;
	s29 =	sadd.s32 $0xA00, s31  }
0x81: {  	[tilespmem:s17], [sflag:$0x1] =	stream.indirect.gather [hbm4b:s5+s16], $0x40, s30, s16, $0xb8;
	[tilespmem:$0x1E000] =	vst v63  }
0x82: {  	p1 =	seq.s32 s31, $0x13600;
	s31 =	sadd.s32 $0x80, s30  }
0x83: {  	[tilespmem:s18], [sflag:$0x1] =	stream.indirect.gather [hbm4b:s5+s16], $0x40, s31, s16, $0xb8;
	[tilespmem:$0x1E000] =	vst v63  }
0x84: {  	s31 =	sadd.s32 $0x100, s30  }
0x85: {  	[tilespmem:s19], [sflag:$0x1] =	stream.indirect.gather [hbm4b:s5+s16], $0x40, s31, s16, $0xb8;
	[tilespmem:$0x1E000] =	vst v63  }
0x86: {  	s31 =	sadd.s32 $0x180, s30  }
0x87: {  	[tilespmem:s20], [sflag:$0x1] =	stream.indirect.gather [hbm4b:s5+s16], $0x40, s31, s16, $0xb8;
	[tilespmem:$0x1E000] =	vst v63  }
0x88: {  	s31 =	sadd.s32 $0x200, s30  }
0x89: {  	[tilespmem:s21], [sflag:$0x1] =	stream.indirect.gather [hbm4b:s5+s16], $0x40, s31, s16, $0xb8;
	[tilespmem:$0x1E000] =	vst v63  }
0x8a: {  	_ =	swait.ge [sflag:s22], $0x2000  }
0x8b: {  	[sflag:s22] =	ssyncset.done $0x0  }
0x8c: {  	s31 =	sadd.s32 $0x5000, s30;
	[sflag:s22] =	ssyncadd.s32 $0xFFFFE000  }
0x8d: {  	[spmem:s3] =	stream.indirect.scatter.add.f32 [tilespmem:s17], [sflag:$0x2], $0x40, s31, s16, $0xb8;
	[tilespmem:$0x1E000] =	vst v63  }
0x8e: {  	_ =	swait.ge [sflag:s22], $0x2000  }
0x8f: {  	[sflag:s22] =	ssyncset.done $0x0  }
0x90: {  	s31 =	sadd.s32 $0x5080, s30;
	[sflag:s22] =	ssyncadd.s32 $0xFFFFE000  }
0x91: {  	[spmem:s3] =	stream.indirect.scatter.add.f32 [tilespmem:s18], [sflag:$0x2], $0x40, s31, s16, $0xb8;
	[tilespmem:$0x1E000] =	vst v63  }
0x92: {  	_ =	swait.ge [sflag:s22], $0x2000  }
0x93: {  	[sflag:s22] =	ssyncset.done $0x0  }
0x94: {  	s31 =	sadd.s32 $0x5100, s30;
	[sflag:s22] =	ssyncadd.s32 $0xFFFFE000  }
0x95: {  	[spmem:s3] =	stream.indirect.scatter.add.f32 [tilespmem:s19], [sflag:$0x2], $0x40, s31, s16, $0xb8;
	[tilespmem:$0x1E000] =	vst v63  }
0x96: {  	_ =	swait.ge [sflag:s22], $0x2000  }
0x97: {  	[sflag:s22] =	ssyncset.done $0x0  }
0x98: {  	s31 =	sadd.s32 $0x5180, s30;
	[sflag:s22] =	ssyncadd.s32 $0xFFFFE000  }
0x99: {  	[spmem:s3] =	stream.indirect.scatter.add.f32 [tilespmem:s20], [sflag:$0x2], $0x40, s31, s16, $0xb8;
	[tilespmem:$0x1E000] =	vst v63  }
0x9a: {  	_ =	swait.ge [sflag:s22], $0x2000  }
0x9b: {  	[sflag:s22] =	ssyncset.done $0x0  }
0x9c: {  	s30 =	sadd.s32 $0x5200, s30;
	[sflag:s22] =	ssyncadd.s32 $0xFFFFE000  }
0x9d: {  	[spmem:s3] =	stream.indirect.scatter.add.f32 [tilespmem:s21], [sflag:$0x2], $0x40, s30, s16, $0xb8;
	[tilespmem:$0x1E000] =	vst v63  }
0x9e: {  	_ =	swait.ge [sflag:s23], $0x2000  }
0x9f: {  	[sflag:s23] =	ssyncset.done $0x0  }
0xa0: {  	[sflag:s23] =	ssyncadd.s32 $0xFFFFE000  }
0xa1: {  	_ =	swait.ge [sflag:s23], $0x2000  }
0xa2: {  	[sflag:s23] =	ssyncset.done $0x0  }
0xa3: {  	[sflag:s23] =	ssyncadd.s32 $0xFFFFE000  }
0xa4: {  	_ =	swait.ge [sflag:s23], $0x2000  }
0xa5: {  	[sflag:s23] =	ssyncset.done $0x0  }
0xa6: {  	[sflag:s23] =	ssyncadd.s32 $0xFFFFE000  }
.Ltmp3:
0xa7: {  	_ =	swait.ge [sflag:s23], $0x2000;
	(pc) =	sbr.rel @!p1 .LBB2_3-.Ltmp3, $4  }
0xa8: {  	[sflag:s23] =	ssyncset.done $0x0  }
0xa9: {  	[sflag:s23] =	ssyncadd.s32 $0xFFFFE000  }
0xaa: {  	_ =	swait.ge [sflag:s23], $0x2000  }
0xab: {  	s31 =	smov.u32 s29;
	[sflag:s23] =	ssyncset.done $0x0  }
0xac: {  	s28 =	sshra.s32 s28, $0x2;
	[sflag:s23] =	ssyncadd.s32 $0xFFFFE000  }
0xad: {  	[tilespmem:s17], [sflag:$0x1] =	stream.indirect.gather [hbm4b:s5+s16], $0x40, s28, s16, $0xb8;
	[tilespmem:$0x1E000] =	vst v63  }
0xae: {  	s29 =	sadd.s32 $0x80, s28  }
0xaf: {  	[tilespmem:s18], [sflag:$0x1] =	stream.indirect.gather [hbm4b:s5+s16], $0x40, s29, s16, $0xb8;
	[tilespmem:$0x1E000] =	vst v63  }
0xb0: {  	s31 =	sadd.s32 $0x100, s28  }
0xb1: {  	[tilespmem:s19], [sflag:$0x1] =	stream.indirect.gather [hbm4b:s5+s16], $0x40, s31, s16, $0xb8;
	[tilespmem:$0x1E000] =	vst v63  }
0xb2: {  	s30 =	sadd.s32 $0x180, s28  }
0xb3: {  	[tilespmem:s20], [sflag:$0x1] =	stream.indirect.gather [hbm4b:s5+s16], $0x40, s30, s16, $0xb8;
	[tilespmem:$0x1E000] =	vst v63  }
0xb4: {  	s31 =	sadd.s32 $0x200, s28  }
0xb5: {  	[tilespmem:s21], [sflag:$0x1] =	stream.indirect.gather [hbm4b:s5+s16], $0x40, s31, s16, $0xb8;
	[tilespmem:$0x1E000] =	vst v63  }
0xb6: {  	_ =	swait.ge [sflag:s22], $0x2000  }
0xb7: {  	[sflag:s22] =	ssyncset.done $0x0  }
0xb8: {  	s30 =	sadd.s32 $0x5000, s28;
	[sflag:s22] =	ssyncadd.s32 $0xFFFFE000  }
0xb9: {  	[spmem:s3] =	stream.indirect.scatter.add.f32 [tilespmem:s17], [sflag:$0x2], $0x40, s30, s16, $0xb8;
	[tilespmem:$0x1E000] =	vst v63  }
0xba: {  	_ =	swait.ge [sflag:s22], $0x2000  }
0xbb: {  	[sflag:s22] =	ssyncset.done $0x0  }
0xbc: {  	s31 =	sadd.s32 $0x5080, s28;
	[sflag:s22] =	ssyncadd.s32 $0xFFFFE000  }
0xbd: {  	[spmem:s3] =	stream.indirect.scatter.add.f32 [tilespmem:s18], [sflag:$0x2], $0x40, s31, s16, $0xb8;
	[tilespmem:$0x1E000] =	vst v63  }
0xbe: {  	_ =	swait.ge [sflag:s22], $0x2000  }
0xbf: {  	[sflag:s22] =	ssyncset.done $0x0  }
0xc0: {  	s30 =	sadd.s32 $0x5100, s28;
	[sflag:s22] =	ssyncadd.s32 $0xFFFFE000  }
0xc1: {  	[spmem:s3] =	stream.indirect.scatter.add.f32 [tilespmem:s19], [sflag:$0x2], $0x40, s30, s16, $0xb8;
	[tilespmem:$0x1E000] =	vst v63  }
0xc2: {  	_ =	swait.ge [sflag:s22], $0x2000  }
0xc3: {  	[sflag:s22] =	ssyncset.done $0x0  }
0xc4: {  	s31 =	sadd.s32 $0x5180, s28;
	[sflag:s22] =	ssyncadd.s32 $0xFFFFE000  }
0xc5: {  	[spmem:s3] =	stream.indirect.scatter.add.f32 [tilespmem:s20], [sflag:$0x2], $0x40, s31, s16, $0xb8;
	[tilespmem:$0x1E000] =	vst v63  }
0xc6: {  	_ =	swait.ge [sflag:s22], $0x2000  }
0xc7: {  	[sflag:s22] =	ssyncset.done $0x0  }
0xc8: {  	s28 =	sadd.s32 $0x5200, s28;
	[sflag:s22] =	ssyncadd.s32 $0xFFFFE000  }
0xc9: {  	[spmem:s3] =	stream.indirect.scatter.add.f32 [tilespmem:s21], [sflag:$0x2], $0x40, s28, s16, $0xb8;
	[tilespmem:$0x1E000] =	vst v63  }
0xca: {  	_ =	swait.ge [sflag:s23], $0x2000  }
0xcb: {  	[sflag:s23] =	ssyncset.done $0x0  }
0xcc: {  	[sflag:s23] =	ssyncadd.s32 $0xFFFFE000  }
0xcd: {  	_ =	swait.ge [sflag:s23], $0x2000  }
0xce: {  	[sflag:s23] =	ssyncset.done $0x0  }
0xcf: {  	[sflag:s23] =	ssyncadd.s32 $0xFFFFE000  }
0xd0: {  	_ =	swait.ge [sflag:s23], $0x2000  }
0xd1: {  	[sflag:s23] =	ssyncset.done $0x0  }
0xd2: {  	[sflag:s23] =	ssyncadd.s32 $0xFFFFE000  }
0xd3: {  	_ =	swait.ge [sflag:s23], $0x2000  }
.Ltmp4:
0xd4: {  	[sflag:s23] =	ssyncset.done $0x0;
	(pc) =	sbr.rel .LBB2_8-.Ltmp4, $4  }
0xd5: {  	[sflag:s23] =	ssyncadd.s32 $0xFFFFE000  }
0xd6: {  	_ =	swait.ge [sflag:s23], $0x2000  }
0xd7: {  	[sflag:s23] =	ssyncset.done $0x0  }
0xd8: {  	s28 =	smov.u32 s10;
	[sflag:s23] =	ssyncadd.s32 $0xFFFFE000  }
.LBB2_5:
0xd9: {  	[tilespmem:s17], [sflag:$0x1] =	stream.indirect.gather [hbm4b:s6+s16], $0x40, s28, s16, $0xb8;
	[tilespmem:$0x1E000] =	vst v63  }
0xda: {  	s28 =	simm.s32 $0x80  }
0xdb: {  	[tilespmem:s18], [sflag:$0x1] =	stream.indirect.gather [hbm4b:s6+s16], $0x40, s28, s16, $0xb8;
	[tilespmem:$0x1E000] =	vst v63  }
0xdc: {  	s28 =	simm.s32 $0x100  }
0xdd: {  	[tilespmem:s19], [sflag:$0x1] =	stream.indirect.gather [hbm4b:s6+s16], $0x40, s28, s16, $0xb8;
	[tilespmem:$0x1E000] =	vst v63  }
0xde: {  	s28 =	simm.s32 $0x180  }
0xdf: {  	[tilespmem:s20], [sflag:$0x1] =	stream.indirect.gather [hbm4b:s6+s16], $0x40, s28, s16, $0xb8;
	[tilespmem:$0x1E000] =	vst v63  }
0xe0: {  	s28 =	simm.s32 $0x200  }
0xe1: {  	[tilespmem:s21], [sflag:$0x1] =	stream.indirect.gather [hbm4b:s6+s16], $0x40, s28, s16, $0xb8;
	[tilespmem:$0x1E000] =	vst v63  }
0xe2: {  	_ =	swait.ge [sflag:s22], $0x2000  }
0xe3: {  	[sflag:s22] =	ssyncset.done $0x0  }
0xe4: {  	s28 =	simm.s32 $0x5000;
	[sflag:s22] =	ssyncadd.s32 $0xFFFFE000  }
0xe5: {  	[spmem:s3] =	stream.indirect.scatter.add.f32 [tilespmem:s17], [sflag:$0x2], $0x40, s28, s16, $0xb8;
	[tilespmem:$0x1E000] =	vst v63  }
0xe6: {  	_ =	swait.ge [sflag:s22], $0x2000  }
0xe7: {  	[sflag:s22] =	ssyncset.done $0x0  }
0xe8: {  	s28 =	simm.s32 $0x5080;
	[sflag:s22] =	ssyncadd.s32 $0xFFFFE000  }
0xe9: {  	[spmem:s3] =	stream.indirect.scatter.add.f32 [tilespmem:s18], [sflag:$0x2], $0x40, s28, s16, $0xb8;
	[tilespmem:$0x1E000] =	vst v63  }
0xea: {  	_ =	swait.ge [sflag:s22], $0x2000  }
0xeb: {  	[sflag:s22] =	ssyncset.done $0x0  }
0xec: {  	s28 =	simm.s32 $0x5100;
	[sflag:s22] =	ssyncadd.s32 $0xFFFFE000  }
0xed: {  	[spmem:s3] =	stream.indirect.scatter.add.f32 [tilespmem:s19], [sflag:$0x2], $0x40, s28, s16, $0xb8;
	[tilespmem:$0x1E000] =	vst v63  }
0xee: {  	_ =	swait.ge [sflag:s22], $0x2000  }
0xef: {  	[sflag:s22] =	ssyncset.done $0x0  }
0xf0: {  	s28 =	simm.s32 $0x5180;
	[sflag:s22] =	ssyncadd.s32 $0xFFFFE000  }
0xf1: {  	[spmem:s3] =	stream.indirect.scatter.add.f32 [tilespmem:s20], [sflag:$0x2], $0x40, s28, s16, $0xb8;
	[tilespmem:$0x1E000] =	vst v63  }
0xf2: {  	_ =	swait.ge [sflag:s22], $0x2000  }
0xf3: {  	[sflag:s22] =	ssyncset.done $0x0  }
0xf4: {  	s28 =	simm.s32 $0x5200;
	[sflag:s22] =	ssyncadd.s32 $0xFFFFE000  }
0xf5: {  	[spmem:s3] =	stream.indirect.scatter.add.f32 [tilespmem:s21], [sflag:$0x2], $0x40, s28, s16, $0xb8;
	[tilespmem:$0x1E000] =	vst v63  }
0xf6: {  	_ =	swait.ge [sflag:s23], $0x2000  }
0xf7: {  	[sflag:s23] =	ssyncset.done $0x0  }
0xf8: {  	[sflag:s23] =	ssyncadd.s32 $0xFFFFE000  }
0xf9: {  	_ =	swait.ge [sflag:s23], $0x2000  }
0xfa: {  	[sflag:s23] =	ssyncset.done $0x0  }
0xfb: {  	[sflag:s23] =	ssyncadd.s32 $0xFFFFE000  }
0xfc: {  	_ =	swait.ge [sflag:s23], $0x2000  }
0xfd: {  	[sflag:s23] =	ssyncset.done $0x0  }
0xfe: {  	[sflag:s23] =	ssyncadd.s32 $0xFFFFE000  }
0xff: {  	_ =	swait.ge [sflag:s23], $0x2000  }
0x100: {  	[sflag:s23] =	ssyncset.done $0x0  }
0x101: {  	[sflag:s23] =	ssyncadd.s32 $0xFFFFE000  }
0x102: {  	_ =	swait.ge [sflag:s23], $0x2000  }
0x103: {  	s31 =	simm.s32 $0x1400;
	s28 =	simm.s32 $0xA00;
	[sflag:s23] =	ssyncset.done $0x0  }
.LBB2_6:
0x104: {  	s30 =	sshra.s32 s28, $0x2  }
0x105: {  	[sflag:s23] =	ssyncadd.s32 $0xFFFFE000;
	s28 =	smov.u32 s31;
	s29 =	sadd.s32 $0xA00, s31  }
0x106: {  	[tilespmem:s17], [sflag:$0x1] =	stream.indirect.gather [hbm4b:s6+s16], $0x40, s30, s16, $0xb8;
	[tilespmem:$0x1E000] =	vst v63  }
0x107: {  	p1 =	sne.s32 s31, $0x13600;
	s31 =	sadd.s32 $0x80, s30  }
0x108: {  	[tilespmem:s18], [sflag:$0x1] =	stream.indirect.gather [hbm4b:s6+s16], $0x40, s31, s16, $0xb8;
	[tilespmem:$0x1E000] =	vst v63  }
0x109: {  	s31 =	sadd.s32 $0x100, s30  }
0x10a: {  	[tilespmem:s19], [sflag:$0x1] =	stream.indirect.gather [hbm4b:s6+s16], $0x40, s31, s16, $0xb8;
	[tilespmem:$0x1E000] =	vst v63  }
0x10b: {  	s31 =	sadd.s32 $0x180, s30  }
0x10c: {  	[tilespmem:s20], [sflag:$0x1] =	stream.indirect.gather [hbm4b:s6+s16], $0x40, s31, s16, $0xb8;
	[tilespmem:$0x1E000] =	vst v63  }
0x10d: {  	s31 =	sadd.s32 $0x200, s30  }
0x10e: {  	[tilespmem:s21], [sflag:$0x1] =	stream.indirect.gather [hbm4b:s6+s16], $0x40, s31, s16, $0xb8;
	[tilespmem:$0x1E000] =	vst v63  }
0x10f: {  	_ =	swait.ge [sflag:s22], $0x2000  }
0x110: {  	[sflag:s22] =	ssyncset.done $0x0  }
0x111: {  	s31 =	sadd.s32 $0x5000, s30;
	[sflag:s22] =	ssyncadd.s32 $0xFFFFE000  }
0x112: {  	[spmem:s3] =	stream.indirect.scatter.add.f32 [tilespmem:s17], [sflag:$0x2], $0x40, s31, s16, $0xb8;
	[tilespmem:$0x1E000] =	vst v63  }
0x113: {  	_ =	swait.ge [sflag:s22], $0x2000  }
0x114: {  	[sflag:s22] =	ssyncset.done $0x0  }
0x115: {  	s31 =	sadd.s32 $0x5080, s30;
	[sflag:s22] =	ssyncadd.s32 $0xFFFFE000  }
0x116: {  	[spmem:s3] =	stream.indirect.scatter.add.f32 [tilespmem:s18], [sflag:$0x2], $0x40, s31, s16, $0xb8;
	[tilespmem:$0x1E000] =	vst v63  }
0x117: {  	_ =	swait.ge [sflag:s22], $0x2000  }
0x118: {  	[sflag:s22] =	ssyncset.done $0x0  }
0x119: {  	s31 =	sadd.s32 $0x5100, s30;
	[sflag:s22] =	ssyncadd.s32 $0xFFFFE000  }
0x11a: {  	[spmem:s3] =	stream.indirect.scatter.add.f32 [tilespmem:s19], [sflag:$0x2], $0x40, s31, s16, $0xb8;
	[tilespmem:$0x1E000] =	vst v63  }
0x11b: {  	_ =	swait.ge [sflag:s22], $0x2000  }
0x11c: {  	[sflag:s22] =	ssyncset.done $0x0  }
0x11d: {  	s31 =	sadd.s32 $0x5180, s30;
	[sflag:s22] =	ssyncadd.s32 $0xFFFFE000  }
0x11e: {  	[spmem:s3] =	stream.indirect.scatter.add.f32 [tilespmem:s20], [sflag:$0x2], $0x40, s31, s16, $0xb8;
	[tilespmem:$0x1E000] =	vst v63  }
0x11f: {  	_ =	swait.ge [sflag:s22], $0x2000  }
0x120: {  	[sflag:s22] =	ssyncset.done $0x0  }
0x121: {  	s30 =	sadd.s32 $0x5200, s30;
	[sflag:s22] =	ssyncadd.s32 $0xFFFFE000  }
0x122: {  	[spmem:s3] =	stream.indirect.scatter.add.f32 [tilespmem:s21], [sflag:$0x2], $0x40, s30, s16, $0xb8;
	[tilespmem:$0x1E000] =	vst v63  }
0x123: {  	_ =	swait.ge [sflag:s23], $0x2000  }
0x124: {  	[sflag:s23] =	ssyncset.done $0x0  }
0x125: {  	[sflag:s23] =	ssyncadd.s32 $0xFFFFE000  }
0x126: {  	_ =	swait.ge [sflag:s23], $0x2000  }
0x127: {  	[sflag:s23] =	ssyncset.done $0x0  }
0x128: {  	[sflag:s23] =	ssyncadd.s32 $0xFFFFE000  }
0x129: {  	_ =	swait.ge [sflag:s23], $0x2000  }
0x12a: {  	[sflag:s23] =	ssyncset.done $0x0  }
0x12b: {  	[sflag:s23] =	ssyncadd.s32 $0xFFFFE000  }
.Ltmp5:
0x12c: {  	_ =	swait.ge [sflag:s23], $0x2000;
	(pc) =	sbr.rel @p1 .LBB2_6-.Ltmp5, $4  }
0x12d: {  	[sflag:s23] =	ssyncset.done $0x0  }
0x12e: {  	[sflag:s23] =	ssyncadd.s32 $0xFFFFE000  }
0x12f: {  	_ =	swait.ge [sflag:s23], $0x2000  }
0x130: {  	s31 =	smov.u32 s29;
	[sflag:s23] =	ssyncset.done $0x0  }
.Ltmp6:
0x131: {  	_ = 	snop;
	(pc) =	sbr.rel .LBB2_7-.Ltmp6, $1  }
0x132: {  	_ =	sdelay $0x3  }
.LBB2_9:
0x133: {  	_ =	sfence.sel $0x180000  }
0x134: {  	[bflag:$0x0] =	sbarrier.arrive $0xFFFF  }
0x135: {  	p0 =	sne.s32 s2, $0x0;
	_ =	strace $0x90000047  }
0x136: {  	s0 =	sadd.s32 @!p0 $0x100000, s0;
	[bflag:$0x2] =	sbarrier.arrive $0xFFFF  }
0x137: {  	[sflag:s0] =	ssyncadd.tile.s32 @!p0 $0x1;
	_ =	shalt  }
.Lfunc_end2:
_tile_overlayer_lowered:
.L_overlay_start_2:
0x138: {  	(tag) =	ssettag $0x2  }
0x139: {  	s0 =	rddreg [dreg:$0x0];
	s2 =	stileid.u32  }
0x13a: {  	s1 =	rddreg [dreg:$0x1];
	p0 =	sne.s32 s2, $0x0  }
0x13b: {  	s3 =	rddreg [dreg:$0x2];
	[bflag:$0x3] =	sbarrier.arrive $0xFFFF;
	s2 =	simm.s32 @!p0 $0x1C03  }
0x13c: {  	[timem:s3], [sflag:s2] =	dma.local @!p0 [hbm:s0], s1  }
0x13d: {  	s0 =	simm.s32 @!p0 $0x3  }
0x13e: {  	_ =	swait.ge @!p0 [sflag:s0], s1  }
0x13f: {  	s1 =	ssub.s32 @!p0 $0x0, s1;
	[sflag:s0] =	ssyncset.done @!p0 $0x0  }
0x140: {  	[sflag:s0] =	ssyncadd.s32 @!p0 s1  }
0x141: {  	[bflag:$0x3] =	sbarrier.arrive $0xFFFF  }
0x142: {  	_ =	shalt  }

// kernel: kernel.14.cloned.1.call-start
scs
__scs_entry_jumppad:
0x0: {  	(pc) =	sbr.rel $0x88, $3  }
0x1: {  	(tag) =	ssettag $0x0;
	lr =	simm.s32 $0x1  }
0x2: {  	[smem:$0x3F93] =	sst lr;
	_ =	strace $0xD0000000  }
0x3: {  	_ = 	snop  }
0x4: {  	_ = 	snop  }
0x5: {  	_ = 	snop  }
0x6: {  	_ = 	snop  }
0x7: {  	_ = 	snop  }
__scs_overlays_trampoline_lowered:
0x8: {  	[smem:$0x3FA2] =	sst s0  }
0x9: {  	[smem:$0x3FA3] =	sst s1  }
0xa: {  	[smem:$0x3FA4] =	sst s2  }
0xb: {  	[smem:$0x3FA5] =	sst s3  }
0xc: {  	[smem:$0x3FA6] =	sst s4  }
0xd: {  	[smem:$0x3FA7] =	sst s5  }
0xe: {  	[smem:$0x3FA8] =	sst s6  }
0xf: {  	[smem:$0x3FA9] =	sst s7  }
0x10: {  	[smem:$0x3FAA] =	sst s8  }
0x11: {  	[smem:$0x3FAB] =	sst s9;
	s0 =	simm.s32 @!p0 $0x0  }
0x12: {  	s1 =	sld [smem:$0x3F91];
	s0 =	simm.s32 @p0 $0x1  }
0x13: {  	[smem:$0x3FAC] =	sst s0;
	s0 =	simm.s32 @!p1 $0x0  }
0x14: {  	s2 =	sld [smem:$0x3F90];
	s0 =	simm.s32 @p1 $0x1  }
0x15: {  	[smem:$0x3FAD] =	sst s0;
	s0 =	simm.s32 @!p2 $0x0  }
0x16: {  	s3 =	sld [smem:$0x3FDB];
	s0 =	simm.s32 @p2 $0x1  }
0x17: {  	s4 =	simm.s32 $0x1BF5;
	[smem:$0x3FAF] =	sst s0  }
0x18: {  	s0 =	sld [smem:$0x3F92];
	_ =	swait.ge [sflag:s4], $0x0  }
0x19: {  	s7 =	sld [smem:$0x3F93]  }
0x1a: {  	s8 =	sadd.s32 $0xFFFFE003, lr  }
0x1b: {  	s9 =	sadd.s32 $0xFFFFFEF7, lr;
	s5 =	simm.s32 $0xFFFFFFFF;
	p2 =	slt.u32 s8, $0xFFFFF086  }
0x1c: {  	p1 =	slt.u32 s9, $0xF7A;
	s5 =	simm.s32 @!p2 $0x0  }
0x1d: {  	s5 =	simm.s32 @p1 $0x1;
	p0 =	seq.s32 s7, s2  }
0x1e: {  	s7 =	smul.u32 @!p0 $0xF7A, s2;
	p2 =	seq.s32 @!p0 s5, $0x0  }
0x1f: {  	s9 =	smul.u32 $0xF7A, s1;
	s8 =	simm.s32 @!p0 $0x1BF5;
	p2 =	por !p2, p0  }
0x20: {  	[sflag:s8] =	ssyncset.s32 @!p0 $0xFFFFF086;
	s6 =	sadd.s32 @!p0 s3, s7;
	s7 =	simm.s32 @!p0 $0x108  }
0x21: {  	s3 =	sadd.s32 s3, s9;
	s6 =	sadd.s32 @!p0 $0x88, s6;
	s7 =	simm.s32 @p2 $0x1082  }
0x22: {  	[simem:s7], [sflag:s8] =	dma.local @!p0 [hbm:s6], $0xF7A  }
0x23: {  	s9 =	sor.u32 $0xD0000000, s2;
	s6 =	simm.s32 $0x108;
	_ =	swait.ge @!p0 [sflag:s8], $0x0  }
0x24: {  	s3 =	sadd.s32 $0x88, s3;
	s6 =	simm.s32 @!p1 $0x1082;
	[sflag:s4] =	ssyncset.s32 $0xFFFFF086  }
0x25: {  	[simem:s6], [sflag:s4] =	dma.local [hbm:s3], $0xF7A  }
0x26: {  	[smem:$0x3F93] =	sst s1;
	(tag) =	ssettag s2;
	_ =	strace s9  }
0x27: {  	s1 =	sld [smem:$0x3FA3]  }
0x28: {  	s2 =	sld [smem:$0x3FA4]  }
0x29: {  	s4 =	sld [smem:$0x3FA6]  }
0x2a: {  	p0 =	seq.s32 s5, $0x0;
	s5 =	sld [smem:$0x3FA7]  }
0x2b: {  	s6 =	sld [smem:$0x3FA8]  }
0x2c: {  	s7 =	sld [smem:$0x3FA9]  }
0x2d: {  	s3 =	simm.s32 $0x108;
	s8 =	sld [smem:$0x3FAA]  }
0x2e: {  	s3 =	simm.s32 @!p0 $0x1082;
	s9 =	sld [smem:$0x3FAB]  }
0x2f: {  	lr =	sadd.s32 s0, s3;
	s0 =	sld [smem:$0x3FA2]  }
0x30: {  	s3 =	sld [smem:$0x3FA5]  }
0x31: {  	[smem:$0x3FAE] =	sst s10  }
0x32: {  	s10 =	sld [smem:$0x3FAC];
	_ =	sdelay $0x3  }
0x33: {  	p0 =	seq.s32 s10, $0x1;
	s10 =	sld [smem:$0x3FAE];
	_ =	sdelay $0x3  }
0x34: {  	[smem:$0x3FAE] =	sst s10  }
0x35: {  	s10 =	sld [smem:$0x3FAD];
	_ =	sdelay $0x3  }
0x36: {  	p1 =	seq.s32 s10, $0x1;
	s10 =	sld [smem:$0x3FAE];
	_ =	sdelay $0x3  }
0x37: {  	[smem:$0x3FAE] =	sst s10  }
0x38: {  	s10 =	sld [smem:$0x3FAF]  }
0x39: {  	_ = 	snop;
	(pc) =	sbr.ind lr, $3  }
0x3a: {  	_ = 	snop  }
0x3b: {  	_ = 	snop  }
0x3c: {  	p2 =	seq.s32 s10, $0x1;
	s10 =	sld [smem:$0x3FAE]  }
0x3d: {  	_ =	shalt  }
0x3e: {  	_ =	shalt  }
0x3f: {  	_ =	shalt  }
0x40: {  	_ =	shalt  }
0x41: {  	_ =	shalt  }
0x42: {  	_ =	shalt  }
0x43: {  	_ =	shalt  }
0x44: {  	_ =	shalt  }
0x45: {  	_ =	shalt  }
0x46: {  	_ =	shalt  }
0x47: {  	_ =	shalt  }
0x48: {  	_ =	shalt  }
0x49: {  	_ =	shalt  }
0x4a: {  	_ =	shalt  }
0x4b: {  	_ =	shalt  }
0x4c: {  	_ =	shalt  }
0x4d: {  	_ =	shalt  }
0x4e: {  	_ =	shalt  }
0x4f: {  	_ =	shalt  }
0x50: {  	_ =	shalt  }
0x51: {  	_ =	shalt  }
0x52: {  	_ =	shalt  }
0x53: {  	_ =	shalt  }
0x54: {  	_ =	shalt  }
0x55: {  	_ =	shalt  }
0x56: {  	_ =	shalt  }
0x57: {  	_ =	shalt  }
0x58: {  	_ =	shalt  }
0x59: {  	_ =	shalt  }
0x5a: {  	_ =	shalt  }
0x5b: {  	_ =	shalt  }
0x5c: {  	_ =	shalt  }
0x5d: {  	_ =	shalt  }
0x5e: {  	_ =	shalt  }
0x5f: {  	_ =	shalt  }
0x60: {  	_ =	shalt  }
0x61: {  	_ =	shalt  }
0x62: {  	_ =	shalt  }
0x63: {  	_ =	shalt  }
0x64: {  	_ =	shalt  }
0x65: {  	_ =	shalt  }
0x66: {  	_ =	shalt  }
0x67: {  	_ =	shalt  }
0x68: {  	_ =	shalt  }
0x69: {  	_ =	shalt  }
0x6a: {  	_ =	shalt  }
0x6b: {  	_ =	shalt  }
0x6c: {  	_ =	shalt  }
0x6d: {  	_ =	shalt  }
0x6e: {  	_ =	shalt  }
0x6f: {  	_ =	shalt  }
0x70: {  	_ =	shalt  }
0x71: {  	_ =	shalt  }
0x72: {  	_ =	shalt  }
0x73: {  	_ =	shalt  }
0x74: {  	_ =	shalt  }
0x75: {  	_ =	shalt  }
0x76: {  	_ =	shalt  }
0x77: {  	_ =	shalt  }
0x78: {  	_ =	shalt  }
0x79: {  	_ =	shalt  }
0x7a: {  	_ =	shalt  }
0x7b: {  	_ =	shalt  }
0x7c: {  	_ =	shalt  }
0x7d: {  	_ =	shalt  }
0x7e: {  	_ =	shalt  }
0x7f: {  	_ =	shalt  }
0x80: {  	_ =	shalt  }
0x81: {  	_ =	shalt  }
0x82: {  	_ =	shalt  }
0x83: {  	_ =	shalt  }
0x84: {  	_ =	shalt  }
0x85: {  	_ =	shalt  }
0x86: {  	_ =	shalt  }
0x87: {  	_ =	shalt  }
.Lfunc_end0:
.L_simem_size_0:
called_computation.2_lowered:
.L_overlay_start_0:
0x88: {  	s2 =	sld [smem:$0x3FD9]  }
0x89: {  	s3 =	sld [smem:$0x3FFE];
	_ =	sdelay $0x1  }
0x8a: {  	s1 =	srdreg.scid  }
0x8b: {  	s0 =	sand.u32 $0x1, s1  }
0x8c: {  	s17 =	sshll.u32 s0, $0xA;
	s2 =	sadd.s32 s3, s2  }
0x8d: {  	s2 =	sadd.s32 s2, s17  }
0x8e: {  	[smem:$0x3FBA] =	sst s2  }
0x8f: {  	_ = 	snop  }
0x90: {  	s2 =	sld [smem:$0x3FD0];
	(tm) =	ssettm $0x1  }
0x91: {  	s18 =	sld [smem:$0x3FFB];
	_ =	sdelay $0x3  }
0x92: {  	_ =	strace s18  }
0x93: {  	s3 =	sld [smem:$0x3FFC];
	_ =	sdelay $0x3  }
0x94: {  	_ =	strace s3  }
0x95: {  	s3 =	sld [smem:$0x3FFD];
	_ =	sdelay $0x3  }
0x96: {  	_ =	strace s3  }
0x97: {  	_ =	strace $0x8FFFFFFF  }
0x98: {  	s19 =	sld [smem:$0x3FDB];
	_ =	sdelay $0x1  }
0x99: {  	s4 =	simm.s32 $_scs_section_size  }
0x9a: {  	s5 =	simm.s32 $_size__tile_overlayer_lowered;
	s6 =	simm.s32 $_tile_overlayer_lowered  }
0x9b: {  	s22 =	simm.s32 $0x1BFF;
	s21 =	sshll.u32 s6, $0x1;
	s3 =	sadd.s32 s4, s19  }
0x9c: {  	s7 =	simm.s32 $0x0;
	s20 =	sshll.u32 s5, $0x1;
	s5 =	sadd.s32 s21, s3  }
0x9d: {  	[timem:s7], [sflag:s22] =	dma.local [hbm:s5], s20  }
0x9e: {  	_ =	swait.ge [sflag:s22], s20  }
0x9f: {  	s4 =	ssub.s32 $0x0, s20;
	[sflag:s22] =	ssyncset.done $0x0  }
0xa0: {  	[sflag:s22] =	ssyncadd.s32 s4;
	_ =	sdelay $0x1  }
0xa1: {  	s23 =	simm.s32 $0x1B8B  }
0xa2: {  	_ =	swait.ge [sflag:s23], $0x1  }
0xa3: {  	[sflag:s23] =	ssyncset.done $0x0  }
0xa4: {  	s25 =	simm.s32 $0x1B8E;
	s24 =	sld [smem:$0x3FFE];
	[sflag:s23] =	ssyncadd.s32 $0xFFFFFFFF  }
0xa5: {  	s26 =	simm.s32 $execute0_lowered;
	[smem:$0x3FD2] =	sst s25  }
0xa6: {  	s5 =	sshll.u32 s26, $0x1;
	_ =	strace $0x8000004C;
	[dreg:$0x1] =	wrdreg $0xFFFFFFFF  }
0xa7: {  	s28 =	simm.s32 $_size_execute0_lowered;
	s3 =	sadd.s32 s3, s5;
	[dreg:$0x0] =	wrdreg $0x0  }
0xa8: {  	s5 =	sshll.u32 s28, $0x1;
	[dreg:$0x2] =	wrdreg s3  }
0xa9: {  	[dreg:$0x3] =	wrdreg s5  }
0xaa: {  	[dreg:$0x4] =	wrdreg $0xC0  }
0xab: {  	_ =	task [dreg:s7], $0x5FFFF  }
0xac: {  	[dreg:$0x1] =	wrdreg $0xFFFFFFFF  }
0xad: {  	[dreg:$0x0] =	wrdreg $0x60  }
0xae: {  	[dreg:$0x2] =	wrdreg s24  }
0xaf: {  	[dreg:$0x3] =	wrdreg s2  }
0xb0: {  	[dreg:$0x4] =	wrdreg $0x120000  }
0xb1: {  	[dreg:$0x5] =	wrdreg $0x9  }
0xb2: {  	_ =	task.clear_ibuf [dreg:s7], $0x6FFFF;
	_ =	strace $0x9000004C  }
0xb3: {  	s29 =	simm.s32 $0x9;
	_ =	strace $0x8000004E  }
0xb4: {  	_ =	swait.ge [sflag:s29], $0x1  }
0xb5: {  	[sflag:s29] =	ssyncadd.s32 $0xFFFFFFFF  }
0xb6: {  	_ =	strace $0x9000004E  }
0xb7: {  	_ =	sfence  }
0xb8: {  	s30 =	sld [smem:$0x0];
	_ =	sdelay $0x2  }
0xb9: {  	s31 =	sshll.u32 s1, $0xD;
	s1 =	sshrl.u32 s1, $0x2  }
0xba: {  	s3 =	sand.u32 $0x4000, s31;
	s1 =	sadd.s32 s1, s30  }
0xbb: {  	s0 =	sor.u32 s3, s0;
	s1 =	sshll.u32 s1, $0x11  }
0xbc: {  	s0 =	sor.u32 s1, s0  }
0xbd: {  	s0 =	sadd.s32 $0x8F2B, s0  }
0xbe: {  	[sflag:s0] =	ssyncadd.remote.s32 $0x1  }
0xbf: {  	_ =	sfence.sel $0xFFFF  }
0xc0: {  	[dreg:$0x0] =	wrdreg $0xFFFFFFFF;
	(pc) =	sbr.abs _section_cstart, $3  }
0xc1: {  	[dreg:$0x1] =	wrdreg $0xFFFFFFFF  }
0xc2: {  	_ =	task.clear_ibuf [dreg:s7], $0x2FFFF;
	_ =	strace $0x9FFFFFFF  }
0xc3: {  	(tm) =	ssettm $0x7FFFFFFF  }
tec
execute0_lowered:
.L_overlay_start_1:
0x0: {  	(tag) =	ssettag $0x1  }
0x1: {  	s0 =	rddreg [dreg:$0x0]  }
0x2: {  	s3 =	rddreg [dreg:$0x2];
	s4 =	simm.s32 $0x0;
	s12 =	stileid.u32  }
0x3: {  	s1 =	srdreg.scid;
	s13 =	simm.s32 $0x5000;
	s16 =	simm.s32 $0x80  }
0x4: {  	s17 =	simm.s32 $0xA000;
	s18 =	simm.s32 $0xB000;
	s19 =	simm.s32 $0xC000  }
0x5: {  	s20 =	simm.s32 $0xD000;
	s21 =	simm.s32 $0xE000;
	s22 =	simm.s32 $0xF000  }
0x6: {  	s23 =	simm.s32 $0x10000;
	s24 =	simm.s32 $0x11000;
	s25 =	simm.s32 $0x1  }
0x7: {  	s28 =	simm.s32 $0x10;
	s29 =	simm.s32 $0x4;
	s30 =	simm.s32 $0x0  }
0x8: {  	[smem:$0x7FF] =	sst s4;
	s2 =	smul.u32 $0xA00, s12;
	s1 =	sand.u32 $0x1, s1  }
0x9: {  	s5 =	sadd.s32 $0x20400, s0;
	s7 =	smul.u32 $0x2800, s12;
	s6 =	sadd.s32 $0x16600, s0  }
0xa: {  	s10 =	smul.u32 $0x14000, s12;
	s31 =	sshll.u32 s12, $0x6;
	s12 =	simm.s32 $0x3  }
0xb: {  	_ =	strace $0x8000004D;
	s8 =	ssub.s32 $0x2, s1;
	p0 =	sne.s32 s1, $0x0  }
.Ltmp0:
0xc: {  	s14 =	sor.u32 $0x1C03, s31;
	s9 =	sshrl.u32 s8, $0x1;
	(pc) =	sbr.rel .LBB2_1-.Ltmp0, $4  }
0xd: {  	s2 =	sadd.s32 s2, s0;
	s0 =	sadd.s32 s7, s0;
	s26 =	sshrl.u32 s10, $0x2  }
0xe: {  	s11 =	ssub.s32 s8, s9;
	s7 =	sadd.s32 $0xC600, s2;
	s8 =	sadd.s32 $0x2600, s2  }
0xf: {  	s2 =	sadd.s32 s26, s3;
	s9 =	sadd.s32 $0x2A204, s0;
	s10 =	sadd.s32 $0x2A200, s0  }
0x10: {  	s26 =	simm.s32 $0x2;
	s11 =	smax.u32 s11, $0x1;
	s15 =	sshrl.u32 s2, $0x3  }
.LBB2_7:
0x11: {  	s0 =	sshra.s32 s31, $0x2;
	[sflag:s26] =	ssyncadd.s32 $0xFFFFF000  }
0x12: {  	[tilespmem:s17], [sflag:$0x1] =	stream.indirect.gather [hbm4b:s6+s16], $0x20, s0, s16, $0xb8;
	[tilespmem:$0x17000] =	vst v63  }
0x13: {  	s1 =	sadd.s32 $0x80, s0  }
0x14: {  	[tilespmem:s18], [sflag:$0x1] =	stream.indirect.gather [hbm4b:s6+s16], $0x20, s1, s16, $0xb8;
	[tilespmem:$0x17000] =	vst v63  }
0x15: {  	s31 =	sadd.s32 $0x100, s0  }
0x16: {  	[tilespmem:s19], [sflag:$0x1] =	stream.indirect.gather [hbm4b:s6+s16], $0x20, s31, s16, $0xb8;
	[tilespmem:$0x17000] =	vst v63  }
0x17: {  	s2 =	sadd.s32 $0x180, s0  }
0x18: {  	[tilespmem:s20], [sflag:$0x1] =	stream.indirect.gather [hbm4b:s6+s16], $0x20, s2, s16, $0xb8;
	[tilespmem:$0x17000] =	vst v63  }
0x19: {  	s31 =	sadd.s32 $0x200, s0  }
0x1a: {  	[tilespmem:s21], [sflag:$0x1] =	stream.indirect.gather [hbm4b:s6+s16], $0x20, s31, s16, $0xb8;
	[tilespmem:$0x17000] =	vst v63  }
0x1b: {  	s2 =	sadd.s32 $0x280, s0  }
0x1c: {  	[tilespmem:s22], [sflag:$0x1] =	stream.indirect.gather [hbm4b:s6+s16], $0x20, s2, s16, $0xb8;
	[tilespmem:$0x17000] =	vst v63  }
0x1d: {  	s31 =	sadd.s32 $0x300, s0  }
0x1e: {  	[tilespmem:s23], [sflag:$0x1] =	stream.indirect.gather [hbm4b:s6+s16], $0x20, s31, s16, $0xb8;
	[tilespmem:$0x17000] =	vst v63  }
0x1f: {  	s2 =	sadd.s32 $0x380, s0  }
0x20: {  	[tilespmem:s24], [sflag:$0x1] =	stream.indirect.gather [hbm4b:s6+s16], $0x20, s2, s16, $0xb8;
	[tilespmem:$0x17000] =	vst v63  }
0x21: {  	_ =	swait.ge [sflag:s25], $0x1000  }
0x22: {  	[sflag:s25] =	ssyncset.done $0x0  }
0x23: {  	s31 =	sadd.s32 $0x5000, s0;
	[sflag:s25] =	ssyncadd.s32 $0xFFFFF000  }
0x24: {  	[spmem:s3] =	stream.indirect.scatter.add.f32 [tilespmem:s17], [sflag:$0x2], $0x20, s31, s16, $0xb8;
	[tilespmem:$0x17000] =	vst v63  }
0x25: {  	_ =	swait.ge [sflag:s25], $0x1000  }
0x26: {  	[sflag:s25] =	ssyncset.done $0x0  }
0x27: {  	s2 =	sadd.s32 $0x5080, s0;
	[sflag:s25] =	ssyncadd.s32 $0xFFFFF000  }
0x28: {  	[spmem:s3] =	stream.indirect.scatter.add.f32 [tilespmem:s18], [sflag:$0x2], $0x20, s2, s16, $0xb8;
	[tilespmem:$0x17000] =	vst v63  }
0x29: {  	_ =	swait.ge [sflag:s25], $0x1000  }
0x2a: {  	[sflag:s25] =	ssyncset.done $0x0  }
0x2b: {  	s31 =	sadd.s32 $0x5100, s0;
	[sflag:s25] =	ssyncadd.s32 $0xFFFFF000  }
0x2c: {  	[spmem:s3] =	stream.indirect.scatter.add.f32 [tilespmem:s19], [sflag:$0x2], $0x20, s31, s16, $0xb8;
	[tilespmem:$0x17000] =	vst v63  }
0x2d: {  	_ =	swait.ge [sflag:s25], $0x1000  }
0x2e: {  	[sflag:s25] =	ssyncset.done $0x0  }
0x2f: {  	s2 =	sadd.s32 $0x5180, s0;
	[sflag:s25] =	ssyncadd.s32 $0xFFFFF000  }
0x30: {  	[spmem:s3] =	stream.indirect.scatter.add.f32 [tilespmem:s20], [sflag:$0x2], $0x20, s2, s16, $0xb8;
	[tilespmem:$0x17000] =	vst v63  }
0x31: {  	_ =	swait.ge [sflag:s25], $0x1000  }
0x32: {  	[sflag:s25] =	ssyncset.done $0x0  }
0x33: {  	s31 =	sadd.s32 $0x5200, s0;
	[sflag:s25] =	ssyncadd.s32 $0xFFFFF000  }
0x34: {  	[spmem:s3] =	stream.indirect.scatter.add.f32 [tilespmem:s21], [sflag:$0x2], $0x20, s31, s16, $0xb8;
	[tilespmem:$0x17000] =	vst v63  }
0x35: {  	_ =	swait.ge [sflag:s25], $0x1000  }
0x36: {  	[sflag:s25] =	ssyncset.done $0x0  }
0x37: {  	s2 =	sadd.s32 $0x5280, s0;
	[sflag:s25] =	ssyncadd.s32 $0xFFFFF000  }
0x38: {  	[spmem:s3] =	stream.indirect.scatter.add.f32 [tilespmem:s22], [sflag:$0x2], $0x20, s2, s16, $0xb8;
	[tilespmem:$0x17000] =	vst v63  }
0x39: {  	_ =	swait.ge [sflag:s25], $0x1000  }
0x3a: {  	[sflag:s25] =	ssyncset.done $0x0  }
0x3b: {  	s31 =	sadd.s32 $0x5300, s0;
	[sflag:s25] =	ssyncadd.s32 $0xFFFFF000  }
0x3c: {  	[spmem:s3] =	stream.indirect.scatter.add.f32 [tilespmem:s23], [sflag:$0x2], $0x20, s31, s16, $0xb8;
	[tilespmem:$0x17000] =	vst v63  }
0x3d: {  	_ =	swait.ge [sflag:s25], $0x1000  }
0x3e: {  	[sflag:s25] =	ssyncset.done $0x0  }
0x3f: {  	s0 =	sadd.s32 $0x5380, s0;
	[sflag:s25] =	ssyncadd.s32 $0xFFFFF000  }
0x40: {  	[spmem:s3] =	stream.indirect.scatter.add.f32 [tilespmem:s24], [sflag:$0x2], $0x20, s0, s16, $0xb8;
	[tilespmem:$0x17000] =	vst v63  }
0x41: {  	_ =	swait.ge [sflag:s26], $0x1000  }
0x42: {  	[sflag:s26] =	ssyncset.done $0x0  }
0x43: {  	[sflag:s26] =	ssyncadd.s32 $0xFFFFF000  }
0x44: {  	_ =	swait.ge [sflag:s26], $0x1000  }
0x45: {  	[sflag:s26] =	ssyncset.done $0x0  }
0x46: {  	[sflag:s26] =	ssyncadd.s32 $0xFFFFF000  }
0x47: {  	_ =	swait.ge [sflag:s26], $0x1000  }
0x48: {  	[sflag:s26] =	ssyncset.done $0x0  }
0x49: {  	[sflag:s26] =	ssyncadd.s32 $0xFFFFF000  }
0x4a: {  	_ =	swait.ge [sflag:s26], $0x1000  }
0x4b: {  	[sflag:s26] =	ssyncset.done $0x0  }
0x4c: {  	[sflag:s26] =	ssyncadd.s32 $0xFFFFF000  }
0x4d: {  	_ =	swait.ge [sflag:s26], $0x1000  }
0x4e: {  	[sflag:s26] =	ssyncset.done $0x0  }
0x4f: {  	[sflag:s26] =	ssyncadd.s32 $0xFFFFF000  }
0x50: {  	_ =	swait.ge [sflag:s26], $0x1000  }
0x51: {  	[sflag:s26] =	ssyncset.done $0x0  }
0x52: {  	[sflag:s26] =	ssyncadd.s32 $0xFFFFF000  }
0x53: {  	_ =	swait.ge [sflag:s26], $0x1000  }
0x54: {  	[sflag:s26] =	ssyncset.done $0x0  }
0x55: {  	[sflag:s26] =	ssyncadd.s32 $0xFFFFF000  }
0x56: {  	_ =	swait.ge [sflag:s26], $0x1000  }
0x57: {  	[sflag:s26] =	ssyncset.done $0x0  }
0x58: {  	s0 =	smov.u32 s9;
	[sflag:s26] =	ssyncadd.s32 $0xFFFFF000  }
.LBB2_8:
0x59: {  	s30 =	sadd.s32 $0x1, s30  }
0x5a: {  	p1 =	sne.s32 s30, s11  }
.Ltmp1:
0x5b: {  	[bflag:$0x0] =	sbarrier.arrive $0xFFFF;
	(pc) =	sbr.rel @!p1 .LBB2_9-.Ltmp1, $4  }
0x5c: {  	[hbm:s0@s28], [sflag:s14] =	dma.strided [spmem:s15@s29], $0xA00, s25, $0x4   }
0x5d: {  	_ =	swait.ge [sflag:s12], $0xA00  }
0x5e: {  	[sflag:s12] =	ssyncset.done $0x0  }
0x5f: {  	[sflag:s12] =	ssyncadd.s32 $0xFFFFF600  }
.LBB2_1:
0x60: {  	[tilespmem:s4], [sflag:$0x3] =	stream.linear.gather [hbm4b:s7+s4], $0x5000, $0x38;
	[tilespmem:$0x17000] =	vst v63  }
0x61: {  	_ =	swait.ge [sflag:s12], $0x5000  }
0x62: {  	[sflag:s12] =	ssyncset.done $0x0  }
0x63: {  	[sflag:s12] =	ssyncadd.s32 $0xFFFFB000  }
0x64: {  	[tilespmem:s13], [sflag:$0x3] =	stream.linear.gather [hbm4b:s8+s4], $0x5000, $0x38;
	[tilespmem:$0x17000] =	vst v63  }
0x65: {  	_ =	swait.ge [sflag:s12], $0x5000  }
0x66: {  	[sflag:s12] =	ssyncset.done $0x0  }
0x67: {  	[sflag:s12] =	ssyncadd.s32 $0xFFFFB000  }
0x68: {  	s0 =	rddreg [dreg:$0x1]  }
0x69: {  	[spmem:s15], [sflag:s14] =	dma.local [hbm:s0], $0xA00  }
.Ltmp2:
0x6a: {  	_ =	swait.ge [sflag:s12], $0xA00;
	(pc) =	sbr.rel @p0 .LBB2_5-.Ltmp2, $4  }
0x6b: {  	[sflag:s12] =	ssyncset.done $0x0  }
0x6c: {  	[sflag:s12] =	ssyncadd.s32 $0xFFFFF600  }
0x6d: {  	[bflag:$0x0] =	sbarrier.arrive $0xFFFF  }
0x6e: {  	s0 =	simm.s32 $0x0  }
0x6f: {  	[tilespmem:s17], [sflag:$0x1] =	stream.indirect.gather [hbm4b:s5+s16], $0x20, s0, s16, $0xb8;
	[tilespmem:$0x17000] =	vst v63  }
0x70: {  	s2 =	simm.s32 $0x80  }
0x71: {  	[tilespmem:s18], [sflag:$0x1] =	stream.indirect.gather [hbm4b:s5+s16], $0x20, s2, s16, $0xb8;
	[tilespmem:$0x17000] =	vst v63  }
0x72: {  	s1 =	simm.s32 $0x100  }
0x73: {  	[tilespmem:s19], [sflag:$0x1] =	stream.indirect.gather [hbm4b:s5+s16], $0x20, s1, s16, $0xb8;
	[tilespmem:$0x17000] =	vst v63  }
0x74: {  	s2 =	simm.s32 $0x180  }
0x75: {  	[tilespmem:s20], [sflag:$0x1] =	stream.indirect.gather [hbm4b:s5+s16], $0x20, s2, s16, $0xb8;
	[tilespmem:$0x17000] =	vst v63  }
0x76: {  	s1 =	simm.s32 $0x200  }
0x77: {  	[tilespmem:s21], [sflag:$0x1] =	stream.indirect.gather [hbm4b:s5+s16], $0x20, s1, s16, $0xb8;
	[tilespmem:$0x17000] =	vst v63  }
0x78: {  	s2 =	simm.s32 $0x280  }
0x79: {  	[tilespmem:s22], [sflag:$0x1] =	stream.indirect.gather [hbm4b:s5+s16], $0x20, s2, s16, $0xb8;
	[tilespmem:$0x17000] =	vst v63  }
0x7a: {  	s1 =	simm.s32 $0x300  }
0x7b: {  	[tilespmem:s23], [sflag:$0x1] =	stream.indirect.gather [hbm4b:s5+s16], $0x20, s1, s16, $0xb8;
	[tilespmem:$0x17000] =	vst v63  }
0x7c: {  	s2 =	simm.s32 $0x380  }
0x7d: {  	[tilespmem:s24], [sflag:$0x1] =	stream.indirect.gather [hbm4b:s5+s16], $0x20, s2, s16, $0xb8;
	[tilespmem:$0x17000] =	vst v63  }
0x7e: {  	_ =	swait.ge [sflag:s25], $0x1000  }
0x7f: {  	[sflag:s25] =	ssyncset.done $0x0  }
0x80: {  	s1 =	simm.s32 $0x5000;
	[sflag:s25] =	ssyncadd.s32 $0xFFFFF000  }
0x81: {  	[spmem:s3] =	stream.indirect.scatter.add.f32 [tilespmem:s17], [sflag:$0x2], $0x20, s1, s16, $0xb8;
	[tilespmem:$0x17000] =	vst v63  }
0x82: {  	_ =	swait.ge [sflag:s25], $0x1000  }
0x83: {  	[sflag:s25] =	ssyncset.done $0x0  }
0x84: {  	s2 =	simm.s32 $0x5080;
	[sflag:s25] =	ssyncadd.s32 $0xFFFFF000  }
0x85: {  	[spmem:s3] =	stream.indirect.scatter.add.f32 [tilespmem:s18], [sflag:$0x2], $0x20, s2, s16, $0xb8;
	[tilespmem:$0x17000] =	vst v63  }
0x86: {  	_ =	swait.ge [sflag:s25], $0x1000  }
0x87: {  	[sflag:s25] =	ssyncset.done $0x0  }
0x88: {  	s1 =	simm.s32 $0x5100;
	[sflag:s25] =	ssyncadd.s32 $0xFFFFF000  }
0x89: {  	[spmem:s3] =	stream.indirect.scatter.add.f32 [tilespmem:s19], [sflag:$0x2], $0x20, s1, s16, $0xb8;
	[tilespmem:$0x17000] =	vst v63  }
0x8a: {  	_ =	swait.ge [sflag:s25], $0x1000  }
0x8b: {  	[sflag:s25] =	ssyncset.done $0x0  }
0x8c: {  	s2 =	simm.s32 $0x5180;
	[sflag:s25] =	ssyncadd.s32 $0xFFFFF000  }
0x8d: {  	[spmem:s3] =	stream.indirect.scatter.add.f32 [tilespmem:s20], [sflag:$0x2], $0x20, s2, s16, $0xb8;
	[tilespmem:$0x17000] =	vst v63  }
0x8e: {  	_ =	swait.ge [sflag:s25], $0x1000  }
0x8f: {  	[sflag:s25] =	ssyncset.done $0x0  }
0x90: {  	s1 =	simm.s32 $0x5200;
	[sflag:s25] =	ssyncadd.s32 $0xFFFFF000  }
0x91: {  	[spmem:s3] =	stream.indirect.scatter.add.f32 [tilespmem:s21], [sflag:$0x2], $0x20, s1, s16, $0xb8;
	[tilespmem:$0x17000] =	vst v63  }
0x92: {  	_ =	swait.ge [sflag:s25], $0x1000  }
0x93: {  	[sflag:s25] =	ssyncset.done $0x0  }
0x94: {  	s2 =	simm.s32 $0x5280;
	[sflag:s25] =	ssyncadd.s32 $0xFFFFF000  }
0x95: {  	[spmem:s3] =	stream.indirect.scatter.add.f32 [tilespmem:s22], [sflag:$0x2], $0x20, s2, s16, $0xb8;
	[tilespmem:$0x17000] =	vst v63  }
0x96: {  	_ =	swait.ge [sflag:s25], $0x1000  }
0x97: {  	[sflag:s25] =	ssyncset.done $0x0  }
0x98: {  	s1 =	simm.s32 $0x5300;
	[sflag:s25] =	ssyncadd.s32 $0xFFFFF000  }
0x99: {  	[spmem:s3] =	stream.indirect.scatter.add.f32 [tilespmem:s23], [sflag:$0x2], $0x20, s1, s16, $0xb8;
	[tilespmem:$0x17000] =	vst v63  }
0x9a: {  	_ =	swait.ge [sflag:s25], $0x1000  }
0x9b: {  	[sflag:s25] =	ssyncset.done $0x0  }
0x9c: {  	s2 =	simm.s32 $0x5380;
	[sflag:s25] =	ssyncadd.s32 $0xFFFFF000  }
0x9d: {  	[spmem:s3] =	stream.indirect.scatter.add.f32 [tilespmem:s24], [sflag:$0x2], $0x20, s2, s16, $0xb8;
	[tilespmem:$0x17000] =	vst v63  }
0x9e: {  	_ =	swait.ge [sflag:s26], $0x1000  }
0x9f: {  	[sflag:s26] =	ssyncset.done $0x0  }
0xa0: {  	[sflag:s26] =	ssyncadd.s32 $0xFFFFF000  }
0xa1: {  	_ =	swait.ge [sflag:s26], $0x1000  }
0xa2: {  	[sflag:s26] =	ssyncset.done $0x0  }
0xa3: {  	[sflag:s26] =	ssyncadd.s32 $0xFFFFF000  }
0xa4: {  	_ =	swait.ge [sflag:s26], $0x1000  }
0xa5: {  	[sflag:s26] =	ssyncset.done $0x0  }
0xa6: {  	[sflag:s26] =	ssyncadd.s32 $0xFFFFF000  }
0xa7: {  	_ =	swait.ge [sflag:s26], $0x1000  }
0xa8: {  	[sflag:s26] =	ssyncset.done $0x0  }
0xa9: {  	[sflag:s26] =	ssyncadd.s32 $0xFFFFF000  }
0xaa: {  	_ =	swait.ge [sflag:s26], $0x1000  }
0xab: {  	[sflag:s26] =	ssyncset.done $0x0  }
0xac: {  	[sflag:s26] =	ssyncadd.s32 $0xFFFFF000  }
0xad: {  	_ =	swait.ge [sflag:s26], $0x1000  }
0xae: {  	[sflag:s26] =	ssyncset.done $0x0  }
0xaf: {  	[sflag:s26] =	ssyncadd.s32 $0xFFFFF000  }
0xb0: {  	_ =	swait.ge [sflag:s26], $0x1000  }
0xb1: {  	[sflag:s26] =	ssyncset.done $0x0  }
0xb2: {  	[sflag:s26] =	ssyncadd.s32 $0xFFFFF000  }
0xb3: {  	_ =	swait.ge [sflag:s26], $0x1000  }
0xb4: {  	s31 =	simm.s32 $0x1000;
	s0 =	simm.s32 $0x2000;
	[sflag:s26] =	ssyncset.done $0x0  }
.LBB2_3:
0xb5: {  	s2 =	sshra.s32 s31, $0x2  }
0xb6: {  	[sflag:s26] =	ssyncadd.s32 $0xFFFFF000;
	s31 =	smov.u32 s0;
	s1 =	sadd.s32 $0x1000, s0  }
0xb7: {  	[tilespmem:s17], [sflag:$0x1] =	stream.indirect.gather [hbm4b:s5+s16], $0x20, s2, s16, $0xb8;
	[tilespmem:$0x17000] =	vst v63  }
0xb8: {  	p1 =	seq.s32 s0, $0x13000;
	s0 =	sadd.s32 $0x80, s2  }
0xb9: {  	[tilespmem:s18], [sflag:$0x1] =	stream.indirect.gather [hbm4b:s5+s16], $0x20, s0, s16, $0xb8;
	[tilespmem:$0x17000] =	vst v63  }
0xba: {  	s0 =	sadd.s32 $0x100, s2  }
0xbb: {  	[tilespmem:s19], [sflag:$0x1] =	stream.indirect.gather [hbm4b:s5+s16], $0x20, s0, s16, $0xb8;
	[tilespmem:$0x17000] =	vst v63  }
0xbc: {  	s0 =	sadd.s32 $0x180, s2  }
0xbd: {  	[tilespmem:s20], [sflag:$0x1] =	stream.indirect.gather [hbm4b:s5+s16], $0x20, s0, s16, $0xb8;
	[tilespmem:$0x17000] =	vst v63  }
0xbe: {  	s0 =	sadd.s32 $0x200, s2  }
0xbf: {  	[tilespmem:s21], [sflag:$0x1] =	stream.indirect.gather [hbm4b:s5+s16], $0x20, s0, s16, $0xb8;
	[tilespmem:$0x17000] =	vst v63  }
0xc0: {  	s0 =	sadd.s32 $0x280, s2  }
0xc1: {  	[tilespmem:s22], [sflag:$0x1] =	stream.indirect.gather [hbm4b:s5+s16], $0x20, s0, s16, $0xb8;
	[tilespmem:$0x17000] =	vst v63  }
0xc2: {  	s0 =	sadd.s32 $0x300, s2  }
0xc3: {  	[tilespmem:s23], [sflag:$0x1] =	stream.indirect.gather [hbm4b:s5+s16], $0x20, s0, s16, $0xb8;
	[tilespmem:$0x17000] =	vst v63  }
0xc4: {  	s0 =	sadd.s32 $0x380, s2  }
0xc5: {  	[tilespmem:s24], [sflag:$0x1] =	stream.indirect.gather [hbm4b:s5+s16], $0x20, s0, s16, $0xb8;
	[tilespmem:$0x17000] =	vst v63  }
0xc6: {  	_ =	swait.ge [sflag:s25], $0x1000  }
0xc7: {  	[sflag:s25] =	ssyncset.done $0x0  }
0xc8: {  	s0 =	sadd.s32 $0x5000, s2;
	[sflag:s25] =	ssyncadd.s32 $0xFFFFF000  }
0xc9: {  	[spmem:s3] =	stream.indirect.scatter.add.f32 [tilespmem:s17], [sflag:$0x2], $0x20, s0, s16, $0xb8;
	[tilespmem:$0x17000] =	vst v63  }
0xca: {  	_ =	swait.ge [sflag:s25], $0x1000  }
0xcb: {  	[sflag:s25] =	ssyncset.done $0x0  }
0xcc: {  	s0 =	sadd.s32 $0x5080, s2;
	[sflag:s25] =	ssyncadd.s32 $0xFFFFF000  }
0xcd: {  	[spmem:s3] =	stream.indirect.scatter.add.f32 [tilespmem:s18], [sflag:$0x2], $0x20, s0, s16, $0xb8;
	[tilespmem:$0x17000] =	vst v63  }
0xce: {  	_ =	swait.ge [sflag:s25], $0x1000  }
0xcf: {  	[sflag:s25] =	ssyncset.done $0x0  }
0xd0: {  	s0 =	sadd.s32 $0x5100, s2;
	[sflag:s25] =	ssyncadd.s32 $0xFFFFF000  }
0xd1: {  	[spmem:s3] =	stream.indirect.scatter.add.f32 [tilespmem:s19], [sflag:$0x2], $0x20, s0, s16, $0xb8;
	[tilespmem:$0x17000] =	vst v63  }
0xd2: {  	_ =	swait.ge [sflag:s25], $0x1000  }
0xd3: {  	[sflag:s25] =	ssyncset.done $0x0  }
0xd4: {  	s0 =	sadd.s32 $0x5180, s2;
	[sflag:s25] =	ssyncadd.s32 $0xFFFFF000  }
0xd5: {  	[spmem:s3] =	stream.indirect.scatter.add.f32 [tilespmem:s20], [sflag:$0x2], $0x20, s0, s16, $0xb8;
	[tilespmem:$0x17000] =	vst v63  }
0xd6: {  	_ =	swait.ge [sflag:s25], $0x1000  }
0xd7: {  	[sflag:s25] =	ssyncset.done $0x0  }
0xd8: {  	s0 =	sadd.s32 $0x5200, s2;
	[sflag:s25] =	ssyncadd.s32 $0xFFFFF000  }
0xd9: {  	[spmem:s3] =	stream.indirect.scatter.add.f32 [tilespmem:s21], [sflag:$0x2], $0x20, s0, s16, $0xb8;
	[tilespmem:$0x17000] =	vst v63  }
0xda: {  	_ =	swait.ge [sflag:s25], $0x1000  }
0xdb: {  	[sflag:s25] =	ssyncset.done $0x0  }
0xdc: {  	s0 =	sadd.s32 $0x5280, s2;
	[sflag:s25] =	ssyncadd.s32 $0xFFFFF000  }
0xdd: {  	[spmem:s3] =	stream.indirect.scatter.add.f32 [tilespmem:s22], [sflag:$0x2], $0x20, s0, s16, $0xb8;
	[tilespmem:$0x17000] =	vst v63  }
0xde: {  	_ =	swait.ge [sflag:s25], $0x1000  }
0xdf: {  	[sflag:s25] =	ssyncset.done $0x0  }
0xe0: {  	s0 =	sadd.s32 $0x5300, s2;
	[sflag:s25] =	ssyncadd.s32 $0xFFFFF000  }
0xe1: {  	[spmem:s3] =	stream.indirect.scatter.add.f32 [tilespmem:s23], [sflag:$0x2], $0x20, s0, s16, $0xb8;
	[tilespmem:$0x17000] =	vst v63  }
0xe2: {  	_ =	swait.ge [sflag:s25], $0x1000  }
0xe3: {  	[sflag:s25] =	ssyncset.done $0x0  }
0xe4: {  	s0 =	sadd.s32 $0x5380, s2;
	[sflag:s25] =	ssyncadd.s32 $0xFFFFF000  }
0xe5: {  	[spmem:s3] =	stream.indirect.scatter.add.f32 [tilespmem:s24], [sflag:$0x2], $0x20, s0, s16, $0xb8;
	[tilespmem:$0x17000] =	vst v63  }
0xe6: {  	_ =	swait.ge [sflag:s26], $0x1000  }
0xe7: {  	[sflag:s26] =	ssyncset.done $0x0  }
0xe8: {  	[sflag:s26] =	ssyncadd.s32 $0xFFFFF000  }
0xe9: {  	_ =	swait.ge [sflag:s26], $0x1000  }
0xea: {  	[sflag:s26] =	ssyncset.done $0x0  }
0xeb: {  	[sflag:s26] =	ssyncadd.s32 $0xFFFFF000  }
0xec: {  	_ =	swait.ge [sflag:s26], $0x1000  }
0xed: {  	[sflag:s26] =	ssyncset.done $0x0  }
0xee: {  	[sflag:s26] =	ssyncadd.s32 $0xFFFFF000  }
0xef: {  	_ =	swait.ge [sflag:s26], $0x1000  }
0xf0: {  	[sflag:s26] =	ssyncset.done $0x0  }
0xf1: {  	[sflag:s26] =	ssyncadd.s32 $0xFFFFF000  }
0xf2: {  	_ =	swait.ge [sflag:s26], $0x1000  }
0xf3: {  	[sflag:s26] =	ssyncset.done $0x0  }
0xf4: {  	[sflag:s26] =	ssyncadd.s32 $0xFFFFF000  }
0xf5: {  	_ =	swait.ge [sflag:s26], $0x1000  }
0xf6: {  	[sflag:s26] =	ssyncset.done $0x0  }
0xf7: {  	[sflag:s26] =	ssyncadd.s32 $0xFFFFF000  }
.Ltmp3:
0xf8: {  	_ =	swait.ge [sflag:s26], $0x1000;
	(pc) =	sbr.rel @!p1 .LBB2_3-.Ltmp3, $4  }
0xf9: {  	[sflag:s26] =	ssyncset.done $0x0  }
0xfa: {  	[sflag:s26] =	ssyncadd.s32 $0xFFFFF000  }
0xfb: {  	_ =	swait.ge [sflag:s26], $0x1000  }
0xfc: {  	s0 =	smov.u32 s1;
	[sflag:s26] =	ssyncset.done $0x0  }
0xfd: {  	s0 =	sshra.s32 s31, $0x2;
	[sflag:s26] =	ssyncadd.s32 $0xFFFFF000  }
0xfe: {  	[tilespmem:s17], [sflag:$0x1] =	stream.indirect.gather [hbm4b:s5+s16], $0x20, s0, s16, $0xb8;
	[tilespmem:$0x17000] =	vst v63  }
0xff: {  	s1 =	sadd.s32 $0x80, s0  }
0x100: {  	[tilespmem:s18], [sflag:$0x1] =	stream.indirect.gather [hbm4b:s5+s16], $0x20, s1, s16, $0xb8;
	[tilespmem:$0x17000] =	vst v63  }
0x101: {  	s31 =	sadd.s32 $0x100, s0  }
0x102: {  	[tilespmem:s19], [sflag:$0x1] =	stream.indirect.gather [hbm4b:s5+s16], $0x20, s31, s16, $0xb8;
	[tilespmem:$0x17000] =	vst v63  }
0x103: {  	s2 =	sadd.s32 $0x180, s0  }
0x104: {  	[tilespmem:s20], [sflag:$0x1] =	stream.indirect.gather [hbm4b:s5+s16], $0x20, s2, s16, $0xb8;
	[tilespmem:$0x17000] =	vst v63  }
0x105: {  	s31 =	sadd.s32 $0x200, s0  }
0x106: {  	[tilespmem:s21], [sflag:$0x1] =	stream.indirect.gather [hbm4b:s5+s16], $0x20, s31, s16, $0xb8;
	[tilespmem:$0x17000] =	vst v63  }
0x107: {  	s2 =	sadd.s32 $0x280, s0  }
0x108: {  	[tilespmem:s22], [sflag:$0x1] =	stream.indirect.gather [hbm4b:s5+s16], $0x20, s2, s16, $0xb8;
	[tilespmem:$0x17000] =	vst v63  }
0x109: {  	s31 =	sadd.s32 $0x300, s0  }
0x10a: {  	[tilespmem:s23], [sflag:$0x1] =	stream.indirect.gather [hbm4b:s5+s16], $0x20, s31, s16, $0xb8;
	[tilespmem:$0x17000] =	vst v63  }
0x10b: {  	s2 =	sadd.s32 $0x380, s0  }
0x10c: {  	[tilespmem:s24], [sflag:$0x1] =	stream.indirect.gather [hbm4b:s5+s16], $0x20, s2, s16, $0xb8;
	[tilespmem:$0x17000] =	vst v63  }
0x10d: {  	_ =	swait.ge [sflag:s25], $0x1000  }
0x10e: {  	[sflag:s25] =	ssyncset.done $0x0  }
0x10f: {  	s31 =	sadd.s32 $0x5000, s0;
	[sflag:s25] =	ssyncadd.s32 $0xFFFFF000  }
0x110: {  	[spmem:s3] =	stream.indirect.scatter.add.f32 [tilespmem:s17], [sflag:$0x2], $0x20, s31, s16, $0xb8;
	[tilespmem:$0x17000] =	vst v63  }
0x111: {  	_ =	swait.ge [sflag:s25], $0x1000  }
0x112: {  	[sflag:s25] =	ssyncset.done $0x0  }
0x113: {  	s2 =	sadd.s32 $0x5080, s0;
	[sflag:s25] =	ssyncadd.s32 $0xFFFFF000  }
0x114: {  	[spmem:s3] =	stream.indirect.scatter.add.f32 [tilespmem:s18], [sflag:$0x2], $0x20, s2, s16, $0xb8;
	[tilespmem:$0x17000] =	vst v63  }
0x115: {  	_ =	swait.ge [sflag:s25], $0x1000  }
0x116: {  	[sflag:s25] =	ssyncset.done $0x0  }
0x117: {  	s31 =	sadd.s32 $0x5100, s0;
	[sflag:s25] =	ssyncadd.s32 $0xFFFFF000  }
0x118: {  	[spmem:s3] =	stream.indirect.scatter.add.f32 [tilespmem:s19], [sflag:$0x2], $0x20, s31, s16, $0xb8;
	[tilespmem:$0x17000] =	vst v63  }
0x119: {  	_ =	swait.ge [sflag:s25], $0x1000  }
0x11a: {  	[sflag:s25] =	ssyncset.done $0x0  }
0x11b: {  	s2 =	sadd.s32 $0x5180, s0;
	[sflag:s25] =	ssyncadd.s32 $0xFFFFF000  }
0x11c: {  	[spmem:s3] =	stream.indirect.scatter.add.f32 [tilespmem:s20], [sflag:$0x2], $0x20, s2, s16, $0xb8;
	[tilespmem:$0x17000] =	vst v63  }
0x11d: {  	_ =	swait.ge [sflag:s25], $0x1000  }
0x11e: {  	[sflag:s25] =	ssyncset.done $0x0  }
0x11f: {  	s31 =	sadd.s32 $0x5200, s0;
	[sflag:s25] =	ssyncadd.s32 $0xFFFFF000  }
0x120: {  	[spmem:s3] =	stream.indirect.scatter.add.f32 [tilespmem:s21], [sflag:$0x2], $0x20, s31, s16, $0xb8;
	[tilespmem:$0x17000] =	vst v63  }
0x121: {  	_ =	swait.ge [sflag:s25], $0x1000  }
0x122: {  	[sflag:s25] =	ssyncset.done $0x0  }
0x123: {  	s2 =	sadd.s32 $0x5280, s0;
	[sflag:s25] =	ssyncadd.s32 $0xFFFFF000  }
0x124: {  	[spmem:s3] =	stream.indirect.scatter.add.f32 [tilespmem:s22], [sflag:$0x2], $0x20, s2, s16, $0xb8;
	[tilespmem:$0x17000] =	vst v63  }
0x125: {  	_ =	swait.ge [sflag:s25], $0x1000  }
0x126: {  	[sflag:s25] =	ssyncset.done $0x0  }
0x127: {  	s31 =	sadd.s32 $0x5300, s0;
	[sflag:s25] =	ssyncadd.s32 $0xFFFFF000  }
0x128: {  	[spmem:s3] =	stream.indirect.scatter.add.f32 [tilespmem:s23], [sflag:$0x2], $0x20, s31, s16, $0xb8;
	[tilespmem:$0x17000] =	vst v63  }
0x129: {  	_ =	swait.ge [sflag:s25], $0x1000  }
0x12a: {  	[sflag:s25] =	ssyncset.done $0x0  }
0x12b: {  	s0 =	sadd.s32 $0x5380, s0;
	[sflag:s25] =	ssyncadd.s32 $0xFFFFF000  }
0x12c: {  	[spmem:s3] =	stream.indirect.scatter.add.f32 [tilespmem:s24], [sflag:$0x2], $0x20, s0, s16, $0xb8;
	[tilespmem:$0x17000] =	vst v63  }
0x12d: {  	_ =	swait.ge [sflag:s26], $0x1000  }
0x12e: {  	[sflag:s26] =	ssyncset.done $0x0  }
0x12f: {  	[sflag:s26] =	ssyncadd.s32 $0xFFFFF000  }
0x130: {  	_ =	swait.ge [sflag:s26], $0x1000  }
0x131: {  	[sflag:s26] =	ssyncset.done $0x0  }
0x132: {  	[sflag:s26] =	ssyncadd.s32 $0xFFFFF000  }
0x133: {  	_ =	swait.ge [sflag:s26], $0x1000  }
0x134: {  	[sflag:s26] =	ssyncset.done $0x0  }
0x135: {  	[sflag:s26] =	ssyncadd.s32 $0xFFFFF000  }
0x136: {  	_ =	swait.ge [sflag:s26], $0x1000  }
0x137: {  	[sflag:s26] =	ssyncset.done $0x0  }
0x138: {  	[sflag:s26] =	ssyncadd.s32 $0xFFFFF000  }
0x139: {  	_ =	swait.ge [sflag:s26], $0x1000  }
0x13a: {  	[sflag:s26] =	ssyncset.done $0x0  }
0x13b: {  	[sflag:s26] =	ssyncadd.s32 $0xFFFFF000  }
0x13c: {  	_ =	swait.ge [sflag:s26], $0x1000  }
0x13d: {  	[sflag:s26] =	ssyncset.done $0x0  }
0x13e: {  	[sflag:s26] =	ssyncadd.s32 $0xFFFFF000  }
0x13f: {  	_ =	swait.ge [sflag:s26], $0x1000  }
.Ltmp4:
0x140: {  	[sflag:s26] =	ssyncset.done $0x0;
	(pc) =	sbr.rel .LBB2_8-.Ltmp4, $4  }
0x141: {  	[sflag:s26] =	ssyncadd.s32 $0xFFFFF000  }
0x142: {  	_ =	swait.ge [sflag:s26], $0x1000  }
0x143: {  	[sflag:s26] =	ssyncset.done $0x0  }
0x144: {  	s0 =	smov.u32 s10;
	[sflag:s26] =	ssyncadd.s32 $0xFFFFF000  }
.LBB2_5:
0x145: {  	[tilespmem:s17], [sflag:$0x1] =	stream.indirect.gather [hbm4b:s6+s16], $0x20, s0, s16, $0xb8;
	[tilespmem:$0x17000] =	vst v63  }
0x146: {  	s2 =	simm.s32 $0x80  }
0x147: {  	[tilespmem:s18], [sflag:$0x1] =	stream.indirect.gather [hbm4b:s6+s16], $0x20, s2, s16, $0xb8;
	[tilespmem:$0x17000] =	vst v63  }
0x148: {  	s1 =	simm.s32 $0x100  }
0x149: {  	[tilespmem:s19], [sflag:$0x1] =	stream.indirect.gather [hbm4b:s6+s16], $0x20, s1, s16, $0xb8;
	[tilespmem:$0x17000] =	vst v63  }
0x14a: {  	s2 =	simm.s32 $0x180  }
0x14b: {  	[tilespmem:s20], [sflag:$0x1] =	stream.indirect.gather [hbm4b:s6+s16], $0x20, s2, s16, $0xb8;
	[tilespmem:$0x17000] =	vst v63  }
0x14c: {  	s1 =	simm.s32 $0x200  }
0x14d: {  	[tilespmem:s21], [sflag:$0x1] =	stream.indirect.gather [hbm4b:s6+s16], $0x20, s1, s16, $0xb8;
	[tilespmem:$0x17000] =	vst v63  }
0x14e: {  	s2 =	simm.s32 $0x280  }
0x14f: {  	[tilespmem:s22], [sflag:$0x1] =	stream.indirect.gather [hbm4b:s6+s16], $0x20, s2, s16, $0xb8;
	[tilespmem:$0x17000] =	vst v63  }
0x150: {  	s1 =	simm.s32 $0x300  }
0x151: {  	[tilespmem:s23], [sflag:$0x1] =	stream.indirect.gather [hbm4b:s6+s16], $0x20, s1, s16, $0xb8;
	[tilespmem:$0x17000] =	vst v63  }
0x152: {  	s2 =	simm.s32 $0x380  }
0x153: {  	[tilespmem:s24], [sflag:$0x1] =	stream.indirect.gather [hbm4b:s6+s16], $0x20, s2, s16, $0xb8;
	[tilespmem:$0x17000] =	vst v63  }
0x154: {  	_ =	swait.ge [sflag:s25], $0x1000  }
0x155: {  	[sflag:s25] =	ssyncset.done $0x0  }
0x156: {  	s1 =	simm.s32 $0x5000;
	[sflag:s25] =	ssyncadd.s32 $0xFFFFF000  }
0x157: {  	[spmem:s3] =	stream.indirect.scatter.add.f32 [tilespmem:s17], [sflag:$0x2], $0x20, s1, s16, $0xb8;
	[tilespmem:$0x17000] =	vst v63  }
0x158: {  	_ =	swait.ge [sflag:s25], $0x1000  }
0x159: {  	[sflag:s25] =	ssyncset.done $0x0  }
0x15a: {  	s2 =	simm.s32 $0x5080;
	[sflag:s25] =	ssyncadd.s32 $0xFFFFF000  }
0x15b: {  	[spmem:s3] =	stream.indirect.scatter.add.f32 [tilespmem:s18], [sflag:$0x2], $0x20, s2, s16, $0xb8;
	[tilespmem:$0x17000] =	vst v63  }
0x15c: {  	_ =	swait.ge [sflag:s25], $0x1000  }
0x15d: {  	[sflag:s25] =	ssyncset.done $0x0  }
0x15e: {  	s1 =	simm.s32 $0x5100;
	[sflag:s25] =	ssyncadd.s32 $0xFFFFF000  }
0x15f: {  	[spmem:s3] =	stream.indirect.scatter.add.f32 [tilespmem:s19], [sflag:$0x2], $0x20, s1, s16, $0xb8;
	[tilespmem:$0x17000] =	vst v63  }
0x160: {  	_ =	swait.ge [sflag:s25], $0x1000  }
0x161: {  	[sflag:s25] =	ssyncset.done $0x0  }
0x162: {  	s2 =	simm.s32 $0x5180;
	[sflag:s25] =	ssyncadd.s32 $0xFFFFF000  }
0x163: {  	[spmem:s3] =	stream.indirect.scatter.add.f32 [tilespmem:s20], [sflag:$0x2], $0x20, s2, s16, $0xb8;
	[tilespmem:$0x17000] =	vst v63  }
0x164: {  	_ =	swait.ge [sflag:s25], $0x1000  }
0x165: {  	[sflag:s25] =	ssyncset.done $0x0  }
0x166: {  	s1 =	simm.s32 $0x5200;
	[sflag:s25] =	ssyncadd.s32 $0xFFFFF000  }
0x167: {  	[spmem:s3] =	stream.indirect.scatter.add.f32 [tilespmem:s21], [sflag:$0x2], $0x20, s1, s16, $0xb8;
	[tilespmem:$0x17000] =	vst v63  }
0x168: {  	_ =	swait.ge [sflag:s25], $0x1000  }
0x169: {  	[sflag:s25] =	ssyncset.done $0x0  }
0x16a: {  	s2 =	simm.s32 $0x5280;
	[sflag:s25] =	ssyncadd.s32 $0xFFFFF000  }
0x16b: {  	[spmem:s3] =	stream.indirect.scatter.add.f32 [tilespmem:s22], [sflag:$0x2], $0x20, s2, s16, $0xb8;
	[tilespmem:$0x17000] =	vst v63  }
0x16c: {  	_ =	swait.ge [sflag:s25], $0x1000  }
0x16d: {  	[sflag:s25] =	ssyncset.done $0x0  }
0x16e: {  	s1 =	simm.s32 $0x5300;
	[sflag:s25] =	ssyncadd.s32 $0xFFFFF000  }
0x16f: {  	[spmem:s3] =	stream.indirect.scatter.add.f32 [tilespmem:s23], [sflag:$0x2], $0x20, s1, s16, $0xb8;
	[tilespmem:$0x17000] =	vst v63  }
0x170: {  	_ =	swait.ge [sflag:s25], $0x1000  }
0x171: {  	[sflag:s25] =	ssyncset.done $0x0  }
0x172: {  	s2 =	simm.s32 $0x5380;
	[sflag:s25] =	ssyncadd.s32 $0xFFFFF000  }
0x173: {  	[spmem:s3] =	stream.indirect.scatter.add.f32 [tilespmem:s24], [sflag:$0x2], $0x20, s2, s16, $0xb8;
	[tilespmem:$0x17000] =	vst v63  }
0x174: {  	_ =	swait.ge [sflag:s26], $0x1000  }
0x175: {  	[sflag:s26] =	ssyncset.done $0x0  }
0x176: {  	[sflag:s26] =	ssyncadd.s32 $0xFFFFF000  }
0x177: {  	_ =	swait.ge [sflag:s26], $0x1000  }
0x178: {  	[sflag:s26] =	ssyncset.done $0x0  }
0x179: {  	[sflag:s26] =	ssyncadd.s32 $0xFFFFF000  }
0x17a: {  	_ =	swait.ge [sflag:s26], $0x1000  }
0x17b: {  	[sflag:s26] =	ssyncset.done $0x0  }
0x17c: {  	[sflag:s26] =	ssyncadd.s32 $0xFFFFF000  }
0x17d: {  	_ =	swait.ge [sflag:s26], $0x1000  }
0x17e: {  	[sflag:s26] =	ssyncset.done $0x0  }
0x17f: {  	[sflag:s26] =	ssyncadd.s32 $0xFFFFF000  }
0x180: {  	_ =	swait.ge [sflag:s26], $0x1000  }
0x181: {  	[sflag:s26] =	ssyncset.done $0x0  }
0x182: {  	[sflag:s26] =	ssyncadd.s32 $0xFFFFF000  }
0x183: {  	_ =	swait.ge [sflag:s26], $0x1000  }
0x184: {  	[sflag:s26] =	ssyncset.done $0x0  }
0x185: {  	[sflag:s26] =	ssyncadd.s32 $0xFFFFF000  }
0x186: {  	_ =	swait.ge [sflag:s26], $0x1000  }
0x187: {  	[sflag:s26] =	ssyncset.done $0x0  }
0x188: {  	[sflag:s26] =	ssyncadd.s32 $0xFFFFF000  }
0x189: {  	_ =	swait.ge [sflag:s26], $0x1000  }
0x18a: {  	s31 =	simm.s32 $0x1000;
	s1 =	simm.s32 $0x2000;
	[sflag:s26] =	ssyncset.done $0x0  }
.LBB2_6:
0x18b: {  	s2 =	sshra.s32 s31, $0x2  }
0x18c: {  	[sflag:s26] =	ssyncadd.s32 $0xFFFFF000;
	s31 =	smov.u32 s1;
	s0 =	sadd.s32 $0x1000, s1  }
0x18d: {  	[tilespmem:s17], [sflag:$0x1] =	stream.indirect.gather [hbm4b:s6+s16], $0x20, s2, s16, $0xb8;
	[tilespmem:$0x17000] =	vst v63  }
0x18e: {  	p1 =	sne.s32 s1, $0x13000;
	s1 =	sadd.s32 $0x80, s2  }
0x18f: {  	[tilespmem:s18], [sflag:$0x1] =	stream.indirect.gather [hbm4b:s6+s16], $0x20, s1, s16, $0xb8;
	[tilespmem:$0x17000] =	vst v63  }
0x190: {  	s1 =	sadd.s32 $0x100, s2  }
0x191: {  	[tilespmem:s19], [sflag:$0x1] =	stream.indirect.gather [hbm4b:s6+s16], $0x20, s1, s16, $0xb8;
	[tilespmem:$0x17000] =	vst v63  }
0x192: {  	s1 =	sadd.s32 $0x180, s2  }
0x193: {  	[tilespmem:s20], [sflag:$0x1] =	stream.indirect.gather [hbm4b:s6+s16], $0x20, s1, s16, $0xb8;
	[tilespmem:$0x17000] =	vst v63  }
0x194: {  	s1 =	sadd.s32 $0x200, s2  }
0x195: {  	[tilespmem:s21], [sflag:$0x1] =	stream.indirect.gather [hbm4b:s6+s16], $0x20, s1, s16, $0xb8;
	[tilespmem:$0x17000] =	vst v63  }
0x196: {  	s1 =	sadd.s32 $0x280, s2  }
0x197: {  	[tilespmem:s22], [sflag:$0x1] =	stream.indirect.gather [hbm4b:s6+s16], $0x20, s1, s16, $0xb8;
	[tilespmem:$0x17000] =	vst v63  }
0x198: {  	s1 =	sadd.s32 $0x300, s2  }
0x199: {  	[tilespmem:s23], [sflag:$0x1] =	stream.indirect.gather [hbm4b:s6+s16], $0x20, s1, s16, $0xb8;
	[tilespmem:$0x17000] =	vst v63  }
0x19a: {  	s1 =	sadd.s32 $0x380, s2  }
0x19b: {  	[tilespmem:s24], [sflag:$0x1] =	stream.indirect.gather [hbm4b:s6+s16], $0x20, s1, s16, $0xb8;
	[tilespmem:$0x17000] =	vst v63  }
0x19c: {  	_ =	swait.ge [sflag:s25], $0x1000  }
0x19d: {  	[sflag:s25] =	ssyncset.done $0x0  }
0x19e: {  	s1 =	sadd.s32 $0x5000, s2;
	[sflag:s25] =	ssyncadd.s32 $0xFFFFF000  }
0x19f: {  	[spmem:s3] =	stream.indirect.scatter.add.f32 [tilespmem:s17], [sflag:$0x2], $0x20, s1, s16, $0xb8;
	[tilespmem:$0x17000] =	vst v63  }
0x1a0: {  	_ =	swait.ge [sflag:s25], $0x1000  }
0x1a1: {  	[sflag:s25] =	ssyncset.done $0x0  }
0x1a2: {  	s1 =	sadd.s32 $0x5080, s2;
	[sflag:s25] =	ssyncadd.s32 $0xFFFFF000  }
0x1a3: {  	[spmem:s3] =	stream.indirect.scatter.add.f32 [tilespmem:s18], [sflag:$0x2], $0x20, s1, s16, $0xb8;
	[tilespmem:$0x17000] =	vst v63  }
0x1a4: {  	_ =	swait.ge [sflag:s25], $0x1000  }
0x1a5: {  	[sflag:s25] =	ssyncset.done $0x0  }
0x1a6: {  	s1 =	sadd.s32 $0x5100, s2;
	[sflag:s25] =	ssyncadd.s32 $0xFFFFF000  }
0x1a7: {  	[spmem:s3] =	stream.indirect.scatter.add.f32 [tilespmem:s19], [sflag:$0x2], $0x20, s1, s16, $0xb8;
	[tilespmem:$0x17000] =	vst v63  }
0x1a8: {  	_ =	swait.ge [sflag:s25], $0x1000  }
0x1a9: {  	[sflag:s25] =	ssyncset.done $0x0  }
0x1aa: {  	s1 =	sadd.s32 $0x5180, s2;
	[sflag:s25] =	ssyncadd.s32 $0xFFFFF000  }
0x1ab: {  	[spmem:s3] =	stream.indirect.scatter.add.f32 [tilespmem:s20], [sflag:$0x2], $0x20, s1, s16, $0xb8;
	[tilespmem:$0x17000] =	vst v63  }
0x1ac: {  	_ =	swait.ge [sflag:s25], $0x1000  }
0x1ad: {  	[sflag:s25] =	ssyncset.done $0x0  }
0x1ae: {  	s1 =	sadd.s32 $0x5200, s2;
	[sflag:s25] =	ssyncadd.s32 $0xFFFFF000  }
0x1af: {  	[spmem:s3] =	stream.indirect.scatter.add.f32 [tilespmem:s21], [sflag:$0x2], $0x20, s1, s16, $0xb8;
	[tilespmem:$0x17000] =	vst v63  }
0x1b0: {  	_ =	swait.ge [sflag:s25], $0x1000  }
0x1b1: {  	[sflag:s25] =	ssyncset.done $0x0  }
0x1b2: {  	s1 =	sadd.s32 $0x5280, s2;
	[sflag:s25] =	ssyncadd.s32 $0xFFFFF000  }
0x1b3: {  	[spmem:s3] =	stream.indirect.scatter.add.f32 [tilespmem:s22], [sflag:$0x2], $0x20, s1, s16, $0xb8;
	[tilespmem:$0x17000] =	vst v63  }
0x1b4: {  	_ =	swait.ge [sflag:s25], $0x1000  }
0x1b5: {  	[sflag:s25] =	ssyncset.done $0x0  }
0x1b6: {  	s1 =	sadd.s32 $0x5300, s2;
	[sflag:s25] =	ssyncadd.s32 $0xFFFFF000  }
0x1b7: {  	[spmem:s3] =	stream.indirect.scatter.add.f32 [tilespmem:s23], [sflag:$0x2], $0x20, s1, s16, $0xb8;
	[tilespmem:$0x17000] =	vst v63  }
0x1b8: {  	_ =	swait.ge [sflag:s25], $0x1000  }
0x1b9: {  	[sflag:s25] =	ssyncset.done $0x0  }
0x1ba: {  	s1 =	sadd.s32 $0x5380, s2;
	[sflag:s25] =	ssyncadd.s32 $0xFFFFF000  }
0x1bb: {  	[spmem:s3] =	stream.indirect.scatter.add.f32 [tilespmem:s24], [sflag:$0x2], $0x20, s1, s16, $0xb8;
	[tilespmem:$0x17000] =	vst v63  }
0x1bc: {  	_ =	swait.ge [sflag:s26], $0x1000  }
0x1bd: {  	[sflag:s26] =	ssyncset.done $0x0  }
0x1be: {  	[sflag:s26] =	ssyncadd.s32 $0xFFFFF000  }
0x1bf: {  	_ =	swait.ge [sflag:s26], $0x1000  }
0x1c0: {  	[sflag:s26] =	ssyncset.done $0x0  }
0x1c1: {  	[sflag:s26] =	ssyncadd.s32 $0xFFFFF000  }
0x1c2: {  	_ =	swait.ge [sflag:s26], $0x1000  }
0x1c3: {  	[sflag:s26] =	ssyncset.done $0x0  }
0x1c4: {  	[sflag:s26] =	ssyncadd.s32 $0xFFFFF000  }
0x1c5: {  	_ =	swait.ge [sflag:s26], $0x1000  }
0x1c6: {  	[sflag:s26] =	ssyncset.done $0x0  }
0x1c7: {  	[sflag:s26] =	ssyncadd.s32 $0xFFFFF000  }
0x1c8: {  	_ =	swait.ge [sflag:s26], $0x1000  }
0x1c9: {  	[sflag:s26] =	ssyncset.done $0x0  }
0x1ca: {  	[sflag:s26] =	ssyncadd.s32 $0xFFFFF000  }
0x1cb: {  	_ =	swait.ge [sflag:s26], $0x1000  }
0x1cc: {  	[sflag:s26] =	ssyncset.done $0x0  }
0x1cd: {  	[sflag:s26] =	ssyncadd.s32 $0xFFFFF000  }
.Ltmp5:
0x1ce: {  	_ =	swait.ge [sflag:s26], $0x1000;
	(pc) =	sbr.rel @p1 .LBB2_6-.Ltmp5, $4  }
0x1cf: {  	[sflag:s26] =	ssyncset.done $0x0  }
0x1d0: {  	[sflag:s26] =	ssyncadd.s32 $0xFFFFF000  }
0x1d1: {  	_ =	swait.ge [sflag:s26], $0x1000  }
0x1d2: {  	s1 =	smov.u32 s0;
	[sflag:s26] =	ssyncset.done $0x0  }
.Ltmp6:
0x1d3: {  	_ = 	snop;
	(pc) =	sbr.rel .LBB2_7-.Ltmp6, $1  }
0x1d4: {  	_ =	sdelay $0x3  }
.LBB2_9:
0x1d5: {  	_ =	sfence.sel $0x180000  }
0x1d6: {  	[bflag:$0x0] =	sbarrier.arrive $0xFFFF  }
0x1d7: {  	_ =	strace $0x9000004D  }
0x1d8: {  	s0 =	stileid.u32;
	[bflag:$0x2] =	sbarrier.arrive $0xFFFF  }
0x1d9: {  	p0 =	sne.s32 s0, $0x0;
	s0 =	rddreg [dreg:$0x3]  }
0x1da: {  	s0 =	sadd.s32 @!p0 $0x100000, s0  }
0x1db: {  	[sflag:s0] =	ssyncadd.tile.s32 @!p0 $0x1;
	_ =	shalt  }
.Lfunc_end2:
_tile_overlayer_lowered:
.L_overlay_start_2:
0x1dc: {  	(tag) =	ssettag $0x2  }
0x1dd: {  	s0 =	rddreg [dreg:$0x0];
	s2 =	stileid.u32  }
0x1de: {  	s1 =	rddreg [dreg:$0x1];
	p0 =	sne.s32 s2, $0x0  }
0x1df: {  	s3 =	rddreg [dreg:$0x2];
	[bflag:$0x3] =	sbarrier.arrive $0xFFFF;
	s2 =	simm.s32 @!p0 $0x1C03  }
0x1e0: {  	[timem:s3], [sflag:s2] =	dma.local @!p0 [hbm:s0], s1  }
0x1e1: {  	s0 =	simm.s32 @!p0 $0x3  }
0x1e2: {  	_ =	swait.ge @!p0 [sflag:s0], s1  }
0x1e3: {  	s1 =	ssub.s32 @!p0 $0x0, s1;
	[sflag:s0] =	ssyncset.done @!p0 $0x0  }
0x1e4: {  	[sflag:s0] =	ssyncadd.s32 @!p0 s1  }
0x1e5: {  	[bflag:$0x3] =	sbarrier.arrive $0xFFFF  }
0x1e6: {  	_ =	shalt  }

// kernel: kernel.8.cloned.1.call-start
scs
__scs_entry_jumppad:
0x0: {  	(pc) =	sbr.rel $0x88, $3  }
0x1: {  	(tag) =	ssettag $0x0;
	lr =	simm.s32 $0x1  }
0x2: {  	[smem:$0x3F93] =	sst lr;
	_ =	strace $0xD0000000  }
0x3: {  	_ = 	snop  }
0x4: {  	_ = 	snop  }
0x5: {  	_ = 	snop  }
0x6: {  	_ = 	snop  }
0x7: {  	_ = 	snop  }
__scs_overlays_trampoline_lowered:
0x8: {  	[smem:$0x3FA2] =	sst s0  }
0x9: {  	[smem:$0x3FA3] =	sst s1  }
0xa: {  	[smem:$0x3FA4] =	sst s2  }
0xb: {  	[smem:$0x3FA5] =	sst s3  }
0xc: {  	[smem:$0x3FA6] =	sst s4  }
0xd: {  	[smem:$0x3FA7] =	sst s5  }
0xe: {  	[smem:$0x3FA8] =	sst s6  }
0xf: {  	[smem:$0x3FA9] =	sst s7  }
0x10: {  	[smem:$0x3FAA] =	sst s8  }
0x11: {  	[smem:$0x3FAB] =	sst s9;
	s0 =	simm.s32 @!p0 $0x0  }
0x12: {  	s1 =	sld [smem:$0x3F91];
	s0 =	simm.s32 @p0 $0x1  }
0x13: {  	[smem:$0x3FAC] =	sst s0;
	s0 =	simm.s32 @!p1 $0x0  }
0x14: {  	s2 =	sld [smem:$0x3F90];
	s0 =	simm.s32 @p1 $0x1  }
0x15: {  	[smem:$0x3FAD] =	sst s0;
	s0 =	simm.s32 @!p2 $0x0  }
0x16: {  	s3 =	sld [smem:$0x3FDB];
	s0 =	simm.s32 @p2 $0x1  }
0x17: {  	s4 =	simm.s32 $0x1BF5;
	[smem:$0x3FAF] =	sst s0  }
0x18: {  	s0 =	sld [smem:$0x3F92];
	_ =	swait.ge [sflag:s4], $0x0  }
0x19: {  	s7 =	sld [smem:$0x3F93]  }
0x1a: {  	s8 =	sadd.s32 $0xFFFFE003, lr  }
0x1b: {  	s9 =	sadd.s32 $0xFFFFFEF7, lr;
	s5 =	simm.s32 $0xFFFFFFFF;
	p2 =	slt.u32 s8, $0xFFFFF086  }
0x1c: {  	p1 =	slt.u32 s9, $0xF7A;
	s5 =	simm.s32 @!p2 $0x0  }
0x1d: {  	s5 =	simm.s32 @p1 $0x1;
	p0 =	seq.s32 s7, s2  }
0x1e: {  	s7 =	smul.u32 @!p0 $0xF7A, s2;
	p2 =	seq.s32 @!p0 s5, $0x0  }
0x1f: {  	s9 =	smul.u32 $0xF7A, s1;
	s8 =	simm.s32 @!p0 $0x1BF5;
	p2 =	por !p2, p0  }
0x20: {  	[sflag:s8] =	ssyncset.s32 @!p0 $0xFFFFF086;
	s6 =	sadd.s32 @!p0 s3, s7;
	s7 =	simm.s32 @!p0 $0x108  }
0x21: {  	s3 =	sadd.s32 s3, s9;
	s6 =	sadd.s32 @!p0 $0x88, s6;
	s7 =	simm.s32 @p2 $0x1082  }
0x22: {  	[simem:s7], [sflag:s8] =	dma.local @!p0 [hbm:s6], $0xF7A  }
0x23: {  	s9 =	sor.u32 $0xD0000000, s2;
	s6 =	simm.s32 $0x108;
	_ =	swait.ge @!p0 [sflag:s8], $0x0  }
0x24: {  	s3 =	sadd.s32 $0x88, s3;
	s6 =	simm.s32 @!p1 $0x1082;
	[sflag:s4] =	ssyncset.s32 $0xFFFFF086  }
0x25: {  	[simem:s6], [sflag:s4] =	dma.local [hbm:s3], $0xF7A  }
0x26: {  	[smem:$0x3F93] =	sst s1;
	(tag) =	ssettag s2;
	_ =	strace s9  }
0x27: {  	s1 =	sld [smem:$0x3FA3]  }
0x28: {  	s2 =	sld [smem:$0x3FA4]  }
0x29: {  	s4 =	sld [smem:$0x3FA6]  }
0x2a: {  	p0 =	seq.s32 s5, $0x0;
	s5 =	sld [smem:$0x3FA7]  }
0x2b: {  	s6 =	sld [smem:$0x3FA8]  }
0x2c: {  	s7 =	sld [smem:$0x3FA9]  }
0x2d: {  	s3 =	simm.s32 $0x108;
	s8 =	sld [smem:$0x3FAA]  }
0x2e: {  	s3 =	simm.s32 @!p0 $0x1082;
	s9 =	sld [smem:$0x3FAB]  }
0x2f: {  	lr =	sadd.s32 s0, s3;
	s0 =	sld [smem:$0x3FA2]  }
0x30: {  	s3 =	sld [smem:$0x3FA5]  }
0x31: {  	[smem:$0x3FAE] =	sst s10  }
0x32: {  	s10 =	sld [smem:$0x3FAC];
	_ =	sdelay $0x3  }
0x33: {  	p0 =	seq.s32 s10, $0x1;
	s10 =	sld [smem:$0x3FAE];
	_ =	sdelay $0x3  }
0x34: {  	[smem:$0x3FAE] =	sst s10  }
0x35: {  	s10 =	sld [smem:$0x3FAD];
	_ =	sdelay $0x3  }
0x36: {  	p1 =	seq.s32 s10, $0x1;
	s10 =	sld [smem:$0x3FAE];
	_ =	sdelay $0x3  }
0x37: {  	[smem:$0x3FAE] =	sst s10  }
0x38: {  	s10 =	sld [smem:$0x3FAF]  }
0x39: {  	_ = 	snop;
	(pc) =	sbr.ind lr, $3  }
0x3a: {  	_ = 	snop  }
0x3b: {  	_ = 	snop  }
0x3c: {  	p2 =	seq.s32 s10, $0x1;
	s10 =	sld [smem:$0x3FAE]  }
0x3d: {  	_ =	shalt  }
0x3e: {  	_ =	shalt  }
0x3f: {  	_ =	shalt  }
0x40: {  	_ =	shalt  }
0x41: {  	_ =	shalt  }
0x42: {  	_ =	shalt  }
0x43: {  	_ =	shalt  }
0x44: {  	_ =	shalt  }
0x45: {  	_ =	shalt  }
0x46: {  	_ =	shalt  }
0x47: {  	_ =	shalt  }
0x48: {  	_ =	shalt  }
0x49: {  	_ =	shalt  }
0x4a: {  	_ =	shalt  }
0x4b: {  	_ =	shalt  }
0x4c: {  	_ =	shalt  }
0x4d: {  	_ =	shalt  }
0x4e: {  	_ =	shalt  }
0x4f: {  	_ =	shalt  }
0x50: {  	_ =	shalt  }
0x51: {  	_ =	shalt  }
0x52: {  	_ =	shalt  }
0x53: {  	_ =	shalt  }
0x54: {  	_ =	shalt  }
0x55: {  	_ =	shalt  }
0x56: {  	_ =	shalt  }
0x57: {  	_ =	shalt  }
0x58: {  	_ =	shalt  }
0x59: {  	_ =	shalt  }
0x5a: {  	_ =	shalt  }
0x5b: {  	_ =	shalt  }
0x5c: {  	_ =	shalt  }
0x5d: {  	_ =	shalt  }
0x5e: {  	_ =	shalt  }
0x5f: {  	_ =	shalt  }
0x60: {  	_ =	shalt  }
0x61: {  	_ =	shalt  }
0x62: {  	_ =	shalt  }
0x63: {  	_ =	shalt  }
0x64: {  	_ =	shalt  }
0x65: {  	_ =	shalt  }
0x66: {  	_ =	shalt  }
0x67: {  	_ =	shalt  }
0x68: {  	_ =	shalt  }
0x69: {  	_ =	shalt  }
0x6a: {  	_ =	shalt  }
0x6b: {  	_ =	shalt  }
0x6c: {  	_ =	shalt  }
0x6d: {  	_ =	shalt  }
0x6e: {  	_ =	shalt  }
0x6f: {  	_ =	shalt  }
0x70: {  	_ =	shalt  }
0x71: {  	_ =	shalt  }
0x72: {  	_ =	shalt  }
0x73: {  	_ =	shalt  }
0x74: {  	_ =	shalt  }
0x75: {  	_ =	shalt  }
0x76: {  	_ =	shalt  }
0x77: {  	_ =	shalt  }
0x78: {  	_ =	shalt  }
0x79: {  	_ =	shalt  }
0x7a: {  	_ =	shalt  }
0x7b: {  	_ =	shalt  }
0x7c: {  	_ =	shalt  }
0x7d: {  	_ =	shalt  }
0x7e: {  	_ =	shalt  }
0x7f: {  	_ =	shalt  }
0x80: {  	_ =	shalt  }
0x81: {  	_ =	shalt  }
0x82: {  	_ =	shalt  }
0x83: {  	_ =	shalt  }
0x84: {  	_ =	shalt  }
0x85: {  	_ =	shalt  }
0x86: {  	_ =	shalt  }
0x87: {  	_ =	shalt  }
.Lfunc_end0:
.L_simem_size_0:
called_computation_lowered:
.L_overlay_start_0:
0x88: {  	s2 =	sld [smem:$0x3FD9]  }
0x89: {  	s3 =	sld [smem:$0x3FFE];
	_ =	sdelay $0x1  }
0x8a: {  	s1 =	srdreg.scid  }
0x8b: {  	s0 =	sand.u32 $0x1, s1  }
0x8c: {  	s17 =	sshll.u32 s0, $0xA;
	s2 =	sadd.s32 s3, s2  }
0x8d: {  	s2 =	sadd.s32 s2, s17  }
0x8e: {  	[smem:$0x3FBA] =	sst s2  }
0x8f: {  	_ = 	snop  }
0x90: {  	(tm) =	ssettm $0x1  }
0x91: {  	s18 =	sld [smem:$0x3FFB];
	_ =	sdelay $0x3  }
0x92: {  	_ =	strace s18  }
0x93: {  	s2 =	sld [smem:$0x3FFC];
	_ =	sdelay $0x3  }
0x94: {  	_ =	strace s2  }
0x95: {  	s2 =	sld [smem:$0x3FFD];
	_ =	sdelay $0x3  }
0x96: {  	_ =	strace s2  }
0x97: {  	_ =	strace $0x8FFFFFFF  }
0x98: {  	s19 =	sld [smem:$0x3FDB];
	_ =	sdelay $0x1  }
0x99: {  	s20 =	simm.s32 $_scs_section_size  }
0x9a: {  	s4 =	simm.s32 $_size__tile_overlayer_lowered;
	s5 =	simm.s32 $_tile_overlayer_lowered  }
0x9b: {  	s6 =	simm.s32 $0x1BFF;
	s21 =	sshll.u32 s5, $0x1;
	s3 =	sadd.s32 s20, s19  }
0x9c: {  	s22 =	simm.s32 $0x0;
	s4 =	sshll.u32 s4, $0x1;
	s5 =	sadd.s32 s21, s3  }
0x9d: {  	[timem:s22], [sflag:s6] =	dma.local [hbm:s5], s4  }
0x9e: {  	_ =	swait.ge [sflag:s6], s4  }
0x9f: {  	s4 =	ssub.s32 $0x0, s4;
	[sflag:s6] =	ssyncset.done $0x0  }
0xa0: {  	[sflag:s6] =	ssyncadd.s32 s4;
	_ =	sdelay $0x1  }
0xa1: {  	s23 =	simm.s32 $0x1B8B  }
0xa2: {  	_ =	swait.ge [sflag:s23], $0x1  }
0xa3: {  	[sflag:s23] =	ssyncset.done $0x0  }
0xa4: {  	[sflag:s23] =	ssyncadd.s32 $0xFFFFFFFF  }
0xa5: {  	s4 =	sld [smem:$0x0]  }
0xa6: {  	s5 =	sand.u32 $0xFFFFFFFE, s1  }
0xa7: {  	p0 =	sne.s32 s1, s5  }
0xa8: {  	s5 =	sshll.u32 @p0 s5, $0xE  }
0xa9: {  	s5 =	sadd.s32 @p0 $0x11B8D, s5;
	s6 =	sshll.u32 @p0 s4, $0x11  }
0xaa: {  	s5 =	sor.u32 @p0 s6, s5  }
0xab: {  	[sflag:s5] =	ssyncadd.remote.s32 @p0 $0x1;
	_ =	sdelay $0x1  }
0xac: {  	s5 =	simm.s32 @p0 $0x1B8D  }
0xad: {  	_ =	swait.eq @p0 [sflag:s5], $0x1  }
0xae: {  	[sflag:s5] =	ssyncadd.s32 @p0 $0xFFFFFFFF  }
0xaf: {  	s6 =	sshll.u32 @!p0 s1, $0xE  }
0xb0: {  	s6 =	sor.u32 @!p0 $0x4000, s6;
	s5 =	simm.s32 @!p0 $0x1B8D  }
0xb1: {  	s4 =	sshll.u32 @!p0 s4, $0x11;
	s6 =	sadd.s32 @!p0 $0x11B8D, s6;
	_ =	swait.eq @!p0 [sflag:s5], $0x1  }
0xb2: {  	s4 =	sor.u32 @!p0 s4, s6;
	[sflag:s5] =	ssyncadd.s32 @!p0 $0xFFFFFFFF  }
0xb3: {  	s25 =	simm.s32 $0x1B8E;
	s24 =	sld [smem:$0x3FFE];
	[sflag:s4] =	ssyncadd.remote.s32 @!p0 $0x1  }
0xb4: {  	s26 =	simm.s32 $execute0_lowered;
	[smem:$0x3FD2] =	sst s25  }
0xb5: {  	s5 =	sshll.u32 s26, $0x1;
	_ =	strace $0x80000049;
	[dreg:$0x1] =	wrdreg $0xFFFFFFFF  }
0xb6: {  	s28 =	simm.s32 $_size_execute0_lowered;
	s3 =	sadd.s32 s3, s5;
	[dreg:$0x0] =	wrdreg $0x0  }
0xb7: {  	s5 =	sshll.u32 s28, $0x1;
	[dreg:$0x2] =	wrdreg s3  }
0xb8: {  	[dreg:$0x3] =	wrdreg s5  }
0xb9: {  	[dreg:$0x4] =	wrdreg $0xC0  }
0xba: {  	_ =	task [dreg:s22], $0x5FFFF  }
0xbb: {  	[dreg:$0x1] =	wrdreg $0xFFFFFFFF  }
0xbc: {  	[dreg:$0x0] =	wrdreg $0x60  }
0xbd: {  	[dreg:$0x2] =	wrdreg s24  }
0xbe: {  	[dreg:$0x3] =	wrdreg $0x30000  }
0xbf: {  	[dreg:$0x4] =	wrdreg $0x9  }
0xc0: {  	_ =	task.clear_ibuf [dreg:s22], $0x5FFFF;
	_ =	strace $0x90000049  }
0xc1: {  	s29 =	simm.s32 $0x9;
	_ =	strace $0x8000004B  }
0xc2: {  	_ =	swait.ge [sflag:s29], $0x1  }
0xc3: {  	[sflag:s29] =	ssyncadd.s32 $0xFFFFFFFF  }
0xc4: {  	_ =	strace $0x9000004B  }
0xc5: {  	_ =	sfence  }
0xc6: {  	s30 =	sld [smem:$0x0];
	_ =	sdelay $0x2  }
0xc7: {  	s31 =	sshll.u32 s1, $0xD;
	s1 =	sshrl.u32 s1, $0x2  }
0xc8: {  	s4 =	sand.u32 $0x4000, s31;
	s1 =	sadd.s32 s1, s30  }
0xc9: {  	s0 =	sor.u32 s4, s0;
	s1 =	sshll.u32 s1, $0x11  }
0xca: {  	s0 =	sor.u32 s1, s0  }
0xcb: {  	s0 =	sadd.s32 $0x8F2B, s0  }
0xcc: {  	[sflag:s0] =	ssyncadd.remote.s32 $0x1  }
0xcd: {  	_ =	sfence.sel $0xFFFF  }
0xce: {  	[dreg:$0x0] =	wrdreg $0xFFFFFFFF;
	(pc) =	sbr.abs _section_cstart, $3  }
0xcf: {  	[dreg:$0x1] =	wrdreg $0xFFFFFFFF  }
0xd0: {  	_ =	task.clear_ibuf [dreg:s22], $0x2FFFF;
	_ =	strace $0x9FFFFFFF  }
0xd1: {  	(tm) =	ssettm $0x7FFFFFFF  }
tec
execute0_lowered:
.L_overlay_start_1:
0x0: {  	(tag) =	ssettag $0x1  }
0x1: {  	s5 =	srdreg.scid;
	s7 =	rddreg [dreg:$0x0]  }
0x2: {  	s0 =	stileid.u32;
	s2 =	rddreg [dreg:$0x1];
	s3 =	simm.s32 $0x0  }
0x3: {  	s13 =	simm.s32 $0x80;
	s14 =	simm.s32 $0x1;
	s15 =	simm.s32 $0x10  }
0x4: {  	s16 =	simm.s32 $0x0;
	s6 =	sand.u32 $0x1, s5;
	s9 =	smul.u32 $0xA000, s0  }
0x5: {  	[smem:$0x7FF] =	sst s3;
	s5 =	sshll.u32 s5, $0x1;
	s12 =	smul.u32 $0x2800, s0  }
0x6: {  	s31 =	sshll.u32 s0, $0x6;
	s1 =	sshll.u32 s6, $0x4;
	s6 =	ssub.s32 $0x2, s6  }
0x7: {  	s10 =	sand.u32 $0x2, s5;
	s5 =	sadd.s32 $0x8CC00, s7;
	s4 =	sor.u32 s0, s1  }
0x8: {  	s1 =	rddreg [dreg:$0x2];
	_ =	strace $0x8000004A;
	s11 =	sshrl.u32 s6, $0x1  }
0x9: {  	s28 =	sshrl.u32 s9, $0x2;
	s9 =	simm.s32 $0x2;
	s4 =	smul.u32 $0x500, s4  }
0xa: {  	s26 =	ssub.s32 s6, s11;
	s30 =	sadd.s32 s28, s2;
	s11 =	sor.u32 $0x1C02, s31  }
0xb: {  	s8 =	sadd.s32 s4, s7;
	s4 =	sadd.s32 $0x8CE00, s7;
	s7 =	sadd.s32 s10, s7  }
0xc: {  	s10 =	simm.s32 $0x2800;
	s6 =	sadd.s32 $0x2600, s8;
	s29 =	sadd.s32 s12, s7  }
0xd: {  	s7 =	smax.u32 s26, $0x1;
	s12 =	sshrl.u32 s30, $0x3;
	s8 =	sadd.s32 $0x8D400, s29  }
.LBB2_1:
0xe: {  	[tilespmem:s3], [sflag:$0x2] =	stream.linear.gather [hbm4b:s6+s3], $0x2800, $0x38;
	[tilespmem:$0x5800] =	vst v63  }
0xf: {  	_ =	swait.ge [sflag:s9], $0x2800  }
0x10: {  	[sflag:s9] =	ssyncset.done $0x0  }
0x11: {  	[sflag:s9] =	ssyncadd.s32 $0xFFFFD800  }
0x12: {  	[tilespmem:s10], [sflag:$0x2] =	stream.linear.gather [hbm4b:s5+s3], $0x800, $0x38;
	[tilespmem:$0x5800] =	vst v63  }
0x13: {  	_ =	swait.ge [sflag:s9], $0x800  }
0x14: {  	[sflag:s9] =	ssyncset.done $0x0  }
0x15: {  	[sflag:s9] =	ssyncadd.s32 $0xFFFFF800  }
0x16: {  	[spmem:s12], [sflag:s11] =	dma.local [hbm:s4], $0x500  }
0x17: {  	_ =	swait.ge [sflag:s9], $0x500  }
0x18: {  	[sflag:s9] =	ssyncset.done $0x0  }
0x19: {  	[sflag:s9] =	ssyncadd.s32 $0xFFFFFB00  }
0x1a: {  	s17 =	simm.s32 $0x0;
	[bflag:$0x0] =	sbarrier.arrive $0xFFFF  }
0x1b: {  	[spmem:s2] =	stream.indirect.scatter.add.f32 [tilespmem:s10], [sflag:$0x1], $0x10, s17, s13, $0xb8;
	[tilespmem:$0x5800] =	vst v63  }
0x1c: {  	s29 =	simm.s32 $0x80  }
0x1d: {  	[spmem:s2] =	stream.indirect.scatter.add.f32 [tilespmem:s10], [sflag:$0x1], $0x10, s29, s13, $0xb8;
	[tilespmem:$0x5800] =	vst v63  }
0x1e: {  	s30 =	simm.s32 $0x100  }
0x1f: {  	[spmem:s2] =	stream.indirect.scatter.add.f32 [tilespmem:s10], [sflag:$0x1], $0x10, s30, s13, $0xb8;
	[tilespmem:$0x5800] =	vst v63  }
0x20: {  	s31 =	simm.s32 $0x180  }
0x21: {  	[spmem:s2] =	stream.indirect.scatter.add.f32 [tilespmem:s10], [sflag:$0x1], $0x10, s31, s13, $0xb8;
	[tilespmem:$0x5800] =	vst v63  }
0x22: {  	_ =	swait.ge [sflag:s14], $0x800  }
0x23: {  	[sflag:s14] =	ssyncset.done $0x0  }
0x24: {  	[sflag:s14] =	ssyncadd.s32 $0xFFFFF800  }
0x25: {  	_ =	swait.ge [sflag:s14], $0x800  }
0x26: {  	[sflag:s14] =	ssyncset.done $0x0  }
0x27: {  	[sflag:s14] =	ssyncadd.s32 $0xFFFFF800  }
0x28: {  	_ =	swait.ge [sflag:s14], $0x800  }
0x29: {  	[sflag:s14] =	ssyncset.done $0x0  }
0x2a: {  	[sflag:s14] =	ssyncadd.s32 $0xFFFFF800  }
0x2b: {  	_ =	swait.ge [sflag:s14], $0x800  }
0x2c: {  	s18 =	simm.s32 $0x1000;
	s17 =	simm.s32 $0x800;
	[sflag:s14] =	ssyncset.done $0x0  }
.LBB2_2:
0x2d: {  	s19 =	sshra.s32 s17, $0x2  }
0x2e: {  	[sflag:s14] =	ssyncadd.s32 $0xFFFFF800;
	s17 =	smov.u32 s18;
	s20 =	sadd.s32 $0x800, s18  }
0x2f: {  	[spmem:s2] =	stream.indirect.scatter.add.f32 [tilespmem:s10], [sflag:$0x1], $0x10, s19, s13, $0xb8;
	[tilespmem:$0x5800] =	vst v63  }
0x30: {  	p0 =	sne.s32 s18, $0x9800;
	s18 =	sadd.s32 $0x80, s19  }
0x31: {  	[spmem:s2] =	stream.indirect.scatter.add.f32 [tilespmem:s10], [sflag:$0x1], $0x10, s18, s13, $0xb8;
	[tilespmem:$0x5800] =	vst v63  }
0x32: {  	s18 =	sadd.s32 $0x100, s19  }
0x33: {  	[spmem:s2] =	stream.indirect.scatter.add.f32 [tilespmem:s10], [sflag:$0x1], $0x10, s18, s13, $0xb8;
	[tilespmem:$0x5800] =	vst v63  }
0x34: {  	s18 =	sadd.s32 $0x180, s19  }
0x35: {  	[spmem:s2] =	stream.indirect.scatter.add.f32 [tilespmem:s10], [sflag:$0x1], $0x10, s18, s13, $0xb8;
	[tilespmem:$0x5800] =	vst v63  }
0x36: {  	_ =	swait.ge [sflag:s14], $0x800  }
0x37: {  	[sflag:s14] =	ssyncset.done $0x0  }
0x38: {  	[sflag:s14] =	ssyncadd.s32 $0xFFFFF800  }
0x39: {  	_ =	swait.ge [sflag:s14], $0x800  }
0x3a: {  	[sflag:s14] =	ssyncset.done $0x0  }
0x3b: {  	[sflag:s14] =	ssyncadd.s32 $0xFFFFF800  }
.Ltmp0:
0x3c: {  	_ =	swait.ge [sflag:s14], $0x800;
	(pc) =	sbr.rel @p0 .LBB2_2-.Ltmp0, $4  }
0x3d: {  	[sflag:s14] =	ssyncset.done $0x0  }
0x3e: {  	[sflag:s14] =	ssyncadd.s32 $0xFFFFF800  }
0x3f: {  	_ =	swait.ge [sflag:s14], $0x800  }
0x40: {  	s18 =	smov.u32 s20;
	[sflag:s14] =	ssyncset.done $0x0  }
0x41: {  	s17 =	sshra.s32 s17, $0x2;
	[sflag:s14] =	ssyncadd.s32 $0xFFFFF800  }
0x42: {  	[spmem:s2] =	stream.indirect.scatter.add.f32 [tilespmem:s10], [sflag:$0x1], $0x10, s17, s13, $0xb8;
	[tilespmem:$0x5800] =	vst v63  }
0x43: {  	s18 =	sadd.s32 $0x80, s17  }
0x44: {  	[spmem:s2] =	stream.indirect.scatter.add.f32 [tilespmem:s10], [sflag:$0x1], $0x10, s18, s13, $0xb8;
	[tilespmem:$0x5800] =	vst v63  }
0x45: {  	s31 =	sadd.s32 $0x100, s17  }
0x46: {  	[spmem:s2] =	stream.indirect.scatter.add.f32 [tilespmem:s10], [sflag:$0x1], $0x10, s31, s13, $0xb8;
	[tilespmem:$0x5800] =	vst v63  }
0x47: {  	s17 =	sadd.s32 $0x180, s17  }
0x48: {  	[spmem:s2] =	stream.indirect.scatter.add.f32 [tilespmem:s10], [sflag:$0x1], $0x10, s17, s13, $0xb8;
	[tilespmem:$0x5800] =	vst v63  }
0x49: {  	_ =	swait.ge [sflag:s14], $0x800  }
0x4a: {  	[sflag:s14] =	ssyncset.done $0x0  }
0x4b: {  	[sflag:s14] =	ssyncadd.s32 $0xFFFFF800  }
0x4c: {  	_ =	swait.ge [sflag:s14], $0x800  }
0x4d: {  	[sflag:s14] =	ssyncset.done $0x0  }
0x4e: {  	[sflag:s14] =	ssyncadd.s32 $0xFFFFF800  }
0x4f: {  	_ =	swait.ge [sflag:s14], $0x800  }
0x50: {  	[sflag:s14] =	ssyncset.done $0x0  }
0x51: {  	[sflag:s14] =	ssyncadd.s32 $0xFFFFF800  }
0x52: {  	_ =	swait.ge [sflag:s14], $0x800  }
0x53: {  	s16 =	sadd.s32 $0x1, s16;
	[sflag:s14] =	ssyncset.done $0x0  }
0x54: {  	p0 =	sne.s32 s16, s7;
	[sflag:s14] =	ssyncadd.s32 $0xFFFFF800  }
.Ltmp1:
0x55: {  	[bflag:$0x0] =	sbarrier.arrive $0xFFFF;
	(pc) =	sbr.rel @p0 .LBB2_1-.Ltmp1, $4  }
0x56: {  	[hbm:s8@s15], [sflag:s11] =	dma.strided [spmem:s12@s9], $0x500, s14, $0x2   }
0x57: {  	_ =	swait.ge [sflag:s9], $0x500  }
0x58: {  	[sflag:s9] =	ssyncset.done $0x0  }
0x59: {  	[sflag:s9] =	ssyncadd.s32 $0xFFFFFB00  }
0x5a: {  	_ =	sfence.sel $0x180000  }
0x5b: {  	[bflag:$0x0] =	sbarrier.arrive $0xFFFF  }
0x5c: {  	p0 =	sne.s32 s0, $0x0;
	_ =	strace $0x9000004A  }
0x5d: {  	s0 =	sadd.s32 @!p0 $0x100000, s1;
	[bflag:$0x2] =	sbarrier.arrive $0xFFFF  }
0x5e: {  	[sflag:s0] =	ssyncadd.tile.s32 @!p0 $0x1;
	_ =	shalt  }
.Lfunc_end2:
_tile_overlayer_lowered:
.L_overlay_start_2:
0x5f: {  	(tag) =	ssettag $0x2  }
0x60: {  	s0 =	rddreg [dreg:$0x0];
	s2 =	stileid.u32  }
0x61: {  	s1 =	rddreg [dreg:$0x1];
	p0 =	sne.s32 s2, $0x0  }
0x62: {  	s3 =	rddreg [dreg:$0x2];
	[bflag:$0x3] =	sbarrier.arrive $0xFFFF;
	s2 =	simm.s32 @!p0 $0x1C02  }
0x63: {  	[timem:s3], [sflag:s2] =	dma.local @!p0 [hbm:s0], s1  }
0x64: {  	s0 =	simm.s32 @!p0 $0x2  }
0x65: {  	_ =	swait.ge @!p0 [sflag:s0], s1  }
0x66: {  	s1 =	ssub.s32 @!p0 $0x0, s1;
	[sflag:s0] =	ssyncset.done @!p0 $0x0  }
0x67: {  	[sflag:s0] =	ssyncadd.s32 @!p0 s1  }
0x68: {  	[bflag:$0x3] =	sbarrier.arrive $0xFFFF  }
0x69: {  	_ =	shalt  }

</sc_bundles>
